<compile_context>
chip_gen: v7x
topology: tpu7x:2x2x1
jax: 0.10.2.dev20260603
libtpu: 0.0.44.dev20260713+nightly
codegen_flags: <defaults>
</compile_context>

<pallas_src>
import functools

import jax
import jax.numpy as jnp
from jax import lax
from jax.experimental import pallas as pl
from jax.experimental.pallas import tpu as pltpu
from jax.experimental.pallas import tpu_sc as plsc

N = 10000
D = 128
E = 320000

NC = 2
NS = 16
NW = NC * NS
EPW = E // NW
EB = 125
NBLK = EPW // EB
NCH = 5
CBLK = NBLK // NCH
RPS = N // NS
LANES = 16

_mesh = plsc.VectorSubcoreMesh(core_axis_name="c", subcore_axis_name="s")

_cp = pltpu.CompilerParams()
if "needs_layout_passes" in pltpu.CompilerParams.__dataclass_fields__:
    import dataclasses as _dc
    _cp = _dc.replace(_cp, needs_layout_passes=False)


@functools.partial(
    pl.kernel,
    out_type=jax.ShapeDtypeStruct((NC, N, D), jnp.float32),
    mesh=_mesh,
    compiler_params=_cp,
    scratch_types=[
        pltpu.VMEM((CBLK, EB), jnp.int32),
        pltpu.VMEM((CBLK, EB), jnp.int32),
        pltpu.VMEM((CBLK, EB), jnp.float32),
        pltpu.VMEM((EB, D), jnp.float32),
        pltpu.VMEM((EB, D), jnp.float32),
        pltpu.VMEM_SHARED((N, D), jnp.float32),
        pltpu.SemaphoreType.DMA,
        pltpu.SemaphoreType.DMA,
    ],
)
def _agg(g_hbm, src_hbm, dst_hbm, w_hbm, out_hbm,
         src_v, dst_v, w_v, rows0_v, rows1_v, acc_sh, sem0, sem1):
    cid = lax.axis_index("c")
    sid = lax.axis_index("s")
    wid = sid * NC + cid

    @pl.loop(0, EB)
    def _(r):
        for j in range(D // LANES):
            rows0_v[r, pl.ds(j * LANES, LANES)] = jnp.zeros((LANES,), jnp.float32)

    @pl.loop(0, RPS // EB)
    def _(k):
        pltpu.sync_copy(rows0_v, acc_sh.at[pl.ds(sid * RPS + k * EB, EB)])

    _tail = RPS - (RPS // EB) * EB
    if _tail:
        pltpu.sync_copy(rows0_v.at[pl.ds(0, _tail)],
                        acc_sh.at[pl.ds(sid * RPS + (RPS // EB) * EB, _tail)])

    plsc.subcore_barrier()

    def _scale(buf, b):
        @pl.loop(0, EB, step=5)
        def _(e0):
            wv = [plsc.load_gather(w_v.at[b],
                                   [jnp.full((LANES,), e0 + u, jnp.int32)])
                  for u in range(5)]
            for u in range(5):
                for j in range(D // LANES):
                    sl = pl.ds(j * LANES, LANES)
                    buf[e0 + u, sl] = buf[e0 + u, sl] * wv[u]

    @pl.loop(0, NCH)
    def _(c):
        pltpu.sync_copy(src_hbm.at[wid, c], src_v)
        pltpu.sync_copy(dst_hbm.at[wid, c], dst_v)
        pltpu.sync_copy(w_hbm.at[wid, c], w_v)

        pltpu.async_copy(g_hbm.at[src_v.at[0]], rows0_v, sem0)

        @pl.loop(0, CBLK, step=2)
        def _(b):
            pltpu.make_async_copy(g_hbm.at[src_v.at[b]], rows0_v, sem0).wait()
            pltpu.async_copy(g_hbm.at[src_v.at[b + 1]], rows1_v, sem1)
            _scale(rows0_v, b)
            pltpu.sync_copy(rows0_v, acc_sh.at[dst_v.at[b]], add=True)

            pltpu.make_async_copy(g_hbm.at[src_v.at[b + 1]], rows1_v,
                                  sem1).wait()

            @pl.when(b + 2 < CBLK)
            def _():
                pltpu.async_copy(g_hbm.at[src_v.at[b + 2]], rows0_v, sem0)

            _scale(rows1_v, b + 1)
            pltpu.sync_copy(rows1_v, acc_sh.at[dst_v.at[b + 1]], add=True)

    plsc.subcore_barrier()

    pltpu.sync_copy(acc_sh.at[pl.ds(sid * 624, 624)],
                    out_hbm.at[cid, pl.ds(sid * 624, 624)])

    @pl.when(sid == NS - 1)
    def _():
        pltpu.sync_copy(acc_sh.at[pl.ds(NS * 624, N - NS * 624)],
                        out_hbm.at[cid, pl.ds(NS * 624, N - NS * 624)])


_BLK = 1000


def _mm_bias_body(x_ref, w_ref, b_ref, o_ref):
    o_ref[...] = (jnp.dot(x_ref[...], w_ref[...],
                          preferred_element_type=jnp.float32) + b_ref[...])


def _comb_mm_body(p_ref, w_ref, b_ref, o_ref):
    h = jnp.maximum(p_ref[0] + p_ref[1], 0.0)
    o_ref[...] = (jnp.dot(h, w_ref[...],
                          preferred_element_type=jnp.float32) + b_ref[...])


def _add_body(p_ref, o_ref):
    o_ref[...] = p_ref[0] + p_ref[1]


def _mm_bias(x, W, b):
    return pl.pallas_call(
        _mm_bias_body,
        grid=(N // _BLK,),
        in_specs=[pl.BlockSpec((_BLK, D), lambda i: (i, 0)),
                  pl.BlockSpec((D, D), lambda i: (0, 0)),
                  pl.BlockSpec((1, D), lambda i: (0, 0))],
        out_specs=pl.BlockSpec((_BLK, D), lambda i: (i, 0)),
        out_shape=jax.ShapeDtypeStruct((N, D), jnp.float32),
    )(x, W, b.reshape(1, D))


def _comb_mm(p, W, b):
    return pl.pallas_call(
        _comb_mm_body,
        grid=(N // _BLK,),
        in_specs=[pl.BlockSpec((NC, _BLK, D), lambda i: (0, i, 0)),
                  pl.BlockSpec((D, D), lambda i: (0, 0)),
                  pl.BlockSpec((1, D), lambda i: (0, 0))],
        out_specs=pl.BlockSpec((_BLK, D), lambda i: (i, 0)),
        out_shape=jax.ShapeDtypeStruct((N, D), jnp.float32),
    )(p, W, b.reshape(1, D))


def _final_add(p):
    return pl.pallas_call(
        _add_body,
        grid=(N // _BLK,),
        in_specs=[pl.BlockSpec((NC, _BLK, D), lambda i: (0, i, 0))],
        out_specs=pl.BlockSpec((_BLK, D), lambda i: (i, 0)),
        out_shape=jax.ShapeDtypeStruct((N, D), jnp.float32),
    )(p)


def kernel(x, edge_index, edge_w, W1, b1, W2, b2, W3, b3):
    src_r = edge_index[0].reshape(NW, NCH, CBLK, EB)
    dst_r = edge_index[1].reshape(NW, NCH, CBLK, EB)
    w_r = edge_w.reshape(NW, NCH, CBLK, EB)

    g1 = _mm_bias(x, W1, b1)
    p1 = _agg(g1, src_r, dst_r, w_r)
    g2 = _comb_mm(p1, W2, b2)
    p2 = _agg(g2, src_r, dst_r, w_r)
    g3 = _comb_mm(p2, W3, b3)
    p3 = _agg(g3, src_r, dst_r, w_r)
    return _final_add(p3)

# --- scband reference (transcript-rebuilt; emitter-appended) ---
"""Pipeline reference for scband-model-17746804867087 (READ-ONLY COPY).

The authoritative reference and input builder live on the scoring server;
editing this copy changes nothing except your own understanding.
"""

import jax, jax.numpy as jnp
import numpy as np

N = 10000
E = 320000
D = 128
H = 128
C = 128


def setup_inputs(seed: int = 0) -> dict:
    key = jax.random.key(seed)
    ks = jax.random.split(key, 10)
    x = jax.random.normal(ks[0], (N, D), dtype=jnp.float32)
    edge_index = jax.random.randint(ks[1], (2, E), 0, N, dtype=jnp.int32)
    edge_w = jax.random.uniform(ks[2], (E,), dtype=jnp.float32)
    s1 = 1.0 / np.sqrt(D)
    s2 = 1.0 / np.sqrt(H)
    W1 = jax.random.uniform(ks[3], (D, H), dtype=jnp.float32, minval=-s1, maxval=s1)
    b1 = jax.random.uniform(ks[4], (H,), dtype=jnp.float32, minval=-s1, maxval=s1)
    W2 = jax.random.uniform(ks[5], (H, H), dtype=jnp.float32, minval=-s2, maxval=s2)
    b2 = jax.random.uniform(ks[6], (H,), dtype=jnp.float32, minval=-s2, maxval=s2)
    W3 = jax.random.uniform(ks[7], (H, C), dtype=jnp.float32, minval=-s2, maxval=s2)
    b3 = jax.random.uniform(ks[8], (C,), dtype=jnp.float32, minval=-s2, maxval=s2)
    return {"x": x, "edge_index": edge_index, "edge_w": edge_w,
            "W1": W1, "b1": b1, "W2": W2, "b2": b2, "W3": W3, "b3": b3}


def reference(x, edge_index, edge_w, W1, b1, W2, b2, W3, b3):
    # Model with 3 GraphConv layers, same block (graph) reused for every layer.
    # GraphConv: h = Linear(x); message m_e = h[src_e] * w_e; y[dst] = sum_e m_e
    src = edge_index[0]
    dst = edge_index[1]

    def conv(h, W, b):
        h = h @ W + b                      # self.W(x)
        m = jnp.take(h, src, axis=0) * edge_w[:, None]  # u_mul_e
        return jax.ops.segment_sum(m, dst, num_segments=N)  # fn.sum

    h = conv(x, W1, b1)
    h = jax.nn.relu(h)
    h = conv(h, W2, b2)
    h = jax.nn.relu(h)
    h = conv(h, W3, b3)
    return h

if __name__ == "__main__":
    import jax
    _d = setup_inputs()
    print(jax.jit(kernel)(*tuple(_d.values())))

</pallas_src>

<mosaic_0001>
#map = affine_map<(d0, d1) -> (0, 0)>
#map1 = affine_map<(d0, d1) -> (0, 0, 0, 0)>
#map2 = affine_map<(d0, d1) -> (0, 0, 0)>
module attributes {stable_mosaic.version = 14 : i64} {
  func.func @_agg(%arg0: i32, %arg1: i32, %arg2: memref<10000x128xf32, #tpu.memory_space<hbm>>, %arg3: memref<32x5x16x125xi32, #tpu.memory_space<hbm>>, %arg4: memref<32x5x16x125xi32, #tpu.memory_space<hbm>>, %arg5: memref<32x5x16x125xf32, #tpu.memory_space<hbm>>, %arg6: memref<2x10000x128xf32, #tpu.memory_space<hbm>>, %arg7: memref<16x125xi32, #tpu.memory_space<vmem>>, %arg8: memref<16x125xi32, #tpu.memory_space<vmem>>, %arg9: memref<16x125xf32, #tpu.memory_space<vmem>>, %arg10: memref<125x128xf32, #tpu.memory_space<vmem>>, %arg11: memref<125x128xf32, #tpu.memory_space<vmem>>, %arg12: memref<10000x128xf32, #tpu.memory_space<vmem_shared>>, %arg13: memref<!tpu.dma_semaphore, #tpu.memory_space<semaphore_mem>>, %arg14: memref<!tpu.dma_semaphore, #tpu.memory_space<semaphore_mem>>) attributes {dimension_semantics = [#tpu.dimension_semantics<core_parallel>, #tpu.dimension_semantics<subcore_parallel>], iteration_bounds = array<i64: 2, 16>, scalar_prefetch = 0 : i64, scratch_operands = 8 : i64, tpu.core_type = #tpu.core_type<sc_vector_subcore>, window_params = [{transform_indices = #map}, {transform_indices = #map1}, {transform_indices = #map1}, {transform_indices = #map1}, {transform_indices = #map2}]} {
    %mul3A = arith.constant 2 : i32
    %mul3A_0 = arith.muli %arg1, %mul3A : i32
    %add3A = arith.addi %mul3A_0, %arg0 : i32
    %scan3A = arith.constant 0 : i32
    %scan3A_1 = arith.constant 125 : i32
    %scan3A_2 = arith.addi %scan3A, %scan3A_1 : i32
    %scan3A_3 = arith.constant 1 : i32
    scf.for %scan3A_22 = %scan3A to %scan3A_2 step %scan3A_3  : i32 {
      %mul3A_23 = arith.constant 1 : i32
      %mul3A_24 = arith.muli %scan3A_22, %mul3A_23 : i32
      %add3A_25 = arith.constant 0 : i32
      %add3A_26 = arith.addi %add3A_25, %mul3A_24 : i32
      %broadcast_in_dim3A = arith.constant 0.000000e+00 : f32
      %broadcast_in_dim3A_27 = vector.broadcast %broadcast_in_dim3A : f32 to vector<16xf32>
      %swap3A = arith.index_cast %add3A_26 : i32 to index
      %swap3A_28 = arith.constant 0 : index
      %swap3A_29 = tpu.vector_load %arg10[%swap3A, %swap3A_28] {strides = array<i32>} : memref<125x128xf32, #tpu.memory_space<vmem>>, vector<16xf32>,
      tpu.vector_store %arg10[%swap3A, %swap3A_28], %broadcast_in_dim3A_27 {strides = array<i32>} : memref<125x128xf32, #tpu.memory_space<vmem>>, vector<16xf32>,
      %broadcast_in_dim3A_30 = arith.constant 0.000000e+00 : f32
      %broadcast_in_dim3A_31 = vector.broadcast %broadcast_in_dim3A_30 : f32 to vector<16xf32>
      %swap3A_32 = arith.index_cast %add3A_26 : i32 to index
      %swap3A_33 = arith.constant 16 : index
      %swap3A_34 = tpu.vector_load %arg10[%swap3A_32, %swap3A_33] {strides = array<i32>} : memref<125x128xf32, #tpu.memory_space<vmem>>, vector<16xf32>,
      tpu.vector_store %arg10[%swap3A_32, %swap3A_33], %broadcast_in_dim3A_31 {strides = array<i32>} : memref<125x128xf32, #tpu.memory_space<vmem>>, vector<16xf32>,
      %broadcast_in_dim3A_35 = arith.constant 0.000000e+00 : f32
      %broadcast_in_dim3A_36 = vector.broadcast %broadcast_in_dim3A_35 : f32 to vector<16xf32>
      %swap3A_37 = arith.index_cast %add3A_26 : i32 to index
      %swap3A_38 = arith.constant 32 : index
      %swap3A_39 = tpu.vector_load %arg10[%swap3A_37, %swap3A_38] {strides = array<i32>} : memref<125x128xf32, #tpu.memory_space<vmem>>, vector<16xf32>,
      tpu.vector_store %arg10[%swap3A_37, %swap3A_38], %broadcast_in_dim3A_36 {strides = array<i32>} : memref<125x128xf32, #tpu.memory_space<vmem>>, vector<16xf32>,
      %broadcast_in_dim3A_40 = arith.constant 0.000000e+00 : f32
      %broadcast_in_dim3A_41 = vector.broadcast %broadcast_in_dim3A_40 : f32 to vector<16xf32>
      %swap3A_42 = arith.index_cast %add3A_26 : i32 to index
      %swap3A_43 = arith.constant 48 : index
      %swap3A_44 = tpu.vector_load %arg10[%swap3A_42, %swap3A_43] {strides = array<i32>} : memref<125x128xf32, #tpu.memory_space<vmem>>, vector<16xf32>,
      tpu.vector_store %arg10[%swap3A_42, %swap3A_43], %broadcast_in_dim3A_41 {strides = array<i32>} : memref<125x128xf32, #tpu.memory_space<vmem>>, vector<16xf32>,
      %broadcast_in_dim3A_45 = arith.constant 0.000000e+00 : f32
      %broadcast_in_dim3A_46 = vector.broadcast %broadcast_in_dim3A_45 : f32 to vector<16xf32>
      %swap3A_47 = arith.index_cast %add3A_26 : i32 to index
      %swap3A_48 = arith.constant 64 : index
      %swap3A_49 = tpu.vector_load %arg10[%swap3A_47, %swap3A_48] {strides = array<i32>} : memref<125x128xf32, #tpu.memory_space<vmem>>, vector<16xf32>,
      tpu.vector_store %arg10[%swap3A_47, %swap3A_48], %broadcast_in_dim3A_46 {strides = array<i32>} : memref<125x128xf32, #tpu.memory_space<vmem>>, vector<16xf32>,
      %broadcast_in_dim3A_50 = arith.constant 0.000000e+00 : f32
      %broadcast_in_dim3A_51 = vector.broadcast %broadcast_in_dim3A_50 : f32 to vector<16xf32>
      %swap3A_52 = arith.index_cast %add3A_26 : i32 to index
      %swap3A_53 = arith.constant 80 : index
      %swap3A_54 = tpu.vector_load %arg10[%swap3A_52, %swap3A_53] {strides = array<i32>} : memref<125x128xf32, #tpu.memory_space<vmem>>, vector<16xf32>,
      tpu.vector_store %arg10[%swap3A_52, %swap3A_53], %broadcast_in_dim3A_51 {strides = array<i32>} : memref<125x128xf32, #tpu.memory_space<vmem>>, vector<16xf32>,
      %broadcast_in_dim3A_55 = arith.constant 0.000000e+00 : f32
      %broadcast_in_dim3A_56 = vector.broadcast %broadcast_in_dim3A_55 : f32 to vector<16xf32>
      %swap3A_57 = arith.index_cast %add3A_26 : i32 to index
      %swap3A_58 = arith.constant 96 : index
      %swap3A_59 = tpu.vector_load %arg10[%swap3A_57, %swap3A_58] {strides = array<i32>} : memref<125x128xf32, #tpu.memory_space<vmem>>, vector<16xf32>,
      tpu.vector_store %arg10[%swap3A_57, %swap3A_58], %broadcast_in_dim3A_56 {strides = array<i32>} : memref<125x128xf32, #tpu.memory_space<vmem>>, vector<16xf32>,
      %broadcast_in_dim3A_60 = arith.constant 0.000000e+00 : f32
      %broadcast_in_dim3A_61 = vector.broadcast %broadcast_in_dim3A_60 : f32 to vector<16xf32>
      %swap3A_62 = arith.index_cast %add3A_26 : i32 to index
      %swap3A_63 = arith.constant 112 : index
      %swap3A_64 = tpu.vector_load %arg10[%swap3A_62, %swap3A_63] {strides = array<i32>} : memref<125x128xf32, #tpu.memory_space<vmem>>, vector<16xf32>,
      tpu.vector_store %arg10[%swap3A_62, %swap3A_63], %broadcast_in_dim3A_61 {strides = array<i32>} : memref<125x128xf32, #tpu.memory_space<vmem>>, vector<16xf32>,
    }
    %scan3A_4 = arith.constant 125 : i32
    %scan3A_5 = arith.constant 0 : i32
    %scan3A_6 = arith.constant 5 : i32
    %scan3A_7 = arith.addi %scan3A_5, %scan3A_6 : i32
    %scan3A_8 = arith.constant 1 : i32
    scf.for %scan3A_22 = %scan3A_5 to %scan3A_7 step %scan3A_8  : i32 {
      %mul3A_23 = arith.constant 1 : i32
      %mul3A_24 = arith.muli %scan3A_22, %mul3A_23 : i32
      %add3A_25 = arith.constant 0 : i32
      %add3A_26 = arith.addi %add3A_25, %mul3A_24 : i32
      %mul3A_27 = arith.constant 625 : i32
      %mul3A_28 = arith.muli %arg1, %mul3A_27 : i32
      %mul3A_29 = arith.constant 125 : i32
      %mul3A_30 = arith.muli %add3A_26, %mul3A_29 : i32
      %add3A_31 = arith.addi %mul3A_28, %mul3A_30 : i32
      "tpu.region"() ({
        %run_scoped3A = tpu.sem_alloc : memref<!tpu.dma_semaphore, #tpu.memory_space<semaphore_mem>>
        %dma_start3A = arith.constant 0 : i32
        %dma_start3A_32 = tpu.memref_slice %arg12[%add3A_31, %dma_start3A] : memref<10000x128xf32, #tpu.memory_space<vmem_shared>> -> memref<125x128xf32, #tpu.memory_space<vmem_shared>>
        %dma_start3A_33 = arith.constant 0 : i32
        %dma_start3A_34 = tpu.memref_slice %arg12[%add3A_31, %dma_start3A_33] : memref<10000x128xf32, #tpu.memory_space<vmem_shared>> -> memref<125x128xf32, #tpu.memory_space<vmem_shared>>
        tpu.enqueue_dma source(%arg10 : memref<125x128xf32, #tpu.memory_space<vmem>>) target(%dma_start3A_34 : memref<125x128xf32, #tpu.memory_space<vmem_shared>>) target_semaphore(%run_scoped3A : memref<!tpu.dma_semaphore, #tpu.memory_space<semaphore_mem>>)
        %dma_wait3A = arith.constant 0 : i32
        %dma_wait3A_35 = tpu.memref_slice %arg12[%add3A_31, %dma_wait3A] : memref<10000x128xf32, #tpu.memory_space<vmem_shared>> -> memref<125x128xf32, #tpu.memory_space<vmem_shared>>
        %dma_wait3A_36 = arith.constant 0 : i32
        %dma_wait3A_37 = tpu.memref_slice %arg12[%add3A_31, %dma_wait3A_36] : memref<10000x128xf32, #tpu.memory_space<vmem_shared>> -> memref<125x128xf32, #tpu.memory_space<vmem_shared>>
        tpu.wait_dma2 semaphore(%run_scoped3A : memref<!tpu.dma_semaphore, #tpu.memory_space<semaphore_mem>>) src(%arg10 : memref<125x128xf32, #tpu.memory_space<vmem>>) dst(%dma_wait3A_37 : memref<125x128xf32, #tpu.memory_space<vmem_shared>>)
        tpu.yield
      }) : () -> ()
    }
    %scan3A_9 = arith.constant 5 : i32
    %barrier3A = arith.constant 0 : index
    tpu.barrier barrier_id(%barrier3A)
    %scan3A_10 = arith.constant 0 : i32
    %scan3A_11 = arith.constant 5 : i32
    %scan3A_12 = arith.addi %scan3A_10, %scan3A_11 : i32
    %scan3A_13 = arith.constant 1 : i32
    scf.for %scan3A_22 = %scan3A_10 to %scan3A_12 step %scan3A_13  : i32 {
      %mul3A_23 = arith.constant 1 : i32
      %mul3A_24 = arith.muli %scan3A_22, %mul3A_23 : i32
      %add3A_25 = arith.constant 0 : i32
      %add3A_26 = arith.addi %add3A_25, %mul3A_24 : i32
      "tpu.region"() ({
        %run_scoped3A = tpu.sem_alloc : memref<!tpu.dma_semaphore, #tpu.memory_space<semaphore_mem>>
        %dma_start3A_38 = arith.constant 0 : i32
        %dma_start3A_39 = arith.constant 0 : i32
        %dma_start3A_40 = tpu.memref_slice %arg3[%add3A, %add3A_26, %dma_start3A_38, %dma_start3A_39] : memref<32x5x16x125xi32, #tpu.memory_space<hbm>> -> memref<1x1x16x125xi32, #tpu.memory_space<hbm>>
        %dma_start3A_41 = tpu.memref_squeeze %dma_start3A_40 : memref<1x1x16x125xi32, #tpu.memory_space<hbm>> -> memref<16x125xi32, #tpu.memory_space<hbm>>
        %dma_start3A_42 = arith.constant 0 : i32
        %dma_start3A_43 = arith.constant 0 : i32
        %dma_start3A_44 = tpu.memref_slice %arg3[%add3A, %add3A_26, %dma_start3A_42, %dma_start3A_43] : memref<32x5x16x125xi32, #tpu.memory_space<hbm>> -> memref<1x1x16x125xi32, #tpu.memory_space<hbm>>
        %dma_start3A_45 = tpu.memref_squeeze %dma_start3A_44 : memref<1x1x16x125xi32, #tpu.memory_space<hbm>> -> memref<16x125xi32, #tpu.memory_space<hbm>>
        tpu.enqueue_dma source(%dma_start3A_45 : memref<16x125xi32, #tpu.memory_space<hbm>>) target(%arg7 : memref<16x125xi32, #tpu.memory_space<vmem>>) target_semaphore(%run_scoped3A : memref<!tpu.dma_semaphore, #tpu.memory_space<semaphore_mem>>)
        %dma_wait3A = arith.constant 0 : i32
        %dma_wait3A_46 = arith.constant 0 : i32
        %dma_wait3A_47 = tpu.memref_slice %arg3[%add3A, %add3A_26, %dma_wait3A, %dma_wait3A_46] : memref<32x5x16x125xi32, #tpu.memory_space<hbm>> -> memref<1x1x16x125xi32, #tpu.memory_space<hbm>>
        %dma_wait3A_48 = tpu.memref_squeeze %dma_wait3A_47 : memref<1x1x16x125xi32, #tpu.memory_space<hbm>> -> memref<16x125xi32, #tpu.memory_space<hbm>>
        %dma_wait3A_49 = arith.constant 0 : i32
        %dma_wait3A_50 = arith.constant 0 : i32
        %dma_wait3A_51 = tpu.memref_slice %arg3[%add3A, %add3A_26, %dma_wait3A_49, %dma_wait3A_50] : memref<32x5x16x125xi32, #tpu.memory_space<hbm>> -> memref<1x1x16x125xi32, #tpu.memory_space<hbm>>
        %dma_wait3A_52 = tpu.memref_squeeze %dma_wait3A_51 : memref<1x1x16x125xi32, #tpu.memory_space<hbm>> -> memref<16x125xi32, #tpu.memory_space<hbm>>
        tpu.wait_dma2 semaphore(%run_scoped3A : memref<!tpu.dma_semaphore, #tpu.memory_space<semaphore_mem>>) src(%dma_wait3A_52 : memref<16x125xi32, #tpu.memory_space<hbm>>) dst(%arg7 : memref<16x125xi32, #tpu.memory_space<vmem>>)
        tpu.yield
      }) : () -> ()
      "tpu.region"() ({
        %run_scoped3A = tpu.sem_alloc : memref<!tpu.dma_semaphore, #tpu.memory_space<semaphore_mem>>
        %dma_start3A_38 = arith.constant 0 : i32
        %dma_start3A_39 = arith.constant 0 : i32
        %dma_start3A_40 = tpu.memref_slice %arg4[%add3A, %add3A_26, %dma_start3A_38, %dma_start3A_39] : memref<32x5x16x125xi32, #tpu.memory_space<hbm>> -> memref<1x1x16x125xi32, #tpu.memory_space<hbm>>
        %dma_start3A_41 = tpu.memref_squeeze %dma_start3A_40 : memref<1x1x16x125xi32, #tpu.memory_space<hbm>> -> memref<16x125xi32, #tpu.memory_space<hbm>>
        %dma_start3A_42 = arith.constant 0 : i32
        %dma_start3A_43 = arith.constant 0 : i32
        %dma_start3A_44 = tpu.memref_slice %arg4[%add3A, %add3A_26, %dma_start3A_42, %dma_start3A_43] : memref<32x5x16x125xi32, #tpu.memory_space<hbm>> -> memref<1x1x16x125xi32, #tpu.memory_space<hbm>>
        %dma_start3A_45 = tpu.memref_squeeze %dma_start3A_44 : memref<1x1x16x125xi32, #tpu.memory_space<hbm>> -> memref<16x125xi32, #tpu.memory_space<hbm>>
        tpu.enqueue_dma source(%dma_start3A_45 : memref<16x125xi32, #tpu.memory_space<hbm>>) target(%arg8 : memref<16x125xi32, #tpu.memory_space<vmem>>) target_semaphore(%run_scoped3A : memref<!tpu.dma_semaphore, #tpu.memory_space<semaphore_mem>>)
        %dma_wait3A = arith.constant 0 : i32
        %dma_wait3A_46 = arith.constant 0 : i32
        %dma_wait3A_47 = tpu.memref_slice %arg4[%add3A, %add3A_26, %dma_wait3A, %dma_wait3A_46] : memref<32x5x16x125xi32, #tpu.memory_space<hbm>> -> memref<1x1x16x125xi32, #tpu.memory_space<hbm>>
        %dma_wait3A_48 = tpu.memref_squeeze %dma_wait3A_47 : memref<1x1x16x125xi32, #tpu.memory_space<hbm>> -> memref<16x125xi32, #tpu.memory_space<hbm>>
        %dma_wait3A_49 = arith.constant 0 : i32
        %dma_wait3A_50 = arith.constant 0 : i32
        %dma_wait3A_51 = tpu.memref_slice %arg4[%add3A, %add3A_26, %dma_wait3A_49, %dma_wait3A_50] : memref<32x5x16x125xi32, #tpu.memory_space<hbm>> -> memref<1x1x16x125xi32, #tpu.memory_space<hbm>>
        %dma_wait3A_52 = tpu.memref_squeeze %dma_wait3A_51 : memref<1x1x16x125xi32, #tpu.memory_space<hbm>> -> memref<16x125xi32, #tpu.memory_space<hbm>>
        tpu.wait_dma2 semaphore(%run_scoped3A : memref<!tpu.dma_semaphore, #tpu.memory_space<semaphore_mem>>) src(%dma_wait3A_52 : memref<16x125xi32, #tpu.memory_space<hbm>>) dst(%arg8 : memref<16x125xi32, #tpu.memory_space<vmem>>)
        tpu.yield
      }) : () -> ()
      "tpu.region"() ({
        %run_scoped3A = tpu.sem_alloc : memref<!tpu.dma_semaphore, #tpu.memory_space<semaphore_mem>>
        %dma_start3A_38 = arith.constant 0 : i32
        %dma_start3A_39 = arith.constant 0 : i32
        %dma_start3A_40 = tpu.memref_slice %arg5[%add3A, %add3A_26, %dma_start3A_38, %dma_start3A_39] : memref<32x5x16x125xf32, #tpu.memory_space<hbm>> -> memref<1x1x16x125xf32, #tpu.memory_space<hbm>>
        %dma_start3A_41 = tpu.memref_squeeze %dma_start3A_40 : memref<1x1x16x125xf32, #tpu.memory_space<hbm>> -> memref<16x125xf32, #tpu.memory_space<hbm>>
        %dma_start3A_42 = arith.constant 0 : i32
        %dma_start3A_43 = arith.constant 0 : i32
        %dma_start3A_44 = tpu.memref_slice %arg5[%add3A, %add3A_26, %dma_start3A_42, %dma_start3A_43] : memref<32x5x16x125xf32, #tpu.memory_space<hbm>> -> memref<1x1x16x125xf32, #tpu.memory_space<hbm>>
        %dma_start3A_45 = tpu.memref_squeeze %dma_start3A_44 : memref<1x1x16x125xf32, #tpu.memory_space<hbm>> -> memref<16x125xf32, #tpu.memory_space<hbm>>
        tpu.enqueue_dma source(%dma_start3A_45 : memref<16x125xf32, #tpu.memory_space<hbm>>) target(%arg9 : memref<16x125xf32, #tpu.memory_space<vmem>>) target_semaphore(%run_scoped3A : memref<!tpu.dma_semaphore, #tpu.memory_space<semaphore_mem>>)
        %dma_wait3A = arith.constant 0 : i32
        %dma_wait3A_46 = arith.constant 0 : i32
        %dma_wait3A_47 = tpu.memref_slice %arg5[%add3A, %add3A_26, %dma_wait3A, %dma_wait3A_46] : memref<32x5x16x125xf32, #tpu.memory_space<hbm>> -> memref<1x1x16x125xf32, #tpu.memory_space<hbm>>
        %dma_wait3A_48 = tpu.memref_squeeze %dma_wait3A_47 : memref<1x1x16x125xf32, #tpu.memory_space<hbm>> -> memref<16x125xf32, #tpu.memory_space<hbm>>
        %dma_wait3A_49 = arith.constant 0 : i32
        %dma_wait3A_50 = arith.constant 0 : i32
        %dma_wait3A_51 = tpu.memref_slice %arg5[%add3A, %add3A_26, %dma_wait3A_49, %dma_wait3A_50] : memref<32x5x16x125xf32, #tpu.memory_space<hbm>> -> memref<1x1x16x125xf32, #tpu.memory_space<hbm>>
        %dma_wait3A_52 = tpu.memref_squeeze %dma_wait3A_51 : memref<1x1x16x125xf32, #tpu.memory_space<hbm>> -> memref<16x125xf32, #tpu.memory_space<hbm>>
        tpu.wait_dma2 semaphore(%run_scoped3A : memref<!tpu.dma_semaphore, #tpu.memory_space<semaphore_mem>>) src(%dma_wait3A_52 : memref<16x125xf32, #tpu.memory_space<hbm>>) dst(%arg9 : memref<16x125xf32, #tpu.memory_space<vmem>>)
        tpu.yield
      }) : () -> ()
      %dma_start3A = arith.constant 0 : i32
      %dma_start3A_27 = arith.constant 0 : i32
      %dma_start3A_28 = tpu.memref_slice %arg7[%dma_start3A, %dma_start3A_27] : memref<16x125xi32, #tpu.memory_space<vmem>> -> memref<1x125xi32, #tpu.memory_space<vmem>>
      %dma_start3A_29 = tpu.memref_squeeze %dma_start3A_28 : memref<1x125xi32, #tpu.memory_space<vmem>> -> memref<125xi32, #tpu.memory_space<vmem>>
      %dma_start3A_30 = arith.constant 0 : i32
      %dma_start3A_31 = arith.constant 0 : i32
      %dma_start3A_32 = tpu.memref_slice %arg2[%dma_start3A_30, %dma_start3A_31] : memref<10000x128xf32, #tpu.memory_space<hbm>> -> memref<10000x128xf32, #tpu.memory_space<hbm>>
      tpu.enqueue_indirect_dma source(%dma_start3A_32 : memref<10000x128xf32, #tpu.memory_space<hbm>>) target(%arg10 : memref<125x128xf32, #tpu.memory_space<vmem>>) offsets(%dma_start3A_29 : memref<125xi32, #tpu.memory_space<vmem>>) semaphore(%arg13 : memref<!tpu.dma_semaphore, #tpu.memory_space<semaphore_mem>>)
      %scan3A_33 = arith.constant 0 : i32
      %scan3A_34 = arith.constant 8 : i32
      %scan3A_35 = arith.addi %scan3A_33, %scan3A_34 : i32
      %scan3A_36 = arith.constant 1 : i32
      scf.for %scan3A_38 = %scan3A_33 to %scan3A_35 step %scan3A_36  : i32 {
        %mul3A_39 = arith.constant 2 : i32
        %mul3A_40 = arith.muli %scan3A_38, %mul3A_39 : i32
        %add3A_41 = arith.constant 0 : i32
        %add3A_42 = arith.addi %add3A_41, %mul3A_40 : i32
        %dma_wait3A = arith.constant 0 : i32
        %dma_wait3A_43 = tpu.memref_slice %arg7[%add3A_42, %dma_wait3A] : memref<16x125xi32, #tpu.memory_space<vmem>> -> memref<1x125xi32, #tpu.memory_space<vmem>>
        %dma_wait3A_44 = tpu.memref_squeeze %dma_wait3A_43 : memref<1x125xi32, #tpu.memory_space<vmem>> -> memref<125xi32, #tpu.memory_space<vmem>>
        %dma_wait3A_45 = arith.constant 0 : i32
        %dma_wait3A_46 = arith.constant 0 : i32
        %dma_wait3A_47 = tpu.memref_slice %arg2[%dma_wait3A_45, %dma_wait3A_46] : memref<10000x128xf32, #tpu.memory_space<hbm>> -> memref<10000x128xf32, #tpu.memory_space<hbm>>
        tpu.wait_indirect_dma semaphore(%arg13 : memref<!tpu.dma_semaphore, #tpu.memory_space<semaphore_mem>>) src(%dma_wait3A_47 : memref<10000x128xf32, #tpu.memory_space<hbm>>) dst(%arg10 : memref<125x128xf32, #tpu.memory_space<vmem>>)
        %add3A_48 = arith.constant 1 : i32
        %add3A_49 = arith.addi %add3A_42, %add3A_48 : i32
        %dma_start3A_50 = arith.constant 0 : i32
        %dma_start3A_51 = tpu.memref_slice %arg7[%add3A_49, %dma_start3A_50] : memref<16x125xi32, #tpu.memory_space<vmem>> -> memref<1x125xi32, #tpu.memory_space<vmem>>
        %dma_start3A_52 = tpu.memref_squeeze %dma_start3A_51 : memref<1x125xi32, #tpu.memory_space<vmem>> -> memref<125xi32, #tpu.memory_space<vmem>>
        %dma_start3A_53 = arith.constant 0 : i32
        %dma_start3A_54 = arith.constant 0 : i32
        %dma_start3A_55 = tpu.memref_slice %arg2[%dma_start3A_53, %dma_start3A_54] : memref<10000x128xf32, #tpu.memory_space<hbm>> -> memref<10000x128xf32, #tpu.memory_space<hbm>>
        tpu.enqueue_indirect_dma source(%dma_start3A_55 : memref<10000x128xf32, #tpu.memory_space<hbm>>) target(%arg11 : memref<125x128xf32, #tpu.memory_space<vmem>>) offsets(%dma_start3A_52 : memref<125xi32, #tpu.memory_space<vmem>>) semaphore(%arg14 : memref<!tpu.dma_semaphore, #tpu.memory_space<semaphore_mem>>)
        %scan3A_56 = arith.constant 0 : i32
        %scan3A_57 = arith.constant 25 : i32
        %scan3A_58 = arith.addi %scan3A_56, %scan3A_57 : i32
        %scan3A_59 = arith.constant 1 : i32
        scf.for %scan3A_84 = %scan3A_56 to %scan3A_58 step %scan3A_59  : i32 {
          %mul3A_85 = arith.constant 5 : i32
          %mul3A_86 = arith.muli %scan3A_84, %mul3A_85 : i32
          %add3A_87 = arith.constant 0 : i32
          %add3A_88 = arith.addi %add3A_87, %mul3A_86 : i32
          %add3A_89 = arith.constant 0 : i32
          %add3A_90 = arith.addi %add3A_88, %add3A_89 : i32
          %broadcast_in_dim3A = vector.broadcast %add3A_90 : i32 to vector<16xi32>
          %gather3A = arith.constant 0 : i32
          %gather3A_91 = tpu.memref_slice %arg9[%add3A_42, %gather3A] : memref<16x125xf32, #tpu.memory_space<vmem>> -> memref<1x125xf32, #tpu.memory_space<vmem>>
          %gather3A_92 = tpu.memref_squeeze %gather3A_91 : memref<1x125xf32, #tpu.memory_space<vmem>> -> memref<125xf32, #tpu.memory_space<vmem>>
          %gather3A_93 = tpu.vector_load_idx %gather3A_92[%broadcast_in_dim3A] : memref<125xf32, #tpu.memory_space<vmem>>[vector<16xi32>], vector<16xf32>,
          %add3A_94 = arith.constant 1 : i32
          %add3A_95 = arith.addi %add3A_88, %add3A_94 : i32
          %broadcast_in_dim3A_96 = vector.broadcast %add3A_95 : i32 to vector<16xi32>
          %gather3A_97 = arith.constant 0 : i32
          %gather3A_98 = tpu.memref_slice %arg9[%add3A_42, %gather3A_97] : memref<16x125xf32, #tpu.memory_space<vmem>> -> memref<1x125xf32, #tpu.memory_space<vmem>>
          %gather3A_99 = tpu.memref_squeeze %gather3A_98 : memref<1x125xf32, #tpu.memory_space<vmem>> -> memref<125xf32, #tpu.memory_space<vmem>>
          %gather3A_100 = tpu.vector_load_idx %gather3A_99[%broadcast_in_dim3A_96] : memref<125xf32, #tpu.memory_space<vmem>>[vector<16xi32>], vector<16xf32>,
          %add3A_101 = arith.constant 2 : i32
          %add3A_102 = arith.addi %add3A_88, %add3A_101 : i32
          %broadcast_in_dim3A_103 = vector.broadcast %add3A_102 : i32 to vector<16xi32>
          %gather3A_104 = arith.constant 0 : i32
          %gather3A_105 = tpu.memref_slice %arg9[%add3A_42, %gather3A_104] : memref<16x125xf32, #tpu.memory_space<vmem>> -> memref<1x125xf32, #tpu.memory_space<vmem>>
          %gather3A_106 = tpu.memref_squeeze %gather3A_105 : memref<1x125xf32, #tpu.memory_space<vmem>> -> memref<125xf32, #tpu.memory_space<vmem>>
          %gather3A_107 = tpu.vector_load_idx %gather3A_106[%broadcast_in_dim3A_103] : memref<125xf32, #tpu.memory_space<vmem>>[vector<16xi32>], vector<16xf32>,
          %add3A_108 = arith.constant 3 : i32
          %add3A_109 = arith.addi %add3A_88, %add3A_108 : i32
          %broadcast_in_dim3A_110 = vector.broadcast %add3A_109 : i32 to vector<16xi32>
          %gather3A_111 = arith.constant 0 : i32
          %gather3A_112 = tpu.memref_slice %arg9[%add3A_42, %gather3A_111] : memref<16x125xf32, #tpu.memory_space<vmem>> -> memref<1x125xf32, #tpu.memory_space<vmem>>
          %gather3A_113 = tpu.memref_squeeze %gather3A_112 : memref<1x125xf32, #tpu.memory_space<vmem>> -> memref<125xf32, #tpu.memory_space<vmem>>
          %gather3A_114 = tpu.vector_load_idx %gather3A_113[%broadcast_in_dim3A_110] : memref<125xf32, #tpu.memory_space<vmem>>[vector<16xi32>], vector<16xf32>,
          %add3A_115 = arith.constant 4 : i32
          %add3A_116 = arith.addi %add3A_88, %add3A_115 : i32
          %broadcast_in_dim3A_117 = vector.broadcast %add3A_116 : i32 to vector<16xi32>
          %gather3A_118 = arith.constant 0 : i32
          %gather3A_119 = tpu.memref_slice %arg9[%add3A_42, %gather3A_118] : memref<16x125xf32, #tpu.memory_space<vmem>> -> memref<1x125xf32, #tpu.memory_space<vmem>>
          %gather3A_120 = tpu.memref_squeeze %gather3A_119 : memref<1x125xf32, #tpu.memory_space<vmem>> -> memref<125xf32, #tpu.memory_space<vmem>>
          %gather3A_121 = tpu.vector_load_idx %gather3A_120[%broadcast_in_dim3A_117] : memref<125xf32, #tpu.memory_space<vmem>>[vector<16xi32>], vector<16xf32>,
          %add3A_122 = arith.constant 0 : i32
          %add3A_123 = arith.addi %add3A_88, %add3A_122 : i32
          %get3A = arith.index_cast %add3A_123 : i32 to index
          %get3A_124 = arith.constant 0 : index
          %get3A_125 = tpu.vector_load %arg10[%get3A, %get3A_124] {strides = array<i32>} : memref<125x128xf32, #tpu.memory_space<vmem>>, vector<16xf32>,
          %mul3A_126 = arith.mulf %get3A_125, %gather3A_93 : vector<16xf32>
          %add3A_127 = arith.constant 0 : i32
          %add3A_128 = arith.addi %add3A_88, %add3A_127 : i32
          %swap3A = arith.index_cast %add3A_128 : i32 to index
          %swap3A_129 = arith.constant 0 : index
          %swap3A_130 = tpu.vector_load %arg10[%swap3A, %swap3A_129] {strides = array<i32>} : memref<125x128xf32, #tpu.memory_space<vmem>>, vector<16xf32>,
          tpu.vector_store %arg10[%swap3A, %swap3A_129], %mul3A_126 {strides = array<i32>} : memref<125x128xf32, #tpu.memory_space<vmem>>, vector<16xf32>,
          %add3A_131 = arith.constant 0 : i32
          %add3A_132 = arith.addi %add3A_88, %add3A_131 : i32
          %get3A_133 = arith.index_cast %add3A_132 : i32 to index
          %get3A_134 = arith.constant 16 : index
          %get3A_135 = tpu.vector_load %arg10[%get3A_133, %get3A_134] {strides = array<i32>} : memref<125x128xf32, #tpu.memory_space<vmem>>, vector<16xf32>,
          %mul3A_136 = arith.mulf %get3A_135, %gather3A_93 : vector<16xf32>
          %add3A_137 = arith.constant 0 : i32
          %add3A_138 = arith.addi %add3A_88, %add3A_137 : i32
          %swap3A_139 = arith.index_cast %add3A_138 : i32 to index
          %swap3A_140 = arith.constant 16 : index
          %swap3A_141 = tpu.vector_load %arg10[%swap3A_139, %swap3A_140] {strides = array<i32>} : memref<125x128xf32, #tpu.memory_space<vmem>>, vector<16xf32>,
          tpu.vector_store %arg10[%swap3A_139, %swap3A_140], %mul3A_136 {strides = array<i32>} : memref<125x128xf32, #tpu.memory_space<vmem>>, vector<16xf32>,
          %add3A_142 = arith.constant 0 : i32
          %add3A_143 = arith.addi %add3A_88, %add3A_142 : i32
          %get3A_144 = arith.index_cast %add3A_143 : i32 to index
          %get3A_145 = arith.constant 32 : index
          %get3A_146 = tpu.vector_load %arg10[%get3A_144, %get3A_145] {strides = array<i32>} : memref<125x128xf32, #tpu.memory_space<vmem>>, vector<16xf32>,
          %mul3A_147 = arith.mulf %get3A_146, %gather3A_93 : vector<16xf32>
          %add3A_148 = arith.constant 0 : i32
          %add3A_149 = arith.addi %add3A_88, %add3A_148 : i32
          %swap3A_150 = arith.index_cast %add3A_149 : i32 to index
          %swap3A_151 = arith.constant 32 : index
          %swap3A_152 = tpu.vector_load %arg10[%swap3A_150, %swap3A_151] {strides = array<i32>} : memref<125x128xf32, #tpu.memory_space<vmem>>, vector<16xf32>,
          tpu.vector_store %arg10[%swap3A_150, %swap3A_151], %mul3A_147 {strides = array<i32>} : memref<125x128xf32, #tpu.memory_space<vmem>>, vector<16xf32>,
          %add3A_153 = arith.constant 0 : i32
          %add3A_154 = arith.addi %add3A_88, %add3A_153 : i32
          %get3A_155 = arith.index_cast %add3A_154 : i32 to index
          %get3A_156 = arith.constant 48 : index
          %get3A_157 = tpu.vector_load %arg10[%get3A_155, %get3A_156] {strides = array<i32>} : memref<125x128xf32, #tpu.memory_space<vmem>>, vector<16xf32>,
          %mul3A_158 = arith.mulf %get3A_157, %gather3A_93 : vector<16xf32>
          %add3A_159 = arith.constant 0 : i32
          %add3A_160 = arith.addi %add3A_88, %add3A_159 : i32
          %swap3A_161 = arith.index_cast %add3A_160 : i32 to index
          %swap3A_162 = arith.constant 48 : index
          %swap3A_163 = tpu.vector_load %arg10[%swap3A_161, %swap3A_162] {strides = array<i32>} : memref<125x128xf32, #tpu.memory_space<vmem>>, vector<16xf32>,
          tpu.vector_store %arg10[%swap3A_161, %swap3A_162], %mul3A_158 {strides = array<i32>} : memref<125x128xf32, #tpu.memory_space<vmem>>, vector<16xf32>,
          %add3A_164 = arith.constant 0 : i32
          %add3A_165 = arith.addi %add3A_88, %add3A_164 : i32
          %get3A_166 = arith.index_cast %add3A_165 : i32 to index
          %get3A_167 = arith.constant 64 : index
          %get3A_168 = tpu.vector_load %arg10[%get3A_166, %get3A_167] {strides = array<i32>} : memref<125x128xf32, #tpu.memory_space<vmem>>, vector<16xf32>,
          %mul3A_169 = arith.mulf %get3A_168, %gather3A_93 : vector<16xf32>
          %add3A_170 = arith.constant 0 : i32
          %add3A_171 = arith.addi %add3A_88, %add3A_170 : i32
          %swap3A_172 = arith.index_cast %add3A_171 : i32 to index
          %swap3A_173 = arith.constant 64 : index
          %swap3A_174 = tpu.vector_load %arg10[%swap3A_172, %swap3A_173] {strides = array<i32>} : memref<125x128xf32, #tpu.memory_space<vmem>>, vector<16xf32>,
          tpu.vector_store %arg10[%swap3A_172, %swap3A_173], %mul3A_169 {strides = array<i32>} : memref<125x128xf32, #tpu.memory_space<vmem>>, vector<16xf32>,
          %add3A_175 = arith.constant 0 : i32
          %add3A_176 = arith.addi %add3A_88, %add3A_175 : i32
          %get3A_177 = arith.index_cast %add3A_176 : i32 to index
          %get3A_178 = arith.constant 80 : index
          %get3A_179 = tpu.vector_load %arg10[%get3A_177, %get3A_178] {strides = array<i32>} : memref<125x128xf32, #tpu.memory_space<vmem>>, vector<16xf32>,
          %mul3A_180 = arith.mulf %get3A_179, %gather3A_93 : vector<16xf32>
          %add3A_181 = arith.constant 0 : i32
          %add3A_182 = arith.addi %add3A_88, %add3A_181 : i32
          %swap3A_183 = arith.index_cast %add3A_182 : i32 to index
          %swap3A_184 = arith.constant 80 : index
          %swap3A_185 = tpu.vector_load %arg10[%swap3A_183, %swap3A_184] {strides = array<i32>} : memref<125x128xf32, #tpu.memory_space<vmem>>, vector<16xf32>,
          tpu.vector_store %arg10[%swap3A_183, %swap3A_184], %mul3A_180 {strides = array<i32>} : memref<125x128xf32, #tpu.memory_space<vmem>>, vector<16xf32>,
          %add3A_186 = arith.constant 0 : i32
          %add3A_187 = arith.addi %add3A_88, %add3A_186 : i32
          %get3A_188 = arith.index_cast %add3A_187 : i32 to index
          %get3A_189 = arith.constant 96 : index
          %get3A_190 = tpu.vector_load %arg10[%get3A_188, %get3A_189] {strides = array<i32>} : memref<125x128xf32, #tpu.memory_space<vmem>>, vector<16xf32>,
          %mul3A_191 = arith.mulf %get3A_190, %gather3A_93 : vector<16xf32>
          %add3A_192 = arith.constant 0 : i32
          %add3A_193 = arith.addi %add3A_88, %add3A_192 : i32
          %swap3A_194 = arith.index_cast %add3A_193 : i32 to index
          %swap3A_195 = arith.constant 96 : index
          %swap3A_196 = tpu.vector_load %arg10[%swap3A_194, %swap3A_195] {strides = array<i32>} : memref<125x128xf32, #tpu.memory_space<vmem>>, vector<16xf32>,
          tpu.vector_store %arg10[%swap3A_194, %swap3A_195], %mul3A_191 {strides = array<i32>} : memref<125x128xf32, #tpu.memory_space<vmem>>, vector<16xf32>,
          %add3A_197 = arith.constant 0 : i32
          %add3A_198 = arith.addi %add3A_88, %add3A_197 : i32
          %get3A_199 = arith.index_cast %add3A_198 : i32 to index
          %get3A_200 = arith.constant 112 : index
          %get3A_201 = tpu.vector_load %arg10[%get3A_199, %get3A_200] {strides = array<i32>} : memref<125x128xf32, #tpu.memory_space<vmem>>, vector<16xf32>,
          %mul3A_202 = arith.mulf %get3A_201, %gather3A_93 : vector<16xf32>
          %add3A_203 = arith.constant 0 : i32
          %add3A_204 = arith.addi %add3A_88, %add3A_203 : i32
          %swap3A_205 = arith.index_cast %add3A_204 : i32 to index
          %swap3A_206 = arith.constant 112 : index
          %swap3A_207 = tpu.vector_load %arg10[%swap3A_205, %swap3A_206] {strides = array<i32>} : memref<125x128xf32, #tpu.memory_space<vmem>>, vector<16xf32>,
          tpu.vector_store %arg10[%swap3A_205, %swap3A_206], %mul3A_202 {strides = array<i32>} : memref<125x128xf32, #tpu.memory_space<vmem>>, vector<16xf32>,
          %add3A_208 = arith.constant 1 : i32
          %add3A_209 = arith.addi %add3A_88, %add3A_208 : i32
          %get3A_210 = arith.index_cast %add3A_209 : i32 to index
          %get3A_211 = arith.constant 0 : index
          %get3A_212 = tpu.vector_load %arg10[%get3A_210, %get3A_211] {strides = array<i32>} : memref<125x128xf32, #tpu.memory_space<vmem>>, vector<16xf32>,
          %mul3A_213 = arith.mulf %get3A_212, %gather3A_100 : vector<16xf32>
          %add3A_214 = arith.constant 1 : i32
          %add3A_215 = arith.addi %add3A_88, %add3A_214 : i32
          %swap3A_216 = arith.index_cast %add3A_215 : i32 to index
          %swap3A_217 = arith.constant 0 : index
          %swap3A_218 = tpu.vector_load %arg10[%swap3A_216, %swap3A_217] {strides = array<i32>} : memref<125x128xf32, #tpu.memory_space<vmem>>, vector<16xf32>,
          tpu.vector_store %arg10[%swap3A_216, %swap3A_217], %mul3A_213 {strides = array<i32>} : memref<125x128xf32, #tpu.memory_space<vmem>>, vector<16xf32>,
          %add3A_219 = arith.constant 1 : i32
          %add3A_220 = arith.addi %add3A_88, %add3A_219 : i32
          %get3A_221 = arith.index_cast %add3A_220 : i32 to index
          %get3A_222 = arith.constant 16 : index
          %get3A_223 = tpu.vector_load %arg10[%get3A_221, %get3A_222] {strides = array<i32>} : memref<125x128xf32, #tpu.memory_space<vmem>>, vector<16xf32>,
          %mul3A_224 = arith.mulf %get3A_223, %gather3A_100 : vector<16xf32>
          %add3A_225 = arith.constant 1 : i32
          %add3A_226 = arith.addi %add3A_88, %add3A_225 : i32
          %swap3A_227 = arith.index_cast %add3A_226 : i32 to index
          %swap3A_228 = arith.constant 16 : index
          %swap3A_229 = tpu.vector_load %arg10[%swap3A_227, %swap3A_228] {strides = array<i32>} : memref<125x128xf32, #tpu.memory_space<vmem>>, vector<16xf32>,
          tpu.vector_store %arg10[%swap3A_227, %swap3A_228], %mul3A_224 {strides = array<i32>} : memref<125x128xf32, #tpu.memory_space<vmem>>, vector<16xf32>,
          %add3A_230 = arith.constant 1 : i32
          %add3A_231 = arith.addi %add3A_88, %add3A_230 : i32
          %get3A_232 = arith.index_cast %add3A_231 : i32 to index
          %get3A_233 = arith.constant 32 : index
          %get3A_234 = tpu.vector_load %arg10[%get3A_232, %get3A_233] {strides = array<i32>} : memref<125x128xf32, #tpu.memory_space<vmem>>, vector<16xf32>,
          %mul3A_235 = arith.mulf %get3A_234, %gather3A_100 : vector<16xf32>
          %add3A_236 = arith.constant 1 : i32
          %add3A_237 = arith.addi %add3A_88, %add3A_236 : i32
          %swap3A_238 = arith.index_cast %add3A_237 : i32 to index
          %swap3A_239 = arith.constant 32 : index
          %swap3A_240 = tpu.vector_load %arg10[%swap3A_238, %swap3A_239] {strides = array<i32>} : memref<125x128xf32, #tpu.memory_space<vmem>>, vector<16xf32>,
          tpu.vector_store %arg10[%swap3A_238, %swap3A_239], %mul3A_235 {strides = array<i32>} : memref<125x128xf32, #tpu.memory_space<vmem>>, vector<16xf32>,
          %add3A_241 = arith.constant 1 : i32
          %add3A_242 = arith.addi %add3A_88, %add3A_241 : i32
          %get3A_243 = arith.index_cast %add3A_242 : i32 to index
          %get3A_244 = arith.constant 48 : index
          %get3A_245 = tpu.vector_load %arg10[%get3A_243, %get3A_244] {strides = array<i32>} : memref<125x128xf32, #tpu.memory_space<vmem>>, vector<16xf32>,
          %mul3A_246 = arith.mulf %get3A_245, %gather3A_100 : vector<16xf32>
          %add3A_247 = arith.constant 1 : i32
          %add3A_248 = arith.addi %add3A_88, %add3A_247 : i32
          %swap3A_249 = arith.index_cast %add3A_248 : i32 to index
          %swap3A_250 = arith.constant 48 : index
          %swap3A_251 = tpu.vector_load %arg10[%swap3A_249, %swap3A_250] {strides = array<i32>} : memref<125x128xf32, #tpu.memory_space<vmem>>, vector<16xf32>,
          tpu.vector_store %arg10[%swap3A_249, %swap3A_250], %mul3A_246 {strides = array<i32>} : memref<125x128xf32, #tpu.memory_space<vmem>>, vector<16xf32>,
          %add3A_252 = arith.constant 1 : i32
          %add3A_253 = arith.addi %add3A_88, %add3A_252 : i32
          %get3A_254 = arith.index_cast %add3A_253 : i32 to index
          %get3A_255 = arith.constant 64 : index
          %get3A_256 = tpu.vector_load %arg10[%get3A_254, %get3A_255] {strides = array<i32>} : memref<125x128xf32, #tpu.memory_space<vmem>>, vector<16xf32>,
          %mul3A_257 = arith.mulf %get3A_256, %gather3A_100 : vector<16xf32>
          %add3A_258 = arith.constant 1 : i32
          %add3A_259 = arith.addi %add3A_88, %add3A_258 : i32
          %swap3A_260 = arith.index_cast %add3A_259 : i32 to index
          %swap3A_261 = arith.constant 64 : index
          %swap3A_262 = tpu.vector_load %arg10[%swap3A_260, %swap3A_261] {strides = array<i32>} : memref<125x128xf32, #tpu.memory_space<vmem>>, vector<16xf32>,
          tpu.vector_store %arg10[%swap3A_260, %swap3A_261], %mul3A_257 {strides = array<i32>} : memref<125x128xf32, #tpu.memory_space<vmem>>, vector<16xf32>,
          %add3A_263 = arith.constant 1 : i32
          %add3A_264 = arith.addi %add3A_88, %add3A_263 : i32
          %get3A_265 = arith.index_cast %add3A_264 : i32 to index
          %get3A_266 = arith.constant 80 : index
          %get3A_267 = tpu.vector_load %arg10[%get3A_265, %get3A_266] {strides = array<i32>} : memref<125x128xf32, #tpu.memory_space<vmem>>, vector<16xf32>,
          %mul3A_268 = arith.mulf %get3A_267, %gather3A_100 : vector<16xf32>
          %add3A_269 = arith.constant 1 : i32
          %add3A_270 = arith.addi %add3A_88, %add3A_269 : i32
          %swap3A_271 = arith.index_cast %add3A_270 : i32 to index
          %swap3A_272 = arith.constant 80 : index
          %swap3A_273 = tpu.vector_load %arg10[%swap3A_271, %swap3A_272] {strides = array<i32>} : memref<125x128xf32, #tpu.memory_space<vmem>>, vector<16xf32>,
          tpu.vector_store %arg10[%swap3A_271, %swap3A_272], %mul3A_268 {strides = array<i32>} : memref<125x128xf32, #tpu.memory_space<vmem>>, vector<16xf32>,
          %add3A_274 = arith.constant 1 : i32
          %add3A_275 = arith.addi %add3A_88, %add3A_274 : i32
          %get3A_276 = arith.index_cast %add3A_275 : i32 to index
          %get3A_277 = arith.constant 96 : index
          %get3A_278 = tpu.vector_load %arg10[%get3A_276, %get3A_277] {strides = array<i32>} : memref<125x128xf32, #tpu.memory_space<vmem>>, vector<16xf32>,
          %mul3A_279 = arith.mulf %get3A_278, %gather3A_100 : vector<16xf32>
          %add3A_280 = arith.constant 1 : i32
          %add3A_281 = arith.addi %add3A_88, %add3A_280 : i32
          %swap3A_282 = arith.index_cast %add3A_281 : i32 to index
          %swap3A_283 = arith.constant 96 : index
          %swap3A_284 = tpu.vector_load %arg10[%swap3A_282, %swap3A_283] {strides = array<i32>} : memref<125x128xf32, #tpu.memory_space<vmem>>, vector<16xf32>,
          tpu.vector_store %arg10[%swap3A_282, %swap3A_283], %mul3A_279 {strides = array<i32>} : memref<125x128xf32, #tpu.memory_space<vmem>>, vector<16xf32>,
          %add3A_285 = arith.constant 1 : i32
          %add3A_286 = arith.addi %add3A_88, %add3A_285 : i32
          %get3A_287 = arith.index_cast %add3A_286 : i32 to index
          %get3A_288 = arith.constant 112 : index
          %get3A_289 = tpu.vector_load %arg10[%get3A_287, %get3A_288] {strides = array<i32>} : memref<125x128xf32, #tpu.memory_space<vmem>>, vector<16xf32>,
          %mul3A_290 = arith.mulf %get3A_289, %gather3A_100 : vector<16xf32>
          %add3A_291 = arith.constant 1 : i32
          %add3A_292 = arith.addi %add3A_88, %add3A_291 : i32
          %swap3A_293 = arith.index_cast %add3A_292 : i32 to index
          %swap3A_294 = arith.constant 112 : index
          %swap3A_295 = tpu.vector_load %arg10[%swap3A_293, %swap3A_294] {strides = array<i32>} : memref<125x128xf32, #tpu.memory_space<vmem>>, vector<16xf32>,
          tpu.vector_store %arg10[%swap3A_293, %swap3A_294], %mul3A_290 {strides = array<i32>} : memref<125x128xf32, #tpu.memory_space<vmem>>, vector<16xf32>,
          %add3A_296 = arith.constant 2 : i32
          %add3A_297 = arith.addi %add3A_88, %add3A_296 : i32
          %get3A_298 = arith.index_cast %add3A_297 : i32 to index
          %get3A_299 = arith.constant 0 : index
          %get3A_300 = tpu.vector_load %arg10[%get3A_298, %get3A_299] {strides = array<i32>} : memref<125x128xf32, #tpu.memory_space<vmem>>, vector<16xf32>,
          %mul3A_301 = arith.mulf %get3A_300, %gather3A_107 : vector<16xf32>
          %add3A_302 = arith.constant 2 : i32
          %add3A_303 = arith.addi %add3A_88, %add3A_302 : i32
          %swap3A_304 = arith.index_cast %add3A_303 : i32 to index
          %swap3A_305 = arith.constant 0 : index
          %swap3A_306 = tpu.vector_load %arg10[%swap3A_304, %swap3A_305] {strides = array<i32>} : memref<125x128xf32, #tpu.memory_space<vmem>>, vector<16xf32>,
          tpu.vector_store %arg10[%swap3A_304, %swap3A_305], %mul3A_301 {strides = array<i32>} : memref<125x128xf32, #tpu.memory_space<vmem>>, vector<16xf32>,
          %add3A_307 = arith.constant 2 : i32
          %add3A_308 = arith.addi %add3A_88, %add3A_307 : i32
          %get3A_309 = arith.index_cast %add3A_308 : i32 to index
          %get3A_310 = arith.constant 16 : index
          %get3A_311 = tpu.vector_load %arg10[%get3A_309, %get3A_310] {strides = array<i32>} : memref<125x128xf32, #tpu.memory_space<vmem>>, vector<16xf32>,
          %mul3A_312 = arith.mulf %get3A_311, %gather3A_107 : vector<16xf32>
          %add3A_313 = arith.constant 2 : i32
          %add3A_314 = arith.addi %add3A_88, %add3A_313 : i32
          %swap3A_315 = arith.index_cast %add3A_314 : i32 to index
          %swap3A_316 = arith.constant 16 : index
          %swap3A_317 = tpu.vector_load %arg10[%swap3A_315, %swap3A_316] {strides = array<i32>} : memref<125x128xf32, #tpu.memory_space<vmem>>, vector<16xf32>,
          tpu.vector_store %arg10[%swap3A_315, %swap3A_316], %mul3A_312 {strides = array<i32>} : memref<125x128xf32, #tpu.memory_space<vmem>>, vector<16xf32>,
          %add3A_318 = arith.constant 2 : i32
          %add3A_319 = arith.addi %add3A_88, %add3A_318 : i32
          %get3A_320 = arith.index_cast %add3A_319 : i32 to index
          %get3A_321 = arith.constant 32 : index
          %get3A_322 = tpu.vector_load %arg10[%get3A_320, %get3A_321] {strides = array<i32>} : memref<125x128xf32, #tpu.memory_space<vmem>>, vector<16xf32>,
          %mul3A_323 = arith.mulf %get3A_322, %gather3A_107 : vector<16xf32>
          %add3A_324 = arith.constant 2 : i32
          %add3A_325 = arith.addi %add3A_88, %add3A_324 : i32
          %swap3A_326 = arith.index_cast %add3A_325 : i32 to index
          %swap3A_327 = arith.constant 32 : index
          %swap3A_328 = tpu.vector_load %arg10[%swap3A_326, %swap3A_327] {strides = array<i32>} : memref<125x128xf32, #tpu.memory_space<vmem>>, vector<16xf32>,
          tpu.vector_store %arg10[%swap3A_326, %swap3A_327], %mul3A_323 {strides = array<i32>} : memref<125x128xf32, #tpu.memory_space<vmem>>, vector<16xf32>,
          %add3A_329 = arith.constant 2 : i32
          %add3A_330 = arith.addi %add3A_88, %add3A_329 : i32
          %get3A_331 = arith.index_cast %add3A_330 : i32 to index
          %get3A_332 = arith.constant 48 : index
          %get3A_333 = tpu.vector_load %arg10[%get3A_331, %get3A_332] {strides = array<i32>} : memref<125x128xf32, #tpu.memory_space<vmem>>, vector<16xf32>,
          %mul3A_334 = arith.mulf %get3A_333, %gather3A_107 : vector<16xf32>
          %add3A_335 = arith.constant 2 : i32
          %add3A_336 = arith.addi %add3A_88, %add3A_335 : i32
          %swap3A_337 = arith.index_cast %add3A_336 : i32 to index
          %swap3A_338 = arith.constant 48 : index
          %swap3A_339 = tpu.vector_load %arg10[%swap3A_337, %swap3A_338] {strides = array<i32>} : memref<125x128xf32, #tpu.memory_space<vmem>>, vector<16xf32>,
          tpu.vector_store %arg10[%swap3A_337, %swap3A_338], %mul3A_334 {strides = array<i32>} : memref<125x128xf32, #tpu.memory_space<vmem>>, vector<16xf32>,
          %add3A_340 = arith.constant 2 : i32
          %add3A_341 = arith.addi %add3A_88, %add3A_340 : i32
          %get3A_342 = arith.index_cast %add3A_341 : i32 to index
          %get3A_343 = arith.constant 64 : index
          %get3A_344 = tpu.vector_load %arg10[%get3A_342, %get3A_343] {strides = array<i32>} : memref<125x128xf32, #tpu.memory_space<vmem>>, vector<16xf32>,
          %mul3A_345 = arith.mulf %get3A_344, %gather3A_107 : vector<16xf32>
          %add3A_346 = arith.constant 2 : i32
          %add3A_347 = arith.addi %add3A_88, %add3A_346 : i32
          %swap3A_348 = arith.index_cast %add3A_347 : i32 to index
          %swap3A_349 = arith.constant 64 : index
          %swap3A_350 = tpu.vector_load %arg10[%swap3A_348, %swap3A_349] {strides = array<i32>} : memref<125x128xf32, #tpu.memory_space<vmem>>, vector<16xf32>,
          tpu.vector_store %arg10[%swap3A_348, %swap3A_349], %mul3A_345 {strides = array<i32>} : memref<125x128xf32, #tpu.memory_space<vmem>>, vector<16xf32>,
          %add3A_351 = arith.constant 2 : i32
          %add3A_352 = arith.addi %add3A_88, %add3A_351 : i32
          %get3A_353 = arith.index_cast %add3A_352 : i32 to index
          %get3A_354 = arith.constant 80 : index
          %get3A_355 = tpu.vector_load %arg10[%get3A_353, %get3A_354] {strides = array<i32>} : memref<125x128xf32, #tpu.memory_space<vmem>>, vector<16xf32>,
          %mul3A_356 = arith.mulf %get3A_355, %gather3A_107 : vector<16xf32>
          %add3A_357 = arith.constant 2 : i32
          %add3A_358 = arith.addi %add3A_88, %add3A_357 : i32
          %swap3A_359 = arith.index_cast %add3A_358 : i32 to index
          %swap3A_360 = arith.constant 80 : index
          %swap3A_361 = tpu.vector_load %arg10[%swap3A_359, %swap3A_360] {strides = array<i32>} : memref<125x128xf32, #tpu.memory_space<vmem>>, vector<16xf32>,
          tpu.vector_store %arg10[%swap3A_359, %swap3A_360], %mul3A_356 {strides = array<i32>} : memref<125x128xf32, #tpu.memory_space<vmem>>, vector<16xf32>,
          %add3A_362 = arith.constant 2 : i32
          %add3A_363 = arith.addi %add3A_88, %add3A_362 : i32
          %get3A_364 = arith.index_cast %add3A_363 : i32 to index
          %get3A_365 = arith.constant 96 : index
          %get3A_366 = tpu.vector_load %arg10[%get3A_364, %get3A_365] {strides = array<i32>} : memref<125x128xf32, #tpu.memory_space<vmem>>, vector<16xf32>,
          %mul3A_367 = arith.mulf %get3A_366, %gather3A_107 : vector<16xf32>
          %add3A_368 = arith.constant 2 : i32
          %add3A_369 = arith.addi %add3A_88, %add3A_368 : i32
          %swap3A_370 = arith.index_cast %add3A_369 : i32 to index
          %swap3A_371 = arith.constant 96 : index
          %swap3A_372 = tpu.vector_load %arg10[%swap3A_370, %swap3A_371] {strides = array<i32>} : memref<125x128xf32, #tpu.memory_space<vmem>>, vector<16xf32>,
          tpu.vector_store %arg10[%swap3A_370, %swap3A_371], %mul3A_367 {strides = array<i32>} : memref<125x128xf32, #tpu.memory_space<vmem>>, vector<16xf32>,
          %add3A_373 = arith.constant 2 : i32
          %add3A_374 = arith.addi %add3A_88, %add3A_373 : i32
          %get3A_375 = arith.index_cast %add3A_374 : i32 to index
          %get3A_376 = arith.constant 112 : index
          %get3A_377 = tpu.vector_load %arg10[%get3A_375, %get3A_376] {strides = array<i32>} : memref<125x128xf32, #tpu.memory_space<vmem>>, vector<16xf32>,
          %mul3A_378 = arith.mulf %get3A_377, %gather3A_107 : vector<16xf32>
          %add3A_379 = arith.constant 2 : i32
          %add3A_380 = arith.addi %add3A_88, %add3A_379 : i32
          %swap3A_381 = arith.index_cast %add3A_380 : i32 to index
          %swap3A_382 = arith.constant 112 : index
          %swap3A_383 = tpu.vector_load %arg10[%swap3A_381, %swap3A_382] {strides = array<i32>} : memref<125x128xf32, #tpu.memory_space<vmem>>, vector<16xf32>,
          tpu.vector_store %arg10[%swap3A_381, %swap3A_382], %mul3A_378 {strides = array<i32>} : memref<125x128xf32, #tpu.memory_space<vmem>>, vector<16xf32>,
          %add3A_384 = arith.constant 3 : i32
          %add3A_385 = arith.addi %add3A_88, %add3A_384 : i32
          %get3A_386 = arith.index_cast %add3A_385 : i32 to index
          %get3A_387 = arith.constant 0 : index
          %get3A_388 = tpu.vector_load %arg10[%get3A_386, %get3A_387] {strides = array<i32>} : memref<125x128xf32, #tpu.memory_space<vmem>>, vector<16xf32>,
          %mul3A_389 = arith.mulf %get3A_388, %gather3A_114 : vector<16xf32>
          %add3A_390 = arith.constant 3 : i32
          %add3A_391 = arith.addi %add3A_88, %add3A_390 : i32
          %swap3A_392 = arith.index_cast %add3A_391 : i32 to index
          %swap3A_393 = arith.constant 0 : index
          %swap3A_394 = tpu.vector_load %arg10[%swap3A_392, %swap3A_393] {strides = array<i32>} : memref<125x128xf32, #tpu.memory_space<vmem>>, vector<16xf32>,
          tpu.vector_store %arg10[%swap3A_392, %swap3A_393], %mul3A_389 {strides = array<i32>} : memref<125x128xf32, #tpu.memory_space<vmem>>, vector<16xf32>,
          %add3A_395 = arith.constant 3 : i32
          %add3A_396 = arith.addi %add3A_88, %add3A_395 : i32
          %get3A_397 = arith.index_cast %add3A_396 : i32 to index
          %get3A_398 = arith.constant 16 : index
          %get3A_399 = tpu.vector_load %arg10[%get3A_397, %get3A_398] {strides = array<i32>} : memref<125x128xf32, #tpu.memory_space<vmem>>, vector<16xf32>,
          %mul3A_400 = arith.mulf %get3A_399, %gather3A_114 : vector<16xf32>
          %add3A_401 = arith.constant 3 : i32
          %add3A_402 = arith.addi %add3A_88, %add3A_401 : i32
          %swap3A_403 = arith.index_cast %add3A_402 : i32 to index
          %swap3A_404 = arith.constant 16 : index
          %swap3A_405 = tpu.vector_load %arg10[%swap3A_403, %swap3A_404] {strides = array<i32>} : memref<125x128xf32, #tpu.memory_space<vmem>>, vector<16xf32>,
          tpu.vector_store %arg10[%swap3A_403, %swap3A_404], %mul3A_400 {strides = array<i32>} : memref<125x128xf32, #tpu.memory_space<vmem>>, vector<16xf32>,
          %add3A_406 = arith.constant 3 : i32
          %add3A_407 = arith.addi %add3A_88, %add3A_406 : i32
          %get3A_408 = arith.index_cast %add3A_407 : i32 to index
          %get3A_409 = arith.constant 32 : index
          %get3A_410 = tpu.vector_load %arg10[%get3A_408, %get3A_409] {strides = array<i32>} : memref<125x128xf32, #tpu.memory_space<vmem>>, vector<16xf32>,
          %mul3A_411 = arith.mulf %get3A_410, %gather3A_114 : vector<16xf32>
          %add3A_412 = arith.constant 3 : i32
          %add3A_413 = arith.addi %add3A_88, %add3A_412 : i32
          %swap3A_414 = arith.index_cast %add3A_413 : i32 to index
          %swap3A_415 = arith.constant 32 : index
          %swap3A_416 = tpu.vector_load %arg10[%swap3A_414, %swap3A_415] {strides = array<i32>} : memref<125x128xf32, #tpu.memory_space<vmem>>, vector<16xf32>,
          tpu.vector_store %arg10[%swap3A_414, %swap3A_415], %mul3A_411 {strides = array<i32>} : memref<125x128xf32, #tpu.memory_space<vmem>>, vector<16xf32>,
          %add3A_417 = arith.constant 3 : i32
          %add3A_418 = arith.addi %add3A_88, %add3A_417 : i32
          %get3A_419 = arith.index_cast %add3A_418 : i32 to index
          %get3A_420 = arith.constant 48 : index
          %get3A_421 = tpu.vector_load %arg10[%get3A_419, %get3A_420] {strides = array<i32>} : memref<125x128xf32, #tpu.memory_space<vmem>>, vector<16xf32>,
          %mul3A_422 = arith.mulf %get3A_421, %gather3A_114 : vector<16xf32>
          %add3A_423 = arith.constant 3 : i32
          %add3A_424 = arith.addi %add3A_88, %add3A_423 : i32
          %swap3A_425 = arith.index_cast %add3A_424 : i32 to index
          %swap3A_426 = arith.constant 48 : index
          %swap3A_427 = tpu.vector_load %arg10[%swap3A_425, %swap3A_426] {strides = array<i32>} : memref<125x128xf32, #tpu.memory_space<vmem>>, vector<16xf32>,
          tpu.vector_store %arg10[%swap3A_425, %swap3A_426], %mul3A_422 {strides = array<i32>} : memref<125x128xf32, #tpu.memory_space<vmem>>, vector<16xf32>,
          %add3A_428 = arith.constant 3 : i32
          %add3A_429 = arith.addi %add3A_88, %add3A_428 : i32
          %get3A_430 = arith.index_cast %add3A_429 : i32 to index
          %get3A_431 = arith.constant 64 : index
          %get3A_432 = tpu.vector_load %arg10[%get3A_430, %get3A_431] {strides = array<i32>} : memref<125x128xf32, #tpu.memory_space<vmem>>, vector<16xf32>,
          %mul3A_433 = arith.mulf %get3A_432, %gather3A_114 : vector<16xf32>
          %add3A_434 = arith.constant 3 : i32
          %add3A_435 = arith.addi %add3A_88, %add3A_434 : i32
          %swap3A_436 = arith.index_cast %add3A_435 : i32 to index
          %swap3A_437 = arith.constant 64 : index
          %swap3A_438 = tpu.vector_load %arg10[%swap3A_436, %swap3A_437] {strides = array<i32>} : memref<125x128xf32, #tpu.memory_space<vmem>>, vector<16xf32>,
          tpu.vector_store %arg10[%swap3A_436, %swap3A_437], %mul3A_433 {strides = array<i32>} : memref<125x128xf32, #tpu.memory_space<vmem>>, vector<16xf32>,
          %add3A_439 = arith.constant 3 : i32
          %add3A_440 = arith.addi %add3A_88, %add3A_439 : i32
          %get3A_441 = arith.index_cast %add3A_440 : i32 to index
          %get3A_442 = arith.constant 80 : index
          %get3A_443 = tpu.vector_load %arg10[%get3A_441, %get3A_442] {strides = array<i32>} : memref<125x128xf32, #tpu.memory_space<vmem>>, vector<16xf32>,
          %mul3A_444 = arith.mulf %get3A_443, %gather3A_114 : vector<16xf32>
          %add3A_445 = arith.constant 3 : i32
          %add3A_446 = arith.addi %add3A_88, %add3A_445 : i32
          %swap3A_447 = arith.index_cast %add3A_446 : i32 to index
          %swap3A_448 = arith.constant 80 : index
          %swap3A_449 = tpu.vector_load %arg10[%swap3A_447, %swap3A_448] {strides = array<i32>} : memref<125x128xf32, #tpu.memory_space<vmem>>, vector<16xf32>,
          tpu.vector_store %arg10[%swap3A_447, %swap3A_448], %mul3A_444 {strides = array<i32>} : memref<125x128xf32, #tpu.memory_space<vmem>>, vector<16xf32>,
          %add3A_450 = arith.constant 3 : i32
          %add3A_451 = arith.addi %add3A_88, %add3A_450 : i32
          %get3A_452 = arith.index_cast %add3A_451 : i32 to index
          %get3A_453 = arith.constant 96 : index
          %get3A_454 = tpu.vector_load %arg10[%get3A_452, %get3A_453] {strides = array<i32>} : memref<125x128xf32, #tpu.memory_space<vmem>>, vector<16xf32>,
          %mul3A_455 = arith.mulf %get3A_454, %gather3A_114 : vector<16xf32>
          %add3A_456 = arith.constant 3 : i32
          %add3A_457 = arith.addi %add3A_88, %add3A_456 : i32
          %swap3A_458 = arith.index_cast %add3A_457 : i32 to index
          %swap3A_459 = arith.constant 96 : index
          %swap3A_460 = tpu.vector_load %arg10[%swap3A_458, %swap3A_459] {strides = array<i32>} : memref<125x128xf32, #tpu.memory_space<vmem>>, vector<16xf32>,
          tpu.vector_store %arg10[%swap3A_458, %swap3A_459], %mul3A_455 {strides = array<i32>} : memref<125x128xf32, #tpu.memory_space<vmem>>, vector<16xf32>,
          %add3A_461 = arith.constant 3 : i32
          %add3A_462 = arith.addi %add3A_88, %add3A_461 : i32
          %get3A_463 = arith.index_cast %add3A_462 : i32 to index
          %get3A_464 = arith.constant 112 : index
          %get3A_465 = tpu.vector_load %arg10[%get3A_463, %get3A_464] {strides = array<i32>} : memref<125x128xf32, #tpu.memory_space<vmem>>, vector<16xf32>,
          %mul3A_466 = arith.mulf %get3A_465, %gather3A_114 : vector<16xf32>
          %add3A_467 = arith.constant 3 : i32
          %add3A_468 = arith.addi %add3A_88, %add3A_467 : i32
          %swap3A_469 = arith.index_cast %add3A_468 : i32 to index
          %swap3A_470 = arith.constant 112 : index
          %swap3A_471 = tpu.vector_load %arg10[%swap3A_469, %swap3A_470] {strides = array<i32>} : memref<125x128xf32, #tpu.memory_space<vmem>>, vector<16xf32>,
          tpu.vector_store %arg10[%swap3A_469, %swap3A_470], %mul3A_466 {strides = array<i32>} : memref<125x128xf32, #tpu.memory_space<vmem>>, vector<16xf32>,
          %add3A_472 = arith.constant 4 : i32
          %add3A_473 = arith.addi %add3A_88, %add3A_472 : i32
          %get3A_474 = arith.index_cast %add3A_473 : i32 to index
          %get3A_475 = arith.constant 0 : index
          %get3A_476 = tpu.vector_load %arg10[%get3A_474, %get3A_475] {strides = array<i32>} : memref<125x128xf32, #tpu.memory_space<vmem>>, vector<16xf32>,
          %mul3A_477 = arith.mulf %get3A_476, %gather3A_121 : vector<16xf32>
          %add3A_478 = arith.constant 4 : i32
          %add3A_479 = arith.addi %add3A_88, %add3A_478 : i32
          %swap3A_480 = arith.index_cast %add3A_479 : i32 to index
          %swap3A_481 = arith.constant 0 : index
          %swap3A_482 = tpu.vector_load %arg10[%swap3A_480, %swap3A_481] {strides = array<i32>} : memref<125x128xf32, #tpu.memory_space<vmem>>, vector<16xf32>,
          tpu.vector_store %arg10[%swap3A_480, %swap3A_481], %mul3A_477 {strides = array<i32>} : memref<125x128xf32, #tpu.memory_space<vmem>>, vector<16xf32>,
          %add3A_483 = arith.constant 4 : i32
          %add3A_484 = arith.addi %add3A_88, %add3A_483 : i32
          %get3A_485 = arith.index_cast %add3A_484 : i32 to index
          %get3A_486 = arith.constant 16 : index
          %get3A_487 = tpu.vector_load %arg10[%get3A_485, %get3A_486] {strides = array<i32>} : memref<125x128xf32, #tpu.memory_space<vmem>>, vector<16xf32>,
          %mul3A_488 = arith.mulf %get3A_487, %gather3A_121 : vector<16xf32>
          %add3A_489 = arith.constant 4 : i32
          %add3A_490 = arith.addi %add3A_88, %add3A_489 : i32
          %swap3A_491 = arith.index_cast %add3A_490 : i32 to index
          %swap3A_492 = arith.constant 16 : index
          %swap3A_493 = tpu.vector_load %arg10[%swap3A_491, %swap3A_492] {strides = array<i32>} : memref<125x128xf32, #tpu.memory_space<vmem>>, vector<16xf32>,
          tpu.vector_store %arg10[%swap3A_491, %swap3A_492], %mul3A_488 {strides = array<i32>} : memref<125x128xf32, #tpu.memory_space<vmem>>, vector<16xf32>,
          %add3A_494 = arith.constant 4 : i32
          %add3A_495 = arith.addi %add3A_88, %add3A_494 : i32
          %get3A_496 = arith.index_cast %add3A_495 : i32 to index
          %get3A_497 = arith.constant 32 : index
          %get3A_498 = tpu.vector_load %arg10[%get3A_496, %get3A_497] {strides = array<i32>} : memref<125x128xf32, #tpu.memory_space<vmem>>, vector<16xf32>,
          %mul3A_499 = arith.mulf %get3A_498, %gather3A_121 : vector<16xf32>
          %add3A_500 = arith.constant 4 : i32
          %add3A_501 = arith.addi %add3A_88, %add3A_500 : i32
          %swap3A_502 = arith.index_cast %add3A_501 : i32 to index
          %swap3A_503 = arith.constant 32 : index
          %swap3A_504 = tpu.vector_load %arg10[%swap3A_502, %swap3A_503] {strides = array<i32>} : memref<125x128xf32, #tpu.memory_space<vmem>>, vector<16xf32>,
          tpu.vector_store %arg10[%swap3A_502, %swap3A_503], %mul3A_499 {strides = array<i32>} : memref<125x128xf32, #tpu.memory_space<vmem>>, vector<16xf32>,
          %add3A_505 = arith.constant 4 : i32
          %add3A_506 = arith.addi %add3A_88, %add3A_505 : i32
          %get3A_507 = arith.index_cast %add3A_506 : i32 to index
          %get3A_508 = arith.constant 48 : index
          %get3A_509 = tpu.vector_load %arg10[%get3A_507, %get3A_508] {strides = array<i32>} : memref<125x128xf32, #tpu.memory_space<vmem>>, vector<16xf32>,
          %mul3A_510 = arith.mulf %get3A_509, %gather3A_121 : vector<16xf32>
          %add3A_511 = arith.constant 4 : i32
          %add3A_512 = arith.addi %add3A_88, %add3A_511 : i32
          %swap3A_513 = arith.index_cast %add3A_512 : i32 to index
          %swap3A_514 = arith.constant 48 : index
          %swap3A_515 = tpu.vector_load %arg10[%swap3A_513, %swap3A_514] {strides = array<i32>} : memref<125x128xf32, #tpu.memory_space<vmem>>, vector<16xf32>,
          tpu.vector_store %arg10[%swap3A_513, %swap3A_514], %mul3A_510 {strides = array<i32>} : memref<125x128xf32, #tpu.memory_space<vmem>>, vector<16xf32>,
          %add3A_516 = arith.constant 4 : i32
          %add3A_517 = arith.addi %add3A_88, %add3A_516 : i32
          %get3A_518 = arith.index_cast %add3A_517 : i32 to index
          %get3A_519 = arith.constant 64 : index
          %get3A_520 = tpu.vector_load %arg10[%get3A_518, %get3A_519] {strides = array<i32>} : memref<125x128xf32, #tpu.memory_space<vmem>>, vector<16xf32>,
          %mul3A_521 = arith.mulf %get3A_520, %gather3A_121 : vector<16xf32>
          %add3A_522 = arith.constant 4 : i32
          %add3A_523 = arith.addi %add3A_88, %add3A_522 : i32
          %swap3A_524 = arith.index_cast %add3A_523 : i32 to index
          %swap3A_525 = arith.constant 64 : index
          %swap3A_526 = tpu.vector_load %arg10[%swap3A_524, %swap3A_525] {strides = array<i32>} : memref<125x128xf32, #tpu.memory_space<vmem>>, vector<16xf32>,
          tpu.vector_store %arg10[%swap3A_524, %swap3A_525], %mul3A_521 {strides = array<i32>} : memref<125x128xf32, #tpu.memory_space<vmem>>, vector<16xf32>,
          %add3A_527 = arith.constant 4 : i32
          %add3A_528 = arith.addi %add3A_88, %add3A_527 : i32
          %get3A_529 = arith.index_cast %add3A_528 : i32 to index
          %get3A_530 = arith.constant 80 : index
          %get3A_531 = tpu.vector_load %arg10[%get3A_529, %get3A_530] {strides = array<i32>} : memref<125x128xf32, #tpu.memory_space<vmem>>, vector<16xf32>,
          %mul3A_532 = arith.mulf %get3A_531, %gather3A_121 : vector<16xf32>
          %add3A_533 = arith.constant 4 : i32
          %add3A_534 = arith.addi %add3A_88, %add3A_533 : i32
          %swap3A_535 = arith.index_cast %add3A_534 : i32 to index
          %swap3A_536 = arith.constant 80 : index
          %swap3A_537 = tpu.vector_load %arg10[%swap3A_535, %swap3A_536] {strides = array<i32>} : memref<125x128xf32, #tpu.memory_space<vmem>>, vector<16xf32>,
          tpu.vector_store %arg10[%swap3A_535, %swap3A_536], %mul3A_532 {strides = array<i32>} : memref<125x128xf32, #tpu.memory_space<vmem>>, vector<16xf32>,
          %add3A_538 = arith.constant 4 : i32
          %add3A_539 = arith.addi %add3A_88, %add3A_538 : i32
          %get3A_540 = arith.index_cast %add3A_539 : i32 to index
          %get3A_541 = arith.constant 96 : index
          %get3A_542 = tpu.vector_load %arg10[%get3A_540, %get3A_541] {strides = array<i32>} : memref<125x128xf32, #tpu.memory_space<vmem>>, vector<16xf32>,
          %mul3A_543 = arith.mulf %get3A_542, %gather3A_121 : vector<16xf32>
          %add3A_544 = arith.constant 4 : i32
          %add3A_545 = arith.addi %add3A_88, %add3A_544 : i32
          %swap3A_546 = arith.index_cast %add3A_545 : i32 to index
          %swap3A_547 = arith.constant 96 : index
          %swap3A_548 = tpu.vector_load %arg10[%swap3A_546, %swap3A_547] {strides = array<i32>} : memref<125x128xf32, #tpu.memory_space<vmem>>, vector<16xf32>,
          tpu.vector_store %arg10[%swap3A_546, %swap3A_547], %mul3A_543 {strides = array<i32>} : memref<125x128xf32, #tpu.memory_space<vmem>>, vector<16xf32>,
          %add3A_549 = arith.constant 4 : i32
          %add3A_550 = arith.addi %add3A_88, %add3A_549 : i32
          %get3A_551 = arith.index_cast %add3A_550 : i32 to index
          %get3A_552 = arith.constant 112 : index
          %get3A_553 = tpu.vector_load %arg10[%get3A_551, %get3A_552] {strides = array<i32>} : memref<125x128xf32, #tpu.memory_space<vmem>>, vector<16xf32>,
          %mul3A_554 = arith.mulf %get3A_553, %gather3A_121 : vector<16xf32>
          %add3A_555 = arith.constant 4 : i32
          %add3A_556 = arith.addi %add3A_88, %add3A_555 : i32
          %swap3A_557 = arith.index_cast %add3A_556 : i32 to index
          %swap3A_558 = arith.constant 112 : index
          %swap3A_559 = tpu.vector_load %arg10[%swap3A_557, %swap3A_558] {strides = array<i32>} : memref<125x128xf32, #tpu.memory_space<vmem>>, vector<16xf32>,
          tpu.vector_store %arg10[%swap3A_557, %swap3A_558], %mul3A_554 {strides = array<i32>} : memref<125x128xf32, #tpu.memory_space<vmem>>, vector<16xf32>,
        }
        %scan3A_60 = arith.constant 25 : i32
        "tpu.region"() ({
          %run_scoped3A = tpu.sem_alloc : memref<!tpu.dma_semaphore, #tpu.memory_space<semaphore_mem>>
          %dma_start3A_84 = arith.constant 0 : i32
          %dma_start3A_85 = tpu.memref_slice %arg8[%add3A_42, %dma_start3A_84] : memref<16x125xi32, #tpu.memory_space<vmem>> -> memref<1x125xi32, #tpu.memory_space<vmem>>
          %dma_start3A_86 = tpu.memref_squeeze %dma_start3A_85 : memref<1x125xi32, #tpu.memory_space<vmem>> -> memref<125xi32, #tpu.memory_space<vmem>>
          %dma_start3A_87 = arith.constant 0 : i32
          %dma_start3A_88 = arith.constant 0 : i32
          %dma_start3A_89 = tpu.memref_slice %arg12[%dma_start3A_87, %dma_start3A_88] : memref<10000x128xf32, #tpu.memory_space<vmem_shared>> -> memref<10000x128xf32, #tpu.memory_space<vmem_shared>>
          tpu.enqueue_indirect_dma source(%arg10 : memref<125x128xf32, #tpu.memory_space<vmem>>) target(%dma_start3A_89 : memref<10000x128xf32, #tpu.memory_space<vmem_shared>>) offsets(%dma_start3A_86 : memref<125xi32, #tpu.memory_space<vmem>>) semaphore(%run_scoped3A : memref<!tpu.dma_semaphore, #tpu.memory_space<semaphore_mem>>) {add = true}
          %dma_wait3A_90 = arith.constant 0 : i32
          %dma_wait3A_91 = tpu.memref_slice %arg8[%add3A_42, %dma_wait3A_90] : memref<16x125xi32, #tpu.memory_space<vmem>> -> memref<1x125xi32, #tpu.memory_space<vmem>>
          %dma_wait3A_92 = tpu.memref_squeeze %dma_wait3A_91 : memref<1x125xi32, #tpu.memory_space<vmem>> -> memref<125xi32, #tpu.memory_space<vmem>>
          %dma_wait3A_93 = arith.constant 0 : i32
          %dma_wait3A_94 = arith.constant 0 : i32
          %dma_wait3A_95 = tpu.memref_slice %arg12[%dma_wait3A_93, %dma_wait3A_94] : memref<10000x128xf32, #tpu.memory_space<vmem_shared>> -> memref<10000x128xf32, #tpu.memory_space<vmem_shared>>
          tpu.wait_indirect_dma semaphore(%run_scoped3A : memref<!tpu.dma_semaphore, #tpu.memory_space<semaphore_mem>>) src(%arg10 : memref<125x128xf32, #tpu.memory_space<vmem>>) dst(%dma_wait3A_95 : memref<10000x128xf32, #tpu.memory_space<vmem_shared>>)
          tpu.yield
        }) : () -> ()
        %add3A_61 = arith.constant 1 : i32
        %add3A_62 = arith.addi %add3A_42, %add3A_61 : i32
        %dma_wait3A_63 = arith.constant 0 : i32
        %dma_wait3A_64 = tpu.memref_slice %arg7[%add3A_62, %dma_wait3A_63] : memref<16x125xi32, #tpu.memory_space<vmem>> -> memref<1x125xi32, #tpu.memory_space<vmem>>
        %dma_wait3A_65 = tpu.memref_squeeze %dma_wait3A_64 : memref<1x125xi32, #tpu.memory_space<vmem>> -> memref<125xi32, #tpu.memory_space<vmem>>
        %dma_wait3A_66 = arith.constant 0 : i32
        %dma_wait3A_67 = arith.constant 0 : i32
        %dma_wait3A_68 = tpu.memref_slice %arg2[%dma_wait3A_66, %dma_wait3A_67] : memref<10000x128xf32, #tpu.memory_space<hbm>> -> memref<10000x128xf32, #tpu.memory_space<hbm>>
        tpu.wait_indirect_dma semaphore(%arg14 : memref<!tpu.dma_semaphore, #tpu.memory_space<semaphore_mem>>) src(%dma_wait3A_68 : memref<10000x128xf32, #tpu.memory_space<hbm>>) dst(%arg11 : memref<125x128xf32, #tpu.memory_space<vmem>>)
        %add3A_69 = arith.constant 2 : i32
        %add3A_70 = arith.addi %add3A_42, %add3A_69 : i32
        %lt3A = arith.constant 16 : i32
        %lt3A_71 = arith.cmpi slt, %add3A_70, %lt3A : i32
        %convert_element_type3A_72 = arith.extui %lt3A_71 : i1 to i32
        %cond3A_73 = arith.constant 0 : i32
        %cond3A_74 = arith.cmpi ne, %convert_element_type3A_72, %cond3A_73 : i32
        scf.if %cond3A_74 {
          %add3A_84 = arith.constant 2 : i32
          %add3A_85 = arith.addi %add3A_42, %add3A_84 : i32
          %dma_start3A_86 = arith.constant 0 : i32
          %dma_start3A_87 = tpu.memref_slice %arg7[%add3A_85, %dma_start3A_86] : memref<16x125xi32, #tpu.memory_space<vmem>> -> memref<1x125xi32, #tpu.memory_space<vmem>>
          %dma_start3A_88 = tpu.memref_squeeze %dma_start3A_87 : memref<1x125xi32, #tpu.memory_space<vmem>> -> memref<125xi32, #tpu.memory_space<vmem>>
          %dma_start3A_89 = arith.constant 0 : i32
          %dma_start3A_90 = arith.constant 0 : i32
          %dma_start3A_91 = tpu.memref_slice %arg2[%dma_start3A_89, %dma_start3A_90] : memref<10000x128xf32, #tpu.memory_space<hbm>> -> memref<10000x128xf32, #tpu.memory_space<hbm>>
          tpu.enqueue_indirect_dma source(%dma_start3A_91 : memref<10000x128xf32, #tpu.memory_space<hbm>>) target(%arg10 : memref<125x128xf32, #tpu.memory_space<vmem>>) offsets(%dma_start3A_88 : memref<125xi32, #tpu.memory_space<vmem>>) semaphore(%arg13 : memref<!tpu.dma_semaphore, #tpu.memory_space<semaphore_mem>>)
        } else {
        }
        %add3A_75 = arith.constant 1 : i32
        %add3A_76 = arith.addi %add3A_42, %add3A_75 : i32
        %scan3A_77 = arith.constant 0 : i32
        %scan3A_78 = arith.constant 25 : i32
        %scan3A_79 = arith.addi %scan3A_77, %scan3A_78 : i32
        %scan3A_80 = arith.constant 1 : i32
        scf.for %scan3A_84 = %scan3A_77 to %scan3A_79 step %scan3A_80  : i32 {
          %mul3A_85 = arith.constant 5 : i32
          %mul3A_86 = arith.muli %scan3A_84, %mul3A_85 : i32
          %add3A_87 = arith.constant 0 : i32
          %add3A_88 = arith.addi %add3A_87, %mul3A_86 : i32
          %add3A_89 = arith.constant 0 : i32
          %add3A_90 = arith.addi %add3A_88, %add3A_89 : i32
          %broadcast_in_dim3A = vector.broadcast %add3A_90 : i32 to vector<16xi32>
          %gather3A = arith.constant 0 : i32
          %gather3A_91 = tpu.memref_slice %arg9[%add3A_76, %gather3A] : memref<16x125xf32, #tpu.memory_space<vmem>> -> memref<1x125xf32, #tpu.memory_space<vmem>>
          %gather3A_92 = tpu.memref_squeeze %gather3A_91 : memref<1x125xf32, #tpu.memory_space<vmem>> -> memref<125xf32, #tpu.memory_space<vmem>>
          %gather3A_93 = tpu.vector_load_idx %gather3A_92[%broadcast_in_dim3A] : memref<125xf32, #tpu.memory_space<vmem>>[vector<16xi32>], vector<16xf32>,
          %add3A_94 = arith.constant 1 : i32
          %add3A_95 = arith.addi %add3A_88, %add3A_94 : i32
          %broadcast_in_dim3A_96 = vector.broadcast %add3A_95 : i32 to vector<16xi32>
          %gather3A_97 = arith.constant 0 : i32
          %gather3A_98 = tpu.memref_slice %arg9[%add3A_76, %gather3A_97] : memref<16x125xf32, #tpu.memory_space<vmem>> -> memref<1x125xf32, #tpu.memory_space<vmem>>
          %gather3A_99 = tpu.memref_squeeze %gather3A_98 : memref<1x125xf32, #tpu.memory_space<vmem>> -> memref<125xf32, #tpu.memory_space<vmem>>
          %gather3A_100 = tpu.vector_load_idx %gather3A_99[%broadcast_in_dim3A_96] : memref<125xf32, #tpu.memory_space<vmem>>[vector<16xi32>], vector<16xf32>,
          %add3A_101 = arith.constant 2 : i32
          %add3A_102 = arith.addi %add3A_88, %add3A_101 : i32
          %broadcast_in_dim3A_103 = vector.broadcast %add3A_102 : i32 to vector<16xi32>
          %gather3A_104 = arith.constant 0 : i32
          %gather3A_105 = tpu.memref_slice %arg9[%add3A_76, %gather3A_104] : memref<16x125xf32, #tpu.memory_space<vmem>> -> memref<1x125xf32, #tpu.memory_space<vmem>>
          %gather3A_106 = tpu.memref_squeeze %gather3A_105 : memref<1x125xf32, #tpu.memory_space<vmem>> -> memref<125xf32, #tpu.memory_space<vmem>>
          %gather3A_107 = tpu.vector_load_idx %gather3A_106[%broadcast_in_dim3A_103] : memref<125xf32, #tpu.memory_space<vmem>>[vector<16xi32>], vector<16xf32>,
          %add3A_108 = arith.constant 3 : i32
          %add3A_109 = arith.addi %add3A_88, %add3A_108 : i32
          %broadcast_in_dim3A_110 = vector.broadcast %add3A_109 : i32 to vector<16xi32>
          %gather3A_111 = arith.constant 0 : i32
          %gather3A_112 = tpu.memref_slice %arg9[%add3A_76, %gather3A_111] : memref<16x125xf32, #tpu.memory_space<vmem>> -> memref<1x125xf32, #tpu.memory_space<vmem>>
          %gather3A_113 = tpu.memref_squeeze %gather3A_112 : memref<1x125xf32, #tpu.memory_space<vmem>> -> memref<125xf32, #tpu.memory_space<vmem>>
          %gather3A_114 = tpu.vector_load_idx %gather3A_113[%broadcast_in_dim3A_110] : memref<125xf32, #tpu.memory_space<vmem>>[vector<16xi32>], vector<16xf32>,
          %add3A_115 = arith.constant 4 : i32
          %add3A_116 = arith.addi %add3A_88, %add3A_115 : i32
          %broadcast_in_dim3A_117 = vector.broadcast %add3A_116 : i32 to vector<16xi32>
          %gather3A_118 = arith.constant 0 : i32
          %gather3A_119 = tpu.memref_slice %arg9[%add3A_76, %gather3A_118] : memref<16x125xf32, #tpu.memory_space<vmem>> -> memref<1x125xf32, #tpu.memory_space<vmem>>
          %gather3A_120 = tpu.memref_squeeze %gather3A_119 : memref<1x125xf32, #tpu.memory_space<vmem>> -> memref<125xf32, #tpu.memory_space<vmem>>
          %gather3A_121 = tpu.vector_load_idx %gather3A_120[%broadcast_in_dim3A_117] : memref<125xf32, #tpu.memory_space<vmem>>[vector<16xi32>], vector<16xf32>,
          %add3A_122 = arith.constant 0 : i32
          %add3A_123 = arith.addi %add3A_88, %add3A_122 : i32
          %get3A = arith.index_cast %add3A_123 : i32 to index
          %get3A_124 = arith.constant 0 : index
          %get3A_125 = tpu.vector_load %arg11[%get3A, %get3A_124] {strides = array<i32>} : memref<125x128xf32, #tpu.memory_space<vmem>>, vector<16xf32>,
          %mul3A_126 = arith.mulf %get3A_125, %gather3A_93 : vector<16xf32>
          %add3A_127 = arith.constant 0 : i32
          %add3A_128 = arith.addi %add3A_88, %add3A_127 : i32
          %swap3A = arith.index_cast %add3A_128 : i32 to index
          %swap3A_129 = arith.constant 0 : index
          %swap3A_130 = tpu.vector_load %arg11[%swap3A, %swap3A_129] {strides = array<i32>} : memref<125x128xf32, #tpu.memory_space<vmem>>, vector<16xf32>,
          tpu.vector_store %arg11[%swap3A, %swap3A_129], %mul3A_126 {strides = array<i32>} : memref<125x128xf32, #tpu.memory_space<vmem>>, vector<16xf32>,
          %add3A_131 = arith.constant 0 : i32
          %add3A_132 = arith.addi %add3A_88, %add3A_131 : i32
          %get3A_133 = arith.index_cast %add3A_132 : i32 to index
          %get3A_134 = arith.constant 16 : index
          %get3A_135 = tpu.vector_load %arg11[%get3A_133, %get3A_134] {strides = array<i32>} : memref<125x128xf32, #tpu.memory_space<vmem>>, vector<16xf32>,
          %mul3A_136 = arith.mulf %get3A_135, %gather3A_93 : vector<16xf32>
          %add3A_137 = arith.constant 0 : i32
          %add3A_138 = arith.addi %add3A_88, %add3A_137 : i32
          %swap3A_139 = arith.index_cast %add3A_138 : i32 to index
          %swap3A_140 = arith.constant 16 : index
          %swap3A_141 = tpu.vector_load %arg11[%swap3A_139, %swap3A_140] {strides = array<i32>} : memref<125x128xf32, #tpu.memory_space<vmem>>, vector<16xf32>,
          tpu.vector_store %arg11[%swap3A_139, %swap3A_140], %mul3A_136 {strides = array<i32>} : memref<125x128xf32, #tpu.memory_space<vmem>>, vector<16xf32>,
          %add3A_142 = arith.constant 0 : i32
          %add3A_143 = arith.addi %add3A_88, %add3A_142 : i32
          %get3A_144 = arith.index_cast %add3A_143 : i32 to index
          %get3A_145 = arith.constant 32 : index
          %get3A_146 = tpu.vector_load %arg11[%get3A_144, %get3A_145] {strides = array<i32>} : memref<125x128xf32, #tpu.memory_space<vmem>>, vector<16xf32>,
          %mul3A_147 = arith.mulf %get3A_146, %gather3A_93 : vector<16xf32>
          %add3A_148 = arith.constant 0 : i32
          %add3A_149 = arith.addi %add3A_88, %add3A_148 : i32
          %swap3A_150 = arith.index_cast %add3A_149 : i32 to index
          %swap3A_151 = arith.constant 32 : index
          %swap3A_152 = tpu.vector_load %arg11[%swap3A_150, %swap3A_151] {strides = array<i32>} : memref<125x128xf32, #tpu.memory_space<vmem>>, vector<16xf32>,
          tpu.vector_store %arg11[%swap3A_150, %swap3A_151], %mul3A_147 {strides = array<i32>} : memref<125x128xf32, #tpu.memory_space<vmem>>, vector<16xf32>,
          %add3A_153 = arith.constant 0 : i32
          %add3A_154 = arith.addi %add3A_88, %add3A_153 : i32
          %get3A_155 = arith.index_cast %add3A_154 : i32 to index
          %get3A_156 = arith.constant 48 : index
          %get3A_157 = tpu.vector_load %arg11[%get3A_155, %get3A_156] {strides = array<i32>} : memref<125x128xf32, #tpu.memory_space<vmem>>, vector<16xf32>,
          %mul3A_158 = arith.mulf %get3A_157, %gather3A_93 : vector<16xf32>
          %add3A_159 = arith.constant 0 : i32
          %add3A_160 = arith.addi %add3A_88, %add3A_159 : i32
          %swap3A_161 = arith.index_cast %add3A_160 : i32 to index
          %swap3A_162 = arith.constant 48 : index
          %swap3A_163 = tpu.vector_load %arg11[%swap3A_161, %swap3A_162] {strides = array<i32>} : memref<125x128xf32, #tpu.memory_space<vmem>>, vector<16xf32>,
          tpu.vector_store %arg11[%swap3A_161, %swap3A_162], %mul3A_158 {strides = array<i32>} : memref<125x128xf32, #tpu.memory_space<vmem>>, vector<16xf32>,
          %add3A_164 = arith.constant 0 : i32
          %add3A_165 = arith.addi %add3A_88, %add3A_164 : i32
          %get3A_166 = arith.index_cast %add3A_165 : i32 to index
          %get3A_167 = arith.constant 64 : index
          %get3A_168 = tpu.vector_load %arg11[%get3A_166, %get3A_167] {strides = array<i32>} : memref<125x128xf32, #tpu.memory_space<vmem>>, vector<16xf32>,
          %mul3A_169 = arith.mulf %get3A_168, %gather3A_93 : vector<16xf32>
          %add3A_170 = arith.constant 0 : i32
          %add3A_171 = arith.addi %add3A_88, %add3A_170 : i32
          %swap3A_172 = arith.index_cast %add3A_171 : i32 to index
          %swap3A_173 = arith.constant 64 : index
          %swap3A_174 = tpu.vector_load %arg11[%swap3A_172, %swap3A_173] {strides = array<i32>} : memref<125x128xf32, #tpu.memory_space<vmem>>, vector<16xf32>,
          tpu.vector_store %arg11[%swap3A_172, %swap3A_173], %mul3A_169 {strides = array<i32>} : memref<125x128xf32, #tpu.memory_space<vmem>>, vector<16xf32>,
          %add3A_175 = arith.constant 0 : i32
          %add3A_176 = arith.addi %add3A_88, %add3A_175 : i32
          %get3A_177 = arith.index_cast %add3A_176 : i32 to index
          %get3A_178 = arith.constant 80 : index
          %get3A_179 = tpu.vector_load %arg11[%get3A_177, %get3A_178] {strides = array<i32>} : memref<125x128xf32, #tpu.memory_space<vmem>>, vector<16xf32>,
          %mul3A_180 = arith.mulf %get3A_179, %gather3A_93 : vector<16xf32>
          %add3A_181 = arith.constant 0 : i32
          %add3A_182 = arith.addi %add3A_88, %add3A_181 : i32
          %swap3A_183 = arith.index_cast %add3A_182 : i32 to index
          %swap3A_184 = arith.constant 80 : index
          %swap3A_185 = tpu.vector_load %arg11[%swap3A_183, %swap3A_184] {strides = array<i32>} : memref<125x128xf32, #tpu.memory_space<vmem>>, vector<16xf32>,
          tpu.vector_store %arg11[%swap3A_183, %swap3A_184], %mul3A_180 {strides = array<i32>} : memref<125x128xf32, #tpu.memory_space<vmem>>, vector<16xf32>,
          %add3A_186 = arith.constant 0 : i32
          %add3A_187 = arith.addi %add3A_88, %add3A_186 : i32
          %get3A_188 = arith.index_cast %add3A_187 : i32 to index
          %get3A_189 = arith.constant 96 : index
          %get3A_190 = tpu.vector_load %arg11[%get3A_188, %get3A_189] {strides = array<i32>} : memref<125x128xf32, #tpu.memory_space<vmem>>, vector<16xf32>,
          %mul3A_191 = arith.mulf %get3A_190, %gather3A_93 : vector<16xf32>
          %add3A_192 = arith.constant 0 : i32
          %add3A_193 = arith.addi %add3A_88, %add3A_192 : i32
          %swap3A_194 = arith.index_cast %add3A_193 : i32 to index
          %swap3A_195 = arith.constant 96 : index
          %swap3A_196 = tpu.vector_load %arg11[%swap3A_194, %swap3A_195] {strides = array<i32>} : memref<125x128xf32, #tpu.memory_space<vmem>>, vector<16xf32>,
          tpu.vector_store %arg11[%swap3A_194, %swap3A_195], %mul3A_191 {strides = array<i32>} : memref<125x128xf32, #tpu.memory_space<vmem>>, vector<16xf32>,
          %add3A_197 = arith.constant 0 : i32
          %add3A_198 = arith.addi %add3A_88, %add3A_197 : i32
          %get3A_199 = arith.index_cast %add3A_198 : i32 to index
          %get3A_200 = arith.constant 112 : index
          %get3A_201 = tpu.vector_load %arg11[%get3A_199, %get3A_200] {strides = array<i32>} : memref<125x128xf32, #tpu.memory_space<vmem>>, vector<16xf32>,
          %mul3A_202 = arith.mulf %get3A_201, %gather3A_93 : vector<16xf32>
          %add3A_203 = arith.constant 0 : i32
          %add3A_204 = arith.addi %add3A_88, %add3A_203 : i32
          %swap3A_205 = arith.index_cast %add3A_204 : i32 to index
          %swap3A_206 = arith.constant 112 : index
          %swap3A_207 = tpu.vector_load %arg11[%swap3A_205, %swap3A_206] {strides = array<i32>} : memref<125x128xf32, #tpu.memory_space<vmem>>, vector<16xf32>,
          tpu.vector_store %arg11[%swap3A_205, %swap3A_206], %mul3A_202 {strides = array<i32>} : memref<125x128xf32, #tpu.memory_space<vmem>>, vector<16xf32>,
          %add3A_208 = arith.constant 1 : i32
          %add3A_209 = arith.addi %add3A_88, %add3A_208 : i32
          %get3A_210 = arith.index_cast %add3A_209 : i32 to index
          %get3A_211 = arith.constant 0 : index
          %get3A_212 = tpu.vector_load %arg11[%get3A_210, %get3A_211] {strides = array<i32>} : memref<125x128xf32, #tpu.memory_space<vmem>>, vector<16xf32>,
          %mul3A_213 = arith.mulf %get3A_212, %gather3A_100 : vector<16xf32>
          %add3A_214 = arith.constant 1 : i32
          %add3A_215 = arith.addi %add3A_88, %add3A_214 : i32
          %swap3A_216 = arith.index_cast %add3A_215 : i32 to index
          %swap3A_217 = arith.constant 0 : index
          %swap3A_218 = tpu.vector_load %arg11[%swap3A_216, %swap3A_217] {strides = array<i32>} : memref<125x128xf32, #tpu.memory_space<vmem>>, vector<16xf32>,
          tpu.vector_store %arg11[%swap3A_216, %swap3A_217], %mul3A_213 {strides = array<i32>} : memref<125x128xf32, #tpu.memory_space<vmem>>, vector<16xf32>,
          %add3A_219 = arith.constant 1 : i32
          %add3A_220 = arith.addi %add3A_88, %add3A_219 : i32
          %get3A_221 = arith.index_cast %add3A_220 : i32 to index
          %get3A_222 = arith.constant 16 : index
          %get3A_223 = tpu.vector_load %arg11[%get3A_221, %get3A_222] {strides = array<i32>} : memref<125x128xf32, #tpu.memory_space<vmem>>, vector<16xf32>,
          %mul3A_224 = arith.mulf %get3A_223, %gather3A_100 : vector<16xf32>
          %add3A_225 = arith.constant 1 : i32
          %add3A_226 = arith.addi %add3A_88, %add3A_225 : i32
          %swap3A_227 = arith.index_cast %add3A_226 : i32 to index
          %swap3A_228 = arith.constant 16 : index
          %swap3A_229 = tpu.vector_load %arg11[%swap3A_227, %swap3A_228] {strides = array<i32>} : memref<125x128xf32, #tpu.memory_space<vmem>>, vector<16xf32>,
          tpu.vector_store %arg11[%swap3A_227, %swap3A_228], %mul3A_224 {strides = array<i32>} : memref<125x128xf32, #tpu.memory_space<vmem>>, vector<16xf32>,
          %add3A_230 = arith.constant 1 : i32
          %add3A_231 = arith.addi %add3A_88, %add3A_230 : i32
          %get3A_232 = arith.index_cast %add3A_231 : i32 to index
          %get3A_233 = arith.constant 32 : index
          %get3A_234 = tpu.vector_load %arg11[%get3A_232, %get3A_233] {strides = array<i32>} : memref<125x128xf32, #tpu.memory_space<vmem>>, vector<16xf32>,
          %mul3A_235 = arith.mulf %get3A_234, %gather3A_100 : vector<16xf32>
          %add3A_236 = arith.constant 1 : i32
          %add3A_237 = arith.addi %add3A_88, %add3A_236 : i32
          %swap3A_238 = arith.index_cast %add3A_237 : i32 to index
          %swap3A_239 = arith.constant 32 : index
          %swap3A_240 = tpu.vector_load %arg11[%swap3A_238, %swap3A_239] {strides = array<i32>} : memref<125x128xf32, #tpu.memory_space<vmem>>, vector<16xf32>,
          tpu.vector_store %arg11[%swap3A_238, %swap3A_239], %mul3A_235 {strides = array<i32>} : memref<125x128xf32, #tpu.memory_space<vmem>>, vector<16xf32>,
          %add3A_241 = arith.constant 1 : i32
          %add3A_242 = arith.addi %add3A_88, %add3A_241 : i32
          %get3A_243 = arith.index_cast %add3A_242 : i32 to index
          %get3A_244 = arith.constant 48 : index
          %get3A_245 = tpu.vector_load %arg11[%get3A_243, %get3A_244] {strides = array<i32>} : memref<125x128xf32, #tpu.memory_space<vmem>>, vector<16xf32>,
          %mul3A_246 = arith.mulf %get3A_245, %gather3A_100 : vector<16xf32>
          %add3A_247 = arith.constant 1 : i32
          %add3A_248 = arith.addi %add3A_88, %add3A_247 : i32
          %swap3A_249 = arith.index_cast %add3A_248 : i32 to index
          %swap3A_250 = arith.constant 48 : index
          %swap3A_251 = tpu.vector_load %arg11[%swap3A_249, %swap3A_250] {strides = array<i32>} : memref<125x128xf32, #tpu.memory_space<vmem>>, vector<16xf32>,
          tpu.vector_store %arg11[%swap3A_249, %swap3A_250], %mul3A_246 {strides = array<i32>} : memref<125x128xf32, #tpu.memory_space<vmem>>, vector<16xf32>,
          %add3A_252 = arith.constant 1 : i32
          %add3A_253 = arith.addi %add3A_88, %add3A_252 : i32
          %get3A_254 = arith.index_cast %add3A_253 : i32 to index
          %get3A_255 = arith.constant 64 : index
          %get3A_256 = tpu.vector_load %arg11[%get3A_254, %get3A_255] {strides = array<i32>} : memref<125x128xf32, #tpu.memory_space<vmem>>, vector<16xf32>,
          %mul3A_257 = arith.mulf %get3A_256, %gather3A_100 : vector<16xf32>
          %add3A_258 = arith.constant 1 : i32
          %add3A_259 = arith.addi %add3A_88, %add3A_258 : i32
          %swap3A_260 = arith.index_cast %add3A_259 : i32 to index
          %swap3A_261 = arith.constant 64 : index
          %swap3A_262 = tpu.vector_load %arg11[%swap3A_260, %swap3A_261] {strides = array<i32>} : memref<125x128xf32, #tpu.memory_space<vmem>>, vector<16xf32>,
          tpu.vector_store %arg11[%swap3A_260, %swap3A_261], %mul3A_257 {strides = array<i32>} : memref<125x128xf32, #tpu.memory_space<vmem>>, vector<16xf32>,
          %add3A_263 = arith.constant 1 : i32
          %add3A_264 = arith.addi %add3A_88, %add3A_263 : i32
          %get3A_265 = arith.index_cast %add3A_264 : i32 to index
          %get3A_266 = arith.constant 80 : index
          %get3A_267 = tpu.vector_load %arg11[%get3A_265, %get3A_266] {strides = array<i32>} : memref<125x128xf32, #tpu.memory_space<vmem>>, vector<16xf32>,
          %mul3A_268 = arith.mulf %get3A_267, %gather3A_100 : vector<16xf32>
          %add3A_269 = arith.constant 1 : i32
          %add3A_270 = arith.addi %add3A_88, %add3A_269 : i32
          %swap3A_271 = arith.index_cast %add3A_270 : i32 to index
          %swap3A_272 = arith.constant 80 : index
          %swap3A_273 = tpu.vector_load %arg11[%swap3A_271, %swap3A_272] {strides = array<i32>} : memref<125x128xf32, #tpu.memory_space<vmem>>, vector<16xf32>,
          tpu.vector_store %arg11[%swap3A_271, %swap3A_272], %mul3A_268 {strides = array<i32>} : memref<125x128xf32, #tpu.memory_space<vmem>>, vector<16xf32>,
          %add3A_274 = arith.constant 1 : i32
          %add3A_275 = arith.addi %add3A_88, %add3A_274 : i32
          %get3A_276 = arith.index_cast %add3A_275 : i32 to index
          %get3A_277 = arith.constant 96 : index
          %get3A_278 = tpu.vector_load %arg11[%get3A_276, %get3A_277] {strides = array<i32>} : memref<125x128xf32, #tpu.memory_space<vmem>>, vector<16xf32>,
          %mul3A_279 = arith.mulf %get3A_278, %gather3A_100 : vector<16xf32>
          %add3A_280 = arith.constant 1 : i32
          %add3A_281 = arith.addi %add3A_88, %add3A_280 : i32
          %swap3A_282 = arith.index_cast %add3A_281 : i32 to index
          %swap3A_283 = arith.constant 96 : index
          %swap3A_284 = tpu.vector_load %arg11[%swap3A_282, %swap3A_283] {strides = array<i32>} : memref<125x128xf32, #tpu.memory_space<vmem>>, vector<16xf32>,
          tpu.vector_store %arg11[%swap3A_282, %swap3A_283], %mul3A_279 {strides = array<i32>} : memref<125x128xf32, #tpu.memory_space<vmem>>, vector<16xf32>,
          %add3A_285 = arith.constant 1 : i32
          %add3A_286 = arith.addi %add3A_88, %add3A_285 : i32
          %get3A_287 = arith.index_cast %add3A_286 : i32 to index
          %get3A_288 = arith.constant 112 : index
          %get3A_289 = tpu.vector_load %arg11[%get3A_287, %get3A_288] {strides = array<i32>} : memref<125x128xf32, #tpu.memory_space<vmem>>, vector<16xf32>,
          %mul3A_290 = arith.mulf %get3A_289, %gather3A_100 : vector<16xf32>
          %add3A_291 = arith.constant 1 : i32
          %add3A_292 = arith.addi %add3A_88, %add3A_291 : i32
          %swap3A_293 = arith.index_cast %add3A_292 : i32 to index
          %swap3A_294 = arith.constant 112 : index
          %swap3A_295 = tpu.vector_load %arg11[%swap3A_293, %swap3A_294] {strides = array<i32>} : memref<125x128xf32, #tpu.memory_space<vmem>>, vector<16xf32>,
          tpu.vector_store %arg11[%swap3A_293, %swap3A_294], %mul3A_290 {strides = array<i32>} : memref<125x128xf32, #tpu.memory_space<vmem>>, vector<16xf32>,
          %add3A_296 = arith.constant 2 : i32
          %add3A_297 = arith.addi %add3A_88, %add3A_296 : i32
          %get3A_298 = arith.index_cast %add3A_297 : i32 to index
          %get3A_299 = arith.constant 0 : index
          %get3A_300 = tpu.vector_load %arg11[%get3A_298, %get3A_299] {strides = array<i32>} : memref<125x128xf32, #tpu.memory_space<vmem>>, vector<16xf32>,
          %mul3A_301 = arith.mulf %get3A_300, %gather3A_107 : vector<16xf32>
          %add3A_302 = arith.constant 2 : i32
          %add3A_303 = arith.addi %add3A_88, %add3A_302 : i32
          %swap3A_304 = arith.index_cast %add3A_303 : i32 to index
          %swap3A_305 = arith.constant 0 : index
          %swap3A_306 = tpu.vector_load %arg11[%swap3A_304, %swap3A_305] {strides = array<i32>} : memref<125x128xf32, #tpu.memory_space<vmem>>, vector<16xf32>,
          tpu.vector_store %arg11[%swap3A_304, %swap3A_305], %mul3A_301 {strides = array<i32>} : memref<125x128xf32, #tpu.memory_space<vmem>>, vector<16xf32>,
          %add3A_307 = arith.constant 2 : i32
          %add3A_308 = arith.addi %add3A_88, %add3A_307 : i32
          %get3A_309 = arith.index_cast %add3A_308 : i32 to index
          %get3A_310 = arith.constant 16 : index
          %get3A_311 = tpu.vector_load %arg11[%get3A_309, %get3A_310] {strides = array<i32>} : memref<125x128xf32, #tpu.memory_space<vmem>>, vector<16xf32>,
          %mul3A_312 = arith.mulf %get3A_311, %gather3A_107 : vector<16xf32>
          %add3A_313 = arith.constant 2 : i32
          %add3A_314 = arith.addi %add3A_88, %add3A_313 : i32
          %swap3A_315 = arith.index_cast %add3A_314 : i32 to index
          %swap3A_316 = arith.constant 16 : index
          %swap3A_317 = tpu.vector_load %arg11[%swap3A_315, %swap3A_316] {strides = array<i32>} : memref<125x128xf32, #tpu.memory_space<vmem>>, vector<16xf32>,
          tpu.vector_store %arg11[%swap3A_315, %swap3A_316], %mul3A_312 {strides = array<i32>} : memref<125x128xf32, #tpu.memory_space<vmem>>, vector<16xf32>,
          %add3A_318 = arith.constant 2 : i32
          %add3A_319 = arith.addi %add3A_88, %add3A_318 : i32
          %get3A_320 = arith.index_cast %add3A_319 : i32 to index
          %get3A_321 = arith.constant 32 : index
          %get3A_322 = tpu.vector_load %arg11[%get3A_320, %get3A_321] {strides = array<i32>} : memref<125x128xf32, #tpu.memory_space<vmem>>, vector<16xf32>,
          %mul3A_323 = arith.mulf %get3A_322, %gather3A_107 : vector<16xf32>
          %add3A_324 = arith.constant 2 : i32
          %add3A_325 = arith.addi %add3A_88, %add3A_324 : i32
          %swap3A_326 = arith.index_cast %add3A_325 : i32 to index
          %swap3A_327 = arith.constant 32 : index
          %swap3A_328 = tpu.vector_load %arg11[%swap3A_326, %swap3A_327] {strides = array<i32>} : memref<125x128xf32, #tpu.memory_space<vmem>>, vector<16xf32>,
          tpu.vector_store %arg11[%swap3A_326, %swap3A_327], %mul3A_323 {strides = array<i32>} : memref<125x128xf32, #tpu.memory_space<vmem>>, vector<16xf32>,
          %add3A_329 = arith.constant 2 : i32
          %add3A_330 = arith.addi %add3A_88, %add3A_329 : i32
          %get3A_331 = arith.index_cast %add3A_330 : i32 to index
          %get3A_332 = arith.constant 48 : index
          %get3A_333 = tpu.vector_load %arg11[%get3A_331, %get3A_332] {strides = array<i32>} : memref<125x128xf32, #tpu.memory_space<vmem>>, vector<16xf32>,
          %mul3A_334 = arith.mulf %get3A_333, %gather3A_107 : vector<16xf32>
          %add3A_335 = arith.constant 2 : i32
          %add3A_336 = arith.addi %add3A_88, %add3A_335 : i32
          %swap3A_337 = arith.index_cast %add3A_336 : i32 to index
          %swap3A_338 = arith.constant 48 : index
          %swap3A_339 = tpu.vector_load %arg11[%swap3A_337, %swap3A_338] {strides = array<i32>} : memref<125x128xf32, #tpu.memory_space<vmem>>, vector<16xf32>,
          tpu.vector_store %arg11[%swap3A_337, %swap3A_338], %mul3A_334 {strides = array<i32>} : memref<125x128xf32, #tpu.memory_space<vmem>>, vector<16xf32>,
          %add3A_340 = arith.constant 2 : i32
          %add3A_341 = arith.addi %add3A_88, %add3A_340 : i32
          %get3A_342 = arith.index_cast %add3A_341 : i32 to index
          %get3A_343 = arith.constant 64 : index
          %get3A_344 = tpu.vector_load %arg11[%get3A_342, %get3A_343] {strides = array<i32>} : memref<125x128xf32, #tpu.memory_space<vmem>>, vector<16xf32>,
          %mul3A_345 = arith.mulf %get3A_344, %gather3A_107 : vector<16xf32>
          %add3A_346 = arith.constant 2 : i32
          %add3A_347 = arith.addi %add3A_88, %add3A_346 : i32
          %swap3A_348 = arith.index_cast %add3A_347 : i32 to index
          %swap3A_349 = arith.constant 64 : index
          %swap3A_350 = tpu.vector_load %arg11[%swap3A_348, %swap3A_349] {strides = array<i32>} : memref<125x128xf32, #tpu.memory_space<vmem>>, vector<16xf32>,
          tpu.vector_store %arg11[%swap3A_348, %swap3A_349], %mul3A_345 {strides = array<i32>} : memref<125x128xf32, #tpu.memory_space<vmem>>, vector<16xf32>,
          %add3A_351 = arith.constant 2 : i32
          %add3A_352 = arith.addi %add3A_88, %add3A_351 : i32
          %get3A_353 = arith.index_cast %add3A_352 : i32 to index
          %get3A_354 = arith.constant 80 : index
          %get3A_355 = tpu.vector_load %arg11[%get3A_353, %get3A_354] {strides = array<i32>} : memref<125x128xf32, #tpu.memory_space<vmem>>, vector<16xf32>,
          %mul3A_356 = arith.mulf %get3A_355, %gather3A_107 : vector<16xf32>
          %add3A_357 = arith.constant 2 : i32
          %add3A_358 = arith.addi %add3A_88, %add3A_357 : i32
          %swap3A_359 = arith.index_cast %add3A_358 : i32 to index
          %swap3A_360 = arith.constant 80 : index
          %swap3A_361 = tpu.vector_load %arg11[%swap3A_359, %swap3A_360] {strides = array<i32>} : memref<125x128xf32, #tpu.memory_space<vmem>>, vector<16xf32>,
          tpu.vector_store %arg11[%swap3A_359, %swap3A_360], %mul3A_356 {strides = array<i32>} : memref<125x128xf32, #tpu.memory_space<vmem>>, vector<16xf32>,
          %add3A_362 = arith.constant 2 : i32
          %add3A_363 = arith.addi %add3A_88, %add3A_362 : i32
          %get3A_364 = arith.index_cast %add3A_363 : i32 to index
          %get3A_365 = arith.constant 96 : index
          %get3A_366 = tpu.vector_load %arg11[%get3A_364, %get3A_365] {strides = array<i32>} : memref<125x128xf32, #tpu.memory_space<vmem>>, vector<16xf32>,
          %mul3A_367 = arith.mulf %get3A_366, %gather3A_107 : vector<16xf32>
          %add3A_368 = arith.constant 2 : i32
          %add3A_369 = arith.addi %add3A_88, %add3A_368 : i32
          %swap3A_370 = arith.index_cast %add3A_369 : i32 to index
          %swap3A_371 = arith.constant 96 : index
          %swap3A_372 = tpu.vector_load %arg11[%swap3A_370, %swap3A_371] {strides = array<i32>} : memref<125x128xf32, #tpu.memory_space<vmem>>, vector<16xf32>,
          tpu.vector_store %arg11[%swap3A_370, %swap3A_371], %mul3A_367 {strides = array<i32>} : memref<125x128xf32, #tpu.memory_space<vmem>>, vector<16xf32>,
          %add3A_373 = arith.constant 2 : i32
          %add3A_374 = arith.addi %add3A_88, %add3A_373 : i32
          %get3A_375 = arith.index_cast %add3A_374 : i32 to index
          %get3A_376 = arith.constant 112 : index
          %get3A_377 = tpu.vector_load %arg11[%get3A_375, %get3A_376] {strides = array<i32>} : memref<125x128xf32, #tpu.memory_space<vmem>>, vector<16xf32>,
          %mul3A_378 = arith.mulf %get3A_377, %gather3A_107 : vector<16xf32>
          %add3A_379 = arith.constant 2 : i32
          %add3A_380 = arith.addi %add3A_88, %add3A_379 : i32
          %swap3A_381 = arith.index_cast %add3A_380 : i32 to index
          %swap3A_382 = arith.constant 112 : index
          %swap3A_383 = tpu.vector_load %arg11[%swap3A_381, %swap3A_382] {strides = array<i32>} : memref<125x128xf32, #tpu.memory_space<vmem>>, vector<16xf32>,
          tpu.vector_store %arg11[%swap3A_381, %swap3A_382], %mul3A_378 {strides = array<i32>} : memref<125x128xf32, #tpu.memory_space<vmem>>, vector<16xf32>,
          %add3A_384 = arith.constant 3 : i32
          %add3A_385 = arith.addi %add3A_88, %add3A_384 : i32
          %get3A_386 = arith.index_cast %add3A_385 : i32 to index
          %get3A_387 = arith.constant 0 : index
          %get3A_388 = tpu.vector_load %arg11[%get3A_386, %get3A_387] {strides = array<i32>} : memref<125x128xf32, #tpu.memory_space<vmem>>, vector<16xf32>,
          %mul3A_389 = arith.mulf %get3A_388, %gather3A_114 : vector<16xf32>
          %add3A_390 = arith.constant 3 : i32
          %add3A_391 = arith.addi %add3A_88, %add3A_390 : i32
          %swap3A_392 = arith.index_cast %add3A_391 : i32 to index
          %swap3A_393 = arith.constant 0 : index
          %swap3A_394 = tpu.vector_load %arg11[%swap3A_392, %swap3A_393] {strides = array<i32>} : memref<125x128xf32, #tpu.memory_space<vmem>>, vector<16xf32>,
          tpu.vector_store %arg11[%swap3A_392, %swap3A_393], %mul3A_389 {strides = array<i32>} : memref<125x128xf32, #tpu.memory_space<vmem>>, vector<16xf32>,
          %add3A_395 = arith.constant 3 : i32
          %add3A_396 = arith.addi %add3A_88, %add3A_395 : i32
          %get3A_397 = arith.index_cast %add3A_396 : i32 to index
          %get3A_398 = arith.constant 16 : index
          %get3A_399 = tpu.vector_load %arg11[%get3A_397, %get3A_398] {strides = array<i32>} : memref<125x128xf32, #tpu.memory_space<vmem>>, vector<16xf32>,
          %mul3A_400 = arith.mulf %get3A_399, %gather3A_114 : vector<16xf32>
          %add3A_401 = arith.constant 3 : i32
          %add3A_402 = arith.addi %add3A_88, %add3A_401 : i32
          %swap3A_403 = arith.index_cast %add3A_402 : i32 to index
          %swap3A_404 = arith.constant 16 : index
          %swap3A_405 = tpu.vector_load %arg11[%swap3A_403, %swap3A_404] {strides = array<i32>} : memref<125x128xf32, #tpu.memory_space<vmem>>, vector<16xf32>,
          tpu.vector_store %arg11[%swap3A_403, %swap3A_404], %mul3A_400 {strides = array<i32>} : memref<125x128xf32, #tpu.memory_space<vmem>>, vector<16xf32>,
          %add3A_406 = arith.constant 3 : i32
          %add3A_407 = arith.addi %add3A_88, %add3A_406 : i32
          %get3A_408 = arith.index_cast %add3A_407 : i32 to index
          %get3A_409 = arith.constant 32 : index
          %get3A_410 = tpu.vector_load %arg11[%get3A_408, %get3A_409] {strides = array<i32>} : memref<125x128xf32, #tpu.memory_space<vmem>>, vector<16xf32>,
          %mul3A_411 = arith.mulf %get3A_410, %gather3A_114 : vector<16xf32>
          %add3A_412 = arith.constant 3 : i32
          %add3A_413 = arith.addi %add3A_88, %add3A_412 : i32
          %swap3A_414 = arith.index_cast %add3A_413 : i32 to index
          %swap3A_415 = arith.constant 32 : index
          %swap3A_416 = tpu.vector_load %arg11[%swap3A_414, %swap3A_415] {strides = array<i32>} : memref<125x128xf32, #tpu.memory_space<vmem>>, vector<16xf32>,
          tpu.vector_store %arg11[%swap3A_414, %swap3A_415], %mul3A_411 {strides = array<i32>} : memref<125x128xf32, #tpu.memory_space<vmem>>, vector<16xf32>,
          %add3A_417 = arith.constant 3 : i32
          %add3A_418 = arith.addi %add3A_88, %add3A_417 : i32
          %get3A_419 = arith.index_cast %add3A_418 : i32 to index
          %get3A_420 = arith.constant 48 : index
          %get3A_421 = tpu.vector_load %arg11[%get3A_419, %get3A_420] {strides = array<i32>} : memref<125x128xf32, #tpu.memory_space<vmem>>, vector<16xf32>,
          %mul3A_422 = arith.mulf %get3A_421, %gather3A_114 : vector<16xf32>
          %add3A_423 = arith.constant 3 : i32
          %add3A_424 = arith.addi %add3A_88, %add3A_423 : i32
          %swap3A_425 = arith.index_cast %add3A_424 : i32 to index
          %swap3A_426 = arith.constant 48 : index
          %swap3A_427 = tpu.vector_load %arg11[%swap3A_425, %swap3A_426] {strides = array<i32>} : memref<125x128xf32, #tpu.memory_space<vmem>>, vector<16xf32>,
          tpu.vector_store %arg11[%swap3A_425, %swap3A_426], %mul3A_422 {strides = array<i32>} : memref<125x128xf32, #tpu.memory_space<vmem>>, vector<16xf32>,
          %add3A_428 = arith.constant 3 : i32
          %add3A_429 = arith.addi %add3A_88, %add3A_428 : i32
          %get3A_430 = arith.index_cast %add3A_429 : i32 to index
          %get3A_431 = arith.constant 64 : index
          %get3A_432 = tpu.vector_load %arg11[%get3A_430, %get3A_431] {strides = array<i32>} : memref<125x128xf32, #tpu.memory_space<vmem>>, vector<16xf32>,
          %mul3A_433 = arith.mulf %get3A_432, %gather3A_114 : vector<16xf32>
          %add3A_434 = arith.constant 3 : i32
          %add3A_435 = arith.addi %add3A_88, %add3A_434 : i32
          %swap3A_436 = arith.index_cast %add3A_435 : i32 to index
          %swap3A_437 = arith.constant 64 : index
          %swap3A_438 = tpu.vector_load %arg11[%swap3A_436, %swap3A_437] {strides = array<i32>} : memref<125x128xf32, #tpu.memory_space<vmem>>, vector<16xf32>,
          tpu.vector_store %arg11[%swap3A_436, %swap3A_437], %mul3A_433 {strides = array<i32>} : memref<125x128xf32, #tpu.memory_space<vmem>>, vector<16xf32>,
          %add3A_439 = arith.constant 3 : i32
          %add3A_440 = arith.addi %add3A_88, %add3A_439 : i32
          %get3A_441 = arith.index_cast %add3A_440 : i32 to index
          %get3A_442 = arith.constant 80 : index
          %get3A_443 = tpu.vector_load %arg11[%get3A_441, %get3A_442] {strides = array<i32>} : memref<125x128xf32, #tpu.memory_space<vmem>>, vector<16xf32>,
          %mul3A_444 = arith.mulf %get3A_443, %gather3A_114 : vector<16xf32>
          %add3A_445 = arith.constant 3 : i32
          %add3A_446 = arith.addi %add3A_88, %add3A_445 : i32
          %swap3A_447 = arith.index_cast %add3A_446 : i32 to index
          %swap3A_448 = arith.constant 80 : index
          %swap3A_449 = tpu.vector_load %arg11[%swap3A_447, %swap3A_448] {strides = array<i32>} : memref<125x128xf32, #tpu.memory_space<vmem>>, vector<16xf32>,
          tpu.vector_store %arg11[%swap3A_447, %swap3A_448], %mul3A_444 {strides = array<i32>} : memref<125x128xf32, #tpu.memory_space<vmem>>, vector<16xf32>,
          %add3A_450 = arith.constant 3 : i32
          %add3A_451 = arith.addi %add3A_88, %add3A_450 : i32
          %get3A_452 = arith.index_cast %add3A_451 : i32 to index
          %get3A_453 = arith.constant 96 : index
          %get3A_454 = tpu.vector_load %arg11[%get3A_452, %get3A_453] {strides = array<i32>} : memref<125x128xf32, #tpu.memory_space<vmem>>, vector<16xf32>,
          %mul3A_455 = arith.mulf %get3A_454, %gather3A_114 : vector<16xf32>
          %add3A_456 = arith.constant 3 : i32
          %add3A_457 = arith.addi %add3A_88, %add3A_456 : i32
          %swap3A_458 = arith.index_cast %add3A_457 : i32 to index
          %swap3A_459 = arith.constant 96 : index
          %swap3A_460 = tpu.vector_load %arg11[%swap3A_458, %swap3A_459] {strides = array<i32>} : memref<125x128xf32, #tpu.memory_space<vmem>>, vector<16xf32>,
          tpu.vector_store %arg11[%swap3A_458, %swap3A_459], %mul3A_455 {strides = array<i32>} : memref<125x128xf32, #tpu.memory_space<vmem>>, vector<16xf32>,
          %add3A_461 = arith.constant 3 : i32
          %add3A_462 = arith.addi %add3A_88, %add3A_461 : i32
          %get3A_463 = arith.index_cast %add3A_462 : i32 to index
          %get3A_464 = arith.constant 112 : index
          %get3A_465 = tpu.vector_load %arg11[%get3A_463, %get3A_464] {strides = array<i32>} : memref<125x128xf32, #tpu.memory_space<vmem>>, vector<16xf32>,
          %mul3A_466 = arith.mulf %get3A_465, %gather3A_114 : vector<16xf32>
          %add3A_467 = arith.constant 3 : i32
          %add3A_468 = arith.addi %add3A_88, %add3A_467 : i32
          %swap3A_469 = arith.index_cast %add3A_468 : i32 to index
          %swap3A_470 = arith.constant 112 : index
          %swap3A_471 = tpu.vector_load %arg11[%swap3A_469, %swap3A_470] {strides = array<i32>} : memref<125x128xf32, #tpu.memory_space<vmem>>, vector<16xf32>,
          tpu.vector_store %arg11[%swap3A_469, %swap3A_470], %mul3A_466 {strides = array<i32>} : memref<125x128xf32, #tpu.memory_space<vmem>>, vector<16xf32>,
          %add3A_472 = arith.constant 4 : i32
          %add3A_473 = arith.addi %add3A_88, %add3A_472 : i32
          %get3A_474 = arith.index_cast %add3A_473 : i32 to index
          %get3A_475 = arith.constant 0 : index
          %get3A_476 = tpu.vector_load %arg11[%get3A_474, %get3A_475] {strides = array<i32>} : memref<125x128xf32, #tpu.memory_space<vmem>>, vector<16xf32>,
          %mul3A_477 = arith.mulf %get3A_476, %gather3A_121 : vector<16xf32>
          %add3A_478 = arith.constant 4 : i32
          %add3A_479 = arith.addi %add3A_88, %add3A_478 : i32
          %swap3A_480 = arith.index_cast %add3A_479 : i32 to index
          %swap3A_481 = arith.constant 0 : index
          %swap3A_482 = tpu.vector_load %arg11[%swap3A_480, %swap3A_481] {strides = array<i32>} : memref<125x128xf32, #tpu.memory_space<vmem>>, vector<16xf32>,
          tpu.vector_store %arg11[%swap3A_480, %swap3A_481], %mul3A_477 {strides = array<i32>} : memref<125x128xf32, #tpu.memory_space<vmem>>, vector<16xf32>,
          %add3A_483 = arith.constant 4 : i32
          %add3A_484 = arith.addi %add3A_88, %add3A_483 : i32
          %get3A_485 = arith.index_cast %add3A_484 : i32 to index
          %get3A_486 = arith.constant 16 : index
          %get3A_487 = tpu.vector_load %arg11[%get3A_485, %get3A_486] {strides = array<i32>} : memref<125x128xf32, #tpu.memory_space<vmem>>, vector<16xf32>,
          %mul3A_488 = arith.mulf %get3A_487, %gather3A_121 : vector<16xf32>
          %add3A_489 = arith.constant 4 : i32
          %add3A_490 = arith.addi %add3A_88, %add3A_489 : i32
          %swap3A_491 = arith.index_cast %add3A_490 : i32 to index
          %swap3A_492 = arith.constant 16 : index
          %swap3A_493 = tpu.vector_load %arg11[%swap3A_491, %swap3A_492] {strides = array<i32>} : memref<125x128xf32, #tpu.memory_space<vmem>>, vector<16xf32>,
          tpu.vector_store %arg11[%swap3A_491, %swap3A_492], %mul3A_488 {strides = array<i32>} : memref<125x128xf32, #tpu.memory_space<vmem>>, vector<16xf32>,
          %add3A_494 = arith.constant 4 : i32
          %add3A_495 = arith.addi %add3A_88, %add3A_494 : i32
          %get3A_496 = arith.index_cast %add3A_495 : i32 to index
          %get3A_497 = arith.constant 32 : index
          %get3A_498 = tpu.vector_load %arg11[%get3A_496, %get3A_497] {strides = array<i32>} : memref<125x128xf32, #tpu.memory_space<vmem>>, vector<16xf32>,
          %mul3A_499 = arith.mulf %get3A_498, %gather3A_121 : vector<16xf32>
          %add3A_500 = arith.constant 4 : i32
          %add3A_501 = arith.addi %add3A_88, %add3A_500 : i32
          %swap3A_502 = arith.index_cast %add3A_501 : i32 to index
          %swap3A_503 = arith.constant 32 : index
          %swap3A_504 = tpu.vector_load %arg11[%swap3A_502, %swap3A_503] {strides = array<i32>} : memref<125x128xf32, #tpu.memory_space<vmem>>, vector<16xf32>,
          tpu.vector_store %arg11[%swap3A_502, %swap3A_503], %mul3A_499 {strides = array<i32>} : memref<125x128xf32, #tpu.memory_space<vmem>>, vector<16xf32>,
          %add3A_505 = arith.constant 4 : i32
          %add3A_506 = arith.addi %add3A_88, %add3A_505 : i32
          %get3A_507 = arith.index_cast %add3A_506 : i32 to index
          %get3A_508 = arith.constant 48 : index
          %get3A_509 = tpu.vector_load %arg11[%get3A_507, %get3A_508] {strides = array<i32>} : memref<125x128xf32, #tpu.memory_space<vmem>>, vector<16xf32>,
          %mul3A_510 = arith.mulf %get3A_509, %gather3A_121 : vector<16xf32>
          %add3A_511 = arith.constant 4 : i32
          %add3A_512 = arith.addi %add3A_88, %add3A_511 : i32
          %swap3A_513 = arith.index_cast %add3A_512 : i32 to index
          %swap3A_514 = arith.constant 48 : index
          %swap3A_515 = tpu.vector_load %arg11[%swap3A_513, %swap3A_514] {strides = array<i32>} : memref<125x128xf32, #tpu.memory_space<vmem>>, vector<16xf32>,
          tpu.vector_store %arg11[%swap3A_513, %swap3A_514], %mul3A_510 {strides = array<i32>} : memref<125x128xf32, #tpu.memory_space<vmem>>, vector<16xf32>,
          %add3A_516 = arith.constant 4 : i32
          %add3A_517 = arith.addi %add3A_88, %add3A_516 : i32
          %get3A_518 = arith.index_cast %add3A_517 : i32 to index
          %get3A_519 = arith.constant 64 : index
          %get3A_520 = tpu.vector_load %arg11[%get3A_518, %get3A_519] {strides = array<i32>} : memref<125x128xf32, #tpu.memory_space<vmem>>, vector<16xf32>,
          %mul3A_521 = arith.mulf %get3A_520, %gather3A_121 : vector<16xf32>
          %add3A_522 = arith.constant 4 : i32
          %add3A_523 = arith.addi %add3A_88, %add3A_522 : i32
          %swap3A_524 = arith.index_cast %add3A_523 : i32 to index
          %swap3A_525 = arith.constant 64 : index
          %swap3A_526 = tpu.vector_load %arg11[%swap3A_524, %swap3A_525] {strides = array<i32>} : memref<125x128xf32, #tpu.memory_space<vmem>>, vector<16xf32>,
          tpu.vector_store %arg11[%swap3A_524, %swap3A_525], %mul3A_521 {strides = array<i32>} : memref<125x128xf32, #tpu.memory_space<vmem>>, vector<16xf32>,
          %add3A_527 = arith.constant 4 : i32
          %add3A_528 = arith.addi %add3A_88, %add3A_527 : i32
          %get3A_529 = arith.index_cast %add3A_528 : i32 to index
          %get3A_530 = arith.constant 80 : index
          %get3A_531 = tpu.vector_load %arg11[%get3A_529, %get3A_530] {strides = array<i32>} : memref<125x128xf32, #tpu.memory_space<vmem>>, vector<16xf32>,
          %mul3A_532 = arith.mulf %get3A_531, %gather3A_121 : vector<16xf32>
          %add3A_533 = arith.constant 4 : i32
          %add3A_534 = arith.addi %add3A_88, %add3A_533 : i32
          %swap3A_535 = arith.index_cast %add3A_534 : i32 to index
          %swap3A_536 = arith.constant 80 : index
          %swap3A_537 = tpu.vector_load %arg11[%swap3A_535, %swap3A_536] {strides = array<i32>} : memref<125x128xf32, #tpu.memory_space<vmem>>, vector<16xf32>,
          tpu.vector_store %arg11[%swap3A_535, %swap3A_536], %mul3A_532 {strides = array<i32>} : memref<125x128xf32, #tpu.memory_space<vmem>>, vector<16xf32>,
          %add3A_538 = arith.constant 4 : i32
          %add3A_539 = arith.addi %add3A_88, %add3A_538 : i32
          %get3A_540 = arith.index_cast %add3A_539 : i32 to index
          %get3A_541 = arith.constant 96 : index
          %get3A_542 = tpu.vector_load %arg11[%get3A_540, %get3A_541] {strides = array<i32>} : memref<125x128xf32, #tpu.memory_space<vmem>>, vector<16xf32>,
          %mul3A_543 = arith.mulf %get3A_542, %gather3A_121 : vector<16xf32>
          %add3A_544 = arith.constant 4 : i32
          %add3A_545 = arith.addi %add3A_88, %add3A_544 : i32
          %swap3A_546 = arith.index_cast %add3A_545 : i32 to index
          %swap3A_547 = arith.constant 96 : index
          %swap3A_548 = tpu.vector_load %arg11[%swap3A_546, %swap3A_547] {strides = array<i32>} : memref<125x128xf32, #tpu.memory_space<vmem>>, vector<16xf32>,
          tpu.vector_store %arg11[%swap3A_546, %swap3A_547], %mul3A_543 {strides = array<i32>} : memref<125x128xf32, #tpu.memory_space<vmem>>, vector<16xf32>,
          %add3A_549 = arith.constant 4 : i32
          %add3A_550 = arith.addi %add3A_88, %add3A_549 : i32
          %get3A_551 = arith.index_cast %add3A_550 : i32 to index
          %get3A_552 = arith.constant 112 : index
          %get3A_553 = tpu.vector_load %arg11[%get3A_551, %get3A_552] {strides = array<i32>} : memref<125x128xf32, #tpu.memory_space<vmem>>, vector<16xf32>,
          %mul3A_554 = arith.mulf %get3A_553, %gather3A_121 : vector<16xf32>
          %add3A_555 = arith.constant 4 : i32
          %add3A_556 = arith.addi %add3A_88, %add3A_555 : i32
          %swap3A_557 = arith.index_cast %add3A_556 : i32 to index
          %swap3A_558 = arith.constant 112 : index
          %swap3A_559 = tpu.vector_load %arg11[%swap3A_557, %swap3A_558] {strides = array<i32>} : memref<125x128xf32, #tpu.memory_space<vmem>>, vector<16xf32>,
          tpu.vector_store %arg11[%swap3A_557, %swap3A_558], %mul3A_554 {strides = array<i32>} : memref<125x128xf32, #tpu.memory_space<vmem>>, vector<16xf32>,
        }
        %scan3A_81 = arith.constant 25 : i32
        %add3A_82 = arith.constant 1 : i32
        %add3A_83 = arith.addi %add3A_42, %add3A_82 : i32
        "tpu.region"() ({
          %run_scoped3A = tpu.sem_alloc : memref<!tpu.dma_semaphore, #tpu.memory_space<semaphore_mem>>
          %dma_start3A_84 = arith.constant 0 : i32
          %dma_start3A_85 = tpu.memref_slice %arg8[%add3A_83, %dma_start3A_84] : memref<16x125xi32, #tpu.memory_space<vmem>> -> memref<1x125xi32, #tpu.memory_space<vmem>>
          %dma_start3A_86 = tpu.memref_squeeze %dma_start3A_85 : memref<1x125xi32, #tpu.memory_space<vmem>> -> memref<125xi32, #tpu.memory_space<vmem>>
          %dma_start3A_87 = arith.constant 0 : i32
          %dma_start3A_88 = arith.constant 0 : i32
          %dma_start3A_89 = tpu.memref_slice %arg12[%dma_start3A_87, %dma_start3A_88] : memref<10000x128xf32, #tpu.memory_space<vmem_shared>> -> memref<10000x128xf32, #tpu.memory_space<vmem_shared>>
          tpu.enqueue_indirect_dma source(%arg11 : memref<125x128xf32, #tpu.memory_space<vmem>>) target(%dma_start3A_89 : memref<10000x128xf32, #tpu.memory_space<vmem_shared>>) offsets(%dma_start3A_86 : memref<125xi32, #tpu.memory_space<vmem>>) semaphore(%run_scoped3A : memref<!tpu.dma_semaphore, #tpu.memory_space<semaphore_mem>>) {add = true}
          %dma_wait3A_90 = arith.constant 0 : i32
          %dma_wait3A_91 = tpu.memref_slice %arg8[%add3A_83, %dma_wait3A_90] : memref<16x125xi32, #tpu.memory_space<vmem>> -> memref<1x125xi32, #tpu.memory_space<vmem>>
          %dma_wait3A_92 = tpu.memref_squeeze %dma_wait3A_91 : memref<1x125xi32, #tpu.memory_space<vmem>> -> memref<125xi32, #tpu.memory_space<vmem>>
          %dma_wait3A_93 = arith.constant 0 : i32
          %dma_wait3A_94 = arith.constant 0 : i32
          %dma_wait3A_95 = tpu.memref_slice %arg12[%dma_wait3A_93, %dma_wait3A_94] : memref<10000x128xf32, #tpu.memory_space<vmem_shared>> -> memref<10000x128xf32, #tpu.memory_space<vmem_shared>>
          tpu.wait_indirect_dma semaphore(%run_scoped3A : memref<!tpu.dma_semaphore, #tpu.memory_space<semaphore_mem>>) src(%arg11 : memref<125x128xf32, #tpu.memory_space<vmem>>) dst(%dma_wait3A_95 : memref<10000x128xf32, #tpu.memory_space<vmem_shared>>)
          tpu.yield
        }) : () -> ()
      }
      %scan3A_37 = arith.constant 8 : i32
    }
    %scan3A_14 = arith.constant 5 : i32
    %barrier3A_15 = arith.constant 0 : index
    tpu.barrier barrier_id(%barrier3A_15)
    %mul3A_16 = arith.constant 624 : i32
    %mul3A_17 = arith.muli %arg1, %mul3A_16 : i32
    %mul3A_18 = arith.constant 624 : i32
    %mul3A_19 = arith.muli %arg1, %mul3A_18 : i32
    "tpu.region"() ({
      %run_scoped3A = tpu.sem_alloc : memref<!tpu.dma_semaphore, #tpu.memory_space<semaphore_mem>>
      %dma_start3A = arith.constant 0 : i32
      %dma_start3A_22 = tpu.memref_slice %arg6[%arg0, %mul3A_19, %dma_start3A] : memref<2x10000x128xf32, #tpu.memory_space<hbm>> -> memref<1x624x128xf32, #tpu.memory_space<hbm>>
      %dma_start3A_23 = tpu.memref_squeeze %dma_start3A_22 : memref<1x624x128xf32, #tpu.memory_space<hbm>> -> memref<624x128xf32, #tpu.memory_space<hbm>>
      %dma_start3A_24 = arith.constant 0 : i32
      %dma_start3A_25 = tpu.memref_slice %arg12[%mul3A_17, %dma_start3A_24] : memref<10000x128xf32, #tpu.memory_space<vmem_shared>> -> memref<624x128xf32, #tpu.memory_space<vmem_shared>>
      tpu.enqueue_dma source(%dma_start3A_25 : memref<624x128xf32, #tpu.memory_space<vmem_shared>>) target(%dma_start3A_23 : memref<624x128xf32, #tpu.memory_space<hbm>>) target_semaphore(%run_scoped3A : memref<!tpu.dma_semaphore, #tpu.memory_space<semaphore_mem>>)
      %dma_wait3A = arith.constant 0 : i32
      %dma_wait3A_26 = tpu.memref_slice %arg6[%arg0, %mul3A_19, %dma_wait3A] : memref<2x10000x128xf32, #tpu.memory_space<hbm>> -> memref<1x624x128xf32, #tpu.memory_space<hbm>>
      %dma_wait3A_27 = tpu.memref_squeeze %dma_wait3A_26 : memref<1x624x128xf32, #tpu.memory_space<hbm>> -> memref<624x128xf32, #tpu.memory_space<hbm>>
      %dma_wait3A_28 = arith.constant 0 : i32
      %dma_wait3A_29 = tpu.memref_slice %arg12[%mul3A_17, %dma_wait3A_28] : memref<10000x128xf32, #tpu.memory_space<vmem_shared>> -> memref<624x128xf32, #tpu.memory_space<vmem_shared>>
      tpu.wait_dma2 semaphore(%run_scoped3A : memref<!tpu.dma_semaphore, #tpu.memory_space<semaphore_mem>>) src(%dma_wait3A_29 : memref<624x128xf32, #tpu.memory_space<vmem_shared>>) dst(%dma_wait3A_27 : memref<624x128xf32, #tpu.memory_space<hbm>>)
      tpu.yield
    }) : () -> ()
    %eq3A = arith.constant 15 : i32
    %eq3A_20 = arith.cmpi eq, %arg1, %eq3A : i32
    %convert_element_type3A = arith.extui %eq3A_20 : i1 to i32
    %cond3A = arith.constant 0 : i32
    %cond3A_21 = arith.cmpi ne, %convert_element_type3A, %cond3A : i32
    scf.if %cond3A_21 {
      "tpu.region"() ({
        %run_scoped3A = tpu.sem_alloc : memref<!tpu.dma_semaphore, #tpu.memory_space<semaphore_mem>>
        %dma_start3A = arith.constant 9984 : i32
        %dma_start3A_22 = arith.constant 0 : i32
        %dma_start3A_23 = tpu.memref_slice %arg6[%arg0, %dma_start3A, %dma_start3A_22] : memref<2x10000x128xf32, #tpu.memory_space<hbm>> -> memref<1x16x128xf32, #tpu.memory_space<hbm>>
        %dma_start3A_24 = tpu.memref_squeeze %dma_start3A_23 : memref<1x16x128xf32, #tpu.memory_space<hbm>> -> memref<16x128xf32, #tpu.memory_space<hbm>>
        %dma_start3A_25 = arith.constant 9984 : i32
        %dma_start3A_26 = arith.constant 0 : i32
        %dma_start3A_27 = tpu.memref_slice %arg12[%dma_start3A_25, %dma_start3A_26] : memref<10000x128xf32, #tpu.memory_space<vmem_shared>> -> memref<16x128xf32, #tpu.memory_space<vmem_shared>>
        tpu.enqueue_dma source(%dma_start3A_27 : memref<16x128xf32, #tpu.memory_space<vmem_shared>>) target(%dma_start3A_24 : memref<16x128xf32, #tpu.memory_space<hbm>>) target_semaphore(%run_scoped3A : memref<!tpu.dma_semaphore, #tpu.memory_space<semaphore_mem>>)
        %dma_wait3A = arith.constant 9984 : i32
        %dma_wait3A_28 = arith.constant 0 : i32
        %dma_wait3A_29 = tpu.memref_slice %arg6[%arg0, %dma_wait3A, %dma_wait3A_28] : memref<2x10000x128xf32, #tpu.memory_space<hbm>> -> memref<1x16x128xf32, #tpu.memory_space<hbm>>
        %dma_wait3A_30 = tpu.memref_squeeze %dma_wait3A_29 : memref<1x16x128xf32, #tpu.memory_space<hbm>> -> memref<16x128xf32, #tpu.memory_space<hbm>>
        %dma_wait3A_31 = arith.constant 9984 : i32
        %dma_wait3A_32 = arith.constant 0 : i32
        %dma_wait3A_33 = tpu.memref_slice %arg12[%dma_wait3A_31, %dma_wait3A_32] : memref<10000x128xf32, #tpu.memory_space<vmem_shared>> -> memref<16x128xf32, #tpu.memory_space<vmem_shared>>
        tpu.wait_dma2 semaphore(%run_scoped3A : memref<!tpu.dma_semaphore, #tpu.memory_space<semaphore_mem>>) src(%dma_wait3A_33 : memref<16x128xf32, #tpu.memory_space<vmem_shared>>) dst(%dma_wait3A_30 : memref<16x128xf32, #tpu.memory_space<hbm>>)
        tpu.yield
      }) : () -> ()
    } else {
    }
    return
  }
}

#map = affine_map<(d0, d1) -> (0, 0)>
#map1 = affine_map<(d0, d1) -> (0, 0, 0, 0)>
#map2 = affine_map<(d0, d1) -> (0, 0, 0)>
module attributes {stable_mosaic.version = 14 : i64} {
  func.func @_agg(%arg0: i32, %arg1: i32, %arg2: memref<10000x128xf32, #tpu.memory_space<hbm>>, %arg3: memref<32x5x16x125xi32, #tpu.memory_space<hbm>>, %arg4: memref<32x5x16x125xi32, #tpu.memory_space<hbm>>, %arg5: memref<32x5x16x125xf32, #tpu.memory_space<hbm>>, %arg6: memref<2x10000x128xf32, #tpu.memory_space<hbm>>, %arg7: memref<16x125xi32, #tpu.memory_space<vmem>>, %arg8: memref<16x125xi32, #tpu.memory_space<vmem>>, %arg9: memref<16x125xf32, #tpu.memory_space<vmem>>, %arg10: memref<125x128xf32, #tpu.memory_space<vmem>>, %arg11: memref<125x128xf32, #tpu.memory_space<vmem>>, %arg12: memref<10000x128xf32, #tpu.memory_space<vmem_shared>>, %arg13: memref<!tpu.dma_semaphore, #tpu.memory_space<semaphore_mem>>, %arg14: memref<!tpu.dma_semaphore, #tpu.memory_space<semaphore_mem>>) attributes {dimension_semantics = [#tpu.dimension_semantics<core_parallel>, #tpu.dimension_semantics<subcore_parallel>], iteration_bounds = array<i64: 2, 16>, scalar_prefetch = 0 : i64, scratch_operands = 8 : i64, tpu.core_type = #tpu.core_type<sc_vector_subcore>, window_params = [{transform_indices = #map}, {transform_indices = #map1}, {transform_indices = #map1}, {transform_indices = #map1}, {transform_indices = #map2}]} {
    %mul3A = arith.constant 2 : i32
    %mul3A_0 = arith.muli %arg1, %mul3A : i32
    %add3A = arith.addi %mul3A_0, %arg0 : i32
    %scan3A = arith.constant 0 : i32
    %scan3A_1 = arith.constant 125 : i32
    %scan3A_2 = arith.addi %scan3A, %scan3A_1 : i32
    %scan3A_3 = arith.constant 1 : i32
    scf.for %scan3A_22 = %scan3A to %scan3A_2 step %scan3A_3  : i32 {
      %mul3A_23 = arith.constant 1 : i32
      %mul3A_24 = arith.muli %scan3A_22, %mul3A_23 : i32
      %add3A_25 = arith.constant 0 : i32
      %add3A_26 = arith.addi %add3A_25, %mul3A_24 : i32
      %broadcast_in_dim3A = arith.constant 0.000000e+00 : f32
      %broadcast_in_dim3A_27 = vector.broadcast %broadcast_in_dim3A : f32 to vector<16xf32>
      %swap3A = arith.index_cast %add3A_26 : i32 to index
      %swap3A_28 = arith.constant 0 : index
      %swap3A_29 = tpu.vector_load %arg10[%swap3A, %swap3A_28] {strides = array<i32>} : memref<125x128xf32, #tpu.memory_space<vmem>>, vector<16xf32>,
      tpu.vector_store %arg10[%swap3A, %swap3A_28], %broadcast_in_dim3A_27 {strides = array<i32>} : memref<125x128xf32, #tpu.memory_space<vmem>>, vector<16xf32>,
      %broadcast_in_dim3A_30 = arith.constant 0.000000e+00 : f32
      %broadcast_in_dim3A_31 = vector.broadcast %broadcast_in_dim3A_30 : f32 to vector<16xf32>
      %swap3A_32 = arith.index_cast %add3A_26 : i32 to index
      %swap3A_33 = arith.constant 16 : index
      %swap3A_34 = tpu.vector_load %arg10[%swap3A_32, %swap3A_33] {strides = array<i32>} : memref<125x128xf32, #tpu.memory_space<vmem>>, vector<16xf32>,
      tpu.vector_store %arg10[%swap3A_32, %swap3A_33], %broadcast_in_dim3A_31 {strides = array<i32>} : memref<125x128xf32, #tpu.memory_space<vmem>>, vector<16xf32>,
      %broadcast_in_dim3A_35 = arith.constant 0.000000e+00 : f32
      %broadcast_in_dim3A_36 = vector.broadcast %broadcast_in_dim3A_35 : f32 to vector<16xf32>
      %swap3A_37 = arith.index_cast %add3A_26 : i32 to index
      %swap3A_38 = arith.constant 32 : index
      %swap3A_39 = tpu.vector_load %arg10[%swap3A_37, %swap3A_38] {strides = array<i32>} : memref<125x128xf32, #tpu.memory_space<vmem>>, vector<16xf32>,
      tpu.vector_store %arg10[%swap3A_37, %swap3A_38], %broadcast_in_dim3A_36 {strides = array<i32>} : memref<125x128xf32, #tpu.memory_space<vmem>>, vector<16xf32>,
      %broadcast_in_dim3A_40 = arith.constant 0.000000e+00 : f32
      %broadcast_in_dim3A_41 = vector.broadcast %broadcast_in_dim3A_40 : f32 to vector<16xf32>
      %swap3A_42 = arith.index_cast %add3A_26 : i32 to index
      %swap3A_43 = arith.constant 48 : index
      %swap3A_44 = tpu.vector_load %arg10[%swap3A_42, %swap3A_43] {strides = array<i32>} : memref<125x128xf32, #tpu.memory_space<vmem>>, vector<16xf32>,
      tpu.vector_store %arg10[%swap3A_42, %swap3A_43], %broadcast_in_dim3A_41 {strides = array<i32>} : memref<125x128xf32, #tpu.memory_space<vmem>>, vector<16xf32>,
      %broadcast_in_dim3A_45 = arith.constant 0.000000e+00 : f32
      %broadcast_in_dim3A_46 = vector.broadcast %broadcast_in_dim3A_45 : f32 to vector<16xf32>
      %swap3A_47 = arith.index_cast %add3A_26 : i32 to index
      %swap3A_48 = arith.constant 64 : index
      %swap3A_49 = tpu.vector_load %arg10[%swap3A_47, %swap3A_48] {strides = array<i32>} : memref<125x128xf32, #tpu.memory_space<vmem>>, vector<16xf32>,
      tpu.vector_store %arg10[%swap3A_47, %swap3A_48], %broadcast_in_dim3A_46 {strides = array<i32>} : memref<125x128xf32, #tpu.memory_space<vmem>>, vector<16xf32>,
      %broadcast_in_dim3A_50 = arith.constant 0.000000e+00 : f32
      %broadcast_in_dim3A_51 = vector.broadcast %broadcast_in_dim3A_50 : f32 to vector<16xf32>
      %swap3A_52 = arith.index_cast %add3A_26 : i32 to index
      %swap3A_53 = arith.constant 80 : index
      %swap3A_54 = tpu.vector_load %arg10[%swap3A_52, %swap3A_53] {strides = array<i32>} : memref<125x128xf32, #tpu.memory_space<vmem>>, vector<16xf32>,
      tpu.vector_store %arg10[%swap3A_52, %swap3A_53], %broadcast_in_dim3A_51 {strides = array<i32>} : memref<125x128xf32, #tpu.memory_space<vmem>>, vector<16xf32>,
      %broadcast_in_dim3A_55 = arith.constant 0.000000e+00 : f32
      %broadcast_in_dim3A_56 = vector.broadcast %broadcast_in_dim3A_55 : f32 to vector<16xf32>
      %swap3A_57 = arith.index_cast %add3A_26 : i32 to index
      %swap3A_58 = arith.constant 96 : index
      %swap3A_59 = tpu.vector_load %arg10[%swap3A_57, %swap3A_58] {strides = array<i32>} : memref<125x128xf32, #tpu.memory_space<vmem>>, vector<16xf32>,
      tpu.vector_store %arg10[%swap3A_57, %swap3A_58], %broadcast_in_dim3A_56 {strides = array<i32>} : memref<125x128xf32, #tpu.memory_space<vmem>>, vector<16xf32>,
      %broadcast_in_dim3A_60 = arith.constant 0.000000e+00 : f32
      %broadcast_in_dim3A_61 = vector.broadcast %broadcast_in_dim3A_60 : f32 to vector<16xf32>
      %swap3A_62 = arith.index_cast %add3A_26 : i32 to index
      %swap3A_63 = arith.constant 112 : index
      %swap3A_64 = tpu.vector_load %arg10[%swap3A_62, %swap3A_63] {strides = array<i32>} : memref<125x128xf32, #tpu.memory_space<vmem>>, vector<16xf32>,
      tpu.vector_store %arg10[%swap3A_62, %swap3A_63], %broadcast_in_dim3A_61 {strides = array<i32>} : memref<125x128xf32, #tpu.memory_space<vmem>>, vector<16xf32>,
    }
    %scan3A_4 = arith.constant 125 : i32
    %scan3A_5 = arith.constant 0 : i32
    %scan3A_6 = arith.constant 5 : i32
    %scan3A_7 = arith.addi %scan3A_5, %scan3A_6 : i32
    %scan3A_8 = arith.constant 1 : i32
    scf.for %scan3A_22 = %scan3A_5 to %scan3A_7 step %scan3A_8  : i32 {
      %mul3A_23 = arith.constant 1 : i32
      %mul3A_24 = arith.muli %scan3A_22, %mul3A_23 : i32
      %add3A_25 = arith.constant 0 : i32
      %add3A_26 = arith.addi %add3A_25, %mul3A_24 : i32
      %mul3A_27 = arith.constant 625 : i32
      %mul3A_28 = arith.muli %arg1, %mul3A_27 : i32
      %mul3A_29 = arith.constant 125 : i32
      %mul3A_30 = arith.muli %add3A_26, %mul3A_29 : i32
      %add3A_31 = arith.addi %mul3A_28, %mul3A_30 : i32
      "tpu.region"() ({
        %run_scoped3A = tpu.sem_alloc : memref<!tpu.dma_semaphore, #tpu.memory_space<semaphore_mem>>
        %dma_start3A = arith.constant 0 : i32
        %dma_start3A_32 = tpu.memref_slice %arg12[%add3A_31, %dma_start3A] : memref<10000x128xf32, #tpu.memory_space<vmem_shared>> -> memref<125x128xf32, #tpu.memory_space<vmem_shared>>
        %dma_start3A_33 = arith.constant 0 : i32
        %dma_start3A_34 = tpu.memref_slice %arg12[%add3A_31, %dma_start3A_33] : memref<10000x128xf32, #tpu.memory_space<vmem_shared>> -> memref<125x128xf32, #tpu.memory_space<vmem_shared>>
        tpu.enqueue_dma source(%arg10 : memref<125x128xf32, #tpu.memory_space<vmem>>) target(%dma_start3A_34 : memref<125x128xf32, #tpu.memory_space<vmem_shared>>) target_semaphore(%run_scoped3A : memref<!tpu.dma_semaphore, #tpu.memory_space<semaphore_mem>>)
        %dma_wait3A = arith.constant 0 : i32
        %dma_wait3A_35 = tpu.memref_slice %arg12[%add3A_31, %dma_wait3A] : memref<10000x128xf32, #tpu.memory_space<vmem_shared>> -> memref<125x128xf32, #tpu.memory_space<vmem_shared>>
        %dma_wait3A_36 = arith.constant 0 : i32
        %dma_wait3A_37 = tpu.memref_slice %arg12[%add3A_31, %dma_wait3A_36] : memref<10000x128xf32, #tpu.memory_space<vmem_shared>> -> memref<125x128xf32, #tpu.memory_space<vmem_shared>>
        tpu.wait_dma2 semaphore(%run_scoped3A : memref<!tpu.dma_semaphore, #tpu.memory_space<semaphore_mem>>) src(%arg10 : memref<125x128xf32, #tpu.memory_space<vmem>>) dst(%dma_wait3A_37 : memref<125x128xf32, #tpu.memory_space<vmem_shared>>)
        tpu.yield
      }) : () -> ()
    }
    %scan3A_9 = arith.constant 5 : i32
    %barrier3A = arith.constant 0 : index
    tpu.barrier barrier_id(%barrier3A)
    %scan3A_10 = arith.constant 0 : i32
    %scan3A_11 = arith.constant 5 : i32
    %scan3A_12 = arith.addi %scan3A_10, %scan3A_11 : i32
    %scan3A_13 = arith.constant 1 : i32
    scf.for %scan3A_22 = %scan3A_10 to %scan3A_12 step %scan3A_13  : i32 {
      %mul3A_23 = arith.constant 1 : i32
      %mul3A_24 = arith.muli %scan3A_22, %mul3A_23 : i32
      %add3A_25 = arith.constant 0 : i32
      %add3A_26 = arith.addi %add3A_25, %mul3A_24 : i32
      "tpu.region"() ({
        %run_scoped3A = tpu.sem_alloc : memref<!tpu.dma_semaphore, #tpu.memory_space<semaphore_mem>>
        %dma_start3A_38 = arith.constant 0 : i32
        %dma_start3A_39 = arith.constant 0 : i32
        %dma_start3A_40 = tpu.memref_slice %arg3[%add3A, %add3A_26, %dma_start3A_38, %dma_start3A_39] : memref<32x5x16x125xi32, #tpu.memory_space<hbm>> -> memref<1x1x16x125xi32, #tpu.memory_space<hbm>>
        %dma_start3A_41 = tpu.memref_squeeze %dma_start3A_40 : memref<1x1x16x125xi32, #tpu.memory_space<hbm>> -> memref<16x125xi32, #tpu.memory_space<hbm>>
        %dma_start3A_42 = arith.constant 0 : i32
        %dma_start3A_43 = arith.constant 0 : i32
        %dma_start3A_44 = tpu.memref_slice %arg3[%add3A, %add3A_26, %dma_start3A_42, %dma_start3A_43] : memref<32x5x16x125xi32, #tpu.memory_space<hbm>> -> memref<1x1x16x125xi32, #tpu.memory_space<hbm>>
        %dma_start3A_45 = tpu.memref_squeeze %dma_start3A_44 : memref<1x1x16x125xi32, #tpu.memory_space<hbm>> -> memref<16x125xi32, #tpu.memory_space<hbm>>
        tpu.enqueue_dma source(%dma_start3A_45 : memref<16x125xi32, #tpu.memory_space<hbm>>) target(%arg7 : memref<16x125xi32, #tpu.memory_space<vmem>>) target_semaphore(%run_scoped3A : memref<!tpu.dma_semaphore, #tpu.memory_space<semaphore_mem>>)
        %dma_wait3A = arith.constant 0 : i32
        %dma_wait3A_46 = arith.constant 0 : i32
        %dma_wait3A_47 = tpu.memref_slice %arg3[%add3A, %add3A_26, %dma_wait3A, %dma_wait3A_46] : memref<32x5x16x125xi32, #tpu.memory_space<hbm>> -> memref<1x1x16x125xi32, #tpu.memory_space<hbm>>
        %dma_wait3A_48 = tpu.memref_squeeze %dma_wait3A_47 : memref<1x1x16x125xi32, #tpu.memory_space<hbm>> -> memref<16x125xi32, #tpu.memory_space<hbm>>
        %dma_wait3A_49 = arith.constant 0 : i32
        %dma_wait3A_50 = arith.constant 0 : i32
        %dma_wait3A_51 = tpu.memref_slice %arg3[%add3A, %add3A_26, %dma_wait3A_49, %dma_wait3A_50] : memref<32x5x16x125xi32, #tpu.memory_space<hbm>> -> memref<1x1x16x125xi32, #tpu.memory_space<hbm>>
        %dma_wait3A_52 = tpu.memref_squeeze %dma_wait3A_51 : memref<1x1x16x125xi32, #tpu.memory_space<hbm>> -> memref<16x125xi32, #tpu.memory_space<hbm>>
        tpu.wait_dma2 semaphore(%run_scoped3A : memref<!tpu.dma_semaphore, #tpu.memory_space<semaphore_mem>>) src(%dma_wait3A_52 : memref<16x125xi32, #tpu.memory_space<hbm>>) dst(%arg7 : memref<16x125xi32, #tpu.memory_space<vmem>>)
        tpu.yield
      }) : () -> ()
      "tpu.region"() ({
        %run_scoped3A = tpu.sem_alloc : memref<!tpu.dma_semaphore, #tpu.memory_space<semaphore_mem>>
        %dma_start3A_38 = arith.constant 0 : i32
        %dma_start3A_39 = arith.constant 0 : i32
        %dma_start3A_40 = tpu.memref_slice %arg4[%add3A, %add3A_26, %dma_start3A_38, %dma_start3A_39] : memref<32x5x16x125xi32, #tpu.memory_space<hbm>> -> memref<1x1x16x125xi32, #tpu.memory_space<hbm>>
        %dma_start3A_41 = tpu.memref_squeeze %dma_start3A_40 : memref<1x1x16x125xi32, #tpu.memory_space<hbm>> -> memref<16x125xi32, #tpu.memory_space<hbm>>
        %dma_start3A_42 = arith.constant 0 : i32
        %dma_start3A_43 = arith.constant 0 : i32
        %dma_start3A_44 = tpu.memref_slice %arg4[%add3A, %add3A_26, %dma_start3A_42, %dma_start3A_43] : memref<32x5x16x125xi32, #tpu.memory_space<hbm>> -> memref<1x1x16x125xi32, #tpu.memory_space<hbm>>
        %dma_start3A_45 = tpu.memref_squeeze %dma_start3A_44 : memref<1x1x16x125xi32, #tpu.memory_space<hbm>> -> memref<16x125xi32, #tpu.memory_space<hbm>>
        tpu.enqueue_dma source(%dma_start3A_45 : memref<16x125xi32, #tpu.memory_space<hbm>>) target(%arg8 : memref<16x125xi32, #tpu.memory_space<vmem>>) target_semaphore(%run_scoped3A : memref<!tpu.dma_semaphore, #tpu.memory_space<semaphore_mem>>)
        %dma_wait3A = arith.constant 0 : i32
        %dma_wait3A_46 = arith.constant 0 : i32
        %dma_wait3A_47 = tpu.memref_slice %arg4[%add3A, %add3A_26, %dma_wait3A, %dma_wait3A_46] : memref<32x5x16x125xi32, #tpu.memory_space<hbm>> -> memref<1x1x16x125xi32, #tpu.memory_space<hbm>>
        %dma_wait3A_48 = tpu.memref_squeeze %dma_wait3A_47 : memref<1x1x16x125xi32, #tpu.memory_space<hbm>> -> memref<16x125xi32, #tpu.memory_space<hbm>>
        %dma_wait3A_49 = arith.constant 0 : i32
        %dma_wait3A_50 = arith.constant 0 : i32
        %dma_wait3A_51 = tpu.memref_slice %arg4[%add3A, %add3A_26, %dma_wait3A_49, %dma_wait3A_50] : memref<32x5x16x125xi32, #tpu.memory_space<hbm>> -> memref<1x1x16x125xi32, #tpu.memory_space<hbm>>
        %dma_wait3A_52 = tpu.memref_squeeze %dma_wait3A_51 : memref<1x1x16x125xi32, #tpu.memory_space<hbm>> -> memref<16x125xi32, #tpu.memory_space<hbm>>
        tpu.wait_dma2 semaphore(%run_scoped3A : memref<!tpu.dma_semaphore, #tpu.memory_space<semaphore_mem>>) src(%dma_wait3A_52 : memref<16x125xi32, #tpu.memory_space<hbm>>) dst(%arg8 : memref<16x125xi32, #tpu.memory_space<vmem>>)
        tpu.yield
      }) : () -> ()
      "tpu.region"() ({
        %run_scoped3A = tpu.sem_alloc : memref<!tpu.dma_semaphore, #tpu.memory_space<semaphore_mem>>
        %dma_start3A_38 = arith.constant 0 : i32
        %dma_start3A_39 = arith.constant 0 : i32
        %dma_start3A_40 = tpu.memref_slice %arg5[%add3A, %add3A_26, %dma_start3A_38, %dma_start3A_39] : memref<32x5x16x125xf32, #tpu.memory_space<hbm>> -> memref<1x1x16x125xf32, #tpu.memory_space<hbm>>
        %dma_start3A_41 = tpu.memref_squeeze %dma_start3A_40 : memref<1x1x16x125xf32, #tpu.memory_space<hbm>> -> memref<16x125xf32, #tpu.memory_space<hbm>>
        %dma_start3A_42 = arith.constant 0 : i32
        %dma_start3A_43 = arith.constant 0 : i32
        %dma_start3A_44 = tpu.memref_slice %arg5[%add3A, %add3A_26, %dma_start3A_42, %dma_start3A_43] : memref<32x5x16x125xf32, #tpu.memory_space<hbm>> -> memref<1x1x16x125xf32, #tpu.memory_space<hbm>>
        %dma_start3A_45 = tpu.memref_squeeze %dma_start3A_44 : memref<1x1x16x125xf32, #tpu.memory_space<hbm>> -> memref<16x125xf32, #tpu.memory_space<hbm>>
        tpu.enqueue_dma source(%dma_start3A_45 : memref<16x125xf32, #tpu.memory_space<hbm>>) target(%arg9 : memref<16x125xf32, #tpu.memory_space<vmem>>) target_semaphore(%run_scoped3A : memref<!tpu.dma_semaphore, #tpu.memory_space<semaphore_mem>>)
        %dma_wait3A = arith.constant 0 : i32
        %dma_wait3A_46 = arith.constant 0 : i32
        %dma_wait3A_47 = tpu.memref_slice %arg5[%add3A, %add3A_26, %dma_wait3A, %dma_wait3A_46] : memref<32x5x16x125xf32, #tpu.memory_space<hbm>> -> memref<1x1x16x125xf32, #tpu.memory_space<hbm>>
        %dma_wait3A_48 = tpu.memref_squeeze %dma_wait3A_47 : memref<1x1x16x125xf32, #tpu.memory_space<hbm>> -> memref<16x125xf32, #tpu.memory_space<hbm>>
        %dma_wait3A_49 = arith.constant 0 : i32
        %dma_wait3A_50 = arith.constant 0 : i32
        %dma_wait3A_51 = tpu.memref_slice %arg5[%add3A, %add3A_26, %dma_wait3A_49, %dma_wait3A_50] : memref<32x5x16x125xf32, #tpu.memory_space<hbm>> -> memref<1x1x16x125xf32, #tpu.memory_space<hbm>>
        %dma_wait3A_52 = tpu.memref_squeeze %dma_wait3A_51 : memref<1x1x16x125xf32, #tpu.memory_space<hbm>> -> memref<16x125xf32, #tpu.memory_space<hbm>>
        tpu.wait_dma2 semaphore(%run_scoped3A : memref<!tpu.dma_semaphore, #tpu.memory_space<semaphore_mem>>) src(%dma_wait3A_52 : memref<16x125xf32, #tpu.memory_space<hbm>>) dst(%arg9 : memref<16x125xf32, #tpu.memory_space<vmem>>)
        tpu.yield
      }) : () -> ()
      %dma_start3A = arith.constant 0 : i32
      %dma_start3A_27 = arith.constant 0 : i32
      %dma_start3A_28 = tpu.memref_slice %arg7[%dma_start3A, %dma_start3A_27] : memref<16x125xi32, #tpu.memory_space<vmem>> -> memref<1x125xi32, #tpu.memory_space<vmem>>
      %dma_start3A_29 = tpu.memref_squeeze %dma_start3A_28 : memref<1x125xi32, #tpu.memory_space<vmem>> -> memref<125xi32, #tpu.memory_space<vmem>>
      %dma_start3A_30 = arith.constant 0 : i32
      %dma_start3A_31 = arith.constant 0 : i32
      %dma_start3A_32 = tpu.memref_slice %arg2[%dma_start3A_30, %dma_start3A_31] : memref<10000x128xf32, #tpu.memory_space<hbm>> -> memref<10000x128xf32, #tpu.memory_space<hbm>>
      tpu.enqueue_indirect_dma source(%dma_start3A_32 : memref<10000x128xf32, #tpu.memory_space<hbm>>) target(%arg10 : memref<125x128xf32, #tpu.memory_space<vmem>>) offsets(%dma_start3A_29 : memref<125xi32, #tpu.memory_space<vmem>>) semaphore(%arg13 : memref<!tpu.dma_semaphore, #tpu.memory_space<semaphore_mem>>)
      %scan3A_33 = arith.constant 0 : i32
      %scan3A_34 = arith.constant 8 : i32
      %scan3A_35 = arith.addi %scan3A_33, %scan3A_34 : i32
      %scan3A_36 = arith.constant 1 : i32
      scf.for %scan3A_38 = %scan3A_33 to %scan3A_35 step %scan3A_36  : i32 {
        %mul3A_39 = arith.constant 2 : i32
        %mul3A_40 = arith.muli %scan3A_38, %mul3A_39 : i32
        %add3A_41 = arith.constant 0 : i32
        %add3A_42 = arith.addi %add3A_41, %mul3A_40 : i32
        %dma_wait3A = arith.constant 0 : i32
        %dma_wait3A_43 = tpu.memref_slice %arg7[%add3A_42, %dma_wait3A] : memref<16x125xi32, #tpu.memory_space<vmem>> -> memref<1x125xi32, #tpu.memory_space<vmem>>
        %dma_wait3A_44 = tpu.memref_squeeze %dma_wait3A_43 : memref<1x125xi32, #tpu.memory_space<vmem>> -> memref<125xi32, #tpu.memory_space<vmem>>
        %dma_wait3A_45 = arith.constant 0 : i32
        %dma_wait3A_46 = arith.constant 0 : i32
        %dma_wait3A_47 = tpu.memref_slice %arg2[%dma_wait3A_45, %dma_wait3A_46] : memref<10000x128xf32, #tpu.memory_space<hbm>> -> memref<10000x128xf32, #tpu.memory_space<hbm>>
        tpu.wait_indirect_dma semaphore(%arg13 : memref<!tpu.dma_semaphore, #tpu.memory_space<semaphore_mem>>) src(%dma_wait3A_47 : memref<10000x128xf32, #tpu.memory_space<hbm>>) dst(%arg10 : memref<125x128xf32, #tpu.memory_space<vmem>>)
        %add3A_48 = arith.constant 1 : i32
        %add3A_49 = arith.addi %add3A_42, %add3A_48 : i32
        %dma_start3A_50 = arith.constant 0 : i32
        %dma_start3A_51 = tpu.memref_slice %arg7[%add3A_49, %dma_start3A_50] : memref<16x125xi32, #tpu.memory_space<vmem>> -> memref<1x125xi32, #tpu.memory_space<vmem>>
        %dma_start3A_52 = tpu.memref_squeeze %dma_start3A_51 : memref<1x125xi32, #tpu.memory_space<vmem>> -> memref<125xi32, #tpu.memory_space<vmem>>
        %dma_start3A_53 = arith.constant 0 : i32
        %dma_start3A_54 = arith.constant 0 : i32
        %dma_start3A_55 = tpu.memref_slice %arg2[%dma_start3A_53, %dma_start3A_54] : memref<10000x128xf32, #tpu.memory_space<hbm>> -> memref<10000x128xf32, #tpu.memory_space<hbm>>
        tpu.enqueue_indirect_dma source(%dma_start3A_55 : memref<10000x128xf32, #tpu.memory_space<hbm>>) target(%arg11 : memref<125x128xf32, #tpu.memory_space<vmem>>) offsets(%dma_start3A_52 : memref<125xi32, #tpu.memory_space<vmem>>) semaphore(%arg14 : memref<!tpu.dma_semaphore, #tpu.memory_space<semaphore_mem>>)
        %scan3A_56 = arith.constant 0 : i32
        %scan3A_57 = arith.constant 25 : i32
        %scan3A_58 = arith.addi %scan3A_56, %scan3A_57 : i32
        %scan3A_59 = arith.constant 1 : i32
        scf.for %scan3A_84 = %scan3A_56 to %scan3A_58 step %scan3A_59  : i32 {
          %mul3A_85 = arith.constant 5 : i32
          %mul3A_86 = arith.muli %scan3A_84, %mul3A_85 : i32
          %add3A_87 = arith.constant 0 : i32
          %add3A_88 = arith.addi %add3A_87, %mul3A_86 : i32
          %add3A_89 = arith.constant 0 : i32
          %add3A_90 = arith.addi %add3A_88, %add3A_89 : i32
          %broadcast_in_dim3A = vector.broadcast %add3A_90 : i32 to vector<16xi32>
          %gather3A = arith.constant 0 : i32
          %gather3A_91 = tpu.memref_slice %arg9[%add3A_42, %gather3A] : memref<16x125xf32, #tpu.memory_space<vmem>> -> memref<1x125xf32, #tpu.memory_space<vmem>>
          %gather3A_92 = tpu.memref_squeeze %gather3A_91 : memref<1x125xf32, #tpu.memory_space<vmem>> -> memref<125xf32, #tpu.memory_space<vmem>>
          %gather3A_93 = tpu.vector_load_idx %gather3A_92[%broadcast_in_dim3A] : memref<125xf32, #tpu.memory_space<vmem>>[vector<16xi32>], vector<16xf32>,
          %add3A_94 = arith.constant 1 : i32
          %add3A_95 = arith.addi %add3A_88, %add3A_94 : i32
          %broadcast_in_dim3A_96 = vector.broadcast %add3A_95 : i32 to vector<16xi32>
          %gather3A_97 = arith.constant 0 : i32
          %gather3A_98 = tpu.memref_slice %arg9[%add3A_42, %gather3A_97] : memref<16x125xf32, #tpu.memory_space<vmem>> -> memref<1x125xf32, #tpu.memory_space<vmem>>
          %gather3A_99 = tpu.memref_squeeze %gather3A_98 : memref<1x125xf32, #tpu.memory_space<vmem>> -> memref<125xf32, #tpu.memory_space<vmem>>
          %gather3A_100 = tpu.vector_load_idx %gather3A_99[%broadcast_in_dim3A_96] : memref<125xf32, #tpu.memory_space<vmem>>[vector<16xi32>], vector<16xf32>,
          %add3A_101 = arith.constant 2 : i32
          %add3A_102 = arith.addi %add3A_88, %add3A_101 : i32
          %broadcast_in_dim3A_103 = vector.broadcast %add3A_102 : i32 to vector<16xi32>
          %gather3A_104 = arith.constant 0 : i32
          %gather3A_105 = tpu.memref_slice %arg9[%add3A_42, %gather3A_104] : memref<16x125xf32, #tpu.memory_space<vmem>> -> memref<1x125xf32, #tpu.memory_space<vmem>>
          %gather3A_106 = tpu.memref_squeeze %gather3A_105 : memref<1x125xf32, #tpu.memory_space<vmem>> -> memref<125xf32, #tpu.memory_space<vmem>>
          %gather3A_107 = tpu.vector_load_idx %gather3A_106[%broadcast_in_dim3A_103] : memref<125xf32, #tpu.memory_space<vmem>>[vector<16xi32>], vector<16xf32>,
          %add3A_108 = arith.constant 3 : i32
          %add3A_109 = arith.addi %add3A_88, %add3A_108 : i32
          %broadcast_in_dim3A_110 = vector.broadcast %add3A_109 : i32 to vector<16xi32>
          %gather3A_111 = arith.constant 0 : i32
          %gather3A_112 = tpu.memref_slice %arg9[%add3A_42, %gather3A_111] : memref<16x125xf32, #tpu.memory_space<vmem>> -> memref<1x125xf32, #tpu.memory_space<vmem>>
          %gather3A_113 = tpu.memref_squeeze %gather3A_112 : memref<1x125xf32, #tpu.memory_space<vmem>> -> memref<125xf32, #tpu.memory_space<vmem>>
          %gather3A_114 = tpu.vector_load_idx %gather3A_113[%broadcast_in_dim3A_110] : memref<125xf32, #tpu.memory_space<vmem>>[vector<16xi32>], vector<16xf32>,
          %add3A_115 = arith.constant 4 : i32
          %add3A_116 = arith.addi %add3A_88, %add3A_115 : i32
          %broadcast_in_dim3A_117 = vector.broadcast %add3A_116 : i32 to vector<16xi32>
          %gather3A_118 = arith.constant 0 : i32
          %gather3A_119 = tpu.memref_slice %arg9[%add3A_42, %gather3A_118] : memref<16x125xf32, #tpu.memory_space<vmem>> -> memref<1x125xf32, #tpu.memory_space<vmem>>
          %gather3A_120 = tpu.memref_squeeze %gather3A_119 : memref<1x125xf32, #tpu.memory_space<vmem>> -> memref<125xf32, #tpu.memory_space<vmem>>
          %gather3A_121 = tpu.vector_load_idx %gather3A_120[%broadcast_in_dim3A_117] : memref<125xf32, #tpu.memory_space<vmem>>[vector<16xi32>], vector<16xf32>,
          %add3A_122 = arith.constant 0 : i32
          %add3A_123 = arith.addi %add3A_88, %add3A_122 : i32
          %get3A = arith.index_cast %add3A_123 : i32 to index
          %get3A_124 = arith.constant 0 : index
          %get3A_125 = tpu.vector_load %arg10[%get3A, %get3A_124] {strides = array<i32>} : memref<125x128xf32, #tpu.memory_space<vmem>>, vector<16xf32>,
          %mul3A_126 = arith.mulf %get3A_125, %gather3A_93 : vector<16xf32>
          %add3A_127 = arith.constant 0 : i32
          %add3A_128 = arith.addi %add3A_88, %add3A_127 : i32
          %swap3A = arith.index_cast %add3A_128 : i32 to index
          %swap3A_129 = arith.constant 0 : index
          %swap3A_130 = tpu.vector_load %arg10[%swap3A, %swap3A_129] {strides = array<i32>} : memref<125x128xf32, #tpu.memory_space<vmem>>, vector<16xf32>,
          tpu.vector_store %arg10[%swap3A, %swap3A_129], %mul3A_126 {strides = array<i32>} : memref<125x128xf32, #tpu.memory_space<vmem>>, vector<16xf32>,
          %add3A_131 = arith.constant 0 : i32
          %add3A_132 = arith.addi %add3A_88, %add3A_131 : i32
          %get3A_133 = arith.index_cast %add3A_132 : i32 to index
          %get3A_134 = arith.constant 16 : index
          %get3A_135 = tpu.vector_load %arg10[%get3A_133, %get3A_134] {strides = array<i32>} : memref<125x128xf32, #tpu.memory_space<vmem>>, vector<16xf32>,
          %mul3A_136 = arith.mulf %get3A_135, %gather3A_93 : vector<16xf32>
          %add3A_137 = arith.constant 0 : i32
          %add3A_138 = arith.addi %add3A_88, %add3A_137 : i32
          %swap3A_139 = arith.index_cast %add3A_138 : i32 to index
          %swap3A_140 = arith.constant 16 : index
          %swap3A_141 = tpu.vector_load %arg10[%swap3A_139, %swap3A_140] {strides = array<i32>} : memref<125x128xf32, #tpu.memory_space<vmem>>, vector<16xf32>,
          tpu.vector_store %arg10[%swap3A_139, %swap3A_140], %mul3A_136 {strides = array<i32>} : memref<125x128xf32, #tpu.memory_space<vmem>>, vector<16xf32>,
          %add3A_142 = arith.constant 0 : i32
          %add3A_143 = arith.addi %add3A_88, %add3A_142 : i32
          %get3A_144 = arith.index_cast %add3A_143 : i32 to index
          %get3A_145 = arith.constant 32 : index
          %get3A_146 = tpu.vector_load %arg10[%get3A_144, %get3A_145] {strides = array<i32>} : memref<125x128xf32, #tpu.memory_space<vmem>>, vector<16xf32>,
          %mul3A_147 = arith.mulf %get3A_146, %gather3A_93 : vector<16xf32>
          %add3A_148 = arith.constant 0 : i32
          %add3A_149 = arith.addi %add3A_88, %add3A_148 : i32
          %swap3A_150 = arith.index_cast %add3A_149 : i32 to index
          %swap3A_151 = arith.constant 32 : index
          %swap3A_152 = tpu.vector_load %arg10[%swap3A_150, %swap3A_151] {strides = array<i32>} : memref<125x128xf32, #tpu.memory_space<vmem>>, vector<16xf32>,
          tpu.vector_store %arg10[%swap3A_150, %swap3A_151], %mul3A_147 {strides = array<i32>} : memref<125x128xf32, #tpu.memory_space<vmem>>, vector<16xf32>,
          %add3A_153 = arith.constant 0 : i32
          %add3A_154 = arith.addi %add3A_88, %add3A_153 : i32
          %get3A_155 = arith.index_cast %add3A_154 : i32 to index
          %get3A_156 = arith.constant 48 : index
          %get3A_157 = tpu.vector_load %arg10[%get3A_155, %get3A_156] {strides = array<i32>} : memref<125x128xf32, #tpu.memory_space<vmem>>, vector<16xf32>,
          %mul3A_158 = arith.mulf %get3A_157, %gather3A_93 : vector<16xf32>
          %add3A_159 = arith.constant 0 : i32
          %add3A_160 = arith.addi %add3A_88, %add3A_159 : i32
          %swap3A_161 = arith.index_cast %add3A_160 : i32 to index
          %swap3A_162 = arith.constant 48 : index
          %swap3A_163 = tpu.vector_load %arg10[%swap3A_161, %swap3A_162] {strides = array<i32>} : memref<125x128xf32, #tpu.memory_space<vmem>>, vector<16xf32>,
          tpu.vector_store %arg10[%swap3A_161, %swap3A_162], %mul3A_158 {strides = array<i32>} : memref<125x128xf32, #tpu.memory_space<vmem>>, vector<16xf32>,
          %add3A_164 = arith.constant 0 : i32
          %add3A_165 = arith.addi %add3A_88, %add3A_164 : i32
          %get3A_166 = arith.index_cast %add3A_165 : i32 to index
          %get3A_167 = arith.constant 64 : index
          %get3A_168 = tpu.vector_load %arg10[%get3A_166, %get3A_167] {strides = array<i32>} : memref<125x128xf32, #tpu.memory_space<vmem>>, vector<16xf32>,
          %mul3A_169 = arith.mulf %get3A_168, %gather3A_93 : vector<16xf32>
          %add3A_170 = arith.constant 0 : i32
          %add3A_171 = arith.addi %add3A_88, %add3A_170 : i32
          %swap3A_172 = arith.index_cast %add3A_171 : i32 to index
          %swap3A_173 = arith.constant 64 : index
          %swap3A_174 = tpu.vector_load %arg10[%swap3A_172, %swap3A_173] {strides = array<i32>} : memref<125x128xf32, #tpu.memory_space<vmem>>, vector<16xf32>,
          tpu.vector_store %arg10[%swap3A_172, %swap3A_173], %mul3A_169 {strides = array<i32>} : memref<125x128xf32, #tpu.memory_space<vmem>>, vector<16xf32>,
          %add3A_175 = arith.constant 0 : i32
          %add3A_176 = arith.addi %add3A_88, %add3A_175 : i32
          %get3A_177 = arith.index_cast %add3A_176 : i32 to index
          %get3A_178 = arith.constant 80 : index
          %get3A_179 = tpu.vector_load %arg10[%get3A_177, %get3A_178] {strides = array<i32>} : memref<125x128xf32, #tpu.memory_space<vmem>>, vector<16xf32>,
          %mul3A_180 = arith.mulf %get3A_179, %gather3A_93 : vector<16xf32>
          %add3A_181 = arith.constant 0 : i32
          %add3A_182 = arith.addi %add3A_88, %add3A_181 : i32
          %swap3A_183 = arith.index_cast %add3A_182 : i32 to index
          %swap3A_184 = arith.constant 80 : index
          %swap3A_185 = tpu.vector_load %arg10[%swap3A_183, %swap3A_184] {strides = array<i32>} : memref<125x128xf32, #tpu.memory_space<vmem>>, vector<16xf32>,
          tpu.vector_store %arg10[%swap3A_183, %swap3A_184], %mul3A_180 {strides = array<i32>} : memref<125x128xf32, #tpu.memory_space<vmem>>, vector<16xf32>,
          %add3A_186 = arith.constant 0 : i32
          %add3A_187 = arith.addi %add3A_88, %add3A_186 : i32
          %get3A_188 = arith.index_cast %add3A_187 : i32 to index
          %get3A_189 = arith.constant 96 : index
          %get3A_190 = tpu.vector_load %arg10[%get3A_188, %get3A_189] {strides = array<i32>} : memref<125x128xf32, #tpu.memory_space<vmem>>, vector<16xf32>,
          %mul3A_191 = arith.mulf %get3A_190, %gather3A_93 : vector<16xf32>
          %add3A_192 = arith.constant 0 : i32
          %add3A_193 = arith.addi %add3A_88, %add3A_192 : i32
          %swap3A_194 = arith.index_cast %add3A_193 : i32 to index
          %swap3A_195 = arith.constant 96 : index
          %swap3A_196 = tpu.vector_load %arg10[%swap3A_194, %swap3A_195] {strides = array<i32>} : memref<125x128xf32, #tpu.memory_space<vmem>>, vector<16xf32>,
          tpu.vector_store %arg10[%swap3A_194, %swap3A_195], %mul3A_191 {strides = array<i32>} : memref<125x128xf32, #tpu.memory_space<vmem>>, vector<16xf32>,
          %add3A_197 = arith.constant 0 : i32
          %add3A_198 = arith.addi %add3A_88, %add3A_197 : i32
          %get3A_199 = arith.index_cast %add3A_198 : i32 to index
          %get3A_200 = arith.constant 112 : index
          %get3A_201 = tpu.vector_load %arg10[%get3A_199, %get3A_200] {strides = array<i32>} : memref<125x128xf32, #tpu.memory_space<vmem>>, vector<16xf32>,
          %mul3A_202 = arith.mulf %get3A_201, %gather3A_93 : vector<16xf32>
          %add3A_203 = arith.constant 0 : i32
          %add3A_204 = arith.addi %add3A_88, %add3A_203 : i32
          %swap3A_205 = arith.index_cast %add3A_204 : i32 to index
          %swap3A_206 = arith.constant 112 : index
          %swap3A_207 = tpu.vector_load %arg10[%swap3A_205, %swap3A_206] {strides = array<i32>} : memref<125x128xf32, #tpu.memory_space<vmem>>, vector<16xf32>,
          tpu.vector_store %arg10[%swap3A_205, %swap3A_206], %mul3A_202 {strides = array<i32>} : memref<125x128xf32, #tpu.memory_space<vmem>>, vector<16xf32>,
          %add3A_208 = arith.constant 1 : i32
          %add3A_209 = arith.addi %add3A_88, %add3A_208 : i32
          %get3A_210 = arith.index_cast %add3A_209 : i32 to index
          %get3A_211 = arith.constant 0 : index
          %get3A_212 = tpu.vector_load %arg10[%get3A_210, %get3A_211] {strides = array<i32>} : memref<125x128xf32, #tpu.memory_space<vmem>>, vector<16xf32>,
          %mul3A_213 = arith.mulf %get3A_212, %gather3A_100 : vector<16xf32>
          %add3A_214 = arith.constant 1 : i32
          %add3A_215 = arith.addi %add3A_88, %add3A_214 : i32
          %swap3A_216 = arith.index_cast %add3A_215 : i32 to index
          %swap3A_217 = arith.constant 0 : index
          %swap3A_218 = tpu.vector_load %arg10[%swap3A_216, %swap3A_217] {strides = array<i32>} : memref<125x128xf32, #tpu.memory_space<vmem>>, vector<16xf32>,
          tpu.vector_store %arg10[%swap3A_216, %swap3A_217], %mul3A_213 {strides = array<i32>} : memref<125x128xf32, #tpu.memory_space<vmem>>, vector<16xf32>,
          %add3A_219 = arith.constant 1 : i32
          %add3A_220 = arith.addi %add3A_88, %add3A_219 : i32
          %get3A_221 = arith.index_cast %add3A_220 : i32 to index
          %get3A_222 = arith.constant 16 : index
          %get3A_223 = tpu.vector_load %arg10[%get3A_221, %get3A_222] {strides = array<i32>} : memref<125x128xf32, #tpu.memory_space<vmem>>, vector<16xf32>,
          %mul3A_224 = arith.mulf %get3A_223, %gather3A_100 : vector<16xf32>
          %add3A_225 = arith.constant 1 : i32
          %add3A_226 = arith.addi %add3A_88, %add3A_225 : i32
          %swap3A_227 = arith.index_cast %add3A_226 : i32 to index
          %swap3A_228 = arith.constant 16 : index
          %swap3A_229 = tpu.vector_load %arg10[%swap3A_227, %swap3A_228] {strides = array<i32>} : memref<125x128xf32, #tpu.memory_space<vmem>>, vector<16xf32>,
          tpu.vector_store %arg10[%swap3A_227, %swap3A_228], %mul3A_224 {strides = array<i32>} : memref<125x128xf32, #tpu.memory_space<vmem>>, vector<16xf32>,
          %add3A_230 = arith.constant 1 : i32
          %add3A_231 = arith.addi %add3A_88, %add3A_230 : i32
          %get3A_232 = arith.index_cast %add3A_231 : i32 to index
          %get3A_233 = arith.constant 32 : index
          %get3A_234 = tpu.vector_load %arg10[%get3A_232, %get3A_233] {strides = array<i32>} : memref<125x128xf32, #tpu.memory_space<vmem>>, vector<16xf32>,
          %mul3A_235 = arith.mulf %get3A_234, %gather3A_100 : vector<16xf32>
          %add3A_236 = arith.constant 1 : i32
          %add3A_237 = arith.addi %add3A_88, %add3A_236 : i32
          %swap3A_238 = arith.index_cast %add3A_237 : i32 to index
          %swap3A_239 = arith.constant 32 : index
          %swap3A_240 = tpu.vector_load %arg10[%swap3A_238, %swap3A_239] {strides = array<i32>} : memref<125x128xf32, #tpu.memory_space<vmem>>, vector<16xf32>,
          tpu.vector_store %arg10[%swap3A_238, %swap3A_239], %mul3A_235 {strides = array<i32>} : memref<125x128xf32, #tpu.memory_space<vmem>>, vector<16xf32>,
          %add3A_241 = arith.constant 1 : i32
          %add3A_242 = arith.addi %add3A_88, %add3A_241 : i32
          %get3A_243 = arith.index_cast %add3A_242 : i32 to index
          %get3A_244 = arith.constant 48 : index
          %get3A_245 = tpu.vector_load %arg10[%get3A_243, %get3A_244] {strides = array<i32>} : memref<125x128xf32, #tpu.memory_space<vmem>>, vector<16xf32>,
          %mul3A_246 = arith.mulf %get3A_245, %gather3A_100 : vector<16xf32>
          %add3A_247 = arith.constant 1 : i32
          %add3A_248 = arith.addi %add3A_88, %add3A_247 : i32
          %swap3A_249 = arith.index_cast %add3A_248 : i32 to index
          %swap3A_250 = arith.constant 48 : index
          %swap3A_251 = tpu.vector_load %arg10[%swap3A_249, %swap3A_250] {strides = array<i32>} : memref<125x128xf32, #tpu.memory_space<vmem>>, vector<16xf32>,
          tpu.vector_store %arg10[%swap3A_249, %swap3A_250], %mul3A_246 {strides = array<i32>} : memref<125x128xf32, #tpu.memory_space<vmem>>, vector<16xf32>,
          %add3A_252 = arith.constant 1 : i32
          %add3A_253 = arith.addi %add3A_88, %add3A_252 : i32
          %get3A_254 = arith.index_cast %add3A_253 : i32 to index
          %get3A_255 = arith.constant 64 : index
          %get3A_256 = tpu.vector_load %arg10[%get3A_254, %get3A_255] {strides = array<i32>} : memref<125x128xf32, #tpu.memory_space<vmem>>, vector<16xf32>,
          %mul3A_257 = arith.mulf %get3A_256, %gather3A_100 : vector<16xf32>
          %add3A_258 = arith.constant 1 : i32
          %add3A_259 = arith.addi %add3A_88, %add3A_258 : i32
          %swap3A_260 = arith.index_cast %add3A_259 : i32 to index
          %swap3A_261 = arith.constant 64 : index
          %swap3A_262 = tpu.vector_load %arg10[%swap3A_260, %swap3A_261] {strides = array<i32>} : memref<125x128xf32, #tpu.memory_space<vmem>>, vector<16xf32>,
          tpu.vector_store %arg10[%swap3A_260, %swap3A_261], %mul3A_257 {strides = array<i32>} : memref<125x128xf32, #tpu.memory_space<vmem>>, vector<16xf32>,
          %add3A_263 = arith.constant 1 : i32
          %add3A_264 = arith.addi %add3A_88, %add3A_263 : i32
          %get3A_265 = arith.index_cast %add3A_264 : i32 to index
          %get3A_266 = arith.constant 80 : index
          %get3A_267 = tpu.vector_load %arg10[%get3A_265, %get3A_266] {strides = array<i32>} : memref<125x128xf32, #tpu.memory_space<vmem>>, vector<16xf32>,
          %mul3A_268 = arith.mulf %get3A_267, %gather3A_100 : vector<16xf32>
          %add3A_269 = arith.constant 1 : i32
          %add3A_270 = arith.addi %add3A_88, %add3A_269 : i32
          %swap3A_271 = arith.index_cast %add3A_270 : i32 to index
          %swap3A_272 = arith.constant 80 : index
          %swap3A_273 = tpu.vector_load %arg10[%swap3A_271, %swap3A_272] {strides = array<i32>} : memref<125x128xf32, #tpu.memory_space<vmem>>, vector<16xf32>,
          tpu.vector_store %arg10[%swap3A_271, %swap3A_272], %mul3A_268 {strides = array<i32>} : memref<125x128xf32, #tpu.memory_space<vmem>>, vector<16xf32>,
          %add3A_274 = arith.constant 1 : i32
          %add3A_275 = arith.addi %add3A_88, %add3A_274 : i32
          %get3A_276 = arith.index_cast %add3A_275 : i32 to index
          %get3A_277 = arith.constant 96 : index
          %get3A_278 = tpu.vector_load %arg10[%get3A_276, %get3A_277] {strides = array<i32>} : memref<125x128xf32, #tpu.memory_space<vmem>>, vector<16xf32>,
          %mul3A_279 = arith.mulf %get3A_278, %gather3A_100 : vector<16xf32>
          %add3A_280 = arith.constant 1 : i32
          %add3A_281 = arith.addi %add3A_88, %add3A_280 : i32
          %swap3A_282 = arith.index_cast %add3A_281 : i32 to index
          %swap3A_283 = arith.constant 96 : index
          %swap3A_284 = tpu.vector_load %arg10[%swap3A_282, %swap3A_283] {strides = array<i32>} : memref<125x128xf32, #tpu.memory_space<vmem>>, vector<16xf32>,
          tpu.vector_store %arg10[%swap3A_282, %swap3A_283], %mul3A_279 {strides = array<i32>} : memref<125x128xf32, #tpu.memory_space<vmem>>, vector<16xf32>,
          %add3A_285 = arith.constant 1 : i32
          %add3A_286 = arith.addi %add3A_88, %add3A_285 : i32
          %get3A_287 = arith.index_cast %add3A_286 : i32 to index
          %get3A_288 = arith.constant 112 : index
          %get3A_289 = tpu.vector_load %arg10[%get3A_287, %get3A_288] {strides = array<i32>} : memref<125x128xf32, #tpu.memory_space<vmem>>, vector<16xf32>,
          %mul3A_290 = arith.mulf %get3A_289, %gather3A_100 : vector<16xf32>
          %add3A_291 = arith.constant 1 : i32
          %add3A_292 = arith.addi %add3A_88, %add3A_291 : i32
          %swap3A_293 = arith.index_cast %add3A_292 : i32 to index
          %swap3A_294 = arith.constant 112 : index
          %swap3A_295 = tpu.vector_load %arg10[%swap3A_293, %swap3A_294] {strides = array<i32>} : memref<125x128xf32, #tpu.memory_space<vmem>>, vector<16xf32>,
          tpu.vector_store %arg10[%swap3A_293, %swap3A_294], %mul3A_290 {strides = array<i32>} : memref<125x128xf32, #tpu.memory_space<vmem>>, vector<16xf32>,
          %add3A_296 = arith.constant 2 : i32
          %add3A_297 = arith.addi %add3A_88, %add3A_296 : i32
          %get3A_298 = arith.index_cast %add3A_297 : i32 to index
          %get3A_299 = arith.constant 0 : index
          %get3A_300 = tpu.vector_load %arg10[%get3A_298, %get3A_299] {strides = array<i32>} : memref<125x128xf32, #tpu.memory_space<vmem>>, vector<16xf32>,
          %mul3A_301 = arith.mulf %get3A_300, %gather3A_107 : vector<16xf32>
          %add3A_302 = arith.constant 2 : i32
          %add3A_303 = arith.addi %add3A_88, %add3A_302 : i32
          %swap3A_304 = arith.index_cast %add3A_303 : i32 to index
          %swap3A_305 = arith.constant 0 : index
          %swap3A_306 = tpu.vector_load %arg10[%swap3A_304, %swap3A_305] {strides = array<i32>} : memref<125x128xf32, #tpu.memory_space<vmem>>, vector<16xf32>,
          tpu.vector_store %arg10[%swap3A_304, %swap3A_305], %mul3A_301 {strides = array<i32>} : memref<125x128xf32, #tpu.memory_space<vmem>>, vector<16xf32>,
          %add3A_307 = arith.constant 2 : i32
          %add3A_308 = arith.addi %add3A_88, %add3A_307 : i32
          %get3A_309 = arith.index_cast %add3A_308 : i32 to index
          %get3A_310 = arith.constant 16 : index
          %get3A_311 = tpu.vector_load %arg10[%get3A_309, %get3A_310] {strides = array<i32>} : memref<125x128xf32, #tpu.memory_space<vmem>>, vector<16xf32>,
          %mul3A_312 = arith.mulf %get3A_311, %gather3A_107 : vector<16xf32>
          %add3A_313 = arith.constant 2 : i32
          %add3A_314 = arith.addi %add3A_88, %add3A_313 : i32
          %swap3A_315 = arith.index_cast %add3A_314 : i32 to index
          %swap3A_316 = arith.constant 16 : index
          %swap3A_317 = tpu.vector_load %arg10[%swap3A_315, %swap3A_316] {strides = array<i32>} : memref<125x128xf32, #tpu.memory_space<vmem>>, vector<16xf32>,
          tpu.vector_store %arg10[%swap3A_315, %swap3A_316], %mul3A_312 {strides = array<i32>} : memref<125x128xf32, #tpu.memory_space<vmem>>, vector<16xf32>,
          %add3A_318 = arith.constant 2 : i32
          %add3A_319 = arith.addi %add3A_88, %add3A_318 : i32
          %get3A_320 = arith.index_cast %add3A_319 : i32 to index
          %get3A_321 = arith.constant 32 : index
          %get3A_322 = tpu.vector_load %arg10[%get3A_320, %get3A_321] {strides = array<i32>} : memref<125x128xf32, #tpu.memory_space<vmem>>, vector<16xf32>,
          %mul3A_323 = arith.mulf %get3A_322, %gather3A_107 : vector<16xf32>
          %add3A_324 = arith.constant 2 : i32
          %add3A_325 = arith.addi %add3A_88, %add3A_324 : i32
          %swap3A_326 = arith.index_cast %add3A_325 : i32 to index
          %swap3A_327 = arith.constant 32 : index
          %swap3A_328 = tpu.vector_load %arg10[%swap3A_326, %swap3A_327] {strides = array<i32>} : memref<125x128xf32, #tpu.memory_space<vmem>>, vector<16xf32>,
          tpu.vector_store %arg10[%swap3A_326, %swap3A_327], %mul3A_323 {strides = array<i32>} : memref<125x128xf32, #tpu.memory_space<vmem>>, vector<16xf32>,
          %add3A_329 = arith.constant 2 : i32
          %add3A_330 = arith.addi %add3A_88, %add3A_329 : i32
          %get3A_331 = arith.index_cast %add3A_330 : i32 to index
          %get3A_332 = arith.constant 48 : index
          %get3A_333 = tpu.vector_load %arg10[%get3A_331, %get3A_332] {strides = array<i32>} : memref<125x128xf32, #tpu.memory_space<vmem>>, vector<16xf32>,
          %mul3A_334 = arith.mulf %get3A_333, %gather3A_107 : vector<16xf32>
          %add3A_335 = arith.constant 2 : i32
          %add3A_336 = arith.addi %add3A_88, %add3A_335 : i32
          %swap3A_337 = arith.index_cast %add3A_336 : i32 to index
          %swap3A_338 = arith.constant 48 : index
          %swap3A_339 = tpu.vector_load %arg10[%swap3A_337, %swap3A_338] {strides = array<i32>} : memref<125x128xf32, #tpu.memory_space<vmem>>, vector<16xf32>,
          tpu.vector_store %arg10[%swap3A_337, %swap3A_338], %mul3A_334 {strides = array<i32>} : memref<125x128xf32, #tpu.memory_space<vmem>>, vector<16xf32>,
          %add3A_340 = arith.constant 2 : i32
          %add3A_341 = arith.addi %add3A_88, %add3A_340 : i32
          %get3A_342 = arith.index_cast %add3A_341 : i32 to index
          %get3A_343 = arith.constant 64 : index
          %get3A_344 = tpu.vector_load %arg10[%get3A_342, %get3A_343] {strides = array<i32>} : memref<125x128xf32, #tpu.memory_space<vmem>>, vector<16xf32>,
          %mul3A_345 = arith.mulf %get3A_344, %gather3A_107 : vector<16xf32>
          %add3A_346 = arith.constant 2 : i32
          %add3A_347 = arith.addi %add3A_88, %add3A_346 : i32
          %swap3A_348 = arith.index_cast %add3A_347 : i32 to index
          %swap3A_349 = arith.constant 64 : index
          %swap3A_350 = tpu.vector_load %arg10[%swap3A_348, %swap3A_349] {strides = array<i32>} : memref<125x128xf32, #tpu.memory_space<vmem>>, vector<16xf32>,
          tpu.vector_store %arg10[%swap3A_348, %swap3A_349], %mul3A_345 {strides = array<i32>} : memref<125x128xf32, #tpu.memory_space<vmem>>, vector<16xf32>,
          %add3A_351 = arith.constant 2 : i32
          %add3A_352 = arith.addi %add3A_88, %add3A_351 : i32
          %get3A_353 = arith.index_cast %add3A_352 : i32 to index
          %get3A_354 = arith.constant 80 : index
          %get3A_355 = tpu.vector_load %arg10[%get3A_353, %get3A_354] {strides = array<i32>} : memref<125x128xf32, #tpu.memory_space<vmem>>, vector<16xf32>,
          %mul3A_356 = arith.mulf %get3A_355, %gather3A_107 : vector<16xf32>
          %add3A_357 = arith.constant 2 : i32
          %add3A_358 = arith.addi %add3A_88, %add3A_357 : i32
          %swap3A_359 = arith.index_cast %add3A_358 : i32 to index
          %swap3A_360 = arith.constant 80 : index
          %swap3A_361 = tpu.vector_load %arg10[%swap3A_359, %swap3A_360] {strides = array<i32>} : memref<125x128xf32, #tpu.memory_space<vmem>>, vector<16xf32>,
          tpu.vector_store %arg10[%swap3A_359, %swap3A_360], %mul3A_356 {strides = array<i32>} : memref<125x128xf32, #tpu.memory_space<vmem>>, vector<16xf32>,
          %add3A_362 = arith.constant 2 : i32
          %add3A_363 = arith.addi %add3A_88, %add3A_362 : i32
          %get3A_364 = arith.index_cast %add3A_363 : i32 to index
          %get3A_365 = arith.constant 96 : index
          %get3A_366 = tpu.vector_load %arg10[%get3A_364, %get3A_365] {strides = array<i32>} : memref<125x128xf32, #tpu.memory_space<vmem>>, vector<16xf32>,
          %mul3A_367 = arith.mulf %get3A_366, %gather3A_107 : vector<16xf32>
          %add3A_368 = arith.constant 2 : i32
          %add3A_369 = arith.addi %add3A_88, %add3A_368 : i32
          %swap3A_370 = arith.index_cast %add3A_369 : i32 to index
          %swap3A_371 = arith.constant 96 : index
          %swap3A_372 = tpu.vector_load %arg10[%swap3A_370, %swap3A_371] {strides = array<i32>} : memref<125x128xf32, #tpu.memory_space<vmem>>, vector<16xf32>,
          tpu.vector_store %arg10[%swap3A_370, %swap3A_371], %mul3A_367 {strides = array<i32>} : memref<125x128xf32, #tpu.memory_space<vmem>>, vector<16xf32>,
          %add3A_373 = arith.constant 2 : i32
          %add3A_374 = arith.addi %add3A_88, %add3A_373 : i32
          %get3A_375 = arith.index_cast %add3A_374 : i32 to index
          %get3A_376 = arith.constant 112 : index
          %get3A_377 = tpu.vector_load %arg10[%get3A_375, %get3A_376] {strides = array<i32>} : memref<125x128xf32, #tpu.memory_space<vmem>>, vector<16xf32>,
          %mul3A_378 = arith.mulf %get3A_377, %gather3A_107 : vector<16xf32>
          %add3A_379 = arith.constant 2 : i32
          %add3A_380 = arith.addi %add3A_88, %add3A_379 : i32
          %swap3A_381 = arith.index_cast %add3A_380 : i32 to index
          %swap3A_382 = arith.constant 112 : index
          %swap3A_383 = tpu.vector_load %arg10[%swap3A_381, %swap3A_382] {strides = array<i32>} : memref<125x128xf32, #tpu.memory_space<vmem>>, vector<16xf32>,
          tpu.vector_store %arg10[%swap3A_381, %swap3A_382], %mul3A_378 {strides = array<i32>} : memref<125x128xf32, #tpu.memory_space<vmem>>, vector<16xf32>,
          %add3A_384 = arith.constant 3 : i32
          %add3A_385 = arith.addi %add3A_88, %add3A_384 : i32
          %get3A_386 = arith.index_cast %add3A_385 : i32 to index
          %get3A_387 = arith.constant 0 : index
          %get3A_388 = tpu.vector_load %arg10[%get3A_386, %get3A_387] {strides = array<i32>} : memref<125x128xf32, #tpu.memory_space<vmem>>, vector<16xf32>,
          %mul3A_389 = arith.mulf %get3A_388, %gather3A_114 : vector<16xf32>
          %add3A_390 = arith.constant 3 : i32
          %add3A_391 = arith.addi %add3A_88, %add3A_390 : i32
          %swap3A_392 = arith.index_cast %add3A_391 : i32 to index
          %swap3A_393 = arith.constant 0 : index
          %swap3A_394 = tpu.vector_load %arg10[%swap3A_392, %swap3A_393] {strides = array<i32>} : memref<125x128xf32, #tpu.memory_space<vmem>>, vector<16xf32>,
          tpu.vector_store %arg10[%swap3A_392, %swap3A_393], %mul3A_389 {strides = array<i32>} : memref<125x128xf32, #tpu.memory_space<vmem>>, vector<16xf32>,
          %add3A_395 = arith.constant 3 : i32
          %add3A_396 = arith.addi %add3A_88, %add3A_395 : i32
          %get3A_397 = arith.index_cast %add3A_396 : i32 to index
          %get3A_398 = arith.constant 16 : index
          %get3A_399 = tpu.vector_load %arg10[%get3A_397, %get3A_398] {strides = array<i32>} : memref<125x128xf32, #tpu.memory_space<vmem>>, vector<16xf32>,
          %mul3A_400 = arith.mulf %get3A_399, %gather3A_114 : vector<16xf32>
          %add3A_401 = arith.constant 3 : i32
          %add3A_402 = arith.addi %add3A_88, %add3A_401 : i32
          %swap3A_403 = arith.index_cast %add3A_402 : i32 to index
          %swap3A_404 = arith.constant 16 : index
          %swap3A_405 = tpu.vector_load %arg10[%swap3A_403, %swap3A_404] {strides = array<i32>} : memref<125x128xf32, #tpu.memory_space<vmem>>, vector<16xf32>,
          tpu.vector_store %arg10[%swap3A_403, %swap3A_404], %mul3A_400 {strides = array<i32>} : memref<125x128xf32, #tpu.memory_space<vmem>>, vector<16xf32>,
          %add3A_406 = arith.constant 3 : i32
          %add3A_407 = arith.addi %add3A_88, %add3A_406 : i32
          %get3A_408 = arith.index_cast %add3A_407 : i32 to index
          %get3A_409 = arith.constant 32 : index
          %get3A_410 = tpu.vector_load %arg10[%get3A_408, %get3A_409] {strides = array<i32>} : memref<125x128xf32, #tpu.memory_space<vmem>>, vector<16xf32>,
          %mul3A_411 = arith.mulf %get3A_410, %gather3A_114 : vector<16xf32>
          %add3A_412 = arith.constant 3 : i32
          %add3A_413 = arith.addi %add3A_88, %add3A_412 : i32
          %swap3A_414 = arith.index_cast %add3A_413 : i32 to index
          %swap3A_415 = arith.constant 32 : index
          %swap3A_416 = tpu.vector_load %arg10[%swap3A_414, %swap3A_415] {strides = array<i32>} : memref<125x128xf32, #tpu.memory_space<vmem>>, vector<16xf32>,
          tpu.vector_store %arg10[%swap3A_414, %swap3A_415], %mul3A_411 {strides = array<i32>} : memref<125x128xf32, #tpu.memory_space<vmem>>, vector<16xf32>,
          %add3A_417 = arith.constant 3 : i32
          %add3A_418 = arith.addi %add3A_88, %add3A_417 : i32
          %get3A_419 = arith.index_cast %add3A_418 : i32 to index
          %get3A_420 = arith.constant 48 : index
          %get3A_421 = tpu.vector_load %arg10[%get3A_419, %get3A_420] {strides = array<i32>} : memref<125x128xf32, #tpu.memory_space<vmem>>, vector<16xf32>,
          %mul3A_422 = arith.mulf %get3A_421, %gather3A_114 : vector<16xf32>
          %add3A_423 = arith.constant 3 : i32
          %add3A_424 = arith.addi %add3A_88, %add3A_423 : i32
          %swap3A_425 = arith.index_cast %add3A_424 : i32 to index
          %swap3A_426 = arith.constant 48 : index
          %swap3A_427 = tpu.vector_load %arg10[%swap3A_425, %swap3A_426] {strides = array<i32>} : memref<125x128xf32, #tpu.memory_space<vmem>>, vector<16xf32>,
          tpu.vector_store %arg10[%swap3A_425, %swap3A_426], %mul3A_422 {strides = array<i32>} : memref<125x128xf32, #tpu.memory_space<vmem>>, vector<16xf32>,
          %add3A_428 = arith.constant 3 : i32
          %add3A_429 = arith.addi %add3A_88, %add3A_428 : i32
          %get3A_430 = arith.index_cast %add3A_429 : i32 to index
          %get3A_431 = arith.constant 64 : index
          %get3A_432 = tpu.vector_load %arg10[%get3A_430, %get3A_431] {strides = array<i32>} : memref<125x128xf32, #tpu.memory_space<vmem>>, vector<16xf32>,
          %mul3A_433 = arith.mulf %get3A_432, %gather3A_114 : vector<16xf32>
          %add3A_434 = arith.constant 3 : i32
          %add3A_435 = arith.addi %add3A_88, %add3A_434 : i32
          %swap3A_436 = arith.index_cast %add3A_435 : i32 to index
          %swap3A_437 = arith.constant 64 : index
          %swap3A_438 = tpu.vector_load %arg10[%swap3A_436, %swap3A_437] {strides = array<i32>} : memref<125x128xf32, #tpu.memory_space<vmem>>, vector<16xf32>,
          tpu.vector_store %arg10[%swap3A_436, %swap3A_437], %mul3A_433 {strides = array<i32>} : memref<125x128xf32, #tpu.memory_space<vmem>>, vector<16xf32>,
          %add3A_439 = arith.constant 3 : i32
          %add3A_440 = arith.addi %add3A_88, %add3A_439 : i32
          %get3A_441 = arith.index_cast %add3A_440 : i32 to index
          %get3A_442 = arith.constant 80 : index
          %get3A_443 = tpu.vector_load %arg10[%get3A_441, %get3A_442] {strides = array<i32>} : memref<125x128xf32, #tpu.memory_space<vmem>>, vector<16xf32>,
          %mul3A_444 = arith.mulf %get3A_443, %gather3A_114 : vector<16xf32>
          %add3A_445 = arith.constant 3 : i32
          %add3A_446 = arith.addi %add3A_88, %add3A_445 : i32
          %swap3A_447 = arith.index_cast %add3A_446 : i32 to index
          %swap3A_448 = arith.constant 80 : index
          %swap3A_449 = tpu.vector_load %arg10[%swap3A_447, %swap3A_448] {strides = array<i32>} : memref<125x128xf32, #tpu.memory_space<vmem>>, vector<16xf32>,
          tpu.vector_store %arg10[%swap3A_447, %swap3A_448], %mul3A_444 {strides = array<i32>} : memref<125x128xf32, #tpu.memory_space<vmem>>, vector<16xf32>,
          %add3A_450 = arith.constant 3 : i32
          %add3A_451 = arith.addi %add3A_88, %add3A_450 : i32
          %get3A_452 = arith.index_cast %add3A_451 : i32 to index
          %get3A_453 = arith.constant 96 : index
          %get3A_454 = tpu.vector_load %arg10[%get3A_452, %get3A_453] {strides = array<i32>} : memref<125x128xf32, #tpu.memory_space<vmem>>, vector<16xf32>,
          %mul3A_455 = arith.mulf %get3A_454, %gather3A_114 : vector<16xf32>
          %add3A_456 = arith.constant 3 : i32
          %add3A_457 = arith.addi %add3A_88, %add3A_456 : i32
          %swap3A_458 = arith.index_cast %add3A_457 : i32 to index
          %swap3A_459 = arith.constant 96 : index
          %swap3A_460 = tpu.vector_load %arg10[%swap3A_458, %swap3A_459] {strides = array<i32>} : memref<125x128xf32, #tpu.memory_space<vmem>>, vector<16xf32>,
          tpu.vector_store %arg10[%swap3A_458, %swap3A_459], %mul3A_455 {strides = array<i32>} : memref<125x128xf32, #tpu.memory_space<vmem>>, vector<16xf32>,
          %add3A_461 = arith.constant 3 : i32
          %add3A_462 = arith.addi %add3A_88, %add3A_461 : i32
          %get3A_463 = arith.index_cast %add3A_462 : i32 to index
          %get3A_464 = arith.constant 112 : index
          %get3A_465 = tpu.vector_load %arg10[%get3A_463, %get3A_464] {strides = array<i32>} : memref<125x128xf32, #tpu.memory_space<vmem>>, vector<16xf32>,
          %mul3A_466 = arith.mulf %get3A_465, %gather3A_114 : vector<16xf32>
          %add3A_467 = arith.constant 3 : i32
          %add3A_468 = arith.addi %add3A_88, %add3A_467 : i32
          %swap3A_469 = arith.index_cast %add3A_468 : i32 to index
          %swap3A_470 = arith.constant 112 : index
          %swap3A_471 = tpu.vector_load %arg10[%swap3A_469, %swap3A_470] {strides = array<i32>} : memref<125x128xf32, #tpu.memory_space<vmem>>, vector<16xf32>,
          tpu.vector_store %arg10[%swap3A_469, %swap3A_470], %mul3A_466 {strides = array<i32>} : memref<125x128xf32, #tpu.memory_space<vmem>>, vector<16xf32>,
          %add3A_472 = arith.constant 4 : i32
          %add3A_473 = arith.addi %add3A_88, %add3A_472 : i32
          %get3A_474 = arith.index_cast %add3A_473 : i32 to index
          %get3A_475 = arith.constant 0 : index
          %get3A_476 = tpu.vector_load %arg10[%get3A_474, %get3A_475] {strides = array<i32>} : memref<125x128xf32, #tpu.memory_space<vmem>>, vector<16xf32>,
          %mul3A_477 = arith.mulf %get3A_476, %gather3A_121 : vector<16xf32>
          %add3A_478 = arith.constant 4 : i32
          %add3A_479 = arith.addi %add3A_88, %add3A_478 : i32
          %swap3A_480 = arith.index_cast %add3A_479 : i32 to index
          %swap3A_481 = arith.constant 0 : index
          %swap3A_482 = tpu.vector_load %arg10[%swap3A_480, %swap3A_481] {strides = array<i32>} : memref<125x128xf32, #tpu.memory_space<vmem>>, vector<16xf32>,
          tpu.vector_store %arg10[%swap3A_480, %swap3A_481], %mul3A_477 {strides = array<i32>} : memref<125x128xf32, #tpu.memory_space<vmem>>, vector<16xf32>,
          %add3A_483 = arith.constant 4 : i32
          %add3A_484 = arith.addi %add3A_88, %add3A_483 : i32
          %get3A_485 = arith.index_cast %add3A_484 : i32 to index
          %get3A_486 = arith.constant 16 : index
          %get3A_487 = tpu.vector_load %arg10[%get3A_485, %get3A_486] {strides = array<i32>} : memref<125x128xf32, #tpu.memory_space<vmem>>, vector<16xf32>,
          %mul3A_488 = arith.mulf %get3A_487, %gather3A_121 : vector<16xf32>
          %add3A_489 = arith.constant 4 : i32
          %add3A_490 = arith.addi %add3A_88, %add3A_489 : i32
          %swap3A_491 = arith.index_cast %add3A_490 : i32 to index
          %swap3A_492 = arith.constant 16 : index
          %swap3A_493 = tpu.vector_load %arg10[%swap3A_491, %swap3A_492] {strides = array<i32>} : memref<125x128xf32, #tpu.memory_space<vmem>>, vector<16xf32>,
          tpu.vector_store %arg10[%swap3A_491, %swap3A_492], %mul3A_488 {strides = array<i32>} : memref<125x128xf32, #tpu.memory_space<vmem>>, vector<16xf32>,
          %add3A_494 = arith.constant 4 : i32
          %add3A_495 = arith.addi %add3A_88, %add3A_494 : i32
          %get3A_496 = arith.index_cast %add3A_495 : i32 to index
          %get3A_497 = arith.constant 32 : index
          %get3A_498 = tpu.vector_load %arg10[%get3A_496, %get3A_497] {strides = array<i32>} : memref<125x128xf32, #tpu.memory_space<vmem>>, vector<16xf32>,
          %mul3A_499 = arith.mulf %get3A_498, %gather3A_121 : vector<16xf32>
          %add3A_500 = arith.constant 4 : i32
          %add3A_501 = arith.addi %add3A_88, %add3A_500 : i32
          %swap3A_502 = arith.index_cast %add3A_501 : i32 to index
          %swap3A_503 = arith.constant 32 : index
          %swap3A_504 = tpu.vector_load %arg10[%swap3A_502, %swap3A_503] {strides = array<i32>} : memref<125x128xf32, #tpu.memory_space<vmem>>, vector<16xf32>,
          tpu.vector_store %arg10[%swap3A_502, %swap3A_503], %mul3A_499 {strides = array<i32>} : memref<125x128xf32, #tpu.memory_space<vmem>>, vector<16xf32>,
          %add3A_505 = arith.constant 4 : i32
          %add3A_506 = arith.addi %add3A_88, %add3A_505 : i32
          %get3A_507 = arith.index_cast %add3A_506 : i32 to index
          %get3A_508 = arith.constant 48 : index
          %get3A_509 = tpu.vector_load %arg10[%get3A_507, %get3A_508] {strides = array<i32>} : memref<125x128xf32, #tpu.memory_space<vmem>>, vector<16xf32>,
          %mul3A_510 = arith.mulf %get3A_509, %gather3A_121 : vector<16xf32>
          %add3A_511 = arith.constant 4 : i32
          %add3A_512 = arith.addi %add3A_88, %add3A_511 : i32
          %swap3A_513 = arith.index_cast %add3A_512 : i32 to index
          %swap3A_514 = arith.constant 48 : index
          %swap3A_515 = tpu.vector_load %arg10[%swap3A_513, %swap3A_514] {strides = array<i32>} : memref<125x128xf32, #tpu.memory_space<vmem>>, vector<16xf32>,
          tpu.vector_store %arg10[%swap3A_513, %swap3A_514], %mul3A_510 {strides = array<i32>} : memref<125x128xf32, #tpu.memory_space<vmem>>, vector<16xf32>,
          %add3A_516 = arith.constant 4 : i32
          %add3A_517 = arith.addi %add3A_88, %add3A_516 : i32
          %get3A_518 = arith.index_cast %add3A_517 : i32 to index
          %get3A_519 = arith.constant 64 : index
          %get3A_520 = tpu.vector_load %arg10[%get3A_518, %get3A_519] {strides = array<i32>} : memref<125x128xf32, #tpu.memory_space<vmem>>, vector<16xf32>,
          %mul3A_521 = arith.mulf %get3A_520, %gather3A_121 : vector<16xf32>
          %add3A_522 = arith.constant 4 : i32
          %add3A_523 = arith.addi %add3A_88, %add3A_522 : i32
          %swap3A_524 = arith.index_cast %add3A_523 : i32 to index
          %swap3A_525 = arith.constant 64 : index
          %swap3A_526 = tpu.vector_load %arg10[%swap3A_524, %swap3A_525] {strides = array<i32>} : memref<125x128xf32, #tpu.memory_space<vmem>>, vector<16xf32>,
          tpu.vector_store %arg10[%swap3A_524, %swap3A_525], %mul3A_521 {strides = array<i32>} : memref<125x128xf32, #tpu.memory_space<vmem>>, vector<16xf32>,
          %add3A_527 = arith.constant 4 : i32
          %add3A_528 = arith.addi %add3A_88, %add3A_527 : i32
          %get3A_529 = arith.index_cast %add3A_528 : i32 to index
          %get3A_530 = arith.constant 80 : index
          %get3A_531 = tpu.vector_load %arg10[%get3A_529, %get3A_530] {strides = array<i32>} : memref<125x128xf32, #tpu.memory_space<vmem>>, vector<16xf32>,
          %mul3A_532 = arith.mulf %get3A_531, %gather3A_121 : vector<16xf32>
          %add3A_533 = arith.constant 4 : i32
          %add3A_534 = arith.addi %add3A_88, %add3A_533 : i32
          %swap3A_535 = arith.index_cast %add3A_534 : i32 to index
          %swap3A_536 = arith.constant 80 : index
          %swap3A_537 = tpu.vector_load %arg10[%swap3A_535, %swap3A_536] {strides = array<i32>} : memref<125x128xf32, #tpu.memory_space<vmem>>, vector<16xf32>,
          tpu.vector_store %arg10[%swap3A_535, %swap3A_536], %mul3A_532 {strides = array<i32>} : memref<125x128xf32, #tpu.memory_space<vmem>>, vector<16xf32>,
          %add3A_538 = arith.constant 4 : i32
          %add3A_539 = arith.addi %add3A_88, %add3A_538 : i32
          %get3A_540 = arith.index_cast %add3A_539 : i32 to index
          %get3A_541 = arith.constant 96 : index
          %get3A_542 = tpu.vector_load %arg10[%get3A_540, %get3A_541] {strides = array<i32>} : memref<125x128xf32, #tpu.memory_space<vmem>>, vector<16xf32>,
          %mul3A_543 = arith.mulf %get3A_542, %gather3A_121 : vector<16xf32>
          %add3A_544 = arith.constant 4 : i32
          %add3A_545 = arith.addi %add3A_88, %add3A_544 : i32
          %swap3A_546 = arith.index_cast %add3A_545 : i32 to index
          %swap3A_547 = arith.constant 96 : index
          %swap3A_548 = tpu.vector_load %arg10[%swap3A_546, %swap3A_547] {strides = array<i32>} : memref<125x128xf32, #tpu.memory_space<vmem>>, vector<16xf32>,
          tpu.vector_store %arg10[%swap3A_546, %swap3A_547], %mul3A_543 {strides = array<i32>} : memref<125x128xf32, #tpu.memory_space<vmem>>, vector<16xf32>,
          %add3A_549 = arith.constant 4 : i32
          %add3A_550 = arith.addi %add3A_88, %add3A_549 : i32
          %get3A_551 = arith.index_cast %add3A_550 : i32 to index
          %get3A_552 = arith.constant 112 : index
          %get3A_553 = tpu.vector_load %arg10[%get3A_551, %get3A_552] {strides = array<i32>} : memref<125x128xf32, #tpu.memory_space<vmem>>, vector<16xf32>,
          %mul3A_554 = arith.mulf %get3A_553, %gather3A_121 : vector<16xf32>
          %add3A_555 = arith.constant 4 : i32
          %add3A_556 = arith.addi %add3A_88, %add3A_555 : i32
          %swap3A_557 = arith.index_cast %add3A_556 : i32 to index
          %swap3A_558 = arith.constant 112 : index
          %swap3A_559 = tpu.vector_load %arg10[%swap3A_557, %swap3A_558] {strides = array<i32>} : memref<125x128xf32, #tpu.memory_space<vmem>>, vector<16xf32>,
          tpu.vector_store %arg10[%swap3A_557, %swap3A_558], %mul3A_554 {strides = array<i32>} : memref<125x128xf32, #tpu.memory_space<vmem>>, vector<16xf32>,
        }
        %scan3A_60 = arith.constant 25 : i32
        "tpu.region"() ({
          %run_scoped3A = tpu.sem_alloc : memref<!tpu.dma_semaphore, #tpu.memory_space<semaphore_mem>>
          %dma_start3A_84 = arith.constant 0 : i32
          %dma_start3A_85 = tpu.memref_slice %arg8[%add3A_42, %dma_start3A_84] : memref<16x125xi32, #tpu.memory_space<vmem>> -> memref<1x125xi32, #tpu.memory_space<vmem>>
          %dma_start3A_86 = tpu.memref_squeeze %dma_start3A_85 : memref<1x125xi32, #tpu.memory_space<vmem>> -> memref<125xi32, #tpu.memory_space<vmem>>
          %dma_start3A_87 = arith.constant 0 : i32
          %dma_start3A_88 = arith.constant 0 : i32
          %dma_start3A_89 = tpu.memref_slice %arg12[%dma_start3A_87, %dma_start3A_88] : memref<10000x128xf32, #tpu.memory_space<vmem_shared>> -> memref<10000x128xf32, #tpu.memory_space<vmem_shared>>
          tpu.enqueue_indirect_dma source(%arg10 : memref<125x128xf32, #tpu.memory_space<vmem>>) target(%dma_start3A_89 : memref<10000x128xf32, #tpu.memory_space<vmem_shared>>) offsets(%dma_start3A_86 : memref<125xi32, #tpu.memory_space<vmem>>) semaphore(%run_scoped3A : memref<!tpu.dma_semaphore, #tpu.memory_space<semaphore_mem>>) {add = true}
          %dma_wait3A_90 = arith.constant 0 : i32
          %dma_wait3A_91 = tpu.memref_slice %arg8[%add3A_42, %dma_wait3A_90] : memref<16x125xi32, #tpu.memory_space<vmem>> -> memref<1x125xi32, #tpu.memory_space<vmem>>
          %dma_wait3A_92 = tpu.memref_squeeze %dma_wait3A_91 : memref<1x125xi32, #tpu.memory_space<vmem>> -> memref<125xi32, #tpu.memory_space<vmem>>
          %dma_wait3A_93 = arith.constant 0 : i32
          %dma_wait3A_94 = arith.constant 0 : i32
          %dma_wait3A_95 = tpu.memref_slice %arg12[%dma_wait3A_93, %dma_wait3A_94] : memref<10000x128xf32, #tpu.memory_space<vmem_shared>> -> memref<10000x128xf32, #tpu.memory_space<vmem_shared>>
          tpu.wait_indirect_dma semaphore(%run_scoped3A : memref<!tpu.dma_semaphore, #tpu.memory_space<semaphore_mem>>) src(%arg10 : memref<125x128xf32, #tpu.memory_space<vmem>>) dst(%dma_wait3A_95 : memref<10000x128xf32, #tpu.memory_space<vmem_shared>>)
          tpu.yield
        }) : () -> ()
        %add3A_61 = arith.constant 1 : i32
        %add3A_62 = arith.addi %add3A_42, %add3A_61 : i32
        %dma_wait3A_63 = arith.constant 0 : i32
        %dma_wait3A_64 = tpu.memref_slice %arg7[%add3A_62, %dma_wait3A_63] : memref<16x125xi32, #tpu.memory_space<vmem>> -> memref<1x125xi32, #tpu.memory_space<vmem>>
        %dma_wait3A_65 = tpu.memref_squeeze %dma_wait3A_64 : memref<1x125xi32, #tpu.memory_space<vmem>> -> memref<125xi32, #tpu.memory_space<vmem>>
        %dma_wait3A_66 = arith.constant 0 : i32
        %dma_wait3A_67 = arith.constant 0 : i32
        %dma_wait3A_68 = tpu.memref_slice %arg2[%dma_wait3A_66, %dma_wait3A_67] : memref<10000x128xf32, #tpu.memory_space<hbm>> -> memref<10000x128xf32, #tpu.memory_space<hbm>>
        tpu.wait_indirect_dma semaphore(%arg14 : memref<!tpu.dma_semaphore, #tpu.memory_space<semaphore_mem>>) src(%dma_wait3A_68 : memref<10000x128xf32, #tpu.memory_space<hbm>>) dst(%arg11 : memref<125x128xf32, #tpu.memory_space<vmem>>)
        %add3A_69 = arith.constant 2 : i32
        %add3A_70 = arith.addi %add3A_42, %add3A_69 : i32
        %lt3A = arith.constant 16 : i32
        %lt3A_71 = arith.cmpi slt, %add3A_70, %lt3A : i32
        %convert_element_type3A_72 = arith.extui %lt3A_71 : i1 to i32
        %cond3A_73 = arith.constant 0 : i32
        %cond3A_74 = arith.cmpi ne, %convert_element_type3A_72, %cond3A_73 : i32
        scf.if %cond3A_74 {
          %add3A_84 = arith.constant 2 : i32
          %add3A_85 = arith.addi %add3A_42, %add3A_84 : i32
          %dma_start3A_86 = arith.constant 0 : i32
          %dma_start3A_87 = tpu.memref_slice %arg7[%add3A_85, %dma_start3A_86] : memref<16x125xi32, #tpu.memory_space<vmem>> -> memref<1x125xi32, #tpu.memory_space<vmem>>
          %dma_start3A_88 = tpu.memref_squeeze %dma_start3A_87 : memref<1x125xi32, #tpu.memory_space<vmem>> -> memref<125xi32, #tpu.memory_space<vmem>>
          %dma_start3A_89 = arith.constant 0 : i32
          %dma_start3A_90 = arith.constant 0 : i32
          %dma_start3A_91 = tpu.memref_slice %arg2[%dma_start3A_89, %dma_start3A_90] : memref<10000x128xf32, #tpu.memory_space<hbm>> -> memref<10000x128xf32, #tpu.memory_space<hbm>>
          tpu.enqueue_indirect_dma source(%dma_start3A_91 : memref<10000x128xf32, #tpu.memory_space<hbm>>) target(%arg10 : memref<125x128xf32, #tpu.memory_space<vmem>>) offsets(%dma_start3A_88 : memref<125xi32, #tpu.memory_space<vmem>>) semaphore(%arg13 : memref<!tpu.dma_semaphore, #tpu.memory_space<semaphore_mem>>)
        } else {
        }
        %add3A_75 = arith.constant 1 : i32
        %add3A_76 = arith.addi %add3A_42, %add3A_75 : i32
        %scan3A_77 = arith.constant 0 : i32
        %scan3A_78 = arith.constant 25 : i32
        %scan3A_79 = arith.addi %scan3A_77, %scan3A_78 : i32
        %scan3A_80 = arith.constant 1 : i32
        scf.for %scan3A_84 = %scan3A_77 to %scan3A_79 step %scan3A_80  : i32 {
          %mul3A_85 = arith.constant 5 : i32
          %mul3A_86 = arith.muli %scan3A_84, %mul3A_85 : i32
          %add3A_87 = arith.constant 0 : i32
          %add3A_88 = arith.addi %add3A_87, %mul3A_86 : i32
          %add3A_89 = arith.constant 0 : i32
          %add3A_90 = arith.addi %add3A_88, %add3A_89 : i32
          %broadcast_in_dim3A = vector.broadcast %add3A_90 : i32 to vector<16xi32>
          %gather3A = arith.constant 0 : i32
          %gather3A_91 = tpu.memref_slice %arg9[%add3A_76, %gather3A] : memref<16x125xf32, #tpu.memory_space<vmem>> -> memref<1x125xf32, #tpu.memory_space<vmem>>
          %gather3A_92 = tpu.memref_squeeze %gather3A_91 : memref<1x125xf32, #tpu.memory_space<vmem>> -> memref<125xf32, #tpu.memory_space<vmem>>
          %gather3A_93 = tpu.vector_load_idx %gather3A_92[%broadcast_in_dim3A] : memref<125xf32, #tpu.memory_space<vmem>>[vector<16xi32>], vector<16xf32>,
          %add3A_94 = arith.constant 1 : i32
          %add3A_95 = arith.addi %add3A_88, %add3A_94 : i32
          %broadcast_in_dim3A_96 = vector.broadcast %add3A_95 : i32 to vector<16xi32>
          %gather3A_97 = arith.constant 0 : i32
          %gather3A_98 = tpu.memref_slice %arg9[%add3A_76, %gather3A_97] : memref<16x125xf32, #tpu.memory_space<vmem>> -> memref<1x125xf32, #tpu.memory_space<vmem>>
          %gather3A_99 = tpu.memref_squeeze %gather3A_98 : memref<1x125xf32, #tpu.memory_space<vmem>> -> memref<125xf32, #tpu.memory_space<vmem>>
          %gather3A_100 = tpu.vector_load_idx %gather3A_99[%broadcast_in_dim3A_96] : memref<125xf32, #tpu.memory_space<vmem>>[vector<16xi32>], vector<16xf32>,
          %add3A_101 = arith.constant 2 : i32
          %add3A_102 = arith.addi %add3A_88, %add3A_101 : i32
          %broadcast_in_dim3A_103 = vector.broadcast %add3A_102 : i32 to vector<16xi32>
          %gather3A_104 = arith.constant 0 : i32
          %gather3A_105 = tpu.memref_slice %arg9[%add3A_76, %gather3A_104] : memref<16x125xf32, #tpu.memory_space<vmem>> -> memref<1x125xf32, #tpu.memory_space<vmem>>
          %gather3A_106 = tpu.memref_squeeze %gather3A_105 : memref<1x125xf32, #tpu.memory_space<vmem>> -> memref<125xf32, #tpu.memory_space<vmem>>
          %gather3A_107 = tpu.vector_load_idx %gather3A_106[%broadcast_in_dim3A_103] : memref<125xf32, #tpu.memory_space<vmem>>[vector<16xi32>], vector<16xf32>,
          %add3A_108 = arith.constant 3 : i32
          %add3A_109 = arith.addi %add3A_88, %add3A_108 : i32
          %broadcast_in_dim3A_110 = vector.broadcast %add3A_109 : i32 to vector<16xi32>
          %gather3A_111 = arith.constant 0 : i32
          %gather3A_112 = tpu.memref_slice %arg9[%add3A_76, %gather3A_111] : memref<16x125xf32, #tpu.memory_space<vmem>> -> memref<1x125xf32, #tpu.memory_space<vmem>>
          %gather3A_113 = tpu.memref_squeeze %gather3A_112 : memref<1x125xf32, #tpu.memory_space<vmem>> -> memref<125xf32, #tpu.memory_space<vmem>>
          %gather3A_114 = tpu.vector_load_idx %gather3A_113[%broadcast_in_dim3A_110] : memref<125xf32, #tpu.memory_space<vmem>>[vector<16xi32>], vector<16xf32>,
          %add3A_115 = arith.constant 4 : i32
          %add3A_116 = arith.addi %add3A_88, %add3A_115 : i32
          %broadcast_in_dim3A_117 = vector.broadcast %add3A_116 : i32 to vector<16xi32>
          %gather3A_118 = arith.constant 0 : i32
          %gather3A_119 = tpu.memref_slice %arg9[%add3A_76, %gather3A_118] : memref<16x125xf32, #tpu.memory_space<vmem>> -> memref<1x125xf32, #tpu.memory_space<vmem>>
          %gather3A_120 = tpu.memref_squeeze %gather3A_119 : memref<1x125xf32, #tpu.memory_space<vmem>> -> memref<125xf32, #tpu.memory_space<vmem>>
          %gather3A_121 = tpu.vector_load_idx %gather3A_120[%broadcast_in_dim3A_117] : memref<125xf32, #tpu.memory_space<vmem>>[vector<16xi32>], vector<16xf32>,
          %add3A_122 = arith.constant 0 : i32
          %add3A_123 = arith.addi %add3A_88, %add3A_122 : i32
          %get3A = arith.index_cast %add3A_123 : i32 to index
          %get3A_124 = arith.constant 0 : index
          %get3A_125 = tpu.vector_load %arg11[%get3A, %get3A_124] {strides = array<i32>} : memref<125x128xf32, #tpu.memory_space<vmem>>, vector<16xf32>,
          %mul3A_126 = arith.mulf %get3A_125, %gather3A_93 : vector<16xf32>
          %add3A_127 = arith.constant 0 : i32
          %add3A_128 = arith.addi %add3A_88, %add3A_127 : i32
          %swap3A = arith.index_cast %add3A_128 : i32 to index
          %swap3A_129 = arith.constant 0 : index
          %swap3A_130 = tpu.vector_load %arg11[%swap3A, %swap3A_129] {strides = array<i32>} : memref<125x128xf32, #tpu.memory_space<vmem>>, vector<16xf32>,
          tpu.vector_store %arg11[%swap3A, %swap3A_129], %mul3A_126 {strides = array<i32>} : memref<125x128xf32, #tpu.memory_space<vmem>>, vector<16xf32>,
          %add3A_131 = arith.constant 0 : i32
          %add3A_132 = arith.addi %add3A_88, %add3A_131 : i32
          %get3A_133 = arith.index_cast %add3A_132 : i32 to index
          %get3A_134 = arith.constant 16 : index
          %get3A_135 = tpu.vector_load %arg11[%get3A_133, %get3A_134] {strides = array<i32>} : memref<125x128xf32, #tpu.memory_space<vmem>>, vector<16xf32>,
          %mul3A_136 = arith.mulf %get3A_135, %gather3A_93 : vector<16xf32>
          %add3A_137 = arith.constant 0 : i32
          %add3A_138 = arith.addi %add3A_88, %add3A_137 : i32
          %swap3A_139 = arith.index_cast %add3A_138 : i32 to index
          %swap3A_140 = arith.constant 16 : index
          %swap3A_141 = tpu.vector_load %arg11[%swap3A_139, %swap3A_140] {strides = array<i32>} : memref<125x128xf32, #tpu.memory_space<vmem>>, vector<16xf32>,
          tpu.vector_store %arg11[%swap3A_139, %swap3A_140], %mul3A_136 {strides = array<i32>} : memref<125x128xf32, #tpu.memory_space<vmem>>, vector<16xf32>,
          %add3A_142 = arith.constant 0 : i32
          %add3A_143 = arith.addi %add3A_88, %add3A_142 : i32
          %get3A_144 = arith.index_cast %add3A_143 : i32 to index
          %get3A_145 = arith.constant 32 : index
          %get3A_146 = tpu.vector_load %arg11[%get3A_144, %get3A_145] {strides = array<i32>} : memref<125x128xf32, #tpu.memory_space<vmem>>, vector<16xf32>,
          %mul3A_147 = arith.mulf %get3A_146, %gather3A_93 : vector<16xf32>
          %add3A_148 = arith.constant 0 : i32
          %add3A_149 = arith.addi %add3A_88, %add3A_148 : i32
          %swap3A_150 = arith.index_cast %add3A_149 : i32 to index
          %swap3A_151 = arith.constant 32 : index
          %swap3A_152 = tpu.vector_load %arg11[%swap3A_150, %swap3A_151] {strides = array<i32>} : memref<125x128xf32, #tpu.memory_space<vmem>>, vector<16xf32>,
          tpu.vector_store %arg11[%swap3A_150, %swap3A_151], %mul3A_147 {strides = array<i32>} : memref<125x128xf32, #tpu.memory_space<vmem>>, vector<16xf32>,
          %add3A_153 = arith.constant 0 : i32
          %add3A_154 = arith.addi %add3A_88, %add3A_153 : i32
          %get3A_155 = arith.index_cast %add3A_154 : i32 to index
          %get3A_156 = arith.constant 48 : index
          %get3A_157 = tpu.vector_load %arg11[%get3A_155, %get3A_156] {strides = array<i32>} : memref<125x128xf32, #tpu.memory_space<vmem>>, vector<16xf32>,
          %mul3A_158 = arith.mulf %get3A_157, %gather3A_93 : vector<16xf32>
          %add3A_159 = arith.constant 0 : i32
          %add3A_160 = arith.addi %add3A_88, %add3A_159 : i32
          %swap3A_161 = arith.index_cast %add3A_160 : i32 to index
          %swap3A_162 = arith.constant 48 : index
          %swap3A_163 = tpu.vector_load %arg11[%swap3A_161, %swap3A_162] {strides = array<i32>} : memref<125x128xf32, #tpu.memory_space<vmem>>, vector<16xf32>,
          tpu.vector_store %arg11[%swap3A_161, %swap3A_162], %mul3A_158 {strides = array<i32>} : memref<125x128xf32, #tpu.memory_space<vmem>>, vector<16xf32>,
          %add3A_164 = arith.constant 0 : i32
          %add3A_165 = arith.addi %add3A_88, %add3A_164 : i32
          %get3A_166 = arith.index_cast %add3A_165 : i32 to index
          %get3A_167 = arith.constant 64 : index
          %get3A_168 = tpu.vector_load %arg11[%get3A_166, %get3A_167] {strides = array<i32>} : memref<125x128xf32, #tpu.memory_space<vmem>>, vector<16xf32>,
          %mul3A_169 = arith.mulf %get3A_168, %gather3A_93 : vector<16xf32>
          %add3A_170 = arith.constant 0 : i32
          %add3A_171 = arith.addi %add3A_88, %add3A_170 : i32
          %swap3A_172 = arith.index_cast %add3A_171 : i32 to index
          %swap3A_173 = arith.constant 64 : index
          %swap3A_174 = tpu.vector_load %arg11[%swap3A_172, %swap3A_173] {strides = array<i32>} : memref<125x128xf32, #tpu.memory_space<vmem>>, vector<16xf32>,
          tpu.vector_store %arg11[%swap3A_172, %swap3A_173], %mul3A_169 {strides = array<i32>} : memref<125x128xf32, #tpu.memory_space<vmem>>, vector<16xf32>,
          %add3A_175 = arith.constant 0 : i32
          %add3A_176 = arith.addi %add3A_88, %add3A_175 : i32
          %get3A_177 = arith.index_cast %add3A_176 : i32 to index
          %get3A_178 = arith.constant 80 : index
          %get3A_179 = tpu.vector_load %arg11[%get3A_177, %get3A_178] {strides = array<i32>} : memref<125x128xf32, #tpu.memory_space<vmem>>, vector<16xf32>,
          %mul3A_180 = arith.mulf %get3A_179, %gather3A_93 : vector<16xf32>
          %add3A_181 = arith.constant 0 : i32
          %add3A_182 = arith.addi %add3A_88, %add3A_181 : i32
          %swap3A_183 = arith.index_cast %add3A_182 : i32 to index
          %swap3A_184 = arith.constant 80 : index
          %swap3A_185 = tpu.vector_load %arg11[%swap3A_183, %swap3A_184] {strides = array<i32>} : memref<125x128xf32, #tpu.memory_space<vmem>>, vector<16xf32>,
          tpu.vector_store %arg11[%swap3A_183, %swap3A_184], %mul3A_180 {strides = array<i32>} : memref<125x128xf32, #tpu.memory_space<vmem>>, vector<16xf32>,
          %add3A_186 = arith.constant 0 : i32
          %add3A_187 = arith.addi %add3A_88, %add3A_186 : i32
          %get3A_188 = arith.index_cast %add3A_187 : i32 to index
          %get3A_189 = arith.constant 96 : index
          %get3A_190 = tpu.vector_load %arg11[%get3A_188, %get3A_189] {strides = array<i32>} : memref<125x128xf32, #tpu.memory_space<vmem>>, vector<16xf32>,
          %mul3A_191 = arith.mulf %get3A_190, %gather3A_93 : vector<16xf32>
          %add3A_192 = arith.constant 0 : i32
          %add3A_193 = arith.addi %add3A_88, %add3A_192 : i32
          %swap3A_194 = arith.index_cast %add3A_193 : i32 to index
          %swap3A_195 = arith.constant 96 : index
          %swap3A_196 = tpu.vector_load %arg11[%swap3A_194, %swap3A_195] {strides = array<i32>} : memref<125x128xf32, #tpu.memory_space<vmem>>, vector<16xf32>,
          tpu.vector_store %arg11[%swap3A_194, %swap3A_195], %mul3A_191 {strides = array<i32>} : memref<125x128xf32, #tpu.memory_space<vmem>>, vector<16xf32>,
          %add3A_197 = arith.constant 0 : i32
          %add3A_198 = arith.addi %add3A_88, %add3A_197 : i32
          %get3A_199 = arith.index_cast %add3A_198 : i32 to index
          %get3A_200 = arith.constant 112 : index
          %get3A_201 = tpu.vector_load %arg11[%get3A_199, %get3A_200] {strides = array<i32>} : memref<125x128xf32, #tpu.memory_space<vmem>>, vector<16xf32>,
          %mul3A_202 = arith.mulf %get3A_201, %gather3A_93 : vector<16xf32>
          %add3A_203 = arith.constant 0 : i32
          %add3A_204 = arith.addi %add3A_88, %add3A_203 : i32
          %swap3A_205 = arith.index_cast %add3A_204 : i32 to index
          %swap3A_206 = arith.constant 112 : index
          %swap3A_207 = tpu.vector_load %arg11[%swap3A_205, %swap3A_206] {strides = array<i32>} : memref<125x128xf32, #tpu.memory_space<vmem>>, vector<16xf32>,
          tpu.vector_store %arg11[%swap3A_205, %swap3A_206], %mul3A_202 {strides = array<i32>} : memref<125x128xf32, #tpu.memory_space<vmem>>, vector<16xf32>,
          %add3A_208 = arith.constant 1 : i32
          %add3A_209 = arith.addi %add3A_88, %add3A_208 : i32
          %get3A_210 = arith.index_cast %add3A_209 : i32 to index
          %get3A_211 = arith.constant 0 : index
          %get3A_212 = tpu.vector_load %arg11[%get3A_210, %get3A_211] {strides = array<i32>} : memref<125x128xf32, #tpu.memory_space<vmem>>, vector<16xf32>,
          %mul3A_213 = arith.mulf %get3A_212, %gather3A_100 : vector<16xf32>
          %add3A_214 = arith.constant 1 : i32
          %add3A_215 = arith.addi %add3A_88, %add3A_214 : i32
          %swap3A_216 = arith.index_cast %add3A_215 : i32 to index
          %swap3A_217 = arith.constant 0 : index
          %swap3A_218 = tpu.vector_load %arg11[%swap3A_216, %swap3A_217] {strides = array<i32>} : memref<125x128xf32, #tpu.memory_space<vmem>>, vector<16xf32>,
          tpu.vector_store %arg11[%swap3A_216, %swap3A_217], %mul3A_213 {strides = array<i32>} : memref<125x128xf32, #tpu.memory_space<vmem>>, vector<16xf32>,
          %add3A_219 = arith.constant 1 : i32
          %add3A_220 = arith.addi %add3A_88, %add3A_219 : i32
          %get3A_221 = arith.index_cast %add3A_220 : i32 to index
          %get3A_222 = arith.constant 16 : index
          %get3A_223 = tpu.vector_load %arg11[%get3A_221, %get3A_222] {strides = array<i32>} : memref<125x128xf32, #tpu.memory_space<vmem>>, vector<16xf32>,
          %mul3A_224 = arith.mulf %get3A_223, %gather3A_100 : vector<16xf32>
          %add3A_225 = arith.constant 1 : i32
          %add3A_226 = arith.addi %add3A_88, %add3A_225 : i32
          %swap3A_227 = arith.index_cast %add3A_226 : i32 to index
          %swap3A_228 = arith.constant 16 : index
          %swap3A_229 = tpu.vector_load %arg11[%swap3A_227, %swap3A_228] {strides = array<i32>} : memref<125x128xf32, #tpu.memory_space<vmem>>, vector<16xf32>,
          tpu.vector_store %arg11[%swap3A_227, %swap3A_228], %mul3A_224 {strides = array<i32>} : memref<125x128xf32, #tpu.memory_space<vmem>>, vector<16xf32>,
          %add3A_230 = arith.constant 1 : i32
          %add3A_231 = arith.addi %add3A_88, %add3A_230 : i32
          %get3A_232 = arith.index_cast %add3A_231 : i32 to index
          %get3A_233 = arith.constant 32 : index
          %get3A_234 = tpu.vector_load %arg11[%get3A_232, %get3A_233] {strides = array<i32>} : memref<125x128xf32, #tpu.memory_space<vmem>>, vector<16xf32>,
          %mul3A_235 = arith.mulf %get3A_234, %gather3A_100 : vector<16xf32>
          %add3A_236 = arith.constant 1 : i32
          %add3A_237 = arith.addi %add3A_88, %add3A_236 : i32
          %swap3A_238 = arith.index_cast %add3A_237 : i32 to index
          %swap3A_239 = arith.constant 32 : index
          %swap3A_240 = tpu.vector_load %arg11[%swap3A_238, %swap3A_239] {strides = array<i32>} : memref<125x128xf32, #tpu.memory_space<vmem>>, vector<16xf32>,
          tpu.vector_store %arg11[%swap3A_238, %swap3A_239], %mul3A_235 {strides = array<i32>} : memref<125x128xf32, #tpu.memory_space<vmem>>, vector<16xf32>,
          %add3A_241 = arith.constant 1 : i32
          %add3A_242 = arith.addi %add3A_88, %add3A_241 : i32
          %get3A_243 = arith.index_cast %add3A_242 : i32 to index
          %get3A_244 = arith.constant 48 : index
          %get3A_245 = tpu.vector_load %arg11[%get3A_243, %get3A_244] {strides = array<i32>} : memref<125x128xf32, #tpu.memory_space<vmem>>, vector<16xf32>,
          %mul3A_246 = arith.mulf %get3A_245, %gather3A_100 : vector<16xf32>
          %add3A_247 = arith.constant 1 : i32
          %add3A_248 = arith.addi %add3A_88, %add3A_247 : i32
          %swap3A_249 = arith.index_cast %add3A_248 : i32 to index
          %swap3A_250 = arith.constant 48 : index
          %swap3A_251 = tpu.vector_load %arg11[%swap3A_249, %swap3A_250] {strides = array<i32>} : memref<125x128xf32, #tpu.memory_space<vmem>>, vector<16xf32>,
          tpu.vector_store %arg11[%swap3A_249, %swap3A_250], %mul3A_246 {strides = array<i32>} : memref<125x128xf32, #tpu.memory_space<vmem>>, vector<16xf32>,
          %add3A_252 = arith.constant 1 : i32
          %add3A_253 = arith.addi %add3A_88, %add3A_252 : i32
          %get3A_254 = arith.index_cast %add3A_253 : i32 to index
          %get3A_255 = arith.constant 64 : index
          %get3A_256 = tpu.vector_load %arg11[%get3A_254, %get3A_255] {strides = array<i32>} : memref<125x128xf32, #tpu.memory_space<vmem>>, vector<16xf32>,
          %mul3A_257 = arith.mulf %get3A_256, %gather3A_100 : vector<16xf32>
          %add3A_258 = arith.constant 1 : i32
          %add3A_259 = arith.addi %add3A_88, %add3A_258 : i32
          %swap3A_260 = arith.index_cast %add3A_259 : i32 to index
          %swap3A_261 = arith.constant 64 : index
          %swap3A_262 = tpu.vector_load %arg11[%swap3A_260, %swap3A_261] {strides = array<i32>} : memref<125x128xf32, #tpu.memory_space<vmem>>, vector<16xf32>,
          tpu.vector_store %arg11[%swap3A_260, %swap3A_261], %mul3A_257 {strides = array<i32>} : memref<125x128xf32, #tpu.memory_space<vmem>>, vector<16xf32>,
          %add3A_263 = arith.constant 1 : i32
          %add3A_264 = arith.addi %add3A_88, %add3A_263 : i32
          %get3A_265 = arith.index_cast %add3A_264 : i32 to index
          %get3A_266 = arith.constant 80 : index
          %get3A_267 = tpu.vector_load %arg11[%get3A_265, %get3A_266] {strides = array<i32>} : memref<125x128xf32, #tpu.memory_space<vmem>>, vector<16xf32>,
          %mul3A_268 = arith.mulf %get3A_267, %gather3A_100 : vector<16xf32>
          %add3A_269 = arith.constant 1 : i32
          %add3A_270 = arith.addi %add3A_88, %add3A_269 : i32
          %swap3A_271 = arith.index_cast %add3A_270 : i32 to index
          %swap3A_272 = arith.constant 80 : index
          %swap3A_273 = tpu.vector_load %arg11[%swap3A_271, %swap3A_272] {strides = array<i32>} : memref<125x128xf32, #tpu.memory_space<vmem>>, vector<16xf32>,
          tpu.vector_store %arg11[%swap3A_271, %swap3A_272], %mul3A_268 {strides = array<i32>} : memref<125x128xf32, #tpu.memory_space<vmem>>, vector<16xf32>,
          %add3A_274 = arith.constant 1 : i32
          %add3A_275 = arith.addi %add3A_88, %add3A_274 : i32
          %get3A_276 = arith.index_cast %add3A_275 : i32 to index
          %get3A_277 = arith.constant 96 : index
          %get3A_278 = tpu.vector_load %arg11[%get3A_276, %get3A_277] {strides = array<i32>} : memref<125x128xf32, #tpu.memory_space<vmem>>, vector<16xf32>,
          %mul3A_279 = arith.mulf %get3A_278, %gather3A_100 : vector<16xf32>
          %add3A_280 = arith.constant 1 : i32
          %add3A_281 = arith.addi %add3A_88, %add3A_280 : i32
          %swap3A_282 = arith.index_cast %add3A_281 : i32 to index
          %swap3A_283 = arith.constant 96 : index
          %swap3A_284 = tpu.vector_load %arg11[%swap3A_282, %swap3A_283] {strides = array<i32>} : memref<125x128xf32, #tpu.memory_space<vmem>>, vector<16xf32>,
          tpu.vector_store %arg11[%swap3A_282, %swap3A_283], %mul3A_279 {strides = array<i32>} : memref<125x128xf32, #tpu.memory_space<vmem>>, vector<16xf32>,
          %add3A_285 = arith.constant 1 : i32
          %add3A_286 = arith.addi %add3A_88, %add3A_285 : i32
          %get3A_287 = arith.index_cast %add3A_286 : i32 to index
          %get3A_288 = arith.constant 112 : index
          %get3A_289 = tpu.vector_load %arg11[%get3A_287, %get3A_288] {strides = array<i32>} : memref<125x128xf32, #tpu.memory_space<vmem>>, vector<16xf32>,
          %mul3A_290 = arith.mulf %get3A_289, %gather3A_100 : vector<16xf32>
          %add3A_291 = arith.constant 1 : i32
          %add3A_292 = arith.addi %add3A_88, %add3A_291 : i32
          %swap3A_293 = arith.index_cast %add3A_292 : i32 to index
          %swap3A_294 = arith.constant 112 : index
          %swap3A_295 = tpu.vector_load %arg11[%swap3A_293, %swap3A_294] {strides = array<i32>} : memref<125x128xf32, #tpu.memory_space<vmem>>, vector<16xf32>,
          tpu.vector_store %arg11[%swap3A_293, %swap3A_294], %mul3A_290 {strides = array<i32>} : memref<125x128xf32, #tpu.memory_space<vmem>>, vector<16xf32>,
          %add3A_296 = arith.constant 2 : i32
          %add3A_297 = arith.addi %add3A_88, %add3A_296 : i32
          %get3A_298 = arith.index_cast %add3A_297 : i32 to index
          %get3A_299 = arith.constant 0 : index
          %get3A_300 = tpu.vector_load %arg11[%get3A_298, %get3A_299] {strides = array<i32>} : memref<125x128xf32, #tpu.memory_space<vmem>>, vector<16xf32>,
          %mul3A_301 = arith.mulf %get3A_300, %gather3A_107 : vector<16xf32>
          %add3A_302 = arith.constant 2 : i32
          %add3A_303 = arith.addi %add3A_88, %add3A_302 : i32
          %swap3A_304 = arith.index_cast %add3A_303 : i32 to index
          %swap3A_305 = arith.constant 0 : index
          %swap3A_306 = tpu.vector_load %arg11[%swap3A_304, %swap3A_305] {strides = array<i32>} : memref<125x128xf32, #tpu.memory_space<vmem>>, vector<16xf32>,
          tpu.vector_store %arg11[%swap3A_304, %swap3A_305], %mul3A_301 {strides = array<i32>} : memref<125x128xf32, #tpu.memory_space<vmem>>, vector<16xf32>,
          %add3A_307 = arith.constant 2 : i32
          %add3A_308 = arith.addi %add3A_88, %add3A_307 : i32
          %get3A_309 = arith.index_cast %add3A_308 : i32 to index
          %get3A_310 = arith.constant 16 : index
          %get3A_311 = tpu.vector_load %arg11[%get3A_309, %get3A_310] {strides = array<i32>} : memref<125x128xf32, #tpu.memory_space<vmem>>, vector<16xf32>,
          %mul3A_312 = arith.mulf %get3A_311, %gather3A_107 : vector<16xf32>
          %add3A_313 = arith.constant 2 : i32
          %add3A_314 = arith.addi %add3A_88, %add3A_313 : i32
          %swap3A_315 = arith.index_cast %add3A_314 : i32 to index
          %swap3A_316 = arith.constant 16 : index
          %swap3A_317 = tpu.vector_load %arg11[%swap3A_315, %swap3A_316] {strides = array<i32>} : memref<125x128xf32, #tpu.memory_space<vmem>>, vector<16xf32>,
          tpu.vector_store %arg11[%swap3A_315, %swap3A_316], %mul3A_312 {strides = array<i32>} : memref<125x128xf32, #tpu.memory_space<vmem>>, vector<16xf32>,
          %add3A_318 = arith.constant 2 : i32
          %add3A_319 = arith.addi %add3A_88, %add3A_318 : i32
          %get3A_320 = arith.index_cast %add3A_319 : i32 to index
          %get3A_321 = arith.constant 32 : index
          %get3A_322 = tpu.vector_load %arg11[%get3A_320, %get3A_321] {strides = array<i32>} : memref<125x128xf32, #tpu.memory_space<vmem>>, vector<16xf32>,
          %mul3A_323 = arith.mulf %get3A_322, %gather3A_107 : vector<16xf32>
          %add3A_324 = arith.constant 2 : i32
          %add3A_325 = arith.addi %add3A_88, %add3A_324 : i32
          %swap3A_326 = arith.index_cast %add3A_325 : i32 to index
          %swap3A_327 = arith.constant 32 : index
          %swap3A_328 = tpu.vector_load %arg11[%swap3A_326, %swap3A_327] {strides = array<i32>} : memref<125x128xf32, #tpu.memory_space<vmem>>, vector<16xf32>,
          tpu.vector_store %arg11[%swap3A_326, %swap3A_327], %mul3A_323 {strides = array<i32>} : memref<125x128xf32, #tpu.memory_space<vmem>>, vector<16xf32>,
          %add3A_329 = arith.constant 2 : i32
          %add3A_330 = arith.addi %add3A_88, %add3A_329 : i32
          %get3A_331 = arith.index_cast %add3A_330 : i32 to index
          %get3A_332 = arith.constant 48 : index
          %get3A_333 = tpu.vector_load %arg11[%get3A_331, %get3A_332] {strides = array<i32>} : memref<125x128xf32, #tpu.memory_space<vmem>>, vector<16xf32>,
          %mul3A_334 = arith.mulf %get3A_333, %gather3A_107 : vector<16xf32>
          %add3A_335 = arith.constant 2 : i32
          %add3A_336 = arith.addi %add3A_88, %add3A_335 : i32
          %swap3A_337 = arith.index_cast %add3A_336 : i32 to index
          %swap3A_338 = arith.constant 48 : index
          %swap3A_339 = tpu.vector_load %arg11[%swap3A_337, %swap3A_338] {strides = array<i32>} : memref<125x128xf32, #tpu.memory_space<vmem>>, vector<16xf32>,
          tpu.vector_store %arg11[%swap3A_337, %swap3A_338], %mul3A_334 {strides = array<i32>} : memref<125x128xf32, #tpu.memory_space<vmem>>, vector<16xf32>,
          %add3A_340 = arith.constant 2 : i32
          %add3A_341 = arith.addi %add3A_88, %add3A_340 : i32
          %get3A_342 = arith.index_cast %add3A_341 : i32 to index
          %get3A_343 = arith.constant 64 : index
          %get3A_344 = tpu.vector_load %arg11[%get3A_342, %get3A_343] {strides = array<i32>} : memref<125x128xf32, #tpu.memory_space<vmem>>, vector<16xf32>,
          %mul3A_345 = arith.mulf %get3A_344, %gather3A_107 : vector<16xf32>
          %add3A_346 = arith.constant 2 : i32
          %add3A_347 = arith.addi %add3A_88, %add3A_346 : i32
          %swap3A_348 = arith.index_cast %add3A_347 : i32 to index
          %swap3A_349 = arith.constant 64 : index
          %swap3A_350 = tpu.vector_load %arg11[%swap3A_348, %swap3A_349] {strides = array<i32>} : memref<125x128xf32, #tpu.memory_space<vmem>>, vector<16xf32>,
          tpu.vector_store %arg11[%swap3A_348, %swap3A_349], %mul3A_345 {strides = array<i32>} : memref<125x128xf32, #tpu.memory_space<vmem>>, vector<16xf32>,
          %add3A_351 = arith.constant 2 : i32
          %add3A_352 = arith.addi %add3A_88, %add3A_351 : i32
          %get3A_353 = arith.index_cast %add3A_352 : i32 to index
          %get3A_354 = arith.constant 80 : index
          %get3A_355 = tpu.vector_load %arg11[%get3A_353, %get3A_354] {strides = array<i32>} : memref<125x128xf32, #tpu.memory_space<vmem>>, vector<16xf32>,
          %mul3A_356 = arith.mulf %get3A_355, %gather3A_107 : vector<16xf32>
          %add3A_357 = arith.constant 2 : i32
          %add3A_358 = arith.addi %add3A_88, %add3A_357 : i32
          %swap3A_359 = arith.index_cast %add3A_358 : i32 to index
          %swap3A_360 = arith.constant 80 : index
          %swap3A_361 = tpu.vector_load %arg11[%swap3A_359, %swap3A_360] {strides = array<i32>} : memref<125x128xf32, #tpu.memory_space<vmem>>, vector<16xf32>,
          tpu.vector_store %arg11[%swap3A_359, %swap3A_360], %mul3A_356 {strides = array<i32>} : memref<125x128xf32, #tpu.memory_space<vmem>>, vector<16xf32>,
          %add3A_362 = arith.constant 2 : i32
          %add3A_363 = arith.addi %add3A_88, %add3A_362 : i32
          %get3A_364 = arith.index_cast %add3A_363 : i32 to index
          %get3A_365 = arith.constant 96 : index
          %get3A_366 = tpu.vector_load %arg11[%get3A_364, %get3A_365] {strides = array<i32>} : memref<125x128xf32, #tpu.memory_space<vmem>>, vector<16xf32>,
          %mul3A_367 = arith.mulf %get3A_366, %gather3A_107 : vector<16xf32>
          %add3A_368 = arith.constant 2 : i32
          %add3A_369 = arith.addi %add3A_88, %add3A_368 : i32
          %swap3A_370 = arith.index_cast %add3A_369 : i32 to index
          %swap3A_371 = arith.constant 96 : index
          %swap3A_372 = tpu.vector_load %arg11[%swap3A_370, %swap3A_371] {strides = array<i32>} : memref<125x128xf32, #tpu.memory_space<vmem>>, vector<16xf32>,
          tpu.vector_store %arg11[%swap3A_370, %swap3A_371], %mul3A_367 {strides = array<i32>} : memref<125x128xf32, #tpu.memory_space<vmem>>, vector<16xf32>,
          %add3A_373 = arith.constant 2 : i32
          %add3A_374 = arith.addi %add3A_88, %add3A_373 : i32
          %get3A_375 = arith.index_cast %add3A_374 : i32 to index
          %get3A_376 = arith.constant 112 : index
          %get3A_377 = tpu.vector_load %arg11[%get3A_375, %get3A_376] {strides = array<i32>} : memref<125x128xf32, #tpu.memory_space<vmem>>, vector<16xf32>,
          %mul3A_378 = arith.mulf %get3A_377, %gather3A_107 : vector<16xf32>
          %add3A_379 = arith.constant 2 : i32
          %add3A_380 = arith.addi %add3A_88, %add3A_379 : i32
          %swap3A_381 = arith.index_cast %add3A_380 : i32 to index
          %swap3A_382 = arith.constant 112 : index
          %swap3A_383 = tpu.vector_load %arg11[%swap3A_381, %swap3A_382] {strides = array<i32>} : memref<125x128xf32, #tpu.memory_space<vmem>>, vector<16xf32>,
          tpu.vector_store %arg11[%swap3A_381, %swap3A_382], %mul3A_378 {strides = array<i32>} : memref<125x128xf32, #tpu.memory_space<vmem>>, vector<16xf32>,
          %add3A_384 = arith.constant 3 : i32
          %add3A_385 = arith.addi %add3A_88, %add3A_384 : i32
          %get3A_386 = arith.index_cast %add3A_385 : i32 to index
          %get3A_387 = arith.constant 0 : index
          %get3A_388 = tpu.vector_load %arg11[%get3A_386, %get3A_387] {strides = array<i32>} : memref<125x128xf32, #tpu.memory_space<vmem>>, vector<16xf32>,
          %mul3A_389 = arith.mulf %get3A_388, %gather3A_114 : vector<16xf32>
          %add3A_390 = arith.constant 3 : i32
          %add3A_391 = arith.addi %add3A_88, %add3A_390 : i32
          %swap3A_392 = arith.index_cast %add3A_391 : i32 to index
          %swap3A_393 = arith.constant 0 : index
          %swap3A_394 = tpu.vector_load %arg11[%swap3A_392, %swap3A_393] {strides = array<i32>} : memref<125x128xf32, #tpu.memory_space<vmem>>, vector<16xf32>,
          tpu.vector_store %arg11[%swap3A_392, %swap3A_393], %mul3A_389 {strides = array<i32>} : memref<125x128xf32, #tpu.memory_space<vmem>>, vector<16xf32>,
          %add3A_395 = arith.constant 3 : i32
          %add3A_396 = arith.addi %add3A_88, %add3A_395 : i32
          %get3A_397 = arith.index_cast %add3A_396 : i32 to index
          %get3A_398 = arith.constant 16 : index
          %get3A_399 = tpu.vector_load %arg11[%get3A_397, %get3A_398] {strides = array<i32>} : memref<125x128xf32, #tpu.memory_space<vmem>>, vector<16xf32>,
          %mul3A_400 = arith.mulf %get3A_399, %gather3A_114 : vector<16xf32>
          %add3A_401 = arith.constant 3 : i32
          %add3A_402 = arith.addi %add3A_88, %add3A_401 : i32
          %swap3A_403 = arith.index_cast %add3A_402 : i32 to index
          %swap3A_404 = arith.constant 16 : index
          %swap3A_405 = tpu.vector_load %arg11[%swap3A_403, %swap3A_404] {strides = array<i32>} : memref<125x128xf32, #tpu.memory_space<vmem>>, vector<16xf32>,
          tpu.vector_store %arg11[%swap3A_403, %swap3A_404], %mul3A_400 {strides = array<i32>} : memref<125x128xf32, #tpu.memory_space<vmem>>, vector<16xf32>,
          %add3A_406 = arith.constant 3 : i32
          %add3A_407 = arith.addi %add3A_88, %add3A_406 : i32
          %get3A_408 = arith.index_cast %add3A_407 : i32 to index
          %get3A_409 = arith.constant 32 : index
          %get3A_410 = tpu.vector_load %arg11[%get3A_408, %get3A_409] {strides = array<i32>} : memref<125x128xf32, #tpu.memory_space<vmem>>, vector<16xf32>,
          %mul3A_411 = arith.mulf %get3A_410, %gather3A_114 : vector<16xf32>
          %add3A_412 = arith.constant 3 : i32
          %add3A_413 = arith.addi %add3A_88, %add3A_412 : i32
          %swap3A_414 = arith.index_cast %add3A_413 : i32 to index
          %swap3A_415 = arith.constant 32 : index
          %swap3A_416 = tpu.vector_load %arg11[%swap3A_414, %swap3A_415] {strides = array<i32>} : memref<125x128xf32, #tpu.memory_space<vmem>>, vector<16xf32>,
          tpu.vector_store %arg11[%swap3A_414, %swap3A_415], %mul3A_411 {strides = array<i32>} : memref<125x128xf32, #tpu.memory_space<vmem>>, vector<16xf32>,
          %add3A_417 = arith.constant 3 : i32
          %add3A_418 = arith.addi %add3A_88, %add3A_417 : i32
          %get3A_419 = arith.index_cast %add3A_418 : i32 to index
          %get3A_420 = arith.constant 48 : index
          %get3A_421 = tpu.vector_load %arg11[%get3A_419, %get3A_420] {strides = array<i32>} : memref<125x128xf32, #tpu.memory_space<vmem>>, vector<16xf32>,
          %mul3A_422 = arith.mulf %get3A_421, %gather3A_114 : vector<16xf32>
          %add3A_423 = arith.constant 3 : i32
          %add3A_424 = arith.addi %add3A_88, %add3A_423 : i32
          %swap3A_425 = arith.index_cast %add3A_424 : i32 to index
          %swap3A_426 = arith.constant 48 : index
          %swap3A_427 = tpu.vector_load %arg11[%swap3A_425, %swap3A_426] {strides = array<i32>} : memref<125x128xf32, #tpu.memory_space<vmem>>, vector<16xf32>,
          tpu.vector_store %arg11[%swap3A_425, %swap3A_426], %mul3A_422 {strides = array<i32>} : memref<125x128xf32, #tpu.memory_space<vmem>>, vector<16xf32>,
          %add3A_428 = arith.constant 3 : i32
          %add3A_429 = arith.addi %add3A_88, %add3A_428 : i32
          %get3A_430 = arith.index_cast %add3A_429 : i32 to index
          %get3A_431 = arith.constant 64 : index
          %get3A_432 = tpu.vector_load %arg11[%get3A_430, %get3A_431] {strides = array<i32>} : memref<125x128xf32, #tpu.memory_space<vmem>>, vector<16xf32>,
          %mul3A_433 = arith.mulf %get3A_432, %gather3A_114 : vector<16xf32>
          %add3A_434 = arith.constant 3 : i32
          %add3A_435 = arith.addi %add3A_88, %add3A_434 : i32
          %swap3A_436 = arith.index_cast %add3A_435 : i32 to index
          %swap3A_437 = arith.constant 64 : index
          %swap3A_438 = tpu.vector_load %arg11[%swap3A_436, %swap3A_437] {strides = array<i32>} : memref<125x128xf32, #tpu.memory_space<vmem>>, vector<16xf32>,
          tpu.vector_store %arg11[%swap3A_436, %swap3A_437], %mul3A_433 {strides = array<i32>} : memref<125x128xf32, #tpu.memory_space<vmem>>, vector<16xf32>,
          %add3A_439 = arith.constant 3 : i32
          %add3A_440 = arith.addi %add3A_88, %add3A_439 : i32
          %get3A_441 = arith.index_cast %add3A_440 : i32 to index
          %get3A_442 = arith.constant 80 : index
          %get3A_443 = tpu.vector_load %arg11[%get3A_441, %get3A_442] {strides = array<i32>} : memref<125x128xf32, #tpu.memory_space<vmem>>, vector<16xf32>,
          %mul3A_444 = arith.mulf %get3A_443, %gather3A_114 : vector<16xf32>
          %add3A_445 = arith.constant 3 : i32
          %add3A_446 = arith.addi %add3A_88, %add3A_445 : i32
          %swap3A_447 = arith.index_cast %add3A_446 : i32 to index
          %swap3A_448 = arith.constant 80 : index
          %swap3A_449 = tpu.vector_load %arg11[%swap3A_447, %swap3A_448] {strides = array<i32>} : memref<125x128xf32, #tpu.memory_space<vmem>>, vector<16xf32>,
          tpu.vector_store %arg11[%swap3A_447, %swap3A_448], %mul3A_444 {strides = array<i32>} : memref<125x128xf32, #tpu.memory_space<vmem>>, vector<16xf32>,
          %add3A_450 = arith.constant 3 : i32
          %add3A_451 = arith.addi %add3A_88, %add3A_450 : i32
          %get3A_452 = arith.index_cast %add3A_451 : i32 to index
          %get3A_453 = arith.constant 96 : index
          %get3A_454 = tpu.vector_load %arg11[%get3A_452, %get3A_453] {strides = array<i32>} : memref<125x128xf32, #tpu.memory_space<vmem>>, vector<16xf32>,
          %mul3A_455 = arith.mulf %get3A_454, %gather3A_114 : vector<16xf32>
          %add3A_456 = arith.constant 3 : i32
          %add3A_457 = arith.addi %add3A_88, %add3A_456 : i32
          %swap3A_458 = arith.index_cast %add3A_457 : i32 to index
          %swap3A_459 = arith.constant 96 : index
          %swap3A_460 = tpu.vector_load %arg11[%swap3A_458, %swap3A_459] {strides = array<i32>} : memref<125x128xf32, #tpu.memory_space<vmem>>, vector<16xf32>,
          tpu.vector_store %arg11[%swap3A_458, %swap3A_459], %mul3A_455 {strides = array<i32>} : memref<125x128xf32, #tpu.memory_space<vmem>>, vector<16xf32>,
          %add3A_461 = arith.constant 3 : i32
          %add3A_462 = arith.addi %add3A_88, %add3A_461 : i32
          %get3A_463 = arith.index_cast %add3A_462 : i32 to index
          %get3A_464 = arith.constant 112 : index
          %get3A_465 = tpu.vector_load %arg11[%get3A_463, %get3A_464] {strides = array<i32>} : memref<125x128xf32, #tpu.memory_space<vmem>>, vector<16xf32>,
          %mul3A_466 = arith.mulf %get3A_465, %gather3A_114 : vector<16xf32>
          %add3A_467 = arith.constant 3 : i32
          %add3A_468 = arith.addi %add3A_88, %add3A_467 : i32
          %swap3A_469 = arith.index_cast %add3A_468 : i32 to index
          %swap3A_470 = arith.constant 112 : index
          %swap3A_471 = tpu.vector_load %arg11[%swap3A_469, %swap3A_470] {strides = array<i32>} : memref<125x128xf32, #tpu.memory_space<vmem>>, vector<16xf32>,
          tpu.vector_store %arg11[%swap3A_469, %swap3A_470], %mul3A_466 {strides = array<i32>} : memref<125x128xf32, #tpu.memory_space<vmem>>, vector<16xf32>,
          %add3A_472 = arith.constant 4 : i32
          %add3A_473 = arith.addi %add3A_88, %add3A_472 : i32
          %get3A_474 = arith.index_cast %add3A_473 : i32 to index
          %get3A_475 = arith.constant 0 : index
          %get3A_476 = tpu.vector_load %arg11[%get3A_474, %get3A_475] {strides = array<i32>} : memref<125x128xf32, #tpu.memory_space<vmem>>, vector<16xf32>,
          %mul3A_477 = arith.mulf %get3A_476, %gather3A_121 : vector<16xf32>
          %add3A_478 = arith.constant 4 : i32
          %add3A_479 = arith.addi %add3A_88, %add3A_478 : i32
          %swap3A_480 = arith.index_cast %add3A_479 : i32 to index
          %swap3A_481 = arith.constant 0 : index
          %swap3A_482 = tpu.vector_load %arg11[%swap3A_480, %swap3A_481] {strides = array<i32>} : memref<125x128xf32, #tpu.memory_space<vmem>>, vector<16xf32>,
          tpu.vector_store %arg11[%swap3A_480, %swap3A_481], %mul3A_477 {strides = array<i32>} : memref<125x128xf32, #tpu.memory_space<vmem>>, vector<16xf32>,
          %add3A_483 = arith.constant 4 : i32
          %add3A_484 = arith.addi %add3A_88, %add3A_483 : i32
          %get3A_485 = arith.index_cast %add3A_484 : i32 to index
          %get3A_486 = arith.constant 16 : index
          %get3A_487 = tpu.vector_load %arg11[%get3A_485, %get3A_486] {strides = array<i32>} : memref<125x128xf32, #tpu.memory_space<vmem>>, vector<16xf32>,
          %mul3A_488 = arith.mulf %get3A_487, %gather3A_121 : vector<16xf32>
          %add3A_489 = arith.constant 4 : i32
          %add3A_490 = arith.addi %add3A_88, %add3A_489 : i32
          %swap3A_491 = arith.index_cast %add3A_490 : i32 to index
          %swap3A_492 = arith.constant 16 : index
          %swap3A_493 = tpu.vector_load %arg11[%swap3A_491, %swap3A_492] {strides = array<i32>} : memref<125x128xf32, #tpu.memory_space<vmem>>, vector<16xf32>,
          tpu.vector_store %arg11[%swap3A_491, %swap3A_492], %mul3A_488 {strides = array<i32>} : memref<125x128xf32, #tpu.memory_space<vmem>>, vector<16xf32>,
          %add3A_494 = arith.constant 4 : i32
          %add3A_495 = arith.addi %add3A_88, %add3A_494 : i32
          %get3A_496 = arith.index_cast %add3A_495 : i32 to index
          %get3A_497 = arith.constant 32 : index
          %get3A_498 = tpu.vector_load %arg11[%get3A_496, %get3A_497] {strides = array<i32>} : memref<125x128xf32, #tpu.memory_space<vmem>>, vector<16xf32>,
          %mul3A_499 = arith.mulf %get3A_498, %gather3A_121 : vector<16xf32>
          %add3A_500 = arith.constant 4 : i32
          %add3A_501 = arith.addi %add3A_88, %add3A_500 : i32
          %swap3A_502 = arith.index_cast %add3A_501 : i32 to index
          %swap3A_503 = arith.constant 32 : index
          %swap3A_504 = tpu.vector_load %arg11[%swap3A_502, %swap3A_503] {strides = array<i32>} : memref<125x128xf32, #tpu.memory_space<vmem>>, vector<16xf32>,
          tpu.vector_store %arg11[%swap3A_502, %swap3A_503], %mul3A_499 {strides = array<i32>} : memref<125x128xf32, #tpu.memory_space<vmem>>, vector<16xf32>,
          %add3A_505 = arith.constant 4 : i32
          %add3A_506 = arith.addi %add3A_88, %add3A_505 : i32
          %get3A_507 = arith.index_cast %add3A_506 : i32 to index
          %get3A_508 = arith.constant 48 : index
          %get3A_509 = tpu.vector_load %arg11[%get3A_507, %get3A_508] {strides = array<i32>} : memref<125x128xf32, #tpu.memory_space<vmem>>, vector<16xf32>,
          %mul3A_510 = arith.mulf %get3A_509, %gather3A_121 : vector<16xf32>
          %add3A_511 = arith.constant 4 : i32
          %add3A_512 = arith.addi %add3A_88, %add3A_511 : i32
          %swap3A_513 = arith.index_cast %add3A_512 : i32 to index
          %swap3A_514 = arith.constant 48 : index
          %swap3A_515 = tpu.vector_load %arg11[%swap3A_513, %swap3A_514] {strides = array<i32>} : memref<125x128xf32, #tpu.memory_space<vmem>>, vector<16xf32>,
          tpu.vector_store %arg11[%swap3A_513, %swap3A_514], %mul3A_510 {strides = array<i32>} : memref<125x128xf32, #tpu.memory_space<vmem>>, vector<16xf32>,
          %add3A_516 = arith.constant 4 : i32
          %add3A_517 = arith.addi %add3A_88, %add3A_516 : i32
          %get3A_518 = arith.index_cast %add3A_517 : i32 to index
          %get3A_519 = arith.constant 64 : index
          %get3A_520 = tpu.vector_load %arg11[%get3A_518, %get3A_519] {strides = array<i32>} : memref<125x128xf32, #tpu.memory_space<vmem>>, vector<16xf32>,
          %mul3A_521 = arith.mulf %get3A_520, %gather3A_121 : vector<16xf32>
          %add3A_522 = arith.constant 4 : i32
          %add3A_523 = arith.addi %add3A_88, %add3A_522 : i32
          %swap3A_524 = arith.index_cast %add3A_523 : i32 to index
          %swap3A_525 = arith.constant 64 : index
          %swap3A_526 = tpu.vector_load %arg11[%swap3A_524, %swap3A_525] {strides = array<i32>} : memref<125x128xf32, #tpu.memory_space<vmem>>, vector<16xf32>,
          tpu.vector_store %arg11[%swap3A_524, %swap3A_525], %mul3A_521 {strides = array<i32>} : memref<125x128xf32, #tpu.memory_space<vmem>>, vector<16xf32>,
          %add3A_527 = arith.constant 4 : i32
          %add3A_528 = arith.addi %add3A_88, %add3A_527 : i32
          %get3A_529 = arith.index_cast %add3A_528 : i32 to index
          %get3A_530 = arith.constant 80 : index
          %get3A_531 = tpu.vector_load %arg11[%get3A_529, %get3A_530] {strides = array<i32>} : memref<125x128xf32, #tpu.memory_space<vmem>>, vector<16xf32>,
          %mul3A_532 = arith.mulf %get3A_531, %gather3A_121 : vector<16xf32>
          %add3A_533 = arith.constant 4 : i32
          %add3A_534 = arith.addi %add3A_88, %add3A_533 : i32
          %swap3A_535 = arith.index_cast %add3A_534 : i32 to index
          %swap3A_536 = arith.constant 80 : index
          %swap3A_537 = tpu.vector_load %arg11[%swap3A_535, %swap3A_536] {strides = array<i32>} : memref<125x128xf32, #tpu.memory_space<vmem>>, vector<16xf32>,
          tpu.vector_store %arg11[%swap3A_535, %swap3A_536], %mul3A_532 {strides = array<i32>} : memref<125x128xf32, #tpu.memory_space<vmem>>, vector<16xf32>,
          %add3A_538 = arith.constant 4 : i32
          %add3A_539 = arith.addi %add3A_88, %add3A_538 : i32
          %get3A_540 = arith.index_cast %add3A_539 : i32 to index
          %get3A_541 = arith.constant 96 : index
          %get3A_542 = tpu.vector_load %arg11[%get3A_540, %get3A_541] {strides = array<i32>} : memref<125x128xf32, #tpu.memory_space<vmem>>, vector<16xf32>,
          %mul3A_543 = arith.mulf %get3A_542, %gather3A_121 : vector<16xf32>
          %add3A_544 = arith.constant 4 : i32
          %add3A_545 = arith.addi %add3A_88, %add3A_544 : i32
          %swap3A_546 = arith.index_cast %add3A_545 : i32 to index
          %swap3A_547 = arith.constant 96 : index
          %swap3A_548 = tpu.vector_load %arg11[%swap3A_546, %swap3A_547] {strides = array<i32>} : memref<125x128xf32, #tpu.memory_space<vmem>>, vector<16xf32>,
          tpu.vector_store %arg11[%swap3A_546, %swap3A_547], %mul3A_543 {strides = array<i32>} : memref<125x128xf32, #tpu.memory_space<vmem>>, vector<16xf32>,
          %add3A_549 = arith.constant 4 : i32
          %add3A_550 = arith.addi %add3A_88, %add3A_549 : i32
          %get3A_551 = arith.index_cast %add3A_550 : i32 to index
          %get3A_552 = arith.constant 112 : index
          %get3A_553 = tpu.vector_load %arg11[%get3A_551, %get3A_552] {strides = array<i32>} : memref<125x128xf32, #tpu.memory_space<vmem>>, vector<16xf32>,
          %mul3A_554 = arith.mulf %get3A_553, %gather3A_121 : vector<16xf32>
          %add3A_555 = arith.constant 4 : i32
          %add3A_556 = arith.addi %add3A_88, %add3A_555 : i32
          %swap3A_557 = arith.index_cast %add3A_556 : i32 to index
          %swap3A_558 = arith.constant 112 : index
          %swap3A_559 = tpu.vector_load %arg11[%swap3A_557, %swap3A_558] {strides = array<i32>} : memref<125x128xf32, #tpu.memory_space<vmem>>, vector<16xf32>,
          tpu.vector_store %arg11[%swap3A_557, %swap3A_558], %mul3A_554 {strides = array<i32>} : memref<125x128xf32, #tpu.memory_space<vmem>>, vector<16xf32>,
        }
        %scan3A_81 = arith.constant 25 : i32
        %add3A_82 = arith.constant 1 : i32
        %add3A_83 = arith.addi %add3A_42, %add3A_82 : i32
        "tpu.region"() ({
          %run_scoped3A = tpu.sem_alloc : memref<!tpu.dma_semaphore, #tpu.memory_space<semaphore_mem>>
          %dma_start3A_84 = arith.constant 0 : i32
          %dma_start3A_85 = tpu.memref_slice %arg8[%add3A_83, %dma_start3A_84] : memref<16x125xi32, #tpu.memory_space<vmem>> -> memref<1x125xi32, #tpu.memory_space<vmem>>
          %dma_start3A_86 = tpu.memref_squeeze %dma_start3A_85 : memref<1x125xi32, #tpu.memory_space<vmem>> -> memref<125xi32, #tpu.memory_space<vmem>>
          %dma_start3A_87 = arith.constant 0 : i32
          %dma_start3A_88 = arith.constant 0 : i32
          %dma_start3A_89 = tpu.memref_slice %arg12[%dma_start3A_87, %dma_start3A_88] : memref<10000x128xf32, #tpu.memory_space<vmem_shared>> -> memref<10000x128xf32, #tpu.memory_space<vmem_shared>>
          tpu.enqueue_indirect_dma source(%arg11 : memref<125x128xf32, #tpu.memory_space<vmem>>) target(%dma_start3A_89 : memref<10000x128xf32, #tpu.memory_space<vmem_shared>>) offsets(%dma_start3A_86 : memref<125xi32, #tpu.memory_space<vmem>>) semaphore(%run_scoped3A : memref<!tpu.dma_semaphore, #tpu.memory_space<semaphore_mem>>) {add = true}
          %dma_wait3A_90 = arith.constant 0 : i32
          %dma_wait3A_91 = tpu.memref_slice %arg8[%add3A_83, %dma_wait3A_90] : memref<16x125xi32, #tpu.memory_space<vmem>> -> memref<1x125xi32, #tpu.memory_space<vmem>>
          %dma_wait3A_92 = tpu.memref_squeeze %dma_wait3A_91 : memref<1x125xi32, #tpu.memory_space<vmem>> -> memref<125xi32, #tpu.memory_space<vmem>>
          %dma_wait3A_93 = arith.constant 0 : i32
          %dma_wait3A_94 = arith.constant 0 : i32
          %dma_wait3A_95 = tpu.memref_slice %arg12[%dma_wait3A_93, %dma_wait3A_94] : memref<10000x128xf32, #tpu.memory_space<vmem_shared>> -> memref<10000x128xf32, #tpu.memory_space<vmem_shared>>
          tpu.wait_indirect_dma semaphore(%run_scoped3A : memref<!tpu.dma_semaphore, #tpu.memory_space<semaphore_mem>>) src(%arg11 : memref<125x128xf32, #tpu.memory_space<vmem>>) dst(%dma_wait3A_95 : memref<10000x128xf32, #tpu.memory_space<vmem_shared>>)
          tpu.yield
        }) : () -> ()
      }
      %scan3A_37 = arith.constant 8 : i32
    }
    %scan3A_14 = arith.constant 5 : i32
    %barrier3A_15 = arith.constant 0 : index
    tpu.barrier barrier_id(%barrier3A_15)
    %mul3A_16 = arith.constant 624 : i32
    %mul3A_17 = arith.muli %arg1, %mul3A_16 : i32
    %mul3A_18 = arith.constant 624 : i32
    %mul3A_19 = arith.muli %arg1, %mul3A_18 : i32
    "tpu.region"() ({
      %run_scoped3A = tpu.sem_alloc : memref<!tpu.dma_semaphore, #tpu.memory_space<semaphore_mem>>
      %dma_start3A = arith.constant 0 : i32
      %dma_start3A_22 = tpu.memref_slice %arg6[%arg0, %mul3A_19, %dma_start3A] : memref<2x10000x128xf32, #tpu.memory_space<hbm>> -> memref<1x624x128xf32, #tpu.memory_space<hbm>>
      %dma_start3A_23 = tpu.memref_squeeze %dma_start3A_22 : memref<1x624x128xf32, #tpu.memory_space<hbm>> -> memref<624x128xf32, #tpu.memory_space<hbm>>
      %dma_start3A_24 = arith.constant 0 : i32
      %dma_start3A_25 = tpu.memref_slice %arg12[%mul3A_17, %dma_start3A_24] : memref<10000x128xf32, #tpu.memory_space<vmem_shared>> -> memref<624x128xf32, #tpu.memory_space<vmem_shared>>
      tpu.enqueue_dma source(%dma_start3A_25 : memref<624x128xf32, #tpu.memory_space<vmem_shared>>) target(%dma_start3A_23 : memref<624x128xf32, #tpu.memory_space<hbm>>) target_semaphore(%run_scoped3A : memref<!tpu.dma_semaphore, #tpu.memory_space<semaphore_mem>>)
      %dma_wait3A = arith.constant 0 : i32
      %dma_wait3A_26 = tpu.memref_slice %arg6[%arg0, %mul3A_19, %dma_wait3A] : memref<2x10000x128xf32, #tpu.memory_space<hbm>> -> memref<1x624x128xf32, #tpu.memory_space<hbm>>
      %dma_wait3A_27 = tpu.memref_squeeze %dma_wait3A_26 : memref<1x624x128xf32, #tpu.memory_space<hbm>> -> memref<624x128xf32, #tpu.memory_space<hbm>>
      %dma_wait3A_28 = arith.constant 0 : i32
      %dma_wait3A_29 = tpu.memref_slice %arg12[%mul3A_17, %dma_wait3A_28] : memref<10000x128xf32, #tpu.memory_space<vmem_shared>> -> memref<624x128xf32, #tpu.memory_space<vmem_shared>>
      tpu.wait_dma2 semaphore(%run_scoped3A : memref<!tpu.dma_semaphore, #tpu.memory_space<semaphore_mem>>) src(%dma_wait3A_29 : memref<624x128xf32, #tpu.memory_space<vmem_shared>>) dst(%dma_wait3A_27 : memref<624x128xf32, #tpu.memory_space<hbm>>)
      tpu.yield
    }) : () -> ()
    %eq3A = arith.constant 15 : i32
    %eq3A_20 = arith.cmpi eq, %arg1, %eq3A : i32
    %convert_element_type3A = arith.extui %eq3A_20 : i1 to i32
    %cond3A = arith.constant 0 : i32
    %cond3A_21 = arith.cmpi ne, %convert_element_type3A, %cond3A : i32
    scf.if %cond3A_21 {
      "tpu.region"() ({
        %run_scoped3A = tpu.sem_alloc : memref<!tpu.dma_semaphore, #tpu.memory_space<semaphore_mem>>
        %dma_start3A = arith.constant 9984 : i32
        %dma_start3A_22 = arith.constant 0 : i32
        %dma_start3A_23 = tpu.memref_slice %arg6[%arg0, %dma_start3A, %dma_start3A_22] : memref<2x10000x128xf32, #tpu.memory_space<hbm>> -> memref<1x16x128xf32, #tpu.memory_space<hbm>>
        %dma_start3A_24 = tpu.memref_squeeze %dma_start3A_23 : memref<1x16x128xf32, #tpu.memory_space<hbm>> -> memref<16x128xf32, #tpu.memory_space<hbm>>
        %dma_start3A_25 = arith.constant 9984 : i32
        %dma_start3A_26 = arith.constant 0 : i32
        %dma_start3A_27 = tpu.memref_slice %arg12[%dma_start3A_25, %dma_start3A_26] : memref<10000x128xf32, #tpu.memory_space<vmem_shared>> -> memref<16x128xf32, #tpu.memory_space<vmem_shared>>
        tpu.enqueue_dma source(%dma_start3A_27 : memref<16x128xf32, #tpu.memory_space<vmem_shared>>) target(%dma_start3A_24 : memref<16x128xf32, #tpu.memory_space<hbm>>) target_semaphore(%run_scoped3A : memref<!tpu.dma_semaphore, #tpu.memory_space<semaphore_mem>>)
        %dma_wait3A = arith.constant 9984 : i32
        %dma_wait3A_28 = arith.constant 0 : i32
        %dma_wait3A_29 = tpu.memref_slice %arg6[%arg0, %dma_wait3A, %dma_wait3A_28] : memref<2x10000x128xf32, #tpu.memory_space<hbm>> -> memref<1x16x128xf32, #tpu.memory_space<hbm>>
        %dma_wait3A_30 = tpu.memref_squeeze %dma_wait3A_29 : memref<1x16x128xf32, #tpu.memory_space<hbm>> -> memref<16x128xf32, #tpu.memory_space<hbm>>
        %dma_wait3A_31 = arith.constant 9984 : i32
        %dma_wait3A_32 = arith.constant 0 : i32
        %dma_wait3A_33 = tpu.memref_slice %arg12[%dma_wait3A_31, %dma_wait3A_32] : memref<10000x128xf32, #tpu.memory_space<vmem_shared>> -> memref<16x128xf32, #tpu.memory_space<vmem_shared>>
        tpu.wait_dma2 semaphore(%run_scoped3A : memref<!tpu.dma_semaphore, #tpu.memory_space<semaphore_mem>>) src(%dma_wait3A_33 : memref<16x128xf32, #tpu.memory_space<vmem_shared>>) dst(%dma_wait3A_30 : memref<16x128xf32, #tpu.memory_space<hbm>>)
        tpu.yield
      }) : () -> ()
    } else {
    }
    return
  }
}

#map = affine_map<(d0, d1) -> (0, 0)>
#map1 = affine_map<(d0, d1) -> (0, 0, 0, 0)>
#map2 = affine_map<(d0, d1) -> (0, 0, 0)>
module attributes {stable_mosaic.version = 14 : i64} {
  func.func @_agg(%arg0: i32, %arg1: i32, %arg2: memref<10000x128xf32, #tpu.memory_space<hbm>>, %arg3: memref<32x5x16x125xi32, #tpu.memory_space<hbm>>, %arg4: memref<32x5x16x125xi32, #tpu.memory_space<hbm>>, %arg5: memref<32x5x16x125xf32, #tpu.memory_space<hbm>>, %arg6: memref<2x10000x128xf32, #tpu.memory_space<hbm>>, %arg7: memref<16x125xi32, #tpu.memory_space<vmem>>, %arg8: memref<16x125xi32, #tpu.memory_space<vmem>>, %arg9: memref<16x125xf32, #tpu.memory_space<vmem>>, %arg10: memref<125x128xf32, #tpu.memory_space<vmem>>, %arg11: memref<125x128xf32, #tpu.memory_space<vmem>>, %arg12: memref<10000x128xf32, #tpu.memory_space<vmem_shared>>, %arg13: memref<!tpu.dma_semaphore, #tpu.memory_space<semaphore_mem>>, %arg14: memref<!tpu.dma_semaphore, #tpu.memory_space<semaphore_mem>>) attributes {dimension_semantics = [#tpu.dimension_semantics<core_parallel>, #tpu.dimension_semantics<subcore_parallel>], iteration_bounds = array<i64: 2, 16>, scalar_prefetch = 0 : i64, scratch_operands = 8 : i64, tpu.core_type = #tpu.core_type<sc_vector_subcore>, window_params = [{transform_indices = #map}, {transform_indices = #map1}, {transform_indices = #map1}, {transform_indices = #map1}, {transform_indices = #map2}]} {
    %mul3A = arith.constant 2 : i32
    %mul3A_0 = arith.muli %arg1, %mul3A : i32
    %add3A = arith.addi %mul3A_0, %arg0 : i32
    %scan3A = arith.constant 0 : i32
    %scan3A_1 = arith.constant 125 : i32
    %scan3A_2 = arith.addi %scan3A, %scan3A_1 : i32
    %scan3A_3 = arith.constant 1 : i32
    scf.for %scan3A_22 = %scan3A to %scan3A_2 step %scan3A_3  : i32 {
      %mul3A_23 = arith.constant 1 : i32
      %mul3A_24 = arith.muli %scan3A_22, %mul3A_23 : i32
      %add3A_25 = arith.constant 0 : i32
      %add3A_26 = arith.addi %add3A_25, %mul3A_24 : i32
      %broadcast_in_dim3A = arith.constant 0.000000e+00 : f32
      %broadcast_in_dim3A_27 = vector.broadcast %broadcast_in_dim3A : f32 to vector<16xf32>
      %swap3A = arith.index_cast %add3A_26 : i32 to index
      %swap3A_28 = arith.constant 0 : index
      %swap3A_29 = tpu.vector_load %arg10[%swap3A, %swap3A_28] {strides = array<i32>} : memref<125x128xf32, #tpu.memory_space<vmem>>, vector<16xf32>,
      tpu.vector_store %arg10[%swap3A, %swap3A_28], %broadcast_in_dim3A_27 {strides = array<i32>} : memref<125x128xf32, #tpu.memory_space<vmem>>, vector<16xf32>,
      %broadcast_in_dim3A_30 = arith.constant 0.000000e+00 : f32
      %broadcast_in_dim3A_31 = vector.broadcast %broadcast_in_dim3A_30 : f32 to vector<16xf32>
      %swap3A_32 = arith.index_cast %add3A_26 : i32 to index
      %swap3A_33 = arith.constant 16 : index
      %swap3A_34 = tpu.vector_load %arg10[%swap3A_32, %swap3A_33] {strides = array<i32>} : memref<125x128xf32, #tpu.memory_space<vmem>>, vector<16xf32>,
      tpu.vector_store %arg10[%swap3A_32, %swap3A_33], %broadcast_in_dim3A_31 {strides = array<i32>} : memref<125x128xf32, #tpu.memory_space<vmem>>, vector<16xf32>,
      %broadcast_in_dim3A_35 = arith.constant 0.000000e+00 : f32
      %broadcast_in_dim3A_36 = vector.broadcast %broadcast_in_dim3A_35 : f32 to vector<16xf32>
      %swap3A_37 = arith.index_cast %add3A_26 : i32 to index
      %swap3A_38 = arith.constant 32 : index
      %swap3A_39 = tpu.vector_load %arg10[%swap3A_37, %swap3A_38] {strides = array<i32>} : memref<125x128xf32, #tpu.memory_space<vmem>>, vector<16xf32>,
      tpu.vector_store %arg10[%swap3A_37, %swap3A_38], %broadcast_in_dim3A_36 {strides = array<i32>} : memref<125x128xf32, #tpu.memory_space<vmem>>, vector<16xf32>,
      %broadcast_in_dim3A_40 = arith.constant 0.000000e+00 : f32
      %broadcast_in_dim3A_41 = vector.broadcast %broadcast_in_dim3A_40 : f32 to vector<16xf32>
      %swap3A_42 = arith.index_cast %add3A_26 : i32 to index
      %swap3A_43 = arith.constant 48 : index
      %swap3A_44 = tpu.vector_load %arg10[%swap3A_42, %swap3A_43] {strides = array<i32>} : memref<125x128xf32, #tpu.memory_space<vmem>>, vector<16xf32>,
      tpu.vector_store %arg10[%swap3A_42, %swap3A_43], %broadcast_in_dim3A_41 {strides = array<i32>} : memref<125x128xf32, #tpu.memory_space<vmem>>, vector<16xf32>,
      %broadcast_in_dim3A_45 = arith.constant 0.000000e+00 : f32
      %broadcast_in_dim3A_46 = vector.broadcast %broadcast_in_dim3A_45 : f32 to vector<16xf32>
      %swap3A_47 = arith.index_cast %add3A_26 : i32 to index
      %swap3A_48 = arith.constant 64 : index
      %swap3A_49 = tpu.vector_load %arg10[%swap3A_47, %swap3A_48] {strides = array<i32>} : memref<125x128xf32, #tpu.memory_space<vmem>>, vector<16xf32>,
      tpu.vector_store %arg10[%swap3A_47, %swap3A_48], %broadcast_in_dim3A_46 {strides = array<i32>} : memref<125x128xf32, #tpu.memory_space<vmem>>, vector<16xf32>,
      %broadcast_in_dim3A_50 = arith.constant 0.000000e+00 : f32
      %broadcast_in_dim3A_51 = vector.broadcast %broadcast_in_dim3A_50 : f32 to vector<16xf32>
      %swap3A_52 = arith.index_cast %add3A_26 : i32 to index
      %swap3A_53 = arith.constant 80 : index
      %swap3A_54 = tpu.vector_load %arg10[%swap3A_52, %swap3A_53] {strides = array<i32>} : memref<125x128xf32, #tpu.memory_space<vmem>>, vector<16xf32>,
      tpu.vector_store %arg10[%swap3A_52, %swap3A_53], %broadcast_in_dim3A_51 {strides = array<i32>} : memref<125x128xf32, #tpu.memory_space<vmem>>, vector<16xf32>,
      %broadcast_in_dim3A_55 = arith.constant 0.000000e+00 : f32
      %broadcast_in_dim3A_56 = vector.broadcast %broadcast_in_dim3A_55 : f32 to vector<16xf32>
      %swap3A_57 = arith.index_cast %add3A_26 : i32 to index
      %swap3A_58 = arith.constant 96 : index
      %swap3A_59 = tpu.vector_load %arg10[%swap3A_57, %swap3A_58] {strides = array<i32>} : memref<125x128xf32, #tpu.memory_space<vmem>>, vector<16xf32>,
      tpu.vector_store %arg10[%swap3A_57, %swap3A_58], %broadcast_in_dim3A_56 {strides = array<i32>} : memref<125x128xf32, #tpu.memory_space<vmem>>, vector<16xf32>,
      %broadcast_in_dim3A_60 = arith.constant 0.000000e+00 : f32
      %broadcast_in_dim3A_61 = vector.broadcast %broadcast_in_dim3A_60 : f32 to vector<16xf32>
      %swap3A_62 = arith.index_cast %add3A_26 : i32 to index
      %swap3A_63 = arith.constant 112 : index
      %swap3A_64 = tpu.vector_load %arg10[%swap3A_62, %swap3A_63] {strides = array<i32>} : memref<125x128xf32, #tpu.memory_space<vmem>>, vector<16xf32>,
      tpu.vector_store %arg10[%swap3A_62, %swap3A_63], %broadcast_in_dim3A_61 {strides = array<i32>} : memref<125x128xf32, #tpu.memory_space<vmem>>, vector<16xf32>,
    }
    %scan3A_4 = arith.constant 125 : i32
    %scan3A_5 = arith.constant 0 : i32
    %scan3A_6 = arith.constant 5 : i32
    %scan3A_7 = arith.addi %scan3A_5, %scan3A_6 : i32
    %scan3A_8 = arith.constant 1 : i32
    scf.for %scan3A_22 = %scan3A_5 to %scan3A_7 step %scan3A_8  : i32 {
      %mul3A_23 = arith.constant 1 : i32
      %mul3A_24 = arith.muli %scan3A_22, %mul3A_23 : i32
      %add3A_25 = arith.constant 0 : i32
      %add3A_26 = arith.addi %add3A_25, %mul3A_24 : i32
      %mul3A_27 = arith.constant 625 : i32
      %mul3A_28 = arith.muli %arg1, %mul3A_27 : i32
      %mul3A_29 = arith.constant 125 : i32
      %mul3A_30 = arith.muli %add3A_26, %mul3A_29 : i32
      %add3A_31 = arith.addi %mul3A_28, %mul3A_30 : i32
      "tpu.region"() ({
        %run_scoped3A = tpu.sem_alloc : memref<!tpu.dma_semaphore, #tpu.memory_space<semaphore_mem>>
        %dma_start3A = arith.constant 0 : i32
        %dma_start3A_32 = tpu.memref_slice %arg12[%add3A_31, %dma_start3A] : memref<10000x128xf32, #tpu.memory_space<vmem_shared>> -> memref<125x128xf32, #tpu.memory_space<vmem_shared>>
        %dma_start3A_33 = arith.constant 0 : i32
        %dma_start3A_34 = tpu.memref_slice %arg12[%add3A_31, %dma_start3A_33] : memref<10000x128xf32, #tpu.memory_space<vmem_shared>> -> memref<125x128xf32, #tpu.memory_space<vmem_shared>>
        tpu.enqueue_dma source(%arg10 : memref<125x128xf32, #tpu.memory_space<vmem>>) target(%dma_start3A_34 : memref<125x128xf32, #tpu.memory_space<vmem_shared>>) target_semaphore(%run_scoped3A : memref<!tpu.dma_semaphore, #tpu.memory_space<semaphore_mem>>)
        %dma_wait3A = arith.constant 0 : i32
        %dma_wait3A_35 = tpu.memref_slice %arg12[%add3A_31, %dma_wait3A] : memref<10000x128xf32, #tpu.memory_space<vmem_shared>> -> memref<125x128xf32, #tpu.memory_space<vmem_shared>>
        %dma_wait3A_36 = arith.constant 0 : i32
        %dma_wait3A_37 = tpu.memref_slice %arg12[%add3A_31, %dma_wait3A_36] : memref<10000x128xf32, #tpu.memory_space<vmem_shared>> -> memref<125x128xf32, #tpu.memory_space<vmem_shared>>
        tpu.wait_dma2 semaphore(%run_scoped3A : memref<!tpu.dma_semaphore, #tpu.memory_space<semaphore_mem>>) src(%arg10 : memref<125x128xf32, #tpu.memory_space<vmem>>) dst(%dma_wait3A_37 : memref<125x128xf32, #tpu.memory_space<vmem_shared>>)
        tpu.yield
      }) : () -> ()
    }
    %scan3A_9 = arith.constant 5 : i32
    %barrier3A = arith.constant 0 : index
    tpu.barrier barrier_id(%barrier3A)
    %scan3A_10 = arith.constant 0 : i32
    %scan3A_11 = arith.constant 5 : i32
    %scan3A_12 = arith.addi %scan3A_10, %scan3A_11 : i32
    %scan3A_13 = arith.constant 1 : i32
    scf.for %scan3A_22 = %scan3A_10 to %scan3A_12 step %scan3A_13  : i32 {
      %mul3A_23 = arith.constant 1 : i32
      %mul3A_24 = arith.muli %scan3A_22, %mul3A_23 : i32
      %add3A_25 = arith.constant 0 : i32
      %add3A_26 = arith.addi %add3A_25, %mul3A_24 : i32
      "tpu.region"() ({
        %run_scoped3A = tpu.sem_alloc : memref<!tpu.dma_semaphore, #tpu.memory_space<semaphore_mem>>
        %dma_start3A_38 = arith.constant 0 : i32
        %dma_start3A_39 = arith.constant 0 : i32
        %dma_start3A_40 = tpu.memref_slice %arg3[%add3A, %add3A_26, %dma_start3A_38, %dma_start3A_39] : memref<32x5x16x125xi32, #tpu.memory_space<hbm>> -> memref<1x1x16x125xi32, #tpu.memory_space<hbm>>
        %dma_start3A_41 = tpu.memref_squeeze %dma_start3A_40 : memref<1x1x16x125xi32, #tpu.memory_space<hbm>> -> memref<16x125xi32, #tpu.memory_space<hbm>>
        %dma_start3A_42 = arith.constant 0 : i32
        %dma_start3A_43 = arith.constant 0 : i32
        %dma_start3A_44 = tpu.memref_slice %arg3[%add3A, %add3A_26, %dma_start3A_42, %dma_start3A_43] : memref<32x5x16x125xi32, #tpu.memory_space<hbm>> -> memref<1x1x16x125xi32, #tpu.memory_space<hbm>>
        %dma_start3A_45 = tpu.memref_squeeze %dma_start3A_44 : memref<1x1x16x125xi32, #tpu.memory_space<hbm>> -> memref<16x125xi32, #tpu.memory_space<hbm>>
        tpu.enqueue_dma source(%dma_start3A_45 : memref<16x125xi32, #tpu.memory_space<hbm>>) target(%arg7 : memref<16x125xi32, #tpu.memory_space<vmem>>) target_semaphore(%run_scoped3A : memref<!tpu.dma_semaphore, #tpu.memory_space<semaphore_mem>>)
        %dma_wait3A = arith.constant 0 : i32
        %dma_wait3A_46 = arith.constant 0 : i32
        %dma_wait3A_47 = tpu.memref_slice %arg3[%add3A, %add3A_26, %dma_wait3A, %dma_wait3A_46] : memref<32x5x16x125xi32, #tpu.memory_space<hbm>> -> memref<1x1x16x125xi32, #tpu.memory_space<hbm>>
        %dma_wait3A_48 = tpu.memref_squeeze %dma_wait3A_47 : memref<1x1x16x125xi32, #tpu.memory_space<hbm>> -> memref<16x125xi32, #tpu.memory_space<hbm>>
        %dma_wait3A_49 = arith.constant 0 : i32
        %dma_wait3A_50 = arith.constant 0 : i32
        %dma_wait3A_51 = tpu.memref_slice %arg3[%add3A, %add3A_26, %dma_wait3A_49, %dma_wait3A_50] : memref<32x5x16x125xi32, #tpu.memory_space<hbm>> -> memref<1x1x16x125xi32, #tpu.memory_space<hbm>>
        %dma_wait3A_52 = tpu.memref_squeeze %dma_wait3A_51 : memref<1x1x16x125xi32, #tpu.memory_space<hbm>> -> memref<16x125xi32, #tpu.memory_space<hbm>>
        tpu.wait_dma2 semaphore(%run_scoped3A : memref<!tpu.dma_semaphore, #tpu.memory_space<semaphore_mem>>) src(%dma_wait3A_52 : memref<16x125xi32, #tpu.memory_space<hbm>>) dst(%arg7 : memref<16x125xi32, #tpu.memory_space<vmem>>)
        tpu.yield
      }) : () -> ()
      "tpu.region"() ({
        %run_scoped3A = tpu.sem_alloc : memref<!tpu.dma_semaphore, #tpu.memory_space<semaphore_mem>>
        %dma_start3A_38 = arith.constant 0 : i32
        %dma_start3A_39 = arith.constant 0 : i32
        %dma_start3A_40 = tpu.memref_slice %arg4[%add3A, %add3A_26, %dma_start3A_38, %dma_start3A_39] : memref<32x5x16x125xi32, #tpu.memory_space<hbm>> -> memref<1x1x16x125xi32, #tpu.memory_space<hbm>>
        %dma_start3A_41 = tpu.memref_squeeze %dma_start3A_40 : memref<1x1x16x125xi32, #tpu.memory_space<hbm>> -> memref<16x125xi32, #tpu.memory_space<hbm>>
        %dma_start3A_42 = arith.constant 0 : i32
        %dma_start3A_43 = arith.constant 0 : i32
        %dma_start3A_44 = tpu.memref_slice %arg4[%add3A, %add3A_26, %dma_start3A_42, %dma_start3A_43] : memref<32x5x16x125xi32, #tpu.memory_space<hbm>> -> memref<1x1x16x125xi32, #tpu.memory_space<hbm>>
        %dma_start3A_45 = tpu.memref_squeeze %dma_start3A_44 : memref<1x1x16x125xi32, #tpu.memory_space<hbm>> -> memref<16x125xi32, #tpu.memory_space<hbm>>
        tpu.enqueue_dma source(%dma_start3A_45 : memref<16x125xi32, #tpu.memory_space<hbm>>) target(%arg8 : memref<16x125xi32, #tpu.memory_space<vmem>>) target_semaphore(%run_scoped3A : memref<!tpu.dma_semaphore, #tpu.memory_space<semaphore_mem>>)
        %dma_wait3A = arith.constant 0 : i32
        %dma_wait3A_46 = arith.constant 0 : i32
        %dma_wait3A_47 = tpu.memref_slice %arg4[%add3A, %add3A_26, %dma_wait3A, %dma_wait3A_46] : memref<32x5x16x125xi32, #tpu.memory_space<hbm>> -> memref<1x1x16x125xi32, #tpu.memory_space<hbm>>
        %dma_wait3A_48 = tpu.memref_squeeze %dma_wait3A_47 : memref<1x1x16x125xi32, #tpu.memory_space<hbm>> -> memref<16x125xi32, #tpu.memory_space<hbm>>
        %dma_wait3A_49 = arith.constant 0 : i32
        %dma_wait3A_50 = arith.constant 0 : i32
        %dma_wait3A_51 = tpu.memref_slice %arg4[%add3A, %add3A_26, %dma_wait3A_49, %dma_wait3A_50] : memref<32x5x16x125xi32, #tpu.memory_space<hbm>> -> memref<1x1x16x125xi32, #tpu.memory_space<hbm>>
        %dma_wait3A_52 = tpu.memref_squeeze %dma_wait3A_51 : memref<1x1x16x125xi32, #tpu.memory_space<hbm>> -> memref<16x125xi32, #tpu.memory_space<hbm>>
        tpu.wait_dma2 semaphore(%run_scoped3A : memref<!tpu.dma_semaphore, #tpu.memory_space<semaphore_mem>>) src(%dma_wait3A_52 : memref<16x125xi32, #tpu.memory_space<hbm>>) dst(%arg8 : memref<16x125xi32, #tpu.memory_space<vmem>>)
        tpu.yield
      }) : () -> ()
      "tpu.region"() ({
        %run_scoped3A = tpu.sem_alloc : memref<!tpu.dma_semaphore, #tpu.memory_space<semaphore_mem>>
        %dma_start3A_38 = arith.constant 0 : i32
        %dma_start3A_39 = arith.constant 0 : i32
        %dma_start3A_40 = tpu.memref_slice %arg5[%add3A, %add3A_26, %dma_start3A_38, %dma_start3A_39] : memref<32x5x16x125xf32, #tpu.memory_space<hbm>> -> memref<1x1x16x125xf32, #tpu.memory_space<hbm>>
        %dma_start3A_41 = tpu.memref_squeeze %dma_start3A_40 : memref<1x1x16x125xf32, #tpu.memory_space<hbm>> -> memref<16x125xf32, #tpu.memory_space<hbm>>
        %dma_start3A_42 = arith.constant 0 : i32
        %dma_start3A_43 = arith.constant 0 : i32
        %dma_start3A_44 = tpu.memref_slice %arg5[%add3A, %add3A_26, %dma_start3A_42, %dma_start3A_43] : memref<32x5x16x125xf32, #tpu.memory_space<hbm>> -> memref<1x1x16x125xf32, #tpu.memory_space<hbm>>
        %dma_start3A_45 = tpu.memref_squeeze %dma_start3A_44 : memref<1x1x16x125xf32, #tpu.memory_space<hbm>> -> memref<16x125xf32, #tpu.memory_space<hbm>>
        tpu.enqueue_dma source(%dma_start3A_45 : memref<16x125xf32, #tpu.memory_space<hbm>>) target(%arg9 : memref<16x125xf32, #tpu.memory_space<vmem>>) target_semaphore(%run_scoped3A : memref<!tpu.dma_semaphore, #tpu.memory_space<semaphore_mem>>)
        %dma_wait3A = arith.constant 0 : i32
        %dma_wait3A_46 = arith.constant 0 : i32
        %dma_wait3A_47 = tpu.memref_slice %arg5[%add3A, %add3A_26, %dma_wait3A, %dma_wait3A_46] : memref<32x5x16x125xf32, #tpu.memory_space<hbm>> -> memref<1x1x16x125xf32, #tpu.memory_space<hbm>>
        %dma_wait3A_48 = tpu.memref_squeeze %dma_wait3A_47 : memref<1x1x16x125xf32, #tpu.memory_space<hbm>> -> memref<16x125xf32, #tpu.memory_space<hbm>>
        %dma_wait3A_49 = arith.constant 0 : i32
        %dma_wait3A_50 = arith.constant 0 : i32
        %dma_wait3A_51 = tpu.memref_slice %arg5[%add3A, %add3A_26, %dma_wait3A_49, %dma_wait3A_50] : memref<32x5x16x125xf32, #tpu.memory_space<hbm>> -> memref<1x1x16x125xf32, #tpu.memory_space<hbm>>
        %dma_wait3A_52 = tpu.memref_squeeze %dma_wait3A_51 : memref<1x1x16x125xf32, #tpu.memory_space<hbm>> -> memref<16x125xf32, #tpu.memory_space<hbm>>
        tpu.wait_dma2 semaphore(%run_scoped3A : memref<!tpu.dma_semaphore, #tpu.memory_space<semaphore_mem>>) src(%dma_wait3A_52 : memref<16x125xf32, #tpu.memory_space<hbm>>) dst(%arg9 : memref<16x125xf32, #tpu.memory_space<vmem>>)
        tpu.yield
      }) : () -> ()
      %dma_start3A = arith.constant 0 : i32
      %dma_start3A_27 = arith.constant 0 : i32
      %dma_start3A_28 = tpu.memref_slice %arg7[%dma_start3A, %dma_start3A_27] : memref<16x125xi32, #tpu.memory_space<vmem>> -> memref<1x125xi32, #tpu.memory_space<vmem>>
      %dma_start3A_29 = tpu.memref_squeeze %dma_start3A_28 : memref<1x125xi32, #tpu.memory_space<vmem>> -> memref<125xi32, #tpu.memory_space<vmem>>
      %dma_start3A_30 = arith.constant 0 : i32
      %dma_start3A_31 = arith.constant 0 : i32
      %dma_start3A_32 = tpu.memref_slice %arg2[%dma_start3A_30, %dma_start3A_31] : memref<10000x128xf32, #tpu.memory_space<hbm>> -> memref<10000x128xf32, #tpu.memory_space<hbm>>
      tpu.enqueue_indirect_dma source(%dma_start3A_32 : memref<10000x128xf32, #tpu.memory_space<hbm>>) target(%arg10 : memref<125x128xf32, #tpu.memory_space<vmem>>) offsets(%dma_start3A_29 : memref<125xi32, #tpu.memory_space<vmem>>) semaphore(%arg13 : memref<!tpu.dma_semaphore, #tpu.memory_space<semaphore_mem>>)
      %scan3A_33 = arith.constant 0 : i32
      %scan3A_34 = arith.constant 8 : i32
      %scan3A_35 = arith.addi %scan3A_33, %scan3A_34 : i32
      %scan3A_36 = arith.constant 1 : i32
      scf.for %scan3A_38 = %scan3A_33 to %scan3A_35 step %scan3A_36  : i32 {
        %mul3A_39 = arith.constant 2 : i32
        %mul3A_40 = arith.muli %scan3A_38, %mul3A_39 : i32
        %add3A_41 = arith.constant 0 : i32
        %add3A_42 = arith.addi %add3A_41, %mul3A_40 : i32
        %dma_wait3A = arith.constant 0 : i32
        %dma_wait3A_43 = tpu.memref_slice %arg7[%add3A_42, %dma_wait3A] : memref<16x125xi32, #tpu.memory_space<vmem>> -> memref<1x125xi32, #tpu.memory_space<vmem>>
        %dma_wait3A_44 = tpu.memref_squeeze %dma_wait3A_43 : memref<1x125xi32, #tpu.memory_space<vmem>> -> memref<125xi32, #tpu.memory_space<vmem>>
        %dma_wait3A_45 = arith.constant 0 : i32
        %dma_wait3A_46 = arith.constant 0 : i32
        %dma_wait3A_47 = tpu.memref_slice %arg2[%dma_wait3A_45, %dma_wait3A_46] : memref<10000x128xf32, #tpu.memory_space<hbm>> -> memref<10000x128xf32, #tpu.memory_space<hbm>>
        tpu.wait_indirect_dma semaphore(%arg13 : memref<!tpu.dma_semaphore, #tpu.memory_space<semaphore_mem>>) src(%dma_wait3A_47 : memref<10000x128xf32, #tpu.memory_space<hbm>>) dst(%arg10 : memref<125x128xf32, #tpu.memory_space<vmem>>)
        %add3A_48 = arith.constant 1 : i32
        %add3A_49 = arith.addi %add3A_42, %add3A_48 : i32
        %dma_start3A_50 = arith.constant 0 : i32
        %dma_start3A_51 = tpu.memref_slice %arg7[%add3A_49, %dma_start3A_50] : memref<16x125xi32, #tpu.memory_space<vmem>> -> memref<1x125xi32, #tpu.memory_space<vmem>>
        %dma_start3A_52 = tpu.memref_squeeze %dma_start3A_51 : memref<1x125xi32, #tpu.memory_space<vmem>> -> memref<125xi32, #tpu.memory_space<vmem>>
        %dma_start3A_53 = arith.constant 0 : i32
        %dma_start3A_54 = arith.constant 0 : i32
        %dma_start3A_55 = tpu.memref_slice %arg2[%dma_start3A_53, %dma_start3A_54] : memref<10000x128xf32, #tpu.memory_space<hbm>> -> memref<10000x128xf32, #tpu.memory_space<hbm>>
        tpu.enqueue_indirect_dma source(%dma_start3A_55 : memref<10000x128xf32, #tpu.memory_space<hbm>>) target(%arg11 : memref<125x128xf32, #tpu.memory_space<vmem>>) offsets(%dma_start3A_52 : memref<125xi32, #tpu.memory_space<vmem>>) semaphore(%arg14 : memref<!tpu.dma_semaphore, #tpu.memory_space<semaphore_mem>>)
        %scan3A_56 = arith.constant 0 : i32
        %scan3A_57 = arith.constant 25 : i32
        %scan3A_58 = arith.addi %scan3A_56, %scan3A_57 : i32
        %scan3A_59 = arith.constant 1 : i32
        scf.for %scan3A_84 = %scan3A_56 to %scan3A_58 step %scan3A_59  : i32 {
          %mul3A_85 = arith.constant 5 : i32
          %mul3A_86 = arith.muli %scan3A_84, %mul3A_85 : i32
          %add3A_87 = arith.constant 0 : i32
          %add3A_88 = arith.addi %add3A_87, %mul3A_86 : i32
          %add3A_89 = arith.constant 0 : i32
          %add3A_90 = arith.addi %add3A_88, %add3A_89 : i32
          %broadcast_in_dim3A = vector.broadcast %add3A_90 : i32 to vector<16xi32>
          %gather3A = arith.constant 0 : i32
          %gather3A_91 = tpu.memref_slice %arg9[%add3A_42, %gather3A] : memref<16x125xf32, #tpu.memory_space<vmem>> -> memref<1x125xf32, #tpu.memory_space<vmem>>
          %gather3A_92 = tpu.memref_squeeze %gather3A_91 : memref<1x125xf32, #tpu.memory_space<vmem>> -> memref<125xf32, #tpu.memory_space<vmem>>
          %gather3A_93 = tpu.vector_load_idx %gather3A_92[%broadcast_in_dim3A] : memref<125xf32, #tpu.memory_space<vmem>>[vector<16xi32>], vector<16xf32>,
          %add3A_94 = arith.constant 1 : i32
          %add3A_95 = arith.addi %add3A_88, %add3A_94 : i32
          %broadcast_in_dim3A_96 = vector.broadcast %add3A_95 : i32 to vector<16xi32>
          %gather3A_97 = arith.constant 0 : i32
          %gather3A_98 = tpu.memref_slice %arg9[%add3A_42, %gather3A_97] : memref<16x125xf32, #tpu.memory_space<vmem>> -> memref<1x125xf32, #tpu.memory_space<vmem>>
          %gather3A_99 = tpu.memref_squeeze %gather3A_98 : memref<1x125xf32, #tpu.memory_space<vmem>> -> memref<125xf32, #tpu.memory_space<vmem>>
          %gather3A_100 = tpu.vector_load_idx %gather3A_99[%broadcast_in_dim3A_96] : memref<125xf32, #tpu.memory_space<vmem>>[vector<16xi32>], vector<16xf32>,
          %add3A_101 = arith.constant 2 : i32
          %add3A_102 = arith.addi %add3A_88, %add3A_101 : i32
          %broadcast_in_dim3A_103 = vector.broadcast %add3A_102 : i32 to vector<16xi32>
          %gather3A_104 = arith.constant 0 : i32
          %gather3A_105 = tpu.memref_slice %arg9[%add3A_42, %gather3A_104] : memref<16x125xf32, #tpu.memory_space<vmem>> -> memref<1x125xf32, #tpu.memory_space<vmem>>
          %gather3A_106 = tpu.memref_squeeze %gather3A_105 : memref<1x125xf32, #tpu.memory_space<vmem>> -> memref<125xf32, #tpu.memory_space<vmem>>
          %gather3A_107 = tpu.vector_load_idx %gather3A_106[%broadcast_in_dim3A_103] : memref<125xf32, #tpu.memory_space<vmem>>[vector<16xi32>], vector<16xf32>,
          %add3A_108 = arith.constant 3 : i32
          %add3A_109 = arith.addi %add3A_88, %add3A_108 : i32
          %broadcast_in_dim3A_110 = vector.broadcast %add3A_109 : i32 to vector<16xi32>
          %gather3A_111 = arith.constant 0 : i32
          %gather3A_112 = tpu.memref_slice %arg9[%add3A_42, %gather3A_111] : memref<16x125xf32, #tpu.memory_space<vmem>> -> memref<1x125xf32, #tpu.memory_space<vmem>>
          %gather3A_113 = tpu.memref_squeeze %gather3A_112 : memref<1x125xf32, #tpu.memory_space<vmem>> -> memref<125xf32, #tpu.memory_space<vmem>>
          %gather3A_114 = tpu.vector_load_idx %gather3A_113[%broadcast_in_dim3A_110] : memref<125xf32, #tpu.memory_space<vmem>>[vector<16xi32>], vector<16xf32>,
          %add3A_115 = arith.constant 4 : i32
          %add3A_116 = arith.addi %add3A_88, %add3A_115 : i32
          %broadcast_in_dim3A_117 = vector.broadcast %add3A_116 : i32 to vector<16xi32>
          %gather3A_118 = arith.constant 0 : i32
          %gather3A_119 = tpu.memref_slice %arg9[%add3A_42, %gather3A_118] : memref<16x125xf32, #tpu.memory_space<vmem>> -> memref<1x125xf32, #tpu.memory_space<vmem>>
          %gather3A_120 = tpu.memref_squeeze %gather3A_119 : memref<1x125xf32, #tpu.memory_space<vmem>> -> memref<125xf32, #tpu.memory_space<vmem>>
          %gather3A_121 = tpu.vector_load_idx %gather3A_120[%broadcast_in_dim3A_117] : memref<125xf32, #tpu.memory_space<vmem>>[vector<16xi32>], vector<16xf32>,
          %add3A_122 = arith.constant 0 : i32
          %add3A_123 = arith.addi %add3A_88, %add3A_122 : i32
          %get3A = arith.index_cast %add3A_123 : i32 to index
          %get3A_124 = arith.constant 0 : index
          %get3A_125 = tpu.vector_load %arg10[%get3A, %get3A_124] {strides = array<i32>} : memref<125x128xf32, #tpu.memory_space<vmem>>, vector<16xf32>,
          %mul3A_126 = arith.mulf %get3A_125, %gather3A_93 : vector<16xf32>
          %add3A_127 = arith.constant 0 : i32
          %add3A_128 = arith.addi %add3A_88, %add3A_127 : i32
          %swap3A = arith.index_cast %add3A_128 : i32 to index
          %swap3A_129 = arith.constant 0 : index
          %swap3A_130 = tpu.vector_load %arg10[%swap3A, %swap3A_129] {strides = array<i32>} : memref<125x128xf32, #tpu.memory_space<vmem>>, vector<16xf32>,
          tpu.vector_store %arg10[%swap3A, %swap3A_129], %mul3A_126 {strides = array<i32>} : memref<125x128xf32, #tpu.memory_space<vmem>>, vector<16xf32>,
          %add3A_131 = arith.constant 0 : i32
          %add3A_132 = arith.addi %add3A_88, %add3A_131 : i32
          %get3A_133 = arith.index_cast %add3A_132 : i32 to index
          %get3A_134 = arith.constant 16 : index
          %get3A_135 = tpu.vector_load %arg10[%get3A_133, %get3A_134] {strides = array<i32>} : memref<125x128xf32, #tpu.memory_space<vmem>>, vector<16xf32>,
          %mul3A_136 = arith.mulf %get3A_135, %gather3A_93 : vector<16xf32>
          %add3A_137 = arith.constant 0 : i32
          %add3A_138 = arith.addi %add3A_88, %add3A_137 : i32
          %swap3A_139 = arith.index_cast %add3A_138 : i32 to index
          %swap3A_140 = arith.constant 16 : index
          %swap3A_141 = tpu.vector_load %arg10[%swap3A_139, %swap3A_140] {strides = array<i32>} : memref<125x128xf32, #tpu.memory_space<vmem>>, vector<16xf32>,
          tpu.vector_store %arg10[%swap3A_139, %swap3A_140], %mul3A_136 {strides = array<i32>} : memref<125x128xf32, #tpu.memory_space<vmem>>, vector<16xf32>,
          %add3A_142 = arith.constant 0 : i32
          %add3A_143 = arith.addi %add3A_88, %add3A_142 : i32
          %get3A_144 = arith.index_cast %add3A_143 : i32 to index
          %get3A_145 = arith.constant 32 : index
          %get3A_146 = tpu.vector_load %arg10[%get3A_144, %get3A_145] {strides = array<i32>} : memref<125x128xf32, #tpu.memory_space<vmem>>, vector<16xf32>,
          %mul3A_147 = arith.mulf %get3A_146, %gather3A_93 : vector<16xf32>
          %add3A_148 = arith.constant 0 : i32
          %add3A_149 = arith.addi %add3A_88, %add3A_148 : i32
          %swap3A_150 = arith.index_cast %add3A_149 : i32 to index
          %swap3A_151 = arith.constant 32 : index
          %swap3A_152 = tpu.vector_load %arg10[%swap3A_150, %swap3A_151] {strides = array<i32>} : memref<125x128xf32, #tpu.memory_space<vmem>>, vector<16xf32>,
          tpu.vector_store %arg10[%swap3A_150, %swap3A_151], %mul3A_147 {strides = array<i32>} : memref<125x128xf32, #tpu.memory_space<vmem>>, vector<16xf32>,
          %add3A_153 = arith.constant 0 : i32
          %add3A_154 = arith.addi %add3A_88, %add3A_153 : i32
          %get3A_155 = arith.index_cast %add3A_154 : i32 to index
          %get3A_156 = arith.constant 48 : index
          %get3A_157 = tpu.vector_load %arg10[%get3A_155, %get3A_156] {strides = array<i32>} : memref<125x128xf32, #tpu.memory_space<vmem>>, vector<16xf32>,
          %mul3A_158 = arith.mulf %get3A_157, %gather3A_93 : vector<16xf32>
          %add3A_159 = arith.constant 0 : i32
          %add3A_160 = arith.addi %add3A_88, %add3A_159 : i32
          %swap3A_161 = arith.index_cast %add3A_160 : i32 to index
          %swap3A_162 = arith.constant 48 : index
          %swap3A_163 = tpu.vector_load %arg10[%swap3A_161, %swap3A_162] {strides = array<i32>} : memref<125x128xf32, #tpu.memory_space<vmem>>, vector<16xf32>,
          tpu.vector_store %arg10[%swap3A_161, %swap3A_162], %mul3A_158 {strides = array<i32>} : memref<125x128xf32, #tpu.memory_space<vmem>>, vector<16xf32>,
          %add3A_164 = arith.constant 0 : i32
          %add3A_165 = arith.addi %add3A_88, %add3A_164 : i32
          %get3A_166 = arith.index_cast %add3A_165 : i32 to index
          %get3A_167 = arith.constant 64 : index
          %get3A_168 = tpu.vector_load %arg10[%get3A_166, %get3A_167] {strides = array<i32>} : memref<125x128xf32, #tpu.memory_space<vmem>>, vector<16xf32>,
          %mul3A_169 = arith.mulf %get3A_168, %gather3A_93 : vector<16xf32>
          %add3A_170 = arith.constant 0 : i32
          %add3A_171 = arith.addi %add3A_88, %add3A_170 : i32
          %swap3A_172 = arith.index_cast %add3A_171 : i32 to index
          %swap3A_173 = arith.constant 64 : index
          %swap3A_174 = tpu.vector_load %arg10[%swap3A_172, %swap3A_173] {strides = array<i32>} : memref<125x128xf32, #tpu.memory_space<vmem>>, vector<16xf32>,
          tpu.vector_store %arg10[%swap3A_172, %swap3A_173], %mul3A_169 {strides = array<i32>} : memref<125x128xf32, #tpu.memory_space<vmem>>, vector<16xf32>,
          %add3A_175 = arith.constant 0 : i32
          %add3A_176 = arith.addi %add3A_88, %add3A_175 : i32
          %get3A_177 = arith.index_cast %add3A_176 : i32 to index
          %get3A_178 = arith.constant 80 : index
          %get3A_179 = tpu.vector_load %arg10[%get3A_177, %get3A_178] {strides = array<i32>} : memref<125x128xf32, #tpu.memory_space<vmem>>, vector<16xf32>,
          %mul3A_180 = arith.mulf %get3A_179, %gather3A_93 : vector<16xf32>
          %add3A_181 = arith.constant 0 : i32
          %add3A_182 = arith.addi %add3A_88, %add3A_181 : i32
          %swap3A_183 = arith.index_cast %add3A_182 : i32 to index
          %swap3A_184 = arith.constant 80 : index
          %swap3A_185 = tpu.vector_load %arg10[%swap3A_183, %swap3A_184] {strides = array<i32>} : memref<125x128xf32, #tpu.memory_space<vmem>>, vector<16xf32>,
          tpu.vector_store %arg10[%swap3A_183, %swap3A_184], %mul3A_180 {strides = array<i32>} : memref<125x128xf32, #tpu.memory_space<vmem>>, vector<16xf32>,
          %add3A_186 = arith.constant 0 : i32
          %add3A_187 = arith.addi %add3A_88, %add3A_186 : i32
          %get3A_188 = arith.index_cast %add3A_187 : i32 to index
          %get3A_189 = arith.constant 96 : index
          %get3A_190 = tpu.vector_load %arg10[%get3A_188, %get3A_189] {strides = array<i32>} : memref<125x128xf32, #tpu.memory_space<vmem>>, vector<16xf32>,
          %mul3A_191 = arith.mulf %get3A_190, %gather3A_93 : vector<16xf32>
          %add3A_192 = arith.constant 0 : i32
          %add3A_193 = arith.addi %add3A_88, %add3A_192 : i32
          %swap3A_194 = arith.index_cast %add3A_193 : i32 to index
          %swap3A_195 = arith.constant 96 : index
          %swap3A_196 = tpu.vector_load %arg10[%swap3A_194, %swap3A_195] {strides = array<i32>} : memref<125x128xf32, #tpu.memory_space<vmem>>, vector<16xf32>,
          tpu.vector_store %arg10[%swap3A_194, %swap3A_195], %mul3A_191 {strides = array<i32>} : memref<125x128xf32, #tpu.memory_space<vmem>>, vector<16xf32>,
          %add3A_197 = arith.constant 0 : i32
          %add3A_198 = arith.addi %add3A_88, %add3A_197 : i32
          %get3A_199 = arith.index_cast %add3A_198 : i32 to index
          %get3A_200 = arith.constant 112 : index
          %get3A_201 = tpu.vector_load %arg10[%get3A_199, %get3A_200] {strides = array<i32>} : memref<125x128xf32, #tpu.memory_space<vmem>>, vector<16xf32>,
          %mul3A_202 = arith.mulf %get3A_201, %gather3A_93 : vector<16xf32>
          %add3A_203 = arith.constant 0 : i32
          %add3A_204 = arith.addi %add3A_88, %add3A_203 : i32
          %swap3A_205 = arith.index_cast %add3A_204 : i32 to index
          %swap3A_206 = arith.constant 112 : index
          %swap3A_207 = tpu.vector_load %arg10[%swap3A_205, %swap3A_206] {strides = array<i32>} : memref<125x128xf32, #tpu.memory_space<vmem>>, vector<16xf32>,
          tpu.vector_store %arg10[%swap3A_205, %swap3A_206], %mul3A_202 {strides = array<i32>} : memref<125x128xf32, #tpu.memory_space<vmem>>, vector<16xf32>,
          %add3A_208 = arith.constant 1 : i32
          %add3A_209 = arith.addi %add3A_88, %add3A_208 : i32
          %get3A_210 = arith.index_cast %add3A_209 : i32 to index
          %get3A_211 = arith.constant 0 : index
          %get3A_212 = tpu.vector_load %arg10[%get3A_210, %get3A_211] {strides = array<i32>} : memref<125x128xf32, #tpu.memory_space<vmem>>, vector<16xf32>,
          %mul3A_213 = arith.mulf %get3A_212, %gather3A_100 : vector<16xf32>
          %add3A_214 = arith.constant 1 : i32
          %add3A_215 = arith.addi %add3A_88, %add3A_214 : i32
          %swap3A_216 = arith.index_cast %add3A_215 : i32 to index
          %swap3A_217 = arith.constant 0 : index
          %swap3A_218 = tpu.vector_load %arg10[%swap3A_216, %swap3A_217] {strides = array<i32>} : memref<125x128xf32, #tpu.memory_space<vmem>>, vector<16xf32>,
          tpu.vector_store %arg10[%swap3A_216, %swap3A_217], %mul3A_213 {strides = array<i32>} : memref<125x128xf32, #tpu.memory_space<vmem>>, vector<16xf32>,
          %add3A_219 = arith.constant 1 : i32
          %add3A_220 = arith.addi %add3A_88, %add3A_219 : i32
          %get3A_221 = arith.index_cast %add3A_220 : i32 to index
          %get3A_222 = arith.constant 16 : index
          %get3A_223 = tpu.vector_load %arg10[%get3A_221, %get3A_222] {strides = array<i32>} : memref<125x128xf32, #tpu.memory_space<vmem>>, vector<16xf32>,
          %mul3A_224 = arith.mulf %get3A_223, %gather3A_100 : vector<16xf32>
          %add3A_225 = arith.constant 1 : i32
          %add3A_226 = arith.addi %add3A_88, %add3A_225 : i32
          %swap3A_227 = arith.index_cast %add3A_226 : i32 to index
          %swap3A_228 = arith.constant 16 : index
          %swap3A_229 = tpu.vector_load %arg10[%swap3A_227, %swap3A_228] {strides = array<i32>} : memref<125x128xf32, #tpu.memory_space<vmem>>, vector<16xf32>,
          tpu.vector_store %arg10[%swap3A_227, %swap3A_228], %mul3A_224 {strides = array<i32>} : memref<125x128xf32, #tpu.memory_space<vmem>>, vector<16xf32>,
          %add3A_230 = arith.constant 1 : i32
          %add3A_231 = arith.addi %add3A_88, %add3A_230 : i32
          %get3A_232 = arith.index_cast %add3A_231 : i32 to index
          %get3A_233 = arith.constant 32 : index
          %get3A_234 = tpu.vector_load %arg10[%get3A_232, %get3A_233] {strides = array<i32>} : memref<125x128xf32, #tpu.memory_space<vmem>>, vector<16xf32>,
          %mul3A_235 = arith.mulf %get3A_234, %gather3A_100 : vector<16xf32>
          %add3A_236 = arith.constant 1 : i32
          %add3A_237 = arith.addi %add3A_88, %add3A_236 : i32
          %swap3A_238 = arith.index_cast %add3A_237 : i32 to index
          %swap3A_239 = arith.constant 32 : index
          %swap3A_240 = tpu.vector_load %arg10[%swap3A_238, %swap3A_239] {strides = array<i32>} : memref<125x128xf32, #tpu.memory_space<vmem>>, vector<16xf32>,
          tpu.vector_store %arg10[%swap3A_238, %swap3A_239], %mul3A_235 {strides = array<i32>} : memref<125x128xf32, #tpu.memory_space<vmem>>, vector<16xf32>,
          %add3A_241 = arith.constant 1 : i32
          %add3A_242 = arith.addi %add3A_88, %add3A_241 : i32
          %get3A_243 = arith.index_cast %add3A_242 : i32 to index
          %get3A_244 = arith.constant 48 : index
          %get3A_245 = tpu.vector_load %arg10[%get3A_243, %get3A_244] {strides = array<i32>} : memref<125x128xf32, #tpu.memory_space<vmem>>, vector<16xf32>,
          %mul3A_246 = arith.mulf %get3A_245, %gather3A_100 : vector<16xf32>
          %add3A_247 = arith.constant 1 : i32
          %add3A_248 = arith.addi %add3A_88, %add3A_247 : i32
          %swap3A_249 = arith.index_cast %add3A_248 : i32 to index
          %swap3A_250 = arith.constant 48 : index
          %swap3A_251 = tpu.vector_load %arg10[%swap3A_249, %swap3A_250] {strides = array<i32>} : memref<125x128xf32, #tpu.memory_space<vmem>>, vector<16xf32>,
          tpu.vector_store %arg10[%swap3A_249, %swap3A_250], %mul3A_246 {strides = array<i32>} : memref<125x128xf32, #tpu.memory_space<vmem>>, vector<16xf32>,
          %add3A_252 = arith.constant 1 : i32
          %add3A_253 = arith.addi %add3A_88, %add3A_252 : i32
          %get3A_254 = arith.index_cast %add3A_253 : i32 to index
          %get3A_255 = arith.constant 64 : index
          %get3A_256 = tpu.vector_load %arg10[%get3A_254, %get3A_255] {strides = array<i32>} : memref<125x128xf32, #tpu.memory_space<vmem>>, vector<16xf32>,
          %mul3A_257 = arith.mulf %get3A_256, %gather3A_100 : vector<16xf32>
          %add3A_258 = arith.constant 1 : i32
          %add3A_259 = arith.addi %add3A_88, %add3A_258 : i32
          %swap3A_260 = arith.index_cast %add3A_259 : i32 to index
          %swap3A_261 = arith.constant 64 : index
          %swap3A_262 = tpu.vector_load %arg10[%swap3A_260, %swap3A_261] {strides = array<i32>} : memref<125x128xf32, #tpu.memory_space<vmem>>, vector<16xf32>,
          tpu.vector_store %arg10[%swap3A_260, %swap3A_261], %mul3A_257 {strides = array<i32>} : memref<125x128xf32, #tpu.memory_space<vmem>>, vector<16xf32>,
          %add3A_263 = arith.constant 1 : i32
          %add3A_264 = arith.addi %add3A_88, %add3A_263 : i32
          %get3A_265 = arith.index_cast %add3A_264 : i32 to index
          %get3A_266 = arith.constant 80 : index
          %get3A_267 = tpu.vector_load %arg10[%get3A_265, %get3A_266] {strides = array<i32>} : memref<125x128xf32, #tpu.memory_space<vmem>>, vector<16xf32>,
          %mul3A_268 = arith.mulf %get3A_267, %gather3A_100 : vector<16xf32>
          %add3A_269 = arith.constant 1 : i32
          %add3A_270 = arith.addi %add3A_88, %add3A_269 : i32
          %swap3A_271 = arith.index_cast %add3A_270 : i32 to index
          %swap3A_272 = arith.constant 80 : index
          %swap3A_273 = tpu.vector_load %arg10[%swap3A_271, %swap3A_272] {strides = array<i32>} : memref<125x128xf32, #tpu.memory_space<vmem>>, vector<16xf32>,
          tpu.vector_store %arg10[%swap3A_271, %swap3A_272], %mul3A_268 {strides = array<i32>} : memref<125x128xf32, #tpu.memory_space<vmem>>, vector<16xf32>,
          %add3A_274 = arith.constant 1 : i32
          %add3A_275 = arith.addi %add3A_88, %add3A_274 : i32
          %get3A_276 = arith.index_cast %add3A_275 : i32 to index
          %get3A_277 = arith.constant 96 : index
          %get3A_278 = tpu.vector_load %arg10[%get3A_276, %get3A_277] {strides = array<i32>} : memref<125x128xf32, #tpu.memory_space<vmem>>, vector<16xf32>,
          %mul3A_279 = arith.mulf %get3A_278, %gather3A_100 : vector<16xf32>
          %add3A_280 = arith.constant 1 : i32
          %add3A_281 = arith.addi %add3A_88, %add3A_280 : i32
          %swap3A_282 = arith.index_cast %add3A_281 : i32 to index
          %swap3A_283 = arith.constant 96 : index
          %swap3A_284 = tpu.vector_load %arg10[%swap3A_282, %swap3A_283] {strides = array<i32>} : memref<125x128xf32, #tpu.memory_space<vmem>>, vector<16xf32>,
          tpu.vector_store %arg10[%swap3A_282, %swap3A_283], %mul3A_279 {strides = array<i32>} : memref<125x128xf32, #tpu.memory_space<vmem>>, vector<16xf32>,
          %add3A_285 = arith.constant 1 : i32
          %add3A_286 = arith.addi %add3A_88, %add3A_285 : i32
          %get3A_287 = arith.index_cast %add3A_286 : i32 to index
          %get3A_288 = arith.constant 112 : index
          %get3A_289 = tpu.vector_load %arg10[%get3A_287, %get3A_288] {strides = array<i32>} : memref<125x128xf32, #tpu.memory_space<vmem>>, vector<16xf32>,
          %mul3A_290 = arith.mulf %get3A_289, %gather3A_100 : vector<16xf32>
          %add3A_291 = arith.constant 1 : i32
          %add3A_292 = arith.addi %add3A_88, %add3A_291 : i32
          %swap3A_293 = arith.index_cast %add3A_292 : i32 to index
          %swap3A_294 = arith.constant 112 : index
          %swap3A_295 = tpu.vector_load %arg10[%swap3A_293, %swap3A_294] {strides = array<i32>} : memref<125x128xf32, #tpu.memory_space<vmem>>, vector<16xf32>,
          tpu.vector_store %arg10[%swap3A_293, %swap3A_294], %mul3A_290 {strides = array<i32>} : memref<125x128xf32, #tpu.memory_space<vmem>>, vector<16xf32>,
          %add3A_296 = arith.constant 2 : i32
          %add3A_297 = arith.addi %add3A_88, %add3A_296 : i32
          %get3A_298 = arith.index_cast %add3A_297 : i32 to index
          %get3A_299 = arith.constant 0 : index
          %get3A_300 = tpu.vector_load %arg10[%get3A_298, %get3A_299] {strides = array<i32>} : memref<125x128xf32, #tpu.memory_space<vmem>>, vector<16xf32>,
          %mul3A_301 = arith.mulf %get3A_300, %gather3A_107 : vector<16xf32>
          %add3A_302 = arith.constant 2 : i32
          %add3A_303 = arith.addi %add3A_88, %add3A_302 : i32
          %swap3A_304 = arith.index_cast %add3A_303 : i32 to index
          %swap3A_305 = arith.constant 0 : index
          %swap3A_306 = tpu.vector_load %arg10[%swap3A_304, %swap3A_305] {strides = array<i32>} : memref<125x128xf32, #tpu.memory_space<vmem>>, vector<16xf32>,
          tpu.vector_store %arg10[%swap3A_304, %swap3A_305], %mul3A_301 {strides = array<i32>} : memref<125x128xf32, #tpu.memory_space<vmem>>, vector<16xf32>,
          %add3A_307 = arith.constant 2 : i32
          %add3A_308 = arith.addi %add3A_88, %add3A_307 : i32
          %get3A_309 = arith.index_cast %add3A_308 : i32 to index
          %get3A_310 = arith.constant 16 : index
          %get3A_311 = tpu.vector_load %arg10[%get3A_309, %get3A_310] {strides = array<i32>} : memref<125x128xf32, #tpu.memory_space<vmem>>, vector<16xf32>,
          %mul3A_312 = arith.mulf %get3A_311, %gather3A_107 : vector<16xf32>
          %add3A_313 = arith.constant 2 : i32
          %add3A_314 = arith.addi %add3A_88, %add3A_313 : i32
          %swap3A_315 = arith.index_cast %add3A_314 : i32 to index
          %swap3A_316 = arith.constant 16 : index
          %swap3A_317 = tpu.vector_load %arg10[%swap3A_315, %swap3A_316] {strides = array<i32>} : memref<125x128xf32, #tpu.memory_space<vmem>>, vector<16xf32>,
          tpu.vector_store %arg10[%swap3A_315, %swap3A_316], %mul3A_312 {strides = array<i32>} : memref<125x128xf32, #tpu.memory_space<vmem>>, vector<16xf32>,
          %add3A_318 = arith.constant 2 : i32
          %add3A_319 = arith.addi %add3A_88, %add3A_318 : i32
          %get3A_320 = arith.index_cast %add3A_319 : i32 to index
          %get3A_321 = arith.constant 32 : index
          %get3A_322 = tpu.vector_load %arg10[%get3A_320, %get3A_321] {strides = array<i32>} : memref<125x128xf32, #tpu.memory_space<vmem>>, vector<16xf32>,
          %mul3A_323 = arith.mulf %get3A_322, %gather3A_107 : vector<16xf32>
          %add3A_324 = arith.constant 2 : i32
          %add3A_325 = arith.addi %add3A_88, %add3A_324 : i32
          %swap3A_326 = arith.index_cast %add3A_325 : i32 to index
          %swap3A_327 = arith.constant 32 : index
          %swap3A_328 = tpu.vector_load %arg10[%swap3A_326, %swap3A_327] {strides = array<i32>} : memref<125x128xf32, #tpu.memory_space<vmem>>, vector<16xf32>,
          tpu.vector_store %arg10[%swap3A_326, %swap3A_327], %mul3A_323 {strides = array<i32>} : memref<125x128xf32, #tpu.memory_space<vmem>>, vector<16xf32>,
          %add3A_329 = arith.constant 2 : i32
          %add3A_330 = arith.addi %add3A_88, %add3A_329 : i32
          %get3A_331 = arith.index_cast %add3A_330 : i32 to index
          %get3A_332 = arith.constant 48 : index
          %get3A_333 = tpu.vector_load %arg10[%get3A_331, %get3A_332] {strides = array<i32>} : memref<125x128xf32, #tpu.memory_space<vmem>>, vector<16xf32>,
          %mul3A_334 = arith.mulf %get3A_333, %gather3A_107 : vector<16xf32>
          %add3A_335 = arith.constant 2 : i32
          %add3A_336 = arith.addi %add3A_88, %add3A_335 : i32
          %swap3A_337 = arith.index_cast %add3A_336 : i32 to index
          %swap3A_338 = arith.constant 48 : index
          %swap3A_339 = tpu.vector_load %arg10[%swap3A_337, %swap3A_338] {strides = array<i32>} : memref<125x128xf32, #tpu.memory_space<vmem>>, vector<16xf32>,
          tpu.vector_store %arg10[%swap3A_337, %swap3A_338], %mul3A_334 {strides = array<i32>} : memref<125x128xf32, #tpu.memory_space<vmem>>, vector<16xf32>,
          %add3A_340 = arith.constant 2 : i32
          %add3A_341 = arith.addi %add3A_88, %add3A_340 : i32
          %get3A_342 = arith.index_cast %add3A_341 : i32 to index
          %get3A_343 = arith.constant 64 : index
          %get3A_344 = tpu.vector_load %arg10[%get3A_342, %get3A_343] {strides = array<i32>} : memref<125x128xf32, #tpu.memory_space<vmem>>, vector<16xf32>,
          %mul3A_345 = arith.mulf %get3A_344, %gather3A_107 : vector<16xf32>
          %add3A_346 = arith.constant 2 : i32
          %add3A_347 = arith.addi %add3A_88, %add3A_346 : i32
          %swap3A_348 = arith.index_cast %add3A_347 : i32 to index
          %swap3A_349 = arith.constant 64 : index
          %swap3A_350 = tpu.vector_load %arg10[%swap3A_348, %swap3A_349] {strides = array<i32>} : memref<125x128xf32, #tpu.memory_space<vmem>>, vector<16xf32>,
          tpu.vector_store %arg10[%swap3A_348, %swap3A_349], %mul3A_345 {strides = array<i32>} : memref<125x128xf32, #tpu.memory_space<vmem>>, vector<16xf32>,
          %add3A_351 = arith.constant 2 : i32
          %add3A_352 = arith.addi %add3A_88, %add3A_351 : i32
          %get3A_353 = arith.index_cast %add3A_352 : i32 to index
          %get3A_354 = arith.constant 80 : index
          %get3A_355 = tpu.vector_load %arg10[%get3A_353, %get3A_354] {strides = array<i32>} : memref<125x128xf32, #tpu.memory_space<vmem>>, vector<16xf32>,
          %mul3A_356 = arith.mulf %get3A_355, %gather3A_107 : vector<16xf32>
          %add3A_357 = arith.constant 2 : i32
          %add3A_358 = arith.addi %add3A_88, %add3A_357 : i32
          %swap3A_359 = arith.index_cast %add3A_358 : i32 to index
          %swap3A_360 = arith.constant 80 : index
          %swap3A_361 = tpu.vector_load %arg10[%swap3A_359, %swap3A_360] {strides = array<i32>} : memref<125x128xf32, #tpu.memory_space<vmem>>, vector<16xf32>,
          tpu.vector_store %arg10[%swap3A_359, %swap3A_360], %mul3A_356 {strides = array<i32>} : memref<125x128xf32, #tpu.memory_space<vmem>>, vector<16xf32>,
          %add3A_362 = arith.constant 2 : i32
          %add3A_363 = arith.addi %add3A_88, %add3A_362 : i32
          %get3A_364 = arith.index_cast %add3A_363 : i32 to index
          %get3A_365 = arith.constant 96 : index
          %get3A_366 = tpu.vector_load %arg10[%get3A_364, %get3A_365] {strides = array<i32>} : memref<125x128xf32, #tpu.memory_space<vmem>>, vector<16xf32>,
          %mul3A_367 = arith.mulf %get3A_366, %gather3A_107 : vector<16xf32>
          %add3A_368 = arith.constant 2 : i32
          %add3A_369 = arith.addi %add3A_88, %add3A_368 : i32
          %swap3A_370 = arith.index_cast %add3A_369 : i32 to index
          %swap3A_371 = arith.constant 96 : index
          %swap3A_372 = tpu.vector_load %arg10[%swap3A_370, %swap3A_371] {strides = array<i32>} : memref<125x128xf32, #tpu.memory_space<vmem>>, vector<16xf32>,
          tpu.vector_store %arg10[%swap3A_370, %swap3A_371], %mul3A_367 {strides = array<i32>} : memref<125x128xf32, #tpu.memory_space<vmem>>, vector<16xf32>,
          %add3A_373 = arith.constant 2 : i32
          %add3A_374 = arith.addi %add3A_88, %add3A_373 : i32
          %get3A_375 = arith.index_cast %add3A_374 : i32 to index
          %get3A_376 = arith.constant 112 : index
          %get3A_377 = tpu.vector_load %arg10[%get3A_375, %get3A_376] {strides = array<i32>} : memref<125x128xf32, #tpu.memory_space<vmem>>, vector<16xf32>,
          %mul3A_378 = arith.mulf %get3A_377, %gather3A_107 : vector<16xf32>
          %add3A_379 = arith.constant 2 : i32
          %add3A_380 = arith.addi %add3A_88, %add3A_379 : i32
          %swap3A_381 = arith.index_cast %add3A_380 : i32 to index
          %swap3A_382 = arith.constant 112 : index
          %swap3A_383 = tpu.vector_load %arg10[%swap3A_381, %swap3A_382] {strides = array<i32>} : memref<125x128xf32, #tpu.memory_space<vmem>>, vector<16xf32>,
          tpu.vector_store %arg10[%swap3A_381, %swap3A_382], %mul3A_378 {strides = array<i32>} : memref<125x128xf32, #tpu.memory_space<vmem>>, vector<16xf32>,
          %add3A_384 = arith.constant 3 : i32
          %add3A_385 = arith.addi %add3A_88, %add3A_384 : i32
          %get3A_386 = arith.index_cast %add3A_385 : i32 to index
          %get3A_387 = arith.constant 0 : index
          %get3A_388 = tpu.vector_load %arg10[%get3A_386, %get3A_387] {strides = array<i32>} : memref<125x128xf32, #tpu.memory_space<vmem>>, vector<16xf32>,
          %mul3A_389 = arith.mulf %get3A_388, %gather3A_114 : vector<16xf32>
          %add3A_390 = arith.constant 3 : i32
          %add3A_391 = arith.addi %add3A_88, %add3A_390 : i32
          %swap3A_392 = arith.index_cast %add3A_391 : i32 to index
          %swap3A_393 = arith.constant 0 : index
          %swap3A_394 = tpu.vector_load %arg10[%swap3A_392, %swap3A_393] {strides = array<i32>} : memref<125x128xf32, #tpu.memory_space<vmem>>, vector<16xf32>,
          tpu.vector_store %arg10[%swap3A_392, %swap3A_393], %mul3A_389 {strides = array<i32>} : memref<125x128xf32, #tpu.memory_space<vmem>>, vector<16xf32>,
          %add3A_395 = arith.constant 3 : i32
          %add3A_396 = arith.addi %add3A_88, %add3A_395 : i32
          %get3A_397 = arith.index_cast %add3A_396 : i32 to index
          %get3A_398 = arith.constant 16 : index
          %get3A_399 = tpu.vector_load %arg10[%get3A_397, %get3A_398] {strides = array<i32>} : memref<125x128xf32, #tpu.memory_space<vmem>>, vector<16xf32>,
          %mul3A_400 = arith.mulf %get3A_399, %gather3A_114 : vector<16xf32>
          %add3A_401 = arith.constant 3 : i32
          %add3A_402 = arith.addi %add3A_88, %add3A_401 : i32
          %swap3A_403 = arith.index_cast %add3A_402 : i32 to index
          %swap3A_404 = arith.constant 16 : index
          %swap3A_405 = tpu.vector_load %arg10[%swap3A_403, %swap3A_404] {strides = array<i32>} : memref<125x128xf32, #tpu.memory_space<vmem>>, vector<16xf32>,
          tpu.vector_store %arg10[%swap3A_403, %swap3A_404], %mul3A_400 {strides = array<i32>} : memref<125x128xf32, #tpu.memory_space<vmem>>, vector<16xf32>,
          %add3A_406 = arith.constant 3 : i32
          %add3A_407 = arith.addi %add3A_88, %add3A_406 : i32
          %get3A_408 = arith.index_cast %add3A_407 : i32 to index
          %get3A_409 = arith.constant 32 : index
          %get3A_410 = tpu.vector_load %arg10[%get3A_408, %get3A_409] {strides = array<i32>} : memref<125x128xf32, #tpu.memory_space<vmem>>, vector<16xf32>,
          %mul3A_411 = arith.mulf %get3A_410, %gather3A_114 : vector<16xf32>
          %add3A_412 = arith.constant 3 : i32
          %add3A_413 = arith.addi %add3A_88, %add3A_412 : i32
          %swap3A_414 = arith.index_cast %add3A_413 : i32 to index
          %swap3A_415 = arith.constant 32 : index
          %swap3A_416 = tpu.vector_load %arg10[%swap3A_414, %swap3A_415] {strides = array<i32>} : memref<125x128xf32, #tpu.memory_space<vmem>>, vector<16xf32>,
          tpu.vector_store %arg10[%swap3A_414, %swap3A_415], %mul3A_411 {strides = array<i32>} : memref<125x128xf32, #tpu.memory_space<vmem>>, vector<16xf32>,
          %add3A_417 = arith.constant 3 : i32
          %add3A_418 = arith.addi %add3A_88, %add3A_417 : i32
          %get3A_419 = arith.index_cast %add3A_418 : i32 to index
          %get3A_420 = arith.constant 48 : index
          %get3A_421 = tpu.vector_load %arg10[%get3A_419, %get3A_420] {strides = array<i32>} : memref<125x128xf32, #tpu.memory_space<vmem>>, vector<16xf32>,
          %mul3A_422 = arith.mulf %get3A_421, %gather3A_114 : vector<16xf32>
          %add3A_423 = arith.constant 3 : i32
          %add3A_424 = arith.addi %add3A_88, %add3A_423 : i32
          %swap3A_425 = arith.index_cast %add3A_424 : i32 to index
          %swap3A_426 = arith.constant 48 : index
          %swap3A_427 = tpu.vector_load %arg10[%swap3A_425, %swap3A_426] {strides = array<i32>} : memref<125x128xf32, #tpu.memory_space<vmem>>, vector<16xf32>,
          tpu.vector_store %arg10[%swap3A_425, %swap3A_426], %mul3A_422 {strides = array<i32>} : memref<125x128xf32, #tpu.memory_space<vmem>>, vector<16xf32>,
          %add3A_428 = arith.constant 3 : i32
          %add3A_429 = arith.addi %add3A_88, %add3A_428 : i32
          %get3A_430 = arith.index_cast %add3A_429 : i32 to index
          %get3A_431 = arith.constant 64 : index
          %get3A_432 = tpu.vector_load %arg10[%get3A_430, %get3A_431] {strides = array<i32>} : memref<125x128xf32, #tpu.memory_space<vmem>>, vector<16xf32>,
          %mul3A_433 = arith.mulf %get3A_432, %gather3A_114 : vector<16xf32>
          %add3A_434 = arith.constant 3 : i32
          %add3A_435 = arith.addi %add3A_88, %add3A_434 : i32
          %swap3A_436 = arith.index_cast %add3A_435 : i32 to index
          %swap3A_437 = arith.constant 64 : index
          %swap3A_438 = tpu.vector_load %arg10[%swap3A_436, %swap3A_437] {strides = array<i32>} : memref<125x128xf32, #tpu.memory_space<vmem>>, vector<16xf32>,
          tpu.vector_store %arg10[%swap3A_436, %swap3A_437], %mul3A_433 {strides = array<i32>} : memref<125x128xf32, #tpu.memory_space<vmem>>, vector<16xf32>,
          %add3A_439 = arith.constant 3 : i32
          %add3A_440 = arith.addi %add3A_88, %add3A_439 : i32
          %get3A_441 = arith.index_cast %add3A_440 : i32 to index
          %get3A_442 = arith.constant 80 : index
          %get3A_443 = tpu.vector_load %arg10[%get3A_441, %get3A_442] {strides = array<i32>} : memref<125x128xf32, #tpu.memory_space<vmem>>, vector<16xf32>,
          %mul3A_444 = arith.mulf %get3A_443, %gather3A_114 : vector<16xf32>
          %add3A_445 = arith.constant 3 : i32
          %add3A_446 = arith.addi %add3A_88, %add3A_445 : i32
          %swap3A_447 = arith.index_cast %add3A_446 : i32 to index
          %swap3A_448 = arith.constant 80 : index
          %swap3A_449 = tpu.vector_load %arg10[%swap3A_447, %swap3A_448] {strides = array<i32>} : memref<125x128xf32, #tpu.memory_space<vmem>>, vector<16xf32>,
          tpu.vector_store %arg10[%swap3A_447, %swap3A_448], %mul3A_444 {strides = array<i32>} : memref<125x128xf32, #tpu.memory_space<vmem>>, vector<16xf32>,
          %add3A_450 = arith.constant 3 : i32
          %add3A_451 = arith.addi %add3A_88, %add3A_450 : i32
          %get3A_452 = arith.index_cast %add3A_451 : i32 to index
          %get3A_453 = arith.constant 96 : index
          %get3A_454 = tpu.vector_load %arg10[%get3A_452, %get3A_453] {strides = array<i32>} : memref<125x128xf32, #tpu.memory_space<vmem>>, vector<16xf32>,
          %mul3A_455 = arith.mulf %get3A_454, %gather3A_114 : vector<16xf32>
          %add3A_456 = arith.constant 3 : i32
          %add3A_457 = arith.addi %add3A_88, %add3A_456 : i32
          %swap3A_458 = arith.index_cast %add3A_457 : i32 to index
          %swap3A_459 = arith.constant 96 : index
          %swap3A_460 = tpu.vector_load %arg10[%swap3A_458, %swap3A_459] {strides = array<i32>} : memref<125x128xf32, #tpu.memory_space<vmem>>, vector<16xf32>,
          tpu.vector_store %arg10[%swap3A_458, %swap3A_459], %mul3A_455 {strides = array<i32>} : memref<125x128xf32, #tpu.memory_space<vmem>>, vector<16xf32>,
          %add3A_461 = arith.constant 3 : i32
          %add3A_462 = arith.addi %add3A_88, %add3A_461 : i32
          %get3A_463 = arith.index_cast %add3A_462 : i32 to index
          %get3A_464 = arith.constant 112 : index
          %get3A_465 = tpu.vector_load %arg10[%get3A_463, %get3A_464] {strides = array<i32>} : memref<125x128xf32, #tpu.memory_space<vmem>>, vector<16xf32>,
          %mul3A_466 = arith.mulf %get3A_465, %gather3A_114 : vector<16xf32>
          %add3A_467 = arith.constant 3 : i32
          %add3A_468 = arith.addi %add3A_88, %add3A_467 : i32
          %swap3A_469 = arith.index_cast %add3A_468 : i32 to index
          %swap3A_470 = arith.constant 112 : index
          %swap3A_471 = tpu.vector_load %arg10[%swap3A_469, %swap3A_470] {strides = array<i32>} : memref<125x128xf32, #tpu.memory_space<vmem>>, vector<16xf32>,
          tpu.vector_store %arg10[%swap3A_469, %swap3A_470], %mul3A_466 {strides = array<i32>} : memref<125x128xf32, #tpu.memory_space<vmem>>, vector<16xf32>,
          %add3A_472 = arith.constant 4 : i32
          %add3A_473 = arith.addi %add3A_88, %add3A_472 : i32
          %get3A_474 = arith.index_cast %add3A_473 : i32 to index
          %get3A_475 = arith.constant 0 : index
          %get3A_476 = tpu.vector_load %arg10[%get3A_474, %get3A_475] {strides = array<i32>} : memref<125x128xf32, #tpu.memory_space<vmem>>, vector<16xf32>,
          %mul3A_477 = arith.mulf %get3A_476, %gather3A_121 : vector<16xf32>
          %add3A_478 = arith.constant 4 : i32
          %add3A_479 = arith.addi %add3A_88, %add3A_478 : i32
          %swap3A_480 = arith.index_cast %add3A_479 : i32 to index
          %swap3A_481 = arith.constant 0 : index
          %swap3A_482 = tpu.vector_load %arg10[%swap3A_480, %swap3A_481] {strides = array<i32>} : memref<125x128xf32, #tpu.memory_space<vmem>>, vector<16xf32>,
          tpu.vector_store %arg10[%swap3A_480, %swap3A_481], %mul3A_477 {strides = array<i32>} : memref<125x128xf32, #tpu.memory_space<vmem>>, vector<16xf32>,
          %add3A_483 = arith.constant 4 : i32
          %add3A_484 = arith.addi %add3A_88, %add3A_483 : i32
          %get3A_485 = arith.index_cast %add3A_484 : i32 to index
          %get3A_486 = arith.constant 16 : index
          %get3A_487 = tpu.vector_load %arg10[%get3A_485, %get3A_486] {strides = array<i32>} : memref<125x128xf32, #tpu.memory_space<vmem>>, vector<16xf32>,
          %mul3A_488 = arith.mulf %get3A_487, %gather3A_121 : vector<16xf32>
          %add3A_489 = arith.constant 4 : i32
          %add3A_490 = arith.addi %add3A_88, %add3A_489 : i32
          %swap3A_491 = arith.index_cast %add3A_490 : i32 to index
          %swap3A_492 = arith.constant 16 : index
          %swap3A_493 = tpu.vector_load %arg10[%swap3A_491, %swap3A_492] {strides = array<i32>} : memref<125x128xf32, #tpu.memory_space<vmem>>, vector<16xf32>,
          tpu.vector_store %arg10[%swap3A_491, %swap3A_492], %mul3A_488 {strides = array<i32>} : memref<125x128xf32, #tpu.memory_space<vmem>>, vector<16xf32>,
          %add3A_494 = arith.constant 4 : i32
          %add3A_495 = arith.addi %add3A_88, %add3A_494 : i32
          %get3A_496 = arith.index_cast %add3A_495 : i32 to index
          %get3A_497 = arith.constant 32 : index
          %get3A_498 = tpu.vector_load %arg10[%get3A_496, %get3A_497] {strides = array<i32>} : memref<125x128xf32, #tpu.memory_space<vmem>>, vector<16xf32>,
          %mul3A_499 = arith.mulf %get3A_498, %gather3A_121 : vector<16xf32>
          %add3A_500 = arith.constant 4 : i32
          %add3A_501 = arith.addi %add3A_88, %add3A_500 : i32
          %swap3A_502 = arith.index_cast %add3A_501 : i32 to index
          %swap3A_503 = arith.constant 32 : index
          %swap3A_504 = tpu.vector_load %arg10[%swap3A_502, %swap3A_503] {strides = array<i32>} : memref<125x128xf32, #tpu.memory_space<vmem>>, vector<16xf32>,
          tpu.vector_store %arg10[%swap3A_502, %swap3A_503], %mul3A_499 {strides = array<i32>} : memref<125x128xf32, #tpu.memory_space<vmem>>, vector<16xf32>,
          %add3A_505 = arith.constant 4 : i32
          %add3A_506 = arith.addi %add3A_88, %add3A_505 : i32
          %get3A_507 = arith.index_cast %add3A_506 : i32 to index
          %get3A_508 = arith.constant 48 : index
          %get3A_509 = tpu.vector_load %arg10[%get3A_507, %get3A_508] {strides = array<i32>} : memref<125x128xf32, #tpu.memory_space<vmem>>, vector<16xf32>,
          %mul3A_510 = arith.mulf %get3A_509, %gather3A_121 : vector<16xf32>
          %add3A_511 = arith.constant 4 : i32
          %add3A_512 = arith.addi %add3A_88, %add3A_511 : i32
          %swap3A_513 = arith.index_cast %add3A_512 : i32 to index
          %swap3A_514 = arith.constant 48 : index
          %swap3A_515 = tpu.vector_load %arg10[%swap3A_513, %swap3A_514] {strides = array<i32>} : memref<125x128xf32, #tpu.memory_space<vmem>>, vector<16xf32>,
          tpu.vector_store %arg10[%swap3A_513, %swap3A_514], %mul3A_510 {strides = array<i32>} : memref<125x128xf32, #tpu.memory_space<vmem>>, vector<16xf32>,
          %add3A_516 = arith.constant 4 : i32
          %add3A_517 = arith.addi %add3A_88, %add3A_516 : i32
          %get3A_518 = arith.index_cast %add3A_517 : i32 to index
          %get3A_519 = arith.constant 64 : index
          %get3A_520 = tpu.vector_load %arg10[%get3A_518, %get3A_519] {strides = array<i32>} : memref<125x128xf32, #tpu.memory_space<vmem>>, vector<16xf32>,
          %mul3A_521 = arith.mulf %get3A_520, %gather3A_121 : vector<16xf32>
          %add3A_522 = arith.constant 4 : i32
          %add3A_523 = arith.addi %add3A_88, %add3A_522 : i32
          %swap3A_524 = arith.index_cast %add3A_523 : i32 to index
          %swap3A_525 = arith.constant 64 : index
          %swap3A_526 = tpu.vector_load %arg10[%swap3A_524, %swap3A_525] {strides = array<i32>} : memref<125x128xf32, #tpu.memory_space<vmem>>, vector<16xf32>,
          tpu.vector_store %arg10[%swap3A_524, %swap3A_525], %mul3A_521 {strides = array<i32>} : memref<125x128xf32, #tpu.memory_space<vmem>>, vector<16xf32>,
          %add3A_527 = arith.constant 4 : i32
          %add3A_528 = arith.addi %add3A_88, %add3A_527 : i32
          %get3A_529 = arith.index_cast %add3A_528 : i32 to index
          %get3A_530 = arith.constant 80 : index
          %get3A_531 = tpu.vector_load %arg10[%get3A_529, %get3A_530] {strides = array<i32>} : memref<125x128xf32, #tpu.memory_space<vmem>>, vector<16xf32>,
          %mul3A_532 = arith.mulf %get3A_531, %gather3A_121 : vector<16xf32>
          %add3A_533 = arith.constant 4 : i32
          %add3A_534 = arith.addi %add3A_88, %add3A_533 : i32
          %swap3A_535 = arith.index_cast %add3A_534 : i32 to index
          %swap3A_536 = arith.constant 80 : index
          %swap3A_537 = tpu.vector_load %arg10[%swap3A_535, %swap3A_536] {strides = array<i32>} : memref<125x128xf32, #tpu.memory_space<vmem>>, vector<16xf32>,
          tpu.vector_store %arg10[%swap3A_535, %swap3A_536], %mul3A_532 {strides = array<i32>} : memref<125x128xf32, #tpu.memory_space<vmem>>, vector<16xf32>,
          %add3A_538 = arith.constant 4 : i32
          %add3A_539 = arith.addi %add3A_88, %add3A_538 : i32
          %get3A_540 = arith.index_cast %add3A_539 : i32 to index
          %get3A_541 = arith.constant 96 : index
          %get3A_542 = tpu.vector_load %arg10[%get3A_540, %get3A_541] {strides = array<i32>} : memref<125x128xf32, #tpu.memory_space<vmem>>, vector<16xf32>,
          %mul3A_543 = arith.mulf %get3A_542, %gather3A_121 : vector<16xf32>
          %add3A_544 = arith.constant 4 : i32
          %add3A_545 = arith.addi %add3A_88, %add3A_544 : i32
          %swap3A_546 = arith.index_cast %add3A_545 : i32 to index
          %swap3A_547 = arith.constant 96 : index
          %swap3A_548 = tpu.vector_load %arg10[%swap3A_546, %swap3A_547] {strides = array<i32>} : memref<125x128xf32, #tpu.memory_space<vmem>>, vector<16xf32>,
          tpu.vector_store %arg10[%swap3A_546, %swap3A_547], %mul3A_543 {strides = array<i32>} : memref<125x128xf32, #tpu.memory_space<vmem>>, vector<16xf32>,
          %add3A_549 = arith.constant 4 : i32
          %add3A_550 = arith.addi %add3A_88, %add3A_549 : i32
          %get3A_551 = arith.index_cast %add3A_550 : i32 to index
          %get3A_552 = arith.constant 112 : index
          %get3A_553 = tpu.vector_load %arg10[%get3A_551, %get3A_552] {strides = array<i32>} : memref<125x128xf32, #tpu.memory_space<vmem>>, vector<16xf32>,
          %mul3A_554 = arith.mulf %get3A_553, %gather3A_121 : vector<16xf32>
          %add3A_555 = arith.constant 4 : i32
          %add3A_556 = arith.addi %add3A_88, %add3A_555 : i32
          %swap3A_557 = arith.index_cast %add3A_556 : i32 to index
          %swap3A_558 = arith.constant 112 : index
          %swap3A_559 = tpu.vector_load %arg10[%swap3A_557, %swap3A_558] {strides = array<i32>} : memref<125x128xf32, #tpu.memory_space<vmem>>, vector<16xf32>,
          tpu.vector_store %arg10[%swap3A_557, %swap3A_558], %mul3A_554 {strides = array<i32>} : memref<125x128xf32, #tpu.memory_space<vmem>>, vector<16xf32>,
        }
        %scan3A_60 = arith.constant 25 : i32
        "tpu.region"() ({
          %run_scoped3A = tpu.sem_alloc : memref<!tpu.dma_semaphore, #tpu.memory_space<semaphore_mem>>
          %dma_start3A_84 = arith.constant 0 : i32
          %dma_start3A_85 = tpu.memref_slice %arg8[%add3A_42, %dma_start3A_84] : memref<16x125xi32, #tpu.memory_space<vmem>> -> memref<1x125xi32, #tpu.memory_space<vmem>>
          %dma_start3A_86 = tpu.memref_squeeze %dma_start3A_85 : memref<1x125xi32, #tpu.memory_space<vmem>> -> memref<125xi32, #tpu.memory_space<vmem>>
          %dma_start3A_87 = arith.constant 0 : i32
          %dma_start3A_88 = arith.constant 0 : i32
          %dma_start3A_89 = tpu.memref_slice %arg12[%dma_start3A_87, %dma_start3A_88] : memref<10000x128xf32, #tpu.memory_space<vmem_shared>> -> memref<10000x128xf32, #tpu.memory_space<vmem_shared>>
          tpu.enqueue_indirect_dma source(%arg10 : memref<125x128xf32, #tpu.memory_space<vmem>>) target(%dma_start3A_89 : memref<10000x128xf32, #tpu.memory_space<vmem_shared>>) offsets(%dma_start3A_86 : memref<125xi32, #tpu.memory_space<vmem>>) semaphore(%run_scoped3A : memref<!tpu.dma_semaphore, #tpu.memory_space<semaphore_mem>>) {add = true}
          %dma_wait3A_90 = arith.constant 0 : i32
          %dma_wait3A_91 = tpu.memref_slice %arg8[%add3A_42, %dma_wait3A_90] : memref<16x125xi32, #tpu.memory_space<vmem>> -> memref<1x125xi32, #tpu.memory_space<vmem>>
          %dma_wait3A_92 = tpu.memref_squeeze %dma_wait3A_91 : memref<1x125xi32, #tpu.memory_space<vmem>> -> memref<125xi32, #tpu.memory_space<vmem>>
          %dma_wait3A_93 = arith.constant 0 : i32
          %dma_wait3A_94 = arith.constant 0 : i32
          %dma_wait3A_95 = tpu.memref_slice %arg12[%dma_wait3A_93, %dma_wait3A_94] : memref<10000x128xf32, #tpu.memory_space<vmem_shared>> -> memref<10000x128xf32, #tpu.memory_space<vmem_shared>>
          tpu.wait_indirect_dma semaphore(%run_scoped3A : memref<!tpu.dma_semaphore, #tpu.memory_space<semaphore_mem>>) src(%arg10 : memref<125x128xf32, #tpu.memory_space<vmem>>) dst(%dma_wait3A_95 : memref<10000x128xf32, #tpu.memory_space<vmem_shared>>)
          tpu.yield
        }) : () -> ()
        %add3A_61 = arith.constant 1 : i32
        %add3A_62 = arith.addi %add3A_42, %add3A_61 : i32
        %dma_wait3A_63 = arith.constant 0 : i32
        %dma_wait3A_64 = tpu.memref_slice %arg7[%add3A_62, %dma_wait3A_63] : memref<16x125xi32, #tpu.memory_space<vmem>> -> memref<1x125xi32, #tpu.memory_space<vmem>>
        %dma_wait3A_65 = tpu.memref_squeeze %dma_wait3A_64 : memref<1x125xi32, #tpu.memory_space<vmem>> -> memref<125xi32, #tpu.memory_space<vmem>>
        %dma_wait3A_66 = arith.constant 0 : i32
        %dma_wait3A_67 = arith.constant 0 : i32
        %dma_wait3A_68 = tpu.memref_slice %arg2[%dma_wait3A_66, %dma_wait3A_67] : memref<10000x128xf32, #tpu.memory_space<hbm>> -> memref<10000x128xf32, #tpu.memory_space<hbm>>
        tpu.wait_indirect_dma semaphore(%arg14 : memref<!tpu.dma_semaphore, #tpu.memory_space<semaphore_mem>>) src(%dma_wait3A_68 : memref<10000x128xf32, #tpu.memory_space<hbm>>) dst(%arg11 : memref<125x128xf32, #tpu.memory_space<vmem>>)
        %add3A_69 = arith.constant 2 : i32
        %add3A_70 = arith.addi %add3A_42, %add3A_69 : i32
        %lt3A = arith.constant 16 : i32
        %lt3A_71 = arith.cmpi slt, %add3A_70, %lt3A : i32
        %convert_element_type3A_72 = arith.extui %lt3A_71 : i1 to i32
        %cond3A_73 = arith.constant 0 : i32
        %cond3A_74 = arith.cmpi ne, %convert_element_type3A_72, %cond3A_73 : i32
        scf.if %cond3A_74 {
          %add3A_84 = arith.constant 2 : i32
          %add3A_85 = arith.addi %add3A_42, %add3A_84 : i32
          %dma_start3A_86 = arith.constant 0 : i32
          %dma_start3A_87 = tpu.memref_slice %arg7[%add3A_85, %dma_start3A_86] : memref<16x125xi32, #tpu.memory_space<vmem>> -> memref<1x125xi32, #tpu.memory_space<vmem>>
          %dma_start3A_88 = tpu.memref_squeeze %dma_start3A_87 : memref<1x125xi32, #tpu.memory_space<vmem>> -> memref<125xi32, #tpu.memory_space<vmem>>
          %dma_start3A_89 = arith.constant 0 : i32
          %dma_start3A_90 = arith.constant 0 : i32
          %dma_start3A_91 = tpu.memref_slice %arg2[%dma_start3A_89, %dma_start3A_90] : memref<10000x128xf32, #tpu.memory_space<hbm>> -> memref<10000x128xf32, #tpu.memory_space<hbm>>
          tpu.enqueue_indirect_dma source(%dma_start3A_91 : memref<10000x128xf32, #tpu.memory_space<hbm>>) target(%arg10 : memref<125x128xf32, #tpu.memory_space<vmem>>) offsets(%dma_start3A_88 : memref<125xi32, #tpu.memory_space<vmem>>) semaphore(%arg13 : memref<!tpu.dma_semaphore, #tpu.memory_space<semaphore_mem>>)
        } else {
        }
        %add3A_75 = arith.constant 1 : i32
        %add3A_76 = arith.addi %add3A_42, %add3A_75 : i32
        %scan3A_77 = arith.constant 0 : i32
        %scan3A_78 = arith.constant 25 : i32
        %scan3A_79 = arith.addi %scan3A_77, %scan3A_78 : i32
        %scan3A_80 = arith.constant 1 : i32
        scf.for %scan3A_84 = %scan3A_77 to %scan3A_79 step %scan3A_80  : i32 {
          %mul3A_85 = arith.constant 5 : i32
          %mul3A_86 = arith.muli %scan3A_84, %mul3A_85 : i32
          %add3A_87 = arith.constant 0 : i32
          %add3A_88 = arith.addi %add3A_87, %mul3A_86 : i32
          %add3A_89 = arith.constant 0 : i32
          %add3A_90 = arith.addi %add3A_88, %add3A_89 : i32
          %broadcast_in_dim3A = vector.broadcast %add3A_90 : i32 to vector<16xi32>
          %gather3A = arith.constant 0 : i32
          %gather3A_91 = tpu.memref_slice %arg9[%add3A_76, %gather3A] : memref<16x125xf32, #tpu.memory_space<vmem>> -> memref<1x125xf32, #tpu.memory_space<vmem>>
          %gather3A_92 = tpu.memref_squeeze %gather3A_91 : memref<1x125xf32, #tpu.memory_space<vmem>> -> memref<125xf32, #tpu.memory_space<vmem>>
          %gather3A_93 = tpu.vector_load_idx %gather3A_92[%broadcast_in_dim3A] : memref<125xf32, #tpu.memory_space<vmem>>[vector<16xi32>], vector<16xf32>,
          %add3A_94 = arith.constant 1 : i32
          %add3A_95 = arith.addi %add3A_88, %add3A_94 : i32
          %broadcast_in_dim3A_96 = vector.broadcast %add3A_95 : i32 to vector<16xi32>
          %gather3A_97 = arith.constant 0 : i32
          %gather3A_98 = tpu.memref_slice %arg9[%add3A_76, %gather3A_97] : memref<16x125xf32, #tpu.memory_space<vmem>> -> memref<1x125xf32, #tpu.memory_space<vmem>>
          %gather3A_99 = tpu.memref_squeeze %gather3A_98 : memref<1x125xf32, #tpu.memory_space<vmem>> -> memref<125xf32, #tpu.memory_space<vmem>>
          %gather3A_100 = tpu.vector_load_idx %gather3A_99[%broadcast_in_dim3A_96] : memref<125xf32, #tpu.memory_space<vmem>>[vector<16xi32>], vector<16xf32>,
          %add3A_101 = arith.constant 2 : i32
          %add3A_102 = arith.addi %add3A_88, %add3A_101 : i32
          %broadcast_in_dim3A_103 = vector.broadcast %add3A_102 : i32 to vector<16xi32>
          %gather3A_104 = arith.constant 0 : i32
          %gather3A_105 = tpu.memref_slice %arg9[%add3A_76, %gather3A_104] : memref<16x125xf32, #tpu.memory_space<vmem>> -> memref<1x125xf32, #tpu.memory_space<vmem>>
          %gather3A_106 = tpu.memref_squeeze %gather3A_105 : memref<1x125xf32, #tpu.memory_space<vmem>> -> memref<125xf32, #tpu.memory_space<vmem>>
          %gather3A_107 = tpu.vector_load_idx %gather3A_106[%broadcast_in_dim3A_103] : memref<125xf32, #tpu.memory_space<vmem>>[vector<16xi32>], vector<16xf32>,
          %add3A_108 = arith.constant 3 : i32
          %add3A_109 = arith.addi %add3A_88, %add3A_108 : i32
          %broadcast_in_dim3A_110 = vector.broadcast %add3A_109 : i32 to vector<16xi32>
          %gather3A_111 = arith.constant 0 : i32
          %gather3A_112 = tpu.memref_slice %arg9[%add3A_76, %gather3A_111] : memref<16x125xf32, #tpu.memory_space<vmem>> -> memref<1x125xf32, #tpu.memory_space<vmem>>
          %gather3A_113 = tpu.memref_squeeze %gather3A_112 : memref<1x125xf32, #tpu.memory_space<vmem>> -> memref<125xf32, #tpu.memory_space<vmem>>
          %gather3A_114 = tpu.vector_load_idx %gather3A_113[%broadcast_in_dim3A_110] : memref<125xf32, #tpu.memory_space<vmem>>[vector<16xi32>], vector<16xf32>,
          %add3A_115 = arith.constant 4 : i32
          %add3A_116 = arith.addi %add3A_88, %add3A_115 : i32
          %broadcast_in_dim3A_117 = vector.broadcast %add3A_116 : i32 to vector<16xi32>
          %gather3A_118 = arith.constant 0 : i32
          %gather3A_119 = tpu.memref_slice %arg9[%add3A_76, %gather3A_118] : memref<16x125xf32, #tpu.memory_space<vmem>> -> memref<1x125xf32, #tpu.memory_space<vmem>>
          %gather3A_120 = tpu.memref_squeeze %gather3A_119 : memref<1x125xf32, #tpu.memory_space<vmem>> -> memref<125xf32, #tpu.memory_space<vmem>>
          %gather3A_121 = tpu.vector_load_idx %gather3A_120[%broadcast_in_dim3A_117] : memref<125xf32, #tpu.memory_space<vmem>>[vector<16xi32>], vector<16xf32>,
          %add3A_122 = arith.constant 0 : i32
          %add3A_123 = arith.addi %add3A_88, %add3A_122 : i32
          %get3A = arith.index_cast %add3A_123 : i32 to index
          %get3A_124 = arith.constant 0 : index
          %get3A_125 = tpu.vector_load %arg11[%get3A, %get3A_124] {strides = array<i32>} : memref<125x128xf32, #tpu.memory_space<vmem>>, vector<16xf32>,
          %mul3A_126 = arith.mulf %get3A_125, %gather3A_93 : vector<16xf32>
          %add3A_127 = arith.constant 0 : i32
          %add3A_128 = arith.addi %add3A_88, %add3A_127 : i32
          %swap3A = arith.index_cast %add3A_128 : i32 to index
          %swap3A_129 = arith.constant 0 : index
          %swap3A_130 = tpu.vector_load %arg11[%swap3A, %swap3A_129] {strides = array<i32>} : memref<125x128xf32, #tpu.memory_space<vmem>>, vector<16xf32>,
          tpu.vector_store %arg11[%swap3A, %swap3A_129], %mul3A_126 {strides = array<i32>} : memref<125x128xf32, #tpu.memory_space<vmem>>, vector<16xf32>,
          %add3A_131 = arith.constant 0 : i32
          %add3A_132 = arith.addi %add3A_88, %add3A_131 : i32
          %get3A_133 = arith.index_cast %add3A_132 : i32 to index
          %get3A_134 = arith.constant 16 : index
          %get3A_135 = tpu.vector_load %arg11[%get3A_133, %get3A_134] {strides = array<i32>} : memref<125x128xf32, #tpu.memory_space<vmem>>, vector<16xf32>,
          %mul3A_136 = arith.mulf %get3A_135, %gather3A_93 : vector<16xf32>
          %add3A_137 = arith.constant 0 : i32
          %add3A_138 = arith.addi %add3A_88, %add3A_137 : i32
          %swap3A_139 = arith.index_cast %add3A_138 : i32 to index
          %swap3A_140 = arith.constant 16 : index
          %swap3A_141 = tpu.vector_load %arg11[%swap3A_139, %swap3A_140] {strides = array<i32>} : memref<125x128xf32, #tpu.memory_space<vmem>>, vector<16xf32>,
          tpu.vector_store %arg11[%swap3A_139, %swap3A_140], %mul3A_136 {strides = array<i32>} : memref<125x128xf32, #tpu.memory_space<vmem>>, vector<16xf32>,
          %add3A_142 = arith.constant 0 : i32
          %add3A_143 = arith.addi %add3A_88, %add3A_142 : i32
          %get3A_144 = arith.index_cast %add3A_143 : i32 to index
          %get3A_145 = arith.constant 32 : index
          %get3A_146 = tpu.vector_load %arg11[%get3A_144, %get3A_145] {strides = array<i32>} : memref<125x128xf32, #tpu.memory_space<vmem>>, vector<16xf32>,
          %mul3A_147 = arith.mulf %get3A_146, %gather3A_93 : vector<16xf32>
          %add3A_148 = arith.constant 0 : i32
          %add3A_149 = arith.addi %add3A_88, %add3A_148 : i32
          %swap3A_150 = arith.index_cast %add3A_149 : i32 to index
          %swap3A_151 = arith.constant 32 : index
          %swap3A_152 = tpu.vector_load %arg11[%swap3A_150, %swap3A_151] {strides = array<i32>} : memref<125x128xf32, #tpu.memory_space<vmem>>, vector<16xf32>,
          tpu.vector_store %arg11[%swap3A_150, %swap3A_151], %mul3A_147 {strides = array<i32>} : memref<125x128xf32, #tpu.memory_space<vmem>>, vector<16xf32>,
          %add3A_153 = arith.constant 0 : i32
          %add3A_154 = arith.addi %add3A_88, %add3A_153 : i32
          %get3A_155 = arith.index_cast %add3A_154 : i32 to index
          %get3A_156 = arith.constant 48 : index
          %get3A_157 = tpu.vector_load %arg11[%get3A_155, %get3A_156] {strides = array<i32>} : memref<125x128xf32, #tpu.memory_space<vmem>>, vector<16xf32>,
          %mul3A_158 = arith.mulf %get3A_157, %gather3A_93 : vector<16xf32>
          %add3A_159 = arith.constant 0 : i32
          %add3A_160 = arith.addi %add3A_88, %add3A_159 : i32
          %swap3A_161 = arith.index_cast %add3A_160 : i32 to index
          %swap3A_162 = arith.constant 48 : index
          %swap3A_163 = tpu.vector_load %arg11[%swap3A_161, %swap3A_162] {strides = array<i32>} : memref<125x128xf32, #tpu.memory_space<vmem>>, vector<16xf32>,
          tpu.vector_store %arg11[%swap3A_161, %swap3A_162], %mul3A_158 {strides = array<i32>} : memref<125x128xf32, #tpu.memory_space<vmem>>, vector<16xf32>,
          %add3A_164 = arith.constant 0 : i32
          %add3A_165 = arith.addi %add3A_88, %add3A_164 : i32
          %get3A_166 = arith.index_cast %add3A_165 : i32 to index
          %get3A_167 = arith.constant 64 : index
          %get3A_168 = tpu.vector_load %arg11[%get3A_166, %get3A_167] {strides = array<i32>} : memref<125x128xf32, #tpu.memory_space<vmem>>, vector<16xf32>,
          %mul3A_169 = arith.mulf %get3A_168, %gather3A_93 : vector<16xf32>
          %add3A_170 = arith.constant 0 : i32
          %add3A_171 = arith.addi %add3A_88, %add3A_170 : i32
          %swap3A_172 = arith.index_cast %add3A_171 : i32 to index
          %swap3A_173 = arith.constant 64 : index
          %swap3A_174 = tpu.vector_load %arg11[%swap3A_172, %swap3A_173] {strides = array<i32>} : memref<125x128xf32, #tpu.memory_space<vmem>>, vector<16xf32>,
          tpu.vector_store %arg11[%swap3A_172, %swap3A_173], %mul3A_169 {strides = array<i32>} : memref<125x128xf32, #tpu.memory_space<vmem>>, vector<16xf32>,
          %add3A_175 = arith.constant 0 : i32
          %add3A_176 = arith.addi %add3A_88, %add3A_175 : i32
          %get3A_177 = arith.index_cast %add3A_176 : i32 to index
          %get3A_178 = arith.constant 80 : index
          %get3A_179 = tpu.vector_load %arg11[%get3A_177, %get3A_178] {strides = array<i32>} : memref<125x128xf32, #tpu.memory_space<vmem>>, vector<16xf32>,
          %mul3A_180 = arith.mulf %get3A_179, %gather3A_93 : vector<16xf32>
          %add3A_181 = arith.constant 0 : i32
          %add3A_182 = arith.addi %add3A_88, %add3A_181 : i32
          %swap3A_183 = arith.index_cast %add3A_182 : i32 to index
          %swap3A_184 = arith.constant 80 : index
          %swap3A_185 = tpu.vector_load %arg11[%swap3A_183, %swap3A_184] {strides = array<i32>} : memref<125x128xf32, #tpu.memory_space<vmem>>, vector<16xf32>,
          tpu.vector_store %arg11[%swap3A_183, %swap3A_184], %mul3A_180 {strides = array<i32>} : memref<125x128xf32, #tpu.memory_space<vmem>>, vector<16xf32>,
          %add3A_186 = arith.constant 0 : i32
          %add3A_187 = arith.addi %add3A_88, %add3A_186 : i32
          %get3A_188 = arith.index_cast %add3A_187 : i32 to index
          %get3A_189 = arith.constant 96 : index
          %get3A_190 = tpu.vector_load %arg11[%get3A_188, %get3A_189] {strides = array<i32>} : memref<125x128xf32, #tpu.memory_space<vmem>>, vector<16xf32>,
          %mul3A_191 = arith.mulf %get3A_190, %gather3A_93 : vector<16xf32>
          %add3A_192 = arith.constant 0 : i32
          %add3A_193 = arith.addi %add3A_88, %add3A_192 : i32
          %swap3A_194 = arith.index_cast %add3A_193 : i32 to index
          %swap3A_195 = arith.constant 96 : index
          %swap3A_196 = tpu.vector_load %arg11[%swap3A_194, %swap3A_195] {strides = array<i32>} : memref<125x128xf32, #tpu.memory_space<vmem>>, vector<16xf32>,
          tpu.vector_store %arg11[%swap3A_194, %swap3A_195], %mul3A_191 {strides = array<i32>} : memref<125x128xf32, #tpu.memory_space<vmem>>, vector<16xf32>,
          %add3A_197 = arith.constant 0 : i32
          %add3A_198 = arith.addi %add3A_88, %add3A_197 : i32
          %get3A_199 = arith.index_cast %add3A_198 : i32 to index
          %get3A_200 = arith.constant 112 : index
          %get3A_201 = tpu.vector_load %arg11[%get3A_199, %get3A_200] {strides = array<i32>} : memref<125x128xf32, #tpu.memory_space<vmem>>, vector<16xf32>,
          %mul3A_202 = arith.mulf %get3A_201, %gather3A_93 : vector<16xf32>
          %add3A_203 = arith.constant 0 : i32
          %add3A_204 = arith.addi %add3A_88, %add3A_203 : i32
          %swap3A_205 = arith.index_cast %add3A_204 : i32 to index
          %swap3A_206 = arith.constant 112 : index
          %swap3A_207 = tpu.vector_load %arg11[%swap3A_205, %swap3A_206] {strides = array<i32>} : memref<125x128xf32, #tpu.memory_space<vmem>>, vector<16xf32>,
          tpu.vector_store %arg11[%swap3A_205, %swap3A_206], %mul3A_202 {strides = array<i32>} : memref<125x128xf32, #tpu.memory_space<vmem>>, vector<16xf32>,
          %add3A_208 = arith.constant 1 : i32
          %add3A_209 = arith.addi %add3A_88, %add3A_208 : i32
          %get3A_210 = arith.index_cast %add3A_209 : i32 to index
          %get3A_211 = arith.constant 0 : index
          %get3A_212 = tpu.vector_load %arg11[%get3A_210, %get3A_211] {strides = array<i32>} : memref<125x128xf32, #tpu.memory_space<vmem>>, vector<16xf32>,
          %mul3A_213 = arith.mulf %get3A_212, %gather3A_100 : vector<16xf32>
          %add3A_214 = arith.constant 1 : i32
          %add3A_215 = arith.addi %add3A_88, %add3A_214 : i32
          %swap3A_216 = arith.index_cast %add3A_215 : i32 to index
          %swap3A_217 = arith.constant 0 : index
          %swap3A_218 = tpu.vector_load %arg11[%swap3A_216, %swap3A_217] {strides = array<i32>} : memref<125x128xf32, #tpu.memory_space<vmem>>, vector<16xf32>,
          tpu.vector_store %arg11[%swap3A_216, %swap3A_217], %mul3A_213 {strides = array<i32>} : memref<125x128xf32, #tpu.memory_space<vmem>>, vector<16xf32>,
          %add3A_219 = arith.constant 1 : i32
          %add3A_220 = arith.addi %add3A_88, %add3A_219 : i32
          %get3A_221 = arith.index_cast %add3A_220 : i32 to index
          %get3A_222 = arith.constant 16 : index
          %get3A_223 = tpu.vector_load %arg11[%get3A_221, %get3A_222] {strides = array<i32>} : memref<125x128xf32, #tpu.memory_space<vmem>>, vector<16xf32>,
          %mul3A_224 = arith.mulf %get3A_223, %gather3A_100 : vector<16xf32>
          %add3A_225 = arith.constant 1 : i32
          %add3A_226 = arith.addi %add3A_88, %add3A_225 : i32
          %swap3A_227 = arith.index_cast %add3A_226 : i32 to index
          %swap3A_228 = arith.constant 16 : index
          %swap3A_229 = tpu.vector_load %arg11[%swap3A_227, %swap3A_228] {strides = array<i32>} : memref<125x128xf32, #tpu.memory_space<vmem>>, vector<16xf32>,
          tpu.vector_store %arg11[%swap3A_227, %swap3A_228], %mul3A_224 {strides = array<i32>} : memref<125x128xf32, #tpu.memory_space<vmem>>, vector<16xf32>,
          %add3A_230 = arith.constant 1 : i32
          %add3A_231 = arith.addi %add3A_88, %add3A_230 : i32
          %get3A_232 = arith.index_cast %add3A_231 : i32 to index
          %get3A_233 = arith.constant 32 : index
          %get3A_234 = tpu.vector_load %arg11[%get3A_232, %get3A_233] {strides = array<i32>} : memref<125x128xf32, #tpu.memory_space<vmem>>, vector<16xf32>,
          %mul3A_235 = arith.mulf %get3A_234, %gather3A_100 : vector<16xf32>
          %add3A_236 = arith.constant 1 : i32
          %add3A_237 = arith.addi %add3A_88, %add3A_236 : i32
          %swap3A_238 = arith.index_cast %add3A_237 : i32 to index
          %swap3A_239 = arith.constant 32 : index
          %swap3A_240 = tpu.vector_load %arg11[%swap3A_238, %swap3A_239] {strides = array<i32>} : memref<125x128xf32, #tpu.memory_space<vmem>>, vector<16xf32>,
          tpu.vector_store %arg11[%swap3A_238, %swap3A_239], %mul3A_235 {strides = array<i32>} : memref<125x128xf32, #tpu.memory_space<vmem>>, vector<16xf32>,
          %add3A_241 = arith.constant 1 : i32
          %add3A_242 = arith.addi %add3A_88, %add3A_241 : i32
          %get3A_243 = arith.index_cast %add3A_242 : i32 to index
          %get3A_244 = arith.constant 48 : index
          %get3A_245 = tpu.vector_load %arg11[%get3A_243, %get3A_244] {strides = array<i32>} : memref<125x128xf32, #tpu.memory_space<vmem>>, vector<16xf32>,
          %mul3A_246 = arith.mulf %get3A_245, %gather3A_100 : vector<16xf32>
          %add3A_247 = arith.constant 1 : i32
          %add3A_248 = arith.addi %add3A_88, %add3A_247 : i32
          %swap3A_249 = arith.index_cast %add3A_248 : i32 to index
          %swap3A_250 = arith.constant 48 : index
          %swap3A_251 = tpu.vector_load %arg11[%swap3A_249, %swap3A_250] {strides = array<i32>} : memref<125x128xf32, #tpu.memory_space<vmem>>, vector<16xf32>,
          tpu.vector_store %arg11[%swap3A_249, %swap3A_250], %mul3A_246 {strides = array<i32>} : memref<125x128xf32, #tpu.memory_space<vmem>>, vector<16xf32>,
          %add3A_252 = arith.constant 1 : i32
          %add3A_253 = arith.addi %add3A_88, %add3A_252 : i32
          %get3A_254 = arith.index_cast %add3A_253 : i32 to index
          %get3A_255 = arith.constant 64 : index
          %get3A_256 = tpu.vector_load %arg11[%get3A_254, %get3A_255] {strides = array<i32>} : memref<125x128xf32, #tpu.memory_space<vmem>>, vector<16xf32>,
          %mul3A_257 = arith.mulf %get3A_256, %gather3A_100 : vector<16xf32>
          %add3A_258 = arith.constant 1 : i32
          %add3A_259 = arith.addi %add3A_88, %add3A_258 : i32
          %swap3A_260 = arith.index_cast %add3A_259 : i32 to index
          %swap3A_261 = arith.constant 64 : index
          %swap3A_262 = tpu.vector_load %arg11[%swap3A_260, %swap3A_261] {strides = array<i32>} : memref<125x128xf32, #tpu.memory_space<vmem>>, vector<16xf32>,
          tpu.vector_store %arg11[%swap3A_260, %swap3A_261], %mul3A_257 {strides = array<i32>} : memref<125x128xf32, #tpu.memory_space<vmem>>, vector<16xf32>,
          %add3A_263 = arith.constant 1 : i32
          %add3A_264 = arith.addi %add3A_88, %add3A_263 : i32
          %get3A_265 = arith.index_cast %add3A_264 : i32 to index
          %get3A_266 = arith.constant 80 : index
          %get3A_267 = tpu.vector_load %arg11[%get3A_265, %get3A_266] {strides = array<i32>} : memref<125x128xf32, #tpu.memory_space<vmem>>, vector<16xf32>,
          %mul3A_268 = arith.mulf %get3A_267, %gather3A_100 : vector<16xf32>
          %add3A_269 = arith.constant 1 : i32
          %add3A_270 = arith.addi %add3A_88, %add3A_269 : i32
          %swap3A_271 = arith.index_cast %add3A_270 : i32 to index
          %swap3A_272 = arith.constant 80 : index
          %swap3A_273 = tpu.vector_load %arg11[%swap3A_271, %swap3A_272] {strides = array<i32>} : memref<125x128xf32, #tpu.memory_space<vmem>>, vector<16xf32>,
          tpu.vector_store %arg11[%swap3A_271, %swap3A_272], %mul3A_268 {strides = array<i32>} : memref<125x128xf32, #tpu.memory_space<vmem>>, vector<16xf32>,
          %add3A_274 = arith.constant 1 : i32
          %add3A_275 = arith.addi %add3A_88, %add3A_274 : i32
          %get3A_276 = arith.index_cast %add3A_275 : i32 to index
          %get3A_277 = arith.constant 96 : index
          %get3A_278 = tpu.vector_load %arg11[%get3A_276, %get3A_277] {strides = array<i32>} : memref<125x128xf32, #tpu.memory_space<vmem>>, vector<16xf32>,
          %mul3A_279 = arith.mulf %get3A_278, %gather3A_100 : vector<16xf32>
          %add3A_280 = arith.constant 1 : i32
          %add3A_281 = arith.addi %add3A_88, %add3A_280 : i32
          %swap3A_282 = arith.index_cast %add3A_281 : i32 to index
          %swap3A_283 = arith.constant 96 : index
          %swap3A_284 = tpu.vector_load %arg11[%swap3A_282, %swap3A_283] {strides = array<i32>} : memref<125x128xf32, #tpu.memory_space<vmem>>, vector<16xf32>,
          tpu.vector_store %arg11[%swap3A_282, %swap3A_283], %mul3A_279 {strides = array<i32>} : memref<125x128xf32, #tpu.memory_space<vmem>>, vector<16xf32>,
          %add3A_285 = arith.constant 1 : i32
          %add3A_286 = arith.addi %add3A_88, %add3A_285 : i32
          %get3A_287 = arith.index_cast %add3A_286 : i32 to index
          %get3A_288 = arith.constant 112 : index
          %get3A_289 = tpu.vector_load %arg11[%get3A_287, %get3A_288] {strides = array<i32>} : memref<125x128xf32, #tpu.memory_space<vmem>>, vector<16xf32>,
          %mul3A_290 = arith.mulf %get3A_289, %gather3A_100 : vector<16xf32>
          %add3A_291 = arith.constant 1 : i32
          %add3A_292 = arith.addi %add3A_88, %add3A_291 : i32
          %swap3A_293 = arith.index_cast %add3A_292 : i32 to index
          %swap3A_294 = arith.constant 112 : index
          %swap3A_295 = tpu.vector_load %arg11[%swap3A_293, %swap3A_294] {strides = array<i32>} : memref<125x128xf32, #tpu.memory_space<vmem>>, vector<16xf32>,
          tpu.vector_store %arg11[%swap3A_293, %swap3A_294], %mul3A_290 {strides = array<i32>} : memref<125x128xf32, #tpu.memory_space<vmem>>, vector<16xf32>,
          %add3A_296 = arith.constant 2 : i32
          %add3A_297 = arith.addi %add3A_88, %add3A_296 : i32
          %get3A_298 = arith.index_cast %add3A_297 : i32 to index
          %get3A_299 = arith.constant 0 : index
          %get3A_300 = tpu.vector_load %arg11[%get3A_298, %get3A_299] {strides = array<i32>} : memref<125x128xf32, #tpu.memory_space<vmem>>, vector<16xf32>,
          %mul3A_301 = arith.mulf %get3A_300, %gather3A_107 : vector<16xf32>
          %add3A_302 = arith.constant 2 : i32
          %add3A_303 = arith.addi %add3A_88, %add3A_302 : i32
          %swap3A_304 = arith.index_cast %add3A_303 : i32 to index
          %swap3A_305 = arith.constant 0 : index
          %swap3A_306 = tpu.vector_load %arg11[%swap3A_304, %swap3A_305] {strides = array<i32>} : memref<125x128xf32, #tpu.memory_space<vmem>>, vector<16xf32>,
          tpu.vector_store %arg11[%swap3A_304, %swap3A_305], %mul3A_301 {strides = array<i32>} : memref<125x128xf32, #tpu.memory_space<vmem>>, vector<16xf32>,
          %add3A_307 = arith.constant 2 : i32
          %add3A_308 = arith.addi %add3A_88, %add3A_307 : i32
          %get3A_309 = arith.index_cast %add3A_308 : i32 to index
          %get3A_310 = arith.constant 16 : index
          %get3A_311 = tpu.vector_load %arg11[%get3A_309, %get3A_310] {strides = array<i32>} : memref<125x128xf32, #tpu.memory_space<vmem>>, vector<16xf32>,
          %mul3A_312 = arith.mulf %get3A_311, %gather3A_107 : vector<16xf32>
          %add3A_313 = arith.constant 2 : i32
          %add3A_314 = arith.addi %add3A_88, %add3A_313 : i32
          %swap3A_315 = arith.index_cast %add3A_314 : i32 to index
          %swap3A_316 = arith.constant 16 : index
          %swap3A_317 = tpu.vector_load %arg11[%swap3A_315, %swap3A_316] {strides = array<i32>} : memref<125x128xf32, #tpu.memory_space<vmem>>, vector<16xf32>,
          tpu.vector_store %arg11[%swap3A_315, %swap3A_316], %mul3A_312 {strides = array<i32>} : memref<125x128xf32, #tpu.memory_space<vmem>>, vector<16xf32>,
          %add3A_318 = arith.constant 2 : i32
          %add3A_319 = arith.addi %add3A_88, %add3A_318 : i32
          %get3A_320 = arith.index_cast %add3A_319 : i32 to index
          %get3A_321 = arith.constant 32 : index
          %get3A_322 = tpu.vector_load %arg11[%get3A_320, %get3A_321] {strides = array<i32>} : memref<125x128xf32, #tpu.memory_space<vmem>>, vector<16xf32>,
          %mul3A_323 = arith.mulf %get3A_322, %gather3A_107 : vector<16xf32>
          %add3A_324 = arith.constant 2 : i32
          %add3A_325 = arith.addi %add3A_88, %add3A_324 : i32
          %swap3A_326 = arith.index_cast %add3A_325 : i32 to index
          %swap3A_327 = arith.constant 32 : index
          %swap3A_328 = tpu.vector_load %arg11[%swap3A_326, %swap3A_327] {strides = array<i32>} : memref<125x128xf32, #tpu.memory_space<vmem>>, vector<16xf32>,
          tpu.vector_store %arg11[%swap3A_326, %swap3A_327], %mul3A_323 {strides = array<i32>} : memref<125x128xf32, #tpu.memory_space<vmem>>, vector<16xf32>,
          %add3A_329 = arith.constant 2 : i32
          %add3A_330 = arith.addi %add3A_88, %add3A_329 : i32
          %get3A_331 = arith.index_cast %add3A_330 : i32 to index
          %get3A_332 = arith.constant 48 : index
          %get3A_333 = tpu.vector_load %arg11[%get3A_331, %get3A_332] {strides = array<i32>} : memref<125x128xf32, #tpu.memory_space<vmem>>, vector<16xf32>,
          %mul3A_334 = arith.mulf %get3A_333, %gather3A_107 : vector<16xf32>
          %add3A_335 = arith.constant 2 : i32
          %add3A_336 = arith.addi %add3A_88, %add3A_335 : i32
          %swap3A_337 = arith.index_cast %add3A_336 : i32 to index
          %swap3A_338 = arith.constant 48 : index
          %swap3A_339 = tpu.vector_load %arg11[%swap3A_337, %swap3A_338] {strides = array<i32>} : memref<125x128xf32, #tpu.memory_space<vmem>>, vector<16xf32>,
          tpu.vector_store %arg11[%swap3A_337, %swap3A_338], %mul3A_334 {strides = array<i32>} : memref<125x128xf32, #tpu.memory_space<vmem>>, vector<16xf32>,
          %add3A_340 = arith.constant 2 : i32
          %add3A_341 = arith.addi %add3A_88, %add3A_340 : i32
          %get3A_342 = arith.index_cast %add3A_341 : i32 to index
          %get3A_343 = arith.constant 64 : index
          %get3A_344 = tpu.vector_load %arg11[%get3A_342, %get3A_343] {strides = array<i32>} : memref<125x128xf32, #tpu.memory_space<vmem>>, vector<16xf32>,
          %mul3A_345 = arith.mulf %get3A_344, %gather3A_107 : vector<16xf32>
          %add3A_346 = arith.constant 2 : i32
          %add3A_347 = arith.addi %add3A_88, %add3A_346 : i32
          %swap3A_348 = arith.index_cast %add3A_347 : i32 to index
          %swap3A_349 = arith.constant 64 : index
          %swap3A_350 = tpu.vector_load %arg11[%swap3A_348, %swap3A_349] {strides = array<i32>} : memref<125x128xf32, #tpu.memory_space<vmem>>, vector<16xf32>,
          tpu.vector_store %arg11[%swap3A_348, %swap3A_349], %mul3A_345 {strides = array<i32>} : memref<125x128xf32, #tpu.memory_space<vmem>>, vector<16xf32>,
          %add3A_351 = arith.constant 2 : i32
          %add3A_352 = arith.addi %add3A_88, %add3A_351 : i32
          %get3A_353 = arith.index_cast %add3A_352 : i32 to index
          %get3A_354 = arith.constant 80 : index
          %get3A_355 = tpu.vector_load %arg11[%get3A_353, %get3A_354] {strides = array<i32>} : memref<125x128xf32, #tpu.memory_space<vmem>>, vector<16xf32>,
          %mul3A_356 = arith.mulf %get3A_355, %gather3A_107 : vector<16xf32>
          %add3A_357 = arith.constant 2 : i32
          %add3A_358 = arith.addi %add3A_88, %add3A_357 : i32
          %swap3A_359 = arith.index_cast %add3A_358 : i32 to index
          %swap3A_360 = arith.constant 80 : index
          %swap3A_361 = tpu.vector_load %arg11[%swap3A_359, %swap3A_360] {strides = array<i32>} : memref<125x128xf32, #tpu.memory_space<vmem>>, vector<16xf32>,
          tpu.vector_store %arg11[%swap3A_359, %swap3A_360], %mul3A_356 {strides = array<i32>} : memref<125x128xf32, #tpu.memory_space<vmem>>, vector<16xf32>,
          %add3A_362 = arith.constant 2 : i32
          %add3A_363 = arith.addi %add3A_88, %add3A_362 : i32
          %get3A_364 = arith.index_cast %add3A_363 : i32 to index
          %get3A_365 = arith.constant 96 : index
          %get3A_366 = tpu.vector_load %arg11[%get3A_364, %get3A_365] {strides = array<i32>} : memref<125x128xf32, #tpu.memory_space<vmem>>, vector<16xf32>,
          %mul3A_367 = arith.mulf %get3A_366, %gather3A_107 : vector<16xf32>
          %add3A_368 = arith.constant 2 : i32
          %add3A_369 = arith.addi %add3A_88, %add3A_368 : i32
          %swap3A_370 = arith.index_cast %add3A_369 : i32 to index
          %swap3A_371 = arith.constant 96 : index
          %swap3A_372 = tpu.vector_load %arg11[%swap3A_370, %swap3A_371] {strides = array<i32>} : memref<125x128xf32, #tpu.memory_space<vmem>>, vector<16xf32>,
          tpu.vector_store %arg11[%swap3A_370, %swap3A_371], %mul3A_367 {strides = array<i32>} : memref<125x128xf32, #tpu.memory_space<vmem>>, vector<16xf32>,
          %add3A_373 = arith.constant 2 : i32
          %add3A_374 = arith.addi %add3A_88, %add3A_373 : i32
          %get3A_375 = arith.index_cast %add3A_374 : i32 to index
          %get3A_376 = arith.constant 112 : index
          %get3A_377 = tpu.vector_load %arg11[%get3A_375, %get3A_376] {strides = array<i32>} : memref<125x128xf32, #tpu.memory_space<vmem>>, vector<16xf32>,
          %mul3A_378 = arith.mulf %get3A_377, %gather3A_107 : vector<16xf32>
          %add3A_379 = arith.constant 2 : i32
          %add3A_380 = arith.addi %add3A_88, %add3A_379 : i32
          %swap3A_381 = arith.index_cast %add3A_380 : i32 to index
          %swap3A_382 = arith.constant 112 : index
          %swap3A_383 = tpu.vector_load %arg11[%swap3A_381, %swap3A_382] {strides = array<i32>} : memref<125x128xf32, #tpu.memory_space<vmem>>, vector<16xf32>,
          tpu.vector_store %arg11[%swap3A_381, %swap3A_382], %mul3A_378 {strides = array<i32>} : memref<125x128xf32, #tpu.memory_space<vmem>>, vector<16xf32>,
          %add3A_384 = arith.constant 3 : i32
          %add3A_385 = arith.addi %add3A_88, %add3A_384 : i32
          %get3A_386 = arith.index_cast %add3A_385 : i32 to index
          %get3A_387 = arith.constant 0 : index
          %get3A_388 = tpu.vector_load %arg11[%get3A_386, %get3A_387] {strides = array<i32>} : memref<125x128xf32, #tpu.memory_space<vmem>>, vector<16xf32>,
          %mul3A_389 = arith.mulf %get3A_388, %gather3A_114 : vector<16xf32>
          %add3A_390 = arith.constant 3 : i32
          %add3A_391 = arith.addi %add3A_88, %add3A_390 : i32
          %swap3A_392 = arith.index_cast %add3A_391 : i32 to index
          %swap3A_393 = arith.constant 0 : index
          %swap3A_394 = tpu.vector_load %arg11[%swap3A_392, %swap3A_393] {strides = array<i32>} : memref<125x128xf32, #tpu.memory_space<vmem>>, vector<16xf32>,
          tpu.vector_store %arg11[%swap3A_392, %swap3A_393], %mul3A_389 {strides = array<i32>} : memref<125x128xf32, #tpu.memory_space<vmem>>, vector<16xf32>,
          %add3A_395 = arith.constant 3 : i32
          %add3A_396 = arith.addi %add3A_88, %add3A_395 : i32
          %get3A_397 = arith.index_cast %add3A_396 : i32 to index
          %get3A_398 = arith.constant 16 : index
          %get3A_399 = tpu.vector_load %arg11[%get3A_397, %get3A_398] {strides = array<i32>} : memref<125x128xf32, #tpu.memory_space<vmem>>, vector<16xf32>,
          %mul3A_400 = arith.mulf %get3A_399, %gather3A_114 : vector<16xf32>
          %add3A_401 = arith.constant 3 : i32
          %add3A_402 = arith.addi %add3A_88, %add3A_401 : i32
          %swap3A_403 = arith.index_cast %add3A_402 : i32 to index
          %swap3A_404 = arith.constant 16 : index
          %swap3A_405 = tpu.vector_load %arg11[%swap3A_403, %swap3A_404] {strides = array<i32>} : memref<125x128xf32, #tpu.memory_space<vmem>>, vector<16xf32>,
          tpu.vector_store %arg11[%swap3A_403, %swap3A_404], %mul3A_400 {strides = array<i32>} : memref<125x128xf32, #tpu.memory_space<vmem>>, vector<16xf32>,
          %add3A_406 = arith.constant 3 : i32
          %add3A_407 = arith.addi %add3A_88, %add3A_406 : i32
          %get3A_408 = arith.index_cast %add3A_407 : i32 to index
          %get3A_409 = arith.constant 32 : index
          %get3A_410 = tpu.vector_load %arg11[%get3A_408, %get3A_409] {strides = array<i32>} : memref<125x128xf32, #tpu.memory_space<vmem>>, vector<16xf32>,
          %mul3A_411 = arith.mulf %get3A_410, %gather3A_114 : vector<16xf32>
          %add3A_412 = arith.constant 3 : i32
          %add3A_413 = arith.addi %add3A_88, %add3A_412 : i32
          %swap3A_414 = arith.index_cast %add3A_413 : i32 to index
          %swap3A_415 = arith.constant 32 : index
          %swap3A_416 = tpu.vector_load %arg11[%swap3A_414, %swap3A_415] {strides = array<i32>} : memref<125x128xf32, #tpu.memory_space<vmem>>, vector<16xf32>,
          tpu.vector_store %arg11[%swap3A_414, %swap3A_415], %mul3A_411 {strides = array<i32>} : memref<125x128xf32, #tpu.memory_space<vmem>>, vector<16xf32>,
          %add3A_417 = arith.constant 3 : i32
          %add3A_418 = arith.addi %add3A_88, %add3A_417 : i32
          %get3A_419 = arith.index_cast %add3A_418 : i32 to index
          %get3A_420 = arith.constant 48 : index
          %get3A_421 = tpu.vector_load %arg11[%get3A_419, %get3A_420] {strides = array<i32>} : memref<125x128xf32, #tpu.memory_space<vmem>>, vector<16xf32>,
          %mul3A_422 = arith.mulf %get3A_421, %gather3A_114 : vector<16xf32>
          %add3A_423 = arith.constant 3 : i32
          %add3A_424 = arith.addi %add3A_88, %add3A_423 : i32
          %swap3A_425 = arith.index_cast %add3A_424 : i32 to index
          %swap3A_426 = arith.constant 48 : index
          %swap3A_427 = tpu.vector_load %arg11[%swap3A_425, %swap3A_426] {strides = array<i32>} : memref<125x128xf32, #tpu.memory_space<vmem>>, vector<16xf32>,
          tpu.vector_store %arg11[%swap3A_425, %swap3A_426], %mul3A_422 {strides = array<i32>} : memref<125x128xf32, #tpu.memory_space<vmem>>, vector<16xf32>,
          %add3A_428 = arith.constant 3 : i32
          %add3A_429 = arith.addi %add3A_88, %add3A_428 : i32
          %get3A_430 = arith.index_cast %add3A_429 : i32 to index
          %get3A_431 = arith.constant 64 : index
          %get3A_432 = tpu.vector_load %arg11[%get3A_430, %get3A_431] {strides = array<i32>} : memref<125x128xf32, #tpu.memory_space<vmem>>, vector<16xf32>,
          %mul3A_433 = arith.mulf %get3A_432, %gather3A_114 : vector<16xf32>
          %add3A_434 = arith.constant 3 : i32
          %add3A_435 = arith.addi %add3A_88, %add3A_434 : i32
          %swap3A_436 = arith.index_cast %add3A_435 : i32 to index
          %swap3A_437 = arith.constant 64 : index
          %swap3A_438 = tpu.vector_load %arg11[%swap3A_436, %swap3A_437] {strides = array<i32>} : memref<125x128xf32, #tpu.memory_space<vmem>>, vector<16xf32>,
          tpu.vector_store %arg11[%swap3A_436, %swap3A_437], %mul3A_433 {strides = array<i32>} : memref<125x128xf32, #tpu.memory_space<vmem>>, vector<16xf32>,
          %add3A_439 = arith.constant 3 : i32
          %add3A_440 = arith.addi %add3A_88, %add3A_439 : i32
          %get3A_441 = arith.index_cast %add3A_440 : i32 to index
          %get3A_442 = arith.constant 80 : index
          %get3A_443 = tpu.vector_load %arg11[%get3A_441, %get3A_442] {strides = array<i32>} : memref<125x128xf32, #tpu.memory_space<vmem>>, vector<16xf32>,
          %mul3A_444 = arith.mulf %get3A_443, %gather3A_114 : vector<16xf32>
          %add3A_445 = arith.constant 3 : i32
          %add3A_446 = arith.addi %add3A_88, %add3A_445 : i32
          %swap3A_447 = arith.index_cast %add3A_446 : i32 to index
          %swap3A_448 = arith.constant 80 : index
          %swap3A_449 = tpu.vector_load %arg11[%swap3A_447, %swap3A_448] {strides = array<i32>} : memref<125x128xf32, #tpu.memory_space<vmem>>, vector<16xf32>,
          tpu.vector_store %arg11[%swap3A_447, %swap3A_448], %mul3A_444 {strides = array<i32>} : memref<125x128xf32, #tpu.memory_space<vmem>>, vector<16xf32>,
          %add3A_450 = arith.constant 3 : i32
          %add3A_451 = arith.addi %add3A_88, %add3A_450 : i32
          %get3A_452 = arith.index_cast %add3A_451 : i32 to index
          %get3A_453 = arith.constant 96 : index
          %get3A_454 = tpu.vector_load %arg11[%get3A_452, %get3A_453] {strides = array<i32>} : memref<125x128xf32, #tpu.memory_space<vmem>>, vector<16xf32>,
          %mul3A_455 = arith.mulf %get3A_454, %gather3A_114 : vector<16xf32>
          %add3A_456 = arith.constant 3 : i32
          %add3A_457 = arith.addi %add3A_88, %add3A_456 : i32
          %swap3A_458 = arith.index_cast %add3A_457 : i32 to index
          %swap3A_459 = arith.constant 96 : index
          %swap3A_460 = tpu.vector_load %arg11[%swap3A_458, %swap3A_459] {strides = array<i32>} : memref<125x128xf32, #tpu.memory_space<vmem>>, vector<16xf32>,
          tpu.vector_store %arg11[%swap3A_458, %swap3A_459], %mul3A_455 {strides = array<i32>} : memref<125x128xf32, #tpu.memory_space<vmem>>, vector<16xf32>,
          %add3A_461 = arith.constant 3 : i32
          %add3A_462 = arith.addi %add3A_88, %add3A_461 : i32
          %get3A_463 = arith.index_cast %add3A_462 : i32 to index
          %get3A_464 = arith.constant 112 : index
          %get3A_465 = tpu.vector_load %arg11[%get3A_463, %get3A_464] {strides = array<i32>} : memref<125x128xf32, #tpu.memory_space<vmem>>, vector<16xf32>,
          %mul3A_466 = arith.mulf %get3A_465, %gather3A_114 : vector<16xf32>
          %add3A_467 = arith.constant 3 : i32
          %add3A_468 = arith.addi %add3A_88, %add3A_467 : i32
          %swap3A_469 = arith.index_cast %add3A_468 : i32 to index
          %swap3A_470 = arith.constant 112 : index
          %swap3A_471 = tpu.vector_load %arg11[%swap3A_469, %swap3A_470] {strides = array<i32>} : memref<125x128xf32, #tpu.memory_space<vmem>>, vector<16xf32>,
          tpu.vector_store %arg11[%swap3A_469, %swap3A_470], %mul3A_466 {strides = array<i32>} : memref<125x128xf32, #tpu.memory_space<vmem>>, vector<16xf32>,
          %add3A_472 = arith.constant 4 : i32
          %add3A_473 = arith.addi %add3A_88, %add3A_472 : i32
          %get3A_474 = arith.index_cast %add3A_473 : i32 to index
          %get3A_475 = arith.constant 0 : index
          %get3A_476 = tpu.vector_load %arg11[%get3A_474, %get3A_475] {strides = array<i32>} : memref<125x128xf32, #tpu.memory_space<vmem>>, vector<16xf32>,
          %mul3A_477 = arith.mulf %get3A_476, %gather3A_121 : vector<16xf32>
          %add3A_478 = arith.constant 4 : i32
          %add3A_479 = arith.addi %add3A_88, %add3A_478 : i32
          %swap3A_480 = arith.index_cast %add3A_479 : i32 to index
          %swap3A_481 = arith.constant 0 : index
          %swap3A_482 = tpu.vector_load %arg11[%swap3A_480, %swap3A_481] {strides = array<i32>} : memref<125x128xf32, #tpu.memory_space<vmem>>, vector<16xf32>,
          tpu.vector_store %arg11[%swap3A_480, %swap3A_481], %mul3A_477 {strides = array<i32>} : memref<125x128xf32, #tpu.memory_space<vmem>>, vector<16xf32>,
          %add3A_483 = arith.constant 4 : i32
          %add3A_484 = arith.addi %add3A_88, %add3A_483 : i32
          %get3A_485 = arith.index_cast %add3A_484 : i32 to index
          %get3A_486 = arith.constant 16 : index
          %get3A_487 = tpu.vector_load %arg11[%get3A_485, %get3A_486] {strides = array<i32>} : memref<125x128xf32, #tpu.memory_space<vmem>>, vector<16xf32>,
          %mul3A_488 = arith.mulf %get3A_487, %gather3A_121 : vector<16xf32>
          %add3A_489 = arith.constant 4 : i32
          %add3A_490 = arith.addi %add3A_88, %add3A_489 : i32
          %swap3A_491 = arith.index_cast %add3A_490 : i32 to index
          %swap3A_492 = arith.constant 16 : index
          %swap3A_493 = tpu.vector_load %arg11[%swap3A_491, %swap3A_492] {strides = array<i32>} : memref<125x128xf32, #tpu.memory_space<vmem>>, vector<16xf32>,
          tpu.vector_store %arg11[%swap3A_491, %swap3A_492], %mul3A_488 {strides = array<i32>} : memref<125x128xf32, #tpu.memory_space<vmem>>, vector<16xf32>,
          %add3A_494 = arith.constant 4 : i32
          %add3A_495 = arith.addi %add3A_88, %add3A_494 : i32
          %get3A_496 = arith.index_cast %add3A_495 : i32 to index
          %get3A_497 = arith.constant 32 : index
          %get3A_498 = tpu.vector_load %arg11[%get3A_496, %get3A_497] {strides = array<i32>} : memref<125x128xf32, #tpu.memory_space<vmem>>, vector<16xf32>,
          %mul3A_499 = arith.mulf %get3A_498, %gather3A_121 : vector<16xf32>
          %add3A_500 = arith.constant 4 : i32
          %add3A_501 = arith.addi %add3A_88, %add3A_500 : i32
          %swap3A_502 = arith.index_cast %add3A_501 : i32 to index
          %swap3A_503 = arith.constant 32 : index
          %swap3A_504 = tpu.vector_load %arg11[%swap3A_502, %swap3A_503] {strides = array<i32>} : memref<125x128xf32, #tpu.memory_space<vmem>>, vector<16xf32>,
          tpu.vector_store %arg11[%swap3A_502, %swap3A_503], %mul3A_499 {strides = array<i32>} : memref<125x128xf32, #tpu.memory_space<vmem>>, vector<16xf32>,
          %add3A_505 = arith.constant 4 : i32
          %add3A_506 = arith.addi %add3A_88, %add3A_505 : i32
          %get3A_507 = arith.index_cast %add3A_506 : i32 to index
          %get3A_508 = arith.constant 48 : index
          %get3A_509 = tpu.vector_load %arg11[%get3A_507, %get3A_508] {strides = array<i32>} : memref<125x128xf32, #tpu.memory_space<vmem>>, vector<16xf32>,
          %mul3A_510 = arith.mulf %get3A_509, %gather3A_121 : vector<16xf32>
          %add3A_511 = arith.constant 4 : i32
          %add3A_512 = arith.addi %add3A_88, %add3A_511 : i32
          %swap3A_513 = arith.index_cast %add3A_512 : i32 to index
          %swap3A_514 = arith.constant 48 : index
          %swap3A_515 = tpu.vector_load %arg11[%swap3A_513, %swap3A_514] {strides = array<i32>} : memref<125x128xf32, #tpu.memory_space<vmem>>, vector<16xf32>,
          tpu.vector_store %arg11[%swap3A_513, %swap3A_514], %mul3A_510 {strides = array<i32>} : memref<125x128xf32, #tpu.memory_space<vmem>>, vector<16xf32>,
          %add3A_516 = arith.constant 4 : i32
          %add3A_517 = arith.addi %add3A_88, %add3A_516 : i32
          %get3A_518 = arith.index_cast %add3A_517 : i32 to index
          %get3A_519 = arith.constant 64 : index
          %get3A_520 = tpu.vector_load %arg11[%get3A_518, %get3A_519] {strides = array<i32>} : memref<125x128xf32, #tpu.memory_space<vmem>>, vector<16xf32>,
          %mul3A_521 = arith.mulf %get3A_520, %gather3A_121 : vector<16xf32>
          %add3A_522 = arith.constant 4 : i32
          %add3A_523 = arith.addi %add3A_88, %add3A_522 : i32
          %swap3A_524 = arith.index_cast %add3A_523 : i32 to index
          %swap3A_525 = arith.constant 64 : index
          %swap3A_526 = tpu.vector_load %arg11[%swap3A_524, %swap3A_525] {strides = array<i32>} : memref<125x128xf32, #tpu.memory_space<vmem>>, vector<16xf32>,
          tpu.vector_store %arg11[%swap3A_524, %swap3A_525], %mul3A_521 {strides = array<i32>} : memref<125x128xf32, #tpu.memory_space<vmem>>, vector<16xf32>,
          %add3A_527 = arith.constant 4 : i32
          %add3A_528 = arith.addi %add3A_88, %add3A_527 : i32
          %get3A_529 = arith.index_cast %add3A_528 : i32 to index
          %get3A_530 = arith.constant 80 : index
          %get3A_531 = tpu.vector_load %arg11[%get3A_529, %get3A_530] {strides = array<i32>} : memref<125x128xf32, #tpu.memory_space<vmem>>, vector<16xf32>,
          %mul3A_532 = arith.mulf %get3A_531, %gather3A_121 : vector<16xf32>
          %add3A_533 = arith.constant 4 : i32
          %add3A_534 = arith.addi %add3A_88, %add3A_533 : i32
          %swap3A_535 = arith.index_cast %add3A_534 : i32 to index
          %swap3A_536 = arith.constant 80 : index
          %swap3A_537 = tpu.vector_load %arg11[%swap3A_535, %swap3A_536] {strides = array<i32>} : memref<125x128xf32, #tpu.memory_space<vmem>>, vector<16xf32>,
          tpu.vector_store %arg11[%swap3A_535, %swap3A_536], %mul3A_532 {strides = array<i32>} : memref<125x128xf32, #tpu.memory_space<vmem>>, vector<16xf32>,
          %add3A_538 = arith.constant 4 : i32
          %add3A_539 = arith.addi %add3A_88, %add3A_538 : i32
          %get3A_540 = arith.index_cast %add3A_539 : i32 to index
          %get3A_541 = arith.constant 96 : index
          %get3A_542 = tpu.vector_load %arg11[%get3A_540, %get3A_541] {strides = array<i32>} : memref<125x128xf32, #tpu.memory_space<vmem>>, vector<16xf32>,
          %mul3A_543 = arith.mulf %get3A_542, %gather3A_121 : vector<16xf32>
          %add3A_544 = arith.constant 4 : i32
          %add3A_545 = arith.addi %add3A_88, %add3A_544 : i32
          %swap3A_546 = arith.index_cast %add3A_545 : i32 to index
          %swap3A_547 = arith.constant 96 : index
          %swap3A_548 = tpu.vector_load %arg11[%swap3A_546, %swap3A_547] {strides = array<i32>} : memref<125x128xf32, #tpu.memory_space<vmem>>, vector<16xf32>,
          tpu.vector_store %arg11[%swap3A_546, %swap3A_547], %mul3A_543 {strides = array<i32>} : memref<125x128xf32, #tpu.memory_space<vmem>>, vector<16xf32>,
          %add3A_549 = arith.constant 4 : i32
          %add3A_550 = arith.addi %add3A_88, %add3A_549 : i32
          %get3A_551 = arith.index_cast %add3A_550 : i32 to index
          %get3A_552 = arith.constant 112 : index
          %get3A_553 = tpu.vector_load %arg11[%get3A_551, %get3A_552] {strides = array<i32>} : memref<125x128xf32, #tpu.memory_space<vmem>>, vector<16xf32>,
          %mul3A_554 = arith.mulf %get3A_553, %gather3A_121 : vector<16xf32>
          %add3A_555 = arith.constant 4 : i32
          %add3A_556 = arith.addi %add3A_88, %add3A_555 : i32
          %swap3A_557 = arith.index_cast %add3A_556 : i32 to index
          %swap3A_558 = arith.constant 112 : index
          %swap3A_559 = tpu.vector_load %arg11[%swap3A_557, %swap3A_558] {strides = array<i32>} : memref<125x128xf32, #tpu.memory_space<vmem>>, vector<16xf32>,
          tpu.vector_store %arg11[%swap3A_557, %swap3A_558], %mul3A_554 {strides = array<i32>} : memref<125x128xf32, #tpu.memory_space<vmem>>, vector<16xf32>,
        }
        %scan3A_81 = arith.constant 25 : i32
        %add3A_82 = arith.constant 1 : i32
        %add3A_83 = arith.addi %add3A_42, %add3A_82 : i32
        "tpu.region"() ({
          %run_scoped3A = tpu.sem_alloc : memref<!tpu.dma_semaphore, #tpu.memory_space<semaphore_mem>>
          %dma_start3A_84 = arith.constant 0 : i32
          %dma_start3A_85 = tpu.memref_slice %arg8[%add3A_83, %dma_start3A_84] : memref<16x125xi32, #tpu.memory_space<vmem>> -> memref<1x125xi32, #tpu.memory_space<vmem>>
          %dma_start3A_86 = tpu.memref_squeeze %dma_start3A_85 : memref<1x125xi32, #tpu.memory_space<vmem>> -> memref<125xi32, #tpu.memory_space<vmem>>
          %dma_start3A_87 = arith.constant 0 : i32
          %dma_start3A_88 = arith.constant 0 : i32
          %dma_start3A_89 = tpu.memref_slice %arg12[%dma_start3A_87, %dma_start3A_88] : memref<10000x128xf32, #tpu.memory_space<vmem_shared>> -> memref<10000x128xf32, #tpu.memory_space<vmem_shared>>
          tpu.enqueue_indirect_dma source(%arg11 : memref<125x128xf32, #tpu.memory_space<vmem>>) target(%dma_start3A_89 : memref<10000x128xf32, #tpu.memory_space<vmem_shared>>) offsets(%dma_start3A_86 : memref<125xi32, #tpu.memory_space<vmem>>) semaphore(%run_scoped3A : memref<!tpu.dma_semaphore, #tpu.memory_space<semaphore_mem>>) {add = true}
          %dma_wait3A_90 = arith.constant 0 : i32
          %dma_wait3A_91 = tpu.memref_slice %arg8[%add3A_83, %dma_wait3A_90] : memref<16x125xi32, #tpu.memory_space<vmem>> -> memref<1x125xi32, #tpu.memory_space<vmem>>
          %dma_wait3A_92 = tpu.memref_squeeze %dma_wait3A_91 : memref<1x125xi32, #tpu.memory_space<vmem>> -> memref<125xi32, #tpu.memory_space<vmem>>
          %dma_wait3A_93 = arith.constant 0 : i32
          %dma_wait3A_94 = arith.constant 0 : i32
          %dma_wait3A_95 = tpu.memref_slice %arg12[%dma_wait3A_93, %dma_wait3A_94] : memref<10000x128xf32, #tpu.memory_space<vmem_shared>> -> memref<10000x128xf32, #tpu.memory_space<vmem_shared>>
          tpu.wait_indirect_dma semaphore(%run_scoped3A : memref<!tpu.dma_semaphore, #tpu.memory_space<semaphore_mem>>) src(%arg11 : memref<125x128xf32, #tpu.memory_space<vmem>>) dst(%dma_wait3A_95 : memref<10000x128xf32, #tpu.memory_space<vmem_shared>>)
          tpu.yield
        }) : () -> ()
      }
      %scan3A_37 = arith.constant 8 : i32
    }
    %scan3A_14 = arith.constant 5 : i32
    %barrier3A_15 = arith.constant 0 : index
    tpu.barrier barrier_id(%barrier3A_15)
    %mul3A_16 = arith.constant 624 : i32
    %mul3A_17 = arith.muli %arg1, %mul3A_16 : i32
    %mul3A_18 = arith.constant 624 : i32
    %mul3A_19 = arith.muli %arg1, %mul3A_18 : i32
    "tpu.region"() ({
      %run_scoped3A = tpu.sem_alloc : memref<!tpu.dma_semaphore, #tpu.memory_space<semaphore_mem>>
      %dma_start3A = arith.constant 0 : i32
      %dma_start3A_22 = tpu.memref_slice %arg6[%arg0, %mul3A_19, %dma_start3A] : memref<2x10000x128xf32, #tpu.memory_space<hbm>> -> memref<1x624x128xf32, #tpu.memory_space<hbm>>
      %dma_start3A_23 = tpu.memref_squeeze %dma_start3A_22 : memref<1x624x128xf32, #tpu.memory_space<hbm>> -> memref<624x128xf32, #tpu.memory_space<hbm>>
      %dma_start3A_24 = arith.constant 0 : i32
      %dma_start3A_25 = tpu.memref_slice %arg12[%mul3A_17, %dma_start3A_24] : memref<10000x128xf32, #tpu.memory_space<vmem_shared>> -> memref<624x128xf32, #tpu.memory_space<vmem_shared>>
      tpu.enqueue_dma source(%dma_start3A_25 : memref<624x128xf32, #tpu.memory_space<vmem_shared>>) target(%dma_start3A_23 : memref<624x128xf32, #tpu.memory_space<hbm>>) target_semaphore(%run_scoped3A : memref<!tpu.dma_semaphore, #tpu.memory_space<semaphore_mem>>)
      %dma_wait3A = arith.constant 0 : i32
      %dma_wait3A_26 = tpu.memref_slice %arg6[%arg0, %mul3A_19, %dma_wait3A] : memref<2x10000x128xf32, #tpu.memory_space<hbm>> -> memref<1x624x128xf32, #tpu.memory_space<hbm>>
      %dma_wait3A_27 = tpu.memref_squeeze %dma_wait3A_26 : memref<1x624x128xf32, #tpu.memory_space<hbm>> -> memref<624x128xf32, #tpu.memory_space<hbm>>
      %dma_wait3A_28 = arith.constant 0 : i32
      %dma_wait3A_29 = tpu.memref_slice %arg12[%mul3A_17, %dma_wait3A_28] : memref<10000x128xf32, #tpu.memory_space<vmem_shared>> -> memref<624x128xf32, #tpu.memory_space<vmem_shared>>
      tpu.wait_dma2 semaphore(%run_scoped3A : memref<!tpu.dma_semaphore, #tpu.memory_space<semaphore_mem>>) src(%dma_wait3A_29 : memref<624x128xf32, #tpu.memory_space<vmem_shared>>) dst(%dma_wait3A_27 : memref<624x128xf32, #tpu.memory_space<hbm>>)
      tpu.yield
    }) : () -> ()
    %eq3A = arith.constant 15 : i32
    %eq3A_20 = arith.cmpi eq, %arg1, %eq3A : i32
    %convert_element_type3A = arith.extui %eq3A_20 : i1 to i32
    %cond3A = arith.constant 0 : i32
    %cond3A_21 = arith.cmpi ne, %convert_element_type3A, %cond3A : i32
    scf.if %cond3A_21 {
      "tpu.region"() ({
        %run_scoped3A = tpu.sem_alloc : memref<!tpu.dma_semaphore, #tpu.memory_space<semaphore_mem>>
        %dma_start3A = arith.constant 9984 : i32
        %dma_start3A_22 = arith.constant 0 : i32
        %dma_start3A_23 = tpu.memref_slice %arg6[%arg0, %dma_start3A, %dma_start3A_22] : memref<2x10000x128xf32, #tpu.memory_space<hbm>> -> memref<1x16x128xf32, #tpu.memory_space<hbm>>
        %dma_start3A_24 = tpu.memref_squeeze %dma_start3A_23 : memref<1x16x128xf32, #tpu.memory_space<hbm>> -> memref<16x128xf32, #tpu.memory_space<hbm>>
        %dma_start3A_25 = arith.constant 9984 : i32
        %dma_start3A_26 = arith.constant 0 : i32
        %dma_start3A_27 = tpu.memref_slice %arg12[%dma_start3A_25, %dma_start3A_26] : memref<10000x128xf32, #tpu.memory_space<vmem_shared>> -> memref<16x128xf32, #tpu.memory_space<vmem_shared>>
        tpu.enqueue_dma source(%dma_start3A_27 : memref<16x128xf32, #tpu.memory_space<vmem_shared>>) target(%dma_start3A_24 : memref<16x128xf32, #tpu.memory_space<hbm>>) target_semaphore(%run_scoped3A : memref<!tpu.dma_semaphore, #tpu.memory_space<semaphore_mem>>)
        %dma_wait3A = arith.constant 9984 : i32
        %dma_wait3A_28 = arith.constant 0 : i32
        %dma_wait3A_29 = tpu.memref_slice %arg6[%arg0, %dma_wait3A, %dma_wait3A_28] : memref<2x10000x128xf32, #tpu.memory_space<hbm>> -> memref<1x16x128xf32, #tpu.memory_space<hbm>>
        %dma_wait3A_30 = tpu.memref_squeeze %dma_wait3A_29 : memref<1x16x128xf32, #tpu.memory_space<hbm>> -> memref<16x128xf32, #tpu.memory_space<hbm>>
        %dma_wait3A_31 = arith.constant 9984 : i32
        %dma_wait3A_32 = arith.constant 0 : i32
        %dma_wait3A_33 = tpu.memref_slice %arg12[%dma_wait3A_31, %dma_wait3A_32] : memref<10000x128xf32, #tpu.memory_space<vmem_shared>> -> memref<16x128xf32, #tpu.memory_space<vmem_shared>>
        tpu.wait_dma2 semaphore(%run_scoped3A : memref<!tpu.dma_semaphore, #tpu.memory_space<semaphore_mem>>) src(%dma_wait3A_33 : memref<16x128xf32, #tpu.memory_space<vmem_shared>>) dst(%dma_wait3A_30 : memref<16x128xf32, #tpu.memory_space<hbm>>)
        tpu.yield
      }) : () -> ()
    } else {
    }
    return
  }
}

module attributes {stable_mosaic.version = 14 : i64} {
  func.func @_mm_bias_body(%arg0: i32, %arg1: memref<1000x128xf32, #tpu.memory_space<vmem>>, %arg2: memref<128x128xf32, #tpu.memory_space<vmem>>, %arg3: memref<1x128xf32, #tpu.memory_space<vmem>>, %arg4: memref<1000x128xf32, #tpu.memory_space<vmem>>) attributes {dimension_semantics = [#tpu.dimension_semantics<arbitrary>], iteration_bounds = array<i64: 10>, scalar_prefetch = 0 : i64, scratch_operands = 0 : i64, tpu.core_type = #tpu.core_type<tc>, window_params = [{transform_indices = @transform_0, window_bounds = array<i64: 1000, 128>}, {pipeline_mode = #tpu.pipeline_mode<synchronous>, transform_indices = @transform_1, window_bounds = array<i64: 128, 128>}, {pipeline_mode = #tpu.pipeline_mode<synchronous>, transform_indices = @transform_2, window_bounds = array<i64: 1, 128>}, {transform_indices = @transform_3, window_bounds = array<i64: 1000, 128>}]} {
    %get3A = arith.constant 0 : index
    %get3A_0 = arith.constant 0 : index
    %get3A_1 = vector.load %arg1[%get3A, %get3A_0] : memref<1000x128xf32, #tpu.memory_space<vmem>>, vector<1000x128xf32>
    %get3A_2 = arith.constant 0 : index
    %get3A_3 = arith.constant 0 : index
    %get3A_4 = vector.load %arg2[%get3A_2, %get3A_3] : memref<128x128xf32, #tpu.memory_space<vmem>>, vector<128x128xf32>
    %dot_general3A = arith.constant dense<0.000000e+00> : vector<1000x128xf32>
    %dot_general3A_5 = tpu.matmul %get3A_1, %get3A_4, %dot_general3A {dimension_numbers = #tpu.dot_dimension_numbers<[1], [0], [0], [1], [0, 0, 1, 1], [], []>, transpose_lhs_hint = false} : vector<1000x128xf32>, vector<128x128xf32>, vector<1000x128xf32> -> vector<1000x128xf32>
    %get3A_6 = arith.constant 0 : index
    %get3A_7 = arith.constant 0 : index
    %get3A_8 = vector.load %arg3[%get3A_6, %get3A_7] : memref<1x128xf32, #tpu.memory_space<vmem>>, vector<1x128xf32>
    %add3A = vector.broadcast %get3A_8 : vector<1x128xf32> to vector<1000x128xf32>
    %add3A_9 = arith.addf %dot_general3A_5, %add3A : vector<1000x128xf32>
    %swap3A = arith.constant 0 : index
    %swap3A_10 = arith.constant 0 : index
    %swap3A_11 = vector.load %arg4[%swap3A, %swap3A_10] : memref<1000x128xf32, #tpu.memory_space<vmem>>, vector<1000x128xf32>
    tpu.vector_store %arg4[%swap3A, %swap3A_10], %add3A_9 {strides = array<i32>} : memref<1000x128xf32, #tpu.memory_space<vmem>>, vector<1000x128xf32>,
    return
  }
  func.func @transform_0(%arg0: i32) -> (i32, i32) {
    %c0_i32 = arith.constant 0 : i32
    %c0_i32_0 = arith.constant 0 : i32
    return %arg0, %c0_i32 : i32, i32
  }
  func.func @transform_1(%arg0: i32) -> (i32, i32) {
    %c0_i32 = arith.constant 0 : i32
    %c0_i32_0 = arith.constant 0 : i32
    %c0_i32_1 = arith.constant 0 : i32
    return %c0_i32, %c0_i32_0 : i32, i32
  }
  func.func @transform_2(%arg0: i32) -> (i32, i32) {
    %c0_i32 = arith.constant 0 : i32
    %c0_i32_0 = arith.constant 0 : i32
    %c0_i32_1 = arith.constant 0 : i32
    return %c0_i32, %c0_i32_0 : i32, i32
  }
  func.func @transform_3(%arg0: i32) -> (i32, i32) {
    %c0_i32 = arith.constant 0 : i32
    %c0_i32_0 = arith.constant 0 : i32
    return %arg0, %c0_i32 : i32, i32
  }
}

module attributes {stable_mosaic.version = 14 : i64} {
  func.func @_comb_mm_body(%arg0: i32, %arg1: memref<2x1000x128xf32, #tpu.memory_space<vmem>>, %arg2: memref<128x128xf32, #tpu.memory_space<vmem>>, %arg3: memref<1x128xf32, #tpu.memory_space<vmem>>, %arg4: memref<1000x128xf32, #tpu.memory_space<vmem>>) attributes {dimension_semantics = [#tpu.dimension_semantics<arbitrary>], iteration_bounds = array<i64: 10>, scalar_prefetch = 0 : i64, scratch_operands = 0 : i64, tpu.core_type = #tpu.core_type<tc>, window_params = [{transform_indices = @transform_0, window_bounds = array<i64: 2, 1000, 128>}, {pipeline_mode = #tpu.pipeline_mode<synchronous>, transform_indices = @transform_1, window_bounds = array<i64: 128, 128>}, {pipeline_mode = #tpu.pipeline_mode<synchronous>, transform_indices = @transform_2, window_bounds = array<i64: 1, 128>}, {transform_indices = @transform_3, window_bounds = array<i64: 1000, 128>}]} {
    %get3A = arith.constant 0 : index
    %get3A_0 = arith.constant 0 : index
    %get3A_1 = arith.constant 0 : index
    %get3A_2 = vector.load %arg1[%get3A, %get3A_0, %get3A_1] : memref<2x1000x128xf32, #tpu.memory_space<vmem>>, vector<1x1000x128xf32>
    %get3A_3 = vector.shape_cast %get3A_2 : vector<1x1000x128xf32> to vector<1000x128xf32>
    %get3A_4 = arith.constant 1 : index
    %get3A_5 = arith.constant 0 : index
    %get3A_6 = arith.constant 0 : index
    %get3A_7 = vector.load %arg1[%get3A_4, %get3A_5, %get3A_6] : memref<2x1000x128xf32, #tpu.memory_space<vmem>>, vector<1x1000x128xf32>
    %get3A_8 = vector.shape_cast %get3A_7 : vector<1x1000x128xf32> to vector<1000x128xf32>
    %add3A = arith.addf %get3A_3, %get3A_8 : vector<1000x128xf32>
    %max3A = arith.constant 0.000000e+00 : f32
    %max3A_9 = vector.broadcast %max3A : f32 to vector<1000x128xf32>
    %max3A_10 = arith.maximumf %add3A, %max3A_9 : vector<1000x128xf32>
    %get3A_11 = arith.constant 0 : index
    %get3A_12 = arith.constant 0 : index
    %get3A_13 = vector.load %arg2[%get3A_11, %get3A_12] : memref<128x128xf32, #tpu.memory_space<vmem>>, vector<128x128xf32>
    %dot_general3A = arith.constant dense<0.000000e+00> : vector<1000x128xf32>
    %dot_general3A_14 = tpu.matmul %max3A_10, %get3A_13, %dot_general3A {dimension_numbers = #tpu.dot_dimension_numbers<[1], [0], [0], [1], [0, 0, 1, 1], [], []>, transpose_lhs_hint = false} : vector<1000x128xf32>, vector<128x128xf32>, vector<1000x128xf32> -> vector<1000x128xf32>
    %get3A_15 = arith.constant 0 : index
    %get3A_16 = arith.constant 0 : index
    %get3A_17 = vector.load %arg3[%get3A_15, %get3A_16] : memref<1x128xf32, #tpu.memory_space<vmem>>, vector<1x128xf32>
    %add3A_18 = vector.broadcast %get3A_17 : vector<1x128xf32> to vector<1000x128xf32>
    %add3A_19 = arith.addf %dot_general3A_14, %add3A_18 : vector<1000x128xf32>
    %swap3A = arith.constant 0 : index
    %swap3A_20 = arith.constant 0 : index
    %swap3A_21 = vector.load %arg4[%swap3A, %swap3A_20] : memref<1000x128xf32, #tpu.memory_space<vmem>>, vector<1000x128xf32>
    tpu.vector_store %arg4[%swap3A, %swap3A_20], %add3A_19 {strides = array<i32>} : memref<1000x128xf32, #tpu.memory_space<vmem>>, vector<1000x128xf32>,
    return
  }
  func.func @transform_0(%arg0: i32) -> (i32, i32, i32) {
    %c0_i32 = arith.constant 0 : i32
    %c0_i32_0 = arith.constant 0 : i32
    %c0_i32_1 = arith.constant 0 : i32
    return %c0_i32, %arg0, %c0_i32_0 : i32, i32, i32
  }
  func.func @transform_1(%arg0: i32) -> (i32, i32) {
    %c0_i32 = arith.constant 0 : i32
    %c0_i32_0 = arith.constant 0 : i32
    %c0_i32_1 = arith.constant 0 : i32
    return %c0_i32, %c0_i32_0 : i32, i32
  }
  func.func @transform_2(%arg0: i32) -> (i32, i32) {
    %c0_i32 = arith.constant 0 : i32
    %c0_i32_0 = arith.constant 0 : i32
    %c0_i32_1 = arith.constant 0 : i32
    return %c0_i32, %c0_i32_0 : i32, i32
  }
  func.func @transform_3(%arg0: i32) -> (i32, i32) {
    %c0_i32 = arith.constant 0 : i32
    %c0_i32_0 = arith.constant 0 : i32
    return %arg0, %c0_i32 : i32, i32
  }
}

module attributes {stable_mosaic.version = 14 : i64} {
  func.func @_add_body(%arg0: i32, %arg1: memref<2x1000x128xf32, #tpu.memory_space<vmem>>, %arg2: memref<1000x128xf32, #tpu.memory_space<vmem>>) attributes {dimension_semantics = [#tpu.dimension_semantics<arbitrary>], iteration_bounds = array<i64: 10>, scalar_prefetch = 0 : i64, scratch_operands = 0 : i64, tpu.core_type = #tpu.core_type<tc>, window_params = [{transform_indices = @transform_0, window_bounds = array<i64: 2, 1000, 128>}, {transform_indices = @transform_1, window_bounds = array<i64: 1000, 128>}]} {
    %get3A = arith.constant 0 : index
    %get3A_0 = arith.constant 0 : index
    %get3A_1 = arith.constant 0 : index
    %get3A_2 = vector.load %arg1[%get3A, %get3A_0, %get3A_1] : memref<2x1000x128xf32, #tpu.memory_space<vmem>>, vector<1x1000x128xf32>
    %get3A_3 = vector.shape_cast %get3A_2 : vector<1x1000x128xf32> to vector<1000x128xf32>
    %get3A_4 = arith.constant 1 : index
    %get3A_5 = arith.constant 0 : index
    %get3A_6 = arith.constant 0 : index
    %get3A_7 = vector.load %arg1[%get3A_4, %get3A_5, %get3A_6] : memref<2x1000x128xf32, #tpu.memory_space<vmem>>, vector<1x1000x128xf32>
    %get3A_8 = vector.shape_cast %get3A_7 : vector<1x1000x128xf32> to vector<1000x128xf32>
    %add3A = arith.addf %get3A_3, %get3A_8 : vector<1000x128xf32>
    %swap3A = arith.constant 0 : index
    %swap3A_9 = arith.constant 0 : index
    %swap3A_10 = vector.load %arg2[%swap3A, %swap3A_9] : memref<1000x128xf32, #tpu.memory_space<vmem>>, vector<1000x128xf32>
    tpu.vector_store %arg2[%swap3A, %swap3A_9], %add3A {strides = array<i32>} : memref<1000x128xf32, #tpu.memory_space<vmem>>, vector<1000x128xf32>,
    return
  }
  func.func @transform_0(%arg0: i32) -> (i32, i32, i32) {
    %c0_i32 = arith.constant 0 : i32
    %c0_i32_0 = arith.constant 0 : i32
    %c0_i32_1 = arith.constant 0 : i32
    return %c0_i32, %arg0, %c0_i32_0 : i32, i32, i32
  }
  func.func @transform_1(%arg0: i32) -> (i32, i32) {
    %c0_i32 = arith.constant 0 : i32
    %c0_i32_0 = arith.constant 0 : i32
    return %arg0, %c0_i32 : i32, i32
  }
}

</mosaic_0001>

<sc_bundles>
// kernel: kernel.12.cloned.1.call-start
scs
__scs_entry_jumppad:
0x0: {  	(pc) =	sbr.rel $0x88, $3  }
0x1: {  	(tag) =	ssettag $0x0;
	lr =	simm.s32 $0x1  }
0x2: {  	[smem:$0x3F98] =	sst lr;
	_ =	strace $0xD0000000  }
0x3: {  	_ = 	snop  }
0x4: {  	_ = 	snop  }
0x5: {  	_ = 	snop  }
0x6: {  	_ = 	snop  }
0x7: {  	_ = 	snop  }
__scs_overlays_trampoline_lowered:
0x8: {  	[smem:$0x3FA7] =	sst s0  }
0x9: {  	[smem:$0x3FA8] =	sst s1  }
0xa: {  	[smem:$0x3FA9] =	sst s2  }
0xb: {  	[smem:$0x3FAA] =	sst s3  }
0xc: {  	[smem:$0x3FAB] =	sst s4  }
0xd: {  	[smem:$0x3FAC] =	sst s5  }
0xe: {  	[smem:$0x3FAD] =	sst s6  }
0xf: {  	[smem:$0x3FAE] =	sst s7  }
0x10: {  	[smem:$0x3FAF] =	sst s8  }
0x11: {  	[smem:$0x3FB0] =	sst s9;
	s0 =	simm.s32 @!p0 $0x0  }
0x12: {  	s1 =	sld [smem:$0x3F96];
	s0 =	simm.s32 @p0 $0x1  }
0x13: {  	[smem:$0x3FB1] =	sst s0;
	s0 =	simm.s32 @!p1 $0x0  }
0x14: {  	s2 =	sld [smem:$0x3F95];
	s0 =	simm.s32 @p1 $0x1  }
0x15: {  	[smem:$0x3FB2] =	sst s0;
	s0 =	simm.s32 @!p2 $0x0  }
0x16: {  	s3 =	sld [smem:$0x3FDB];
	s0 =	simm.s32 @p2 $0x1  }
0x17: {  	s4 =	simm.s32 $0x1BF5;
	[smem:$0x3FB4] =	sst s0  }
0x18: {  	s0 =	sld [smem:$0x3F97];
	_ =	swait.ge [sflag:s4], $0x0  }
0x19: {  	s7 =	sld [smem:$0x3F98]  }
0x1a: {  	s8 =	sadd.s32 $0xFFFFE003, lr  }
0x1b: {  	s9 =	sadd.s32 $0xFFFFFEF7, lr;
	s5 =	simm.s32 $0xFFFFFFFF;
	p2 =	slt.u32 s8, $0xFFFFF086  }
0x1c: {  	p1 =	slt.u32 s9, $0xF7A;
	s5 =	simm.s32 @!p2 $0x0  }
0x1d: {  	s5 =	simm.s32 @p1 $0x1;
	p0 =	seq.s32 s7, s2  }
0x1e: {  	s7 =	smul.u32 @!p0 $0xF7A, s2;
	p2 =	seq.s32 @!p0 s5, $0x0  }
0x1f: {  	s9 =	smul.u32 $0xF7A, s1;
	s8 =	simm.s32 @!p0 $0x1BF5;
	p2 =	por !p2, p0  }
0x20: {  	[sflag:s8] =	ssyncset.s32 @!p0 $0xFFFFF086;
	s6 =	sadd.s32 @!p0 s3, s7;
	s7 =	simm.s32 @!p0 $0x108  }
0x21: {  	s3 =	sadd.s32 s3, s9;
	s6 =	sadd.s32 @!p0 $0x88, s6;
	s7 =	simm.s32 @p2 $0x1082  }
0x22: {  	[simem:s7], [sflag:s8] =	dma.local @!p0 [hbm:s6], $0xF7A  }
0x23: {  	s9 =	sor.u32 $0xD0000000, s2;
	s6 =	simm.s32 $0x108;
	_ =	swait.ge @!p0 [sflag:s8], $0x0  }
0x24: {  	s3 =	sadd.s32 $0x88, s3;
	s6 =	simm.s32 @!p1 $0x1082;
	[sflag:s4] =	ssyncset.s32 $0xFFFFF086  }
0x25: {  	[simem:s6], [sflag:s4] =	dma.local [hbm:s3], $0xF7A  }
0x26: {  	[smem:$0x3F98] =	sst s1;
	(tag) =	ssettag s2;
	_ =	strace s9  }
0x27: {  	s1 =	sld [smem:$0x3FA8]  }
0x28: {  	s2 =	sld [smem:$0x3FA9]  }
0x29: {  	s4 =	sld [smem:$0x3FAB]  }
0x2a: {  	p0 =	seq.s32 s5, $0x0;
	s5 =	sld [smem:$0x3FAC]  }
0x2b: {  	s6 =	sld [smem:$0x3FAD]  }
0x2c: {  	s7 =	sld [smem:$0x3FAE]  }
0x2d: {  	s3 =	simm.s32 $0x108;
	s8 =	sld [smem:$0x3FAF]  }
0x2e: {  	s3 =	simm.s32 @!p0 $0x1082;
	s9 =	sld [smem:$0x3FB0]  }
0x2f: {  	lr =	sadd.s32 s0, s3;
	s0 =	sld [smem:$0x3FA7]  }
0x30: {  	s3 =	sld [smem:$0x3FAA]  }
0x31: {  	[smem:$0x3FB3] =	sst s10  }
0x32: {  	s10 =	sld [smem:$0x3FB1];
	_ =	sdelay $0x3  }
0x33: {  	p0 =	seq.s32 s10, $0x1;
	s10 =	sld [smem:$0x3FB3];
	_ =	sdelay $0x3  }
0x34: {  	[smem:$0x3FB3] =	sst s10  }
0x35: {  	s10 =	sld [smem:$0x3FB2];
	_ =	sdelay $0x3  }
0x36: {  	p1 =	seq.s32 s10, $0x1;
	s10 =	sld [smem:$0x3FB3];
	_ =	sdelay $0x3  }
0x37: {  	[smem:$0x3FB3] =	sst s10  }
0x38: {  	s10 =	sld [smem:$0x3FB4]  }
0x39: {  	_ = 	snop;
	(pc) =	sbr.ind lr, $3  }
0x3a: {  	_ = 	snop  }
0x3b: {  	_ = 	snop  }
0x3c: {  	p2 =	seq.s32 s10, $0x1;
	s10 =	sld [smem:$0x3FB3]  }
0x3d: {  	_ =	shalt  }
0x3e: {  	_ =	shalt  }
0x3f: {  	_ =	shalt  }
0x40: {  	_ =	shalt  }
0x41: {  	_ =	shalt  }
0x42: {  	_ =	shalt  }
0x43: {  	_ =	shalt  }
0x44: {  	_ =	shalt  }
0x45: {  	_ =	shalt  }
0x46: {  	_ =	shalt  }
0x47: {  	_ =	shalt  }
0x48: {  	_ =	shalt  }
0x49: {  	_ =	shalt  }
0x4a: {  	_ =	shalt  }
0x4b: {  	_ =	shalt  }
0x4c: {  	_ =	shalt  }
0x4d: {  	_ =	shalt  }
0x4e: {  	_ =	shalt  }
0x4f: {  	_ =	shalt  }
0x50: {  	_ =	shalt  }
0x51: {  	_ =	shalt  }
0x52: {  	_ =	shalt  }
0x53: {  	_ =	shalt  }
0x54: {  	_ =	shalt  }
0x55: {  	_ =	shalt  }
0x56: {  	_ =	shalt  }
0x57: {  	_ =	shalt  }
0x58: {  	_ =	shalt  }
0x59: {  	_ =	shalt  }
0x5a: {  	_ =	shalt  }
0x5b: {  	_ =	shalt  }
0x5c: {  	_ =	shalt  }
0x5d: {  	_ =	shalt  }
0x5e: {  	_ =	shalt  }
0x5f: {  	_ =	shalt  }
0x60: {  	_ =	shalt  }
0x61: {  	_ =	shalt  }
0x62: {  	_ =	shalt  }
0x63: {  	_ =	shalt  }
0x64: {  	_ =	shalt  }
0x65: {  	_ =	shalt  }
0x66: {  	_ =	shalt  }
0x67: {  	_ =	shalt  }
0x68: {  	_ =	shalt  }
0x69: {  	_ =	shalt  }
0x6a: {  	_ =	shalt  }
0x6b: {  	_ =	shalt  }
0x6c: {  	_ =	shalt  }
0x6d: {  	_ =	shalt  }
0x6e: {  	_ =	shalt  }
0x6f: {  	_ =	shalt  }
0x70: {  	_ =	shalt  }
0x71: {  	_ =	shalt  }
0x72: {  	_ =	shalt  }
0x73: {  	_ =	shalt  }
0x74: {  	_ =	shalt  }
0x75: {  	_ =	shalt  }
0x76: {  	_ =	shalt  }
0x77: {  	_ =	shalt  }
0x78: {  	_ =	shalt  }
0x79: {  	_ =	shalt  }
0x7a: {  	_ =	shalt  }
0x7b: {  	_ =	shalt  }
0x7c: {  	_ =	shalt  }
0x7d: {  	_ =	shalt  }
0x7e: {  	_ =	shalt  }
0x7f: {  	_ =	shalt  }
0x80: {  	_ =	shalt  }
0x81: {  	_ =	shalt  }
0x82: {  	_ =	shalt  }
0x83: {  	_ =	shalt  }
0x84: {  	_ =	shalt  }
0x85: {  	_ =	shalt  }
0x86: {  	_ =	shalt  }
0x87: {  	_ =	shalt  }
.Lfunc_end0:
.L_simem_size_0:
called_computation.1_lowered:
.L_overlay_start_0:
0x88: {  	s2 =	sld [smem:$0x3FD9]  }
0x89: {  	s3 =	sld [smem:$0x3FFE];
	_ =	sdelay $0x1  }
0x8a: {  	s1 =	srdreg.scid  }
0x8b: {  	s0 =	sand.u32 $0x1, s1  }
0x8c: {  	s17 =	sshll.u32 s0, $0xA;
	s2 =	sadd.s32 s3, s2  }
0x8d: {  	s2 =	sadd.s32 s2, s17  }
0x8e: {  	[smem:$0x3FBF] =	sst s2  }
0x8f: {  	_ = 	snop  }
0x90: {  	s2 =	sld [smem:$0x3FD0];
	(tm) =	ssettm $0x1  }
0x91: {  	s18 =	sld [smem:$0x3FFB];
	_ =	sdelay $0x3  }
0x92: {  	_ =	strace s18  }
0x93: {  	s3 =	sld [smem:$0x3FFC];
	_ =	sdelay $0x3  }
0x94: {  	_ =	strace s3  }
0x95: {  	s3 =	sld [smem:$0x3FFD];
	_ =	sdelay $0x3  }
0x96: {  	_ =	strace s3  }
0x97: {  	_ =	strace $0x8FFFFFFF  }
0x98: {  	s19 =	sld [smem:$0x3FDB];
	_ =	sdelay $0x1  }
0x99: {  	s4 =	simm.s32 $_scs_section_size  }
0x9a: {  	s5 =	simm.s32 $_size__tile_overlayer_lowered;
	s6 =	simm.s32 $_tile_overlayer_lowered  }
0x9b: {  	s22 =	simm.s32 $0x1BFF;
	s21 =	sshll.u32 s6, $0x1;
	s3 =	sadd.s32 s4, s19  }
0x9c: {  	s7 =	simm.s32 $0x0;
	s20 =	sshll.u32 s5, $0x1;
	s5 =	sadd.s32 s21, s3  }
0x9d: {  	[timem:s7], [sflag:s22] =	dma.local [hbm:s5], s20  }
0x9e: {  	_ =	swait.ge [sflag:s22], s20  }
0x9f: {  	s4 =	ssub.s32 $0x0, s20;
	[sflag:s22] =	ssyncset.done $0x0  }
0xa0: {  	[sflag:s22] =	ssyncadd.s32 s4;
	_ =	sdelay $0x1  }
0xa1: {  	s23 =	simm.s32 $0x1B8B  }
0xa2: {  	_ =	swait.ge [sflag:s23], $0x1  }
0xa3: {  	[sflag:s23] =	ssyncset.done $0x0  }
0xa4: {  	s25 =	simm.s32 $0x1B8E;
	s24 =	sld [smem:$0x3FFE];
	[sflag:s23] =	ssyncadd.s32 $0xFFFFFFFF  }
0xa5: {  	s26 =	simm.s32 $execute0_lowered;
	[smem:$0x3FD2] =	sst s25  }
0xa6: {  	s5 =	sshll.u32 s26, $0x1;
	_ =	strace $0x80000049;
	[dreg:$0x1] =	wrdreg $0xFFFFFFFF  }
0xa7: {  	s28 =	simm.s32 $_size_execute0_lowered;
	s3 =	sadd.s32 s3, s5;
	[dreg:$0x0] =	wrdreg $0x0  }
0xa8: {  	s5 =	sshll.u32 s28, $0x1;
	[dreg:$0x2] =	wrdreg s3  }
0xa9: {  	[dreg:$0x3] =	wrdreg s5  }
0xaa: {  	[dreg:$0x4] =	wrdreg $0xC0  }
0xab: {  	_ =	task [dreg:s7], $0x5FFFF  }
0xac: {  	[dreg:$0x1] =	wrdreg $0xFFFFFFFF  }
0xad: {  	[dreg:$0x0] =	wrdreg $0x60  }
0xae: {  	[dreg:$0x2] =	wrdreg s2  }
0xaf: {  	[dreg:$0x3] =	wrdreg s24  }
0xb0: {  	[dreg:$0x4] =	wrdreg $0x98000  }
0xb1: {  	[dreg:$0x5] =	wrdreg $0x9  }
0xb2: {  	_ =	task.clear_ibuf [dreg:s7], $0x6FFFF;
	_ =	strace $0x90000049  }
0xb3: {  	s29 =	simm.s32 $0x9;
	_ =	strace $0x8000004B  }
0xb4: {  	_ =	swait.ge [sflag:s29], $0x1  }
0xb5: {  	[sflag:s29] =	ssyncadd.s32 $0xFFFFFFFF  }
0xb6: {  	_ =	strace $0x9000004B  }
0xb7: {  	_ =	sfence  }
0xb8: {  	s30 =	sld [smem:$0x0];
	_ =	sdelay $0x2  }
0xb9: {  	s31 =	sshll.u32 s1, $0xD;
	s1 =	sshrl.u32 s1, $0x2  }
0xba: {  	s3 =	sand.u32 $0x4000, s31;
	s1 =	sadd.s32 s1, s30  }
0xbb: {  	s0 =	sor.u32 s3, s0;
	s1 =	sshll.u32 s1, $0x11  }
0xbc: {  	s0 =	sor.u32 s1, s0  }
0xbd: {  	s0 =	sadd.s32 $0x8F2B, s0  }
0xbe: {  	[sflag:s0] =	ssyncadd.remote.s32 $0x1  }
0xbf: {  	_ =	sfence.sel $0xFFFF  }
0xc0: {  	[dreg:$0x0] =	wrdreg $0xFFFFFFFF;
	(pc) =	sbr.abs _section_cstart, $3  }
0xc1: {  	[dreg:$0x1] =	wrdreg $0xFFFFFFFF  }
0xc2: {  	_ =	task.clear_ibuf [dreg:s7], $0x2FFFF;
	_ =	strace $0x9FFFFFFF  }
0xc3: {  	(tm) =	ssettm $0x7FFFFFFF  }
tec
execute0_lowered:
.L_overlay_start_1:
0x0: {  	(tag) =	ssettag $0x1  }
0x1: {  	s1 =	rddreg [dreg:$0x0]  }
0x2: {  	s0 =	rddreg [dreg:$0x1]  }
0x3: {  	s2 =	rddreg [dreg:$0x2]  }
0x4: {  	s3 =	simm.s32 $0x0;
	s4 =	srdreg.scid;
	s13 =	stileid.u32  }
0x5: {  	s17 =	simm.s32 $0x1800;
	s18 =	simm.s32 $0x3;
	s19 =	simm.s32 $0x800  }
0x6: {  	s20 =	simm.s32 $0x1000;
	s28 =	simm.s32 $0x0;
	[smem:$0x7FF] =	sst s3  }
0x7: {  	s5 =	sadd.s32 $0x16600, s0;
	s6 =	sadd.s32 $0xC600, s0;
	s11 =	smul.u32 $0x13800, s13  }
0x8: {  	s4 =	sand.u32 $0x1, s4;
	s7 =	sadd.s32 $0x2600, s0;
	s23 =	smul.u32 $0x4E000, s13  }
0x9: {  	s8 =	sshll.u32 s13, $0x1;
	s0 =	sadd.s32 $0x20600, s0;
	s24 =	smul.u32 $0x4E200, s13  }
0xa: {  	p0 =	sne.s32 s13, $0xF;
	_ =	strace $0x8000004A;
	s10 =	ssub.s32 $0x2, s4  }
0xb: {  	s9 =	smul.u32 $0x138800, s4;
	s4 =	sor.u32 s4, s8;
	s12 =	sshrl.u32 s10, $0x1  }
0xc: {  	s8 =	smul.u32 $0x2800, s4;
	s25 =	sshrl.u32 s23, $0x2;
	s29 =	sshrl.u32 s24, $0x2  }
0xd: {  	s23 =	simm.s32 $0x5800;
	s21 =	ssub.s32 s10, s12;
	s22 =	sadd.s32 s11, s9  }
0xe: {  	s9 =	sshrl.u32 s9, $0x3;
	s26 =	sadd.s32 s25, s2;
	s12 =	sadd.s32 s29, s2  }
0xf: {  	s10 =	sshrl.u32 s22, $0x3;
	s4 =	smax.u32 s21, $0x1;
	s30 =	sadd.s32 $0x7D00, s12  }
0x10: {  	s31 =	sadd.s32 $0xBB80, s12;
	s16 =	sadd.s32 $0xFA00, s12;
	[dreg:$0x6] =	wrdreg s4  }
0x11: {  	s21 =	simm.s32 $0x7D;
	s22 =	simm.s32 $0x1;
	[dreg:$0x8] =	wrdreg s30  }
0x12: {  	s10 =	sadd.s32 s0, s10;
	s0 =	sadd.s32 s0, s9;
	[dreg:$0x9] =	wrdreg s31  }
0x13: {  	s24 =	sshrl.u32 s26, $0x3;
	[dreg:$0x4] =	wrdreg s10;
	s0 =	sadd.s32 $0x27000, s0  }
0x14: {  	s10 =	sadd.s32 $0x138000, s2;
	[dreg:$0x5] =	wrdreg s0;
	s0 =	sadd.s32 $0x3E80, s12  }
0x15: {  	v0 =	vimm.f32 $0.0e+00;
	s26 =	simm.s32 $0x2;
	s25 =	sshrl.u32 @!p0 s10, $0x3;
	[dreg:$0x7] =	wrdreg s0  }
.LBB2_1:
0x16: {  	s0 =	simm.s32 $0x0;
	s4 =	simm.s32 $0x200  }
.LBB2_2:
0x17: {  	p1 =	sne.s32 s4, $0xF800;
	[tilespmem:s0+$0x1870] =	vst v0  }
0x18: {  	[tilespmem:s0+$0x1800] =	vst v0  }
0x19: {  	[tilespmem:s0+$0x1810] =	vst v0  }
.Ltmp0:
0x1a: {  	[tilespmem:s0+$0x1820] =	vst v0;
	(pc) =	sbr.rel @p1 .LBB2_2-.Ltmp0, $4  }
0x1b: {  	[tilespmem:s0+$0x1830] =	vst v0  }
0x1c: {  	[tilespmem:s0+$0x1840] =	vst v0  }
0x1d: {  	[tilespmem:s0+$0x1850] =	vst v0  }
0x1e: {  	[tilespmem:s0+$0x1860] =	vst v0;
	s0 =	sshra.s32 s4, $0x2;
	s4 =	sadd.s32 $0x200, s4  }
0x1f: {  	[tilespmem:s0+$0x1870] =	vst v0  }
0x20: {  	[tilespmem:s0+$0x1800] =	vst v0  }
0x21: {  	[tilespmem:s0+$0x1810] =	vst v0  }
0x22: {  	[tilespmem:s0+$0x1820] =	vst v0  }
0x23: {  	[tilespmem:s0+$0x1830] =	vst v0  }
0x24: {  	[tilespmem:s0+$0x1840] =	vst v0  }
0x25: {  	[tilespmem:s0+$0x1850] =	vst v0  }
0x26: {  	[tilespmem:s0+$0x1860] =	vst v0  }
0x27: {  	[spmem:s12] =	stream.linear.scatter [tilespmem:s17], [sflag:$0x3], $0x3E80, $0x38;
	[tilespmem:$0x1D080] =	vst v63  }
0x28: {  	_ =	swait.ge [sflag:s18], $0x3E80  }
0x29: {  	[sflag:s18] =	ssyncset.done $0x0  }
0x2a: {  	s15 =	rddreg [dreg:$0x7];
	[sflag:s18] =	ssyncadd.s32 $0xFFFFC180  }
0x2b: {  	[spmem:s15] =	stream.linear.scatter [tilespmem:s17], [sflag:$0x3], $0x3E80, $0x38;
	[tilespmem:$0x1D080] =	vst v63  }
0x2c: {  	_ =	swait.ge [sflag:s18], $0x3E80  }
0x2d: {  	[sflag:s18] =	ssyncset.done $0x0  }
0x2e: {  	s30 =	rddreg [dreg:$0x8];
	[sflag:s18] =	ssyncadd.s32 $0xFFFFC180  }
0x2f: {  	[spmem:s30] =	stream.linear.scatter [tilespmem:s17], [sflag:$0x3], $0x3E80, $0x38;
	[tilespmem:$0x1D080] =	vst v63  }
0x30: {  	_ =	swait.ge [sflag:s18], $0x3E80  }
0x31: {  	[sflag:s18] =	ssyncset.done $0x0  }
0x32: {  	s31 =	rddreg [dreg:$0x9];
	[sflag:s18] =	ssyncadd.s32 $0xFFFFC180  }
0x33: {  	[spmem:s31] =	stream.linear.scatter [tilespmem:s17], [sflag:$0x3], $0x3E80, $0x38;
	[tilespmem:$0x1D080] =	vst v63  }
0x34: {  	_ =	swait.ge [sflag:s18], $0x3E80  }
0x35: {  	[sflag:s18] =	ssyncset.done $0x0  }
0x36: {  	[sflag:s18] =	ssyncadd.s32 $0xFFFFC180  }
0x37: {  	[spmem:s16] =	stream.linear.scatter [tilespmem:s17], [sflag:$0x3], $0x3E80, $0x38;
	[tilespmem:$0x1D080] =	vst v63  }
0x38: {  	_ =	swait.ge [sflag:s18], $0x3E80  }
0x39: {  	[sflag:s18] =	ssyncset.done $0x0  }
0x3a: {  	[sflag:s18] =	ssyncadd.s32 $0xFFFFC180  }
0x3b: {  	s29 =	simm.s32 $0x0;
	[bflag:$0x0] =	sbarrier.arrive $0xFFFF  }
.LBB2_4:
0x3c: {  	s0 =	sshll.u32 s29, $0xB  }
0x3d: {  	s0 =	sadd.s32 s8, s0  }
0x3e: {  	s0 =	sshrl.u32 s0, $0x3  }
0x3f: {  	s4 =	sadd.s32 s5, s0  }
0x40: {  	[tilespmem:s28], [sflag:$0x3] =	stream.linear.gather [hbm4b:s4+s28], $0x800, $0x38;
	[tilespmem:$0x1D080] =	vst v63  }
0x41: {  	_ =	swait.ge [sflag:s18], $0x800  }
0x42: {  	[sflag:s18] =	ssyncset.done $0x0  }
0x43: {  	s31 =	sadd.s32 s6, s0;
	[sflag:s18] =	ssyncadd.s32 $0xFFFFF800  }
0x44: {  	[tilespmem:s19], [sflag:$0x3] =	stream.linear.gather [hbm4b:s31+s28], $0x800, $0x38;
	[tilespmem:$0x1D080] =	vst v63  }
0x45: {  	_ =	swait.ge [sflag:s18], $0x800  }
0x46: {  	[sflag:s18] =	ssyncset.done $0x0  }
0x47: {  	s0 =	sadd.s32 s7, s0;
	[sflag:s18] =	ssyncadd.s32 $0xFFFFF800  }
0x48: {  	[tilespmem:s20], [sflag:$0x3] =	stream.linear.gather [hbm4b:s0+s28], $0x800, $0x38;
	[tilespmem:$0x1D080] =	vst v63  }
0x49: {  	_ =	swait.ge [sflag:s18], $0x800  }
0x4a: {  	[sflag:s18] =	ssyncset.done $0x0  }
0x4b: {  	s30 =	simm.s32 $0x0;
	[sflag:s18] =	ssyncadd.s32 $0xFFFFF800  }
0x4c: {  	[tilespmem:s17], [sflag:$0x1] =	stream.indirect.gather [hbm4b:s1+s21], $0x80, s28, s21, $0xb8;
	[tilespmem:$0x1D080] =	vst v63  }
.LBB2_5:
0x4d: {  	_ =	swait.ge [sflag:s22], $0x3E80  }
0x4e: {  	s0 =	sshll.u32 s30, $0x8;
	[sflag:s22] =	ssyncset.done $0x0  }
0x4f: {  	s31 =	sor.u32 $0x80, s0;
	s0 =	simm.s32 $0x1940;
	[sflag:s22] =	ssyncadd.s32 $0xFFFFC180  }
0x50: {  	[tilespmem:s23], [sflag:$0x2] =	stream.indirect.gather [hbm4b:s1+s21], $0x80, s31, s21, $0xb8;
	[tilespmem:$0x1D080] =	vst v63  }
0x51: {  	v2 =	vld [tilespmem:s0+$0x100]  }
0x52: {  	v4 =	vld [tilespmem:s0+$0x0]  }
0x53: {  	v5 =	vld [tilespmem:s0+$0x120]  }
0x54: {  	v6 =	vld [tilespmem:s0+$0x10]  }
0x55: {  	v7 =	vld [tilespmem:s0+$0x40]  }
0x56: {  	v8 =	vld [tilespmem:s0+$0x50]  }
0x57: {  	v9 =	vld [tilespmem:s0+$0x60]  }
0x58: {  	v10 =	vld [tilespmem:s0+$0x70]  }
0x59: {  	v11 =	vld [tilespmem:s0+$0x80]  }
0x5a: {  	v12 =	vld [tilespmem:s0+$0x90]  }
0x5b: {  	v13 =	vld [tilespmem:s0+$0xA0]  }
0x5c: {  	v14 =	vld [tilespmem:s0+$0xB0]  }
0x5d: {  	s4 =	simm.s32 $0x3;
	v15 =	vld [tilespmem:s0+$0xC0]  }
0x5e: {  	v1 =	vmov s4;
	v17 =	vld [tilespmem:s0+$0xD0]  }
0x5f: {  	v18 =	vld [tilespmem:s0+$0xE0]  }
0x60: {  	s9 =	simm.s32 $0x1;
	s11 =	simm.s32 $0x2;
	s4 =	sshll.u32 s30, $0xA;
	v19 =	vld [tilespmem:s0+$0xF0]  }
0x61: {  	s10 =	simm.s32 $0x0;
	v3 =	vmov s9;
	v21 =	vmov s11;
	s9 =	sshrl.u32 s4, $0x2;
	v20 =	vld [tilespmem:s0+$0x130]  }
0x62: {  	s15 =	simm.s32 $0x4;
	v16 =	vmov s10;
	s10 =	sadd.s32 $0x1000, s9;
	v22 =	vld [tilespmem:s0+$0xFFFFFFD0]  }
0x63: {  	v23 =	vmov s15;
	v24 =	vld.idx.msk [tilespmem:v1+s10+$0x0], $0xffff  }
0x64: {  	v25 =	vld [tilespmem:s0+$0xFFFFFFC0]  }
0x65: {  	v28 =	vld [tilespmem:s0+$0xFFFFFF60]  }
0x66: {  	v1 =	vld.idx.msk [tilespmem:v21+s10+$0x0], $0xffff  }
0x67: {  	v26 =	vld.idx.msk [tilespmem:v3+s10+$0x0], $0xffff  }
0x68: {  	v3 =	vld.idx.msk [tilespmem:v23+s10+$0x0], $0xffff;
	v7 =	vmul.f32 v7, v24  }
0x69: {  	v29 =	vld [tilespmem:s0+$0xFFFFFF50];
	v8 =	vmul.f32 v8, v24  }
0x6a: {  	v27 =	vld.idx.msk [tilespmem:v16+s10+$0x0], $0xffff;
	v9 =	vmul.f32 v9, v24;
	[tilespmem:s0+$0x40] =	vst v7  }
0x6b: {  	v16 =	vld [tilespmem:s0+$0xFFFFFFB0];
	v4 =	vmul.f32 v4, v1;
	[tilespmem:s0+$0x50] =	vst v8  }
0x6c: {  	v21 =	vld [tilespmem:s0+$0xFFFFFFA0];
	v6 =	vmul.f32 v6, v1;
	[tilespmem:s0+$0x60] =	vst v9  }
0x6d: {  	v23 =	vld [tilespmem:s0+$0xFFFFFF90];
	v2 =	vmul.f32 v2, v3;
	[tilespmem:s0+$0x0] =	vst v4  }
0x6e: {  	v7 =	vmul.f32 v10, v24;
	v8 =	vld [tilespmem:s0+$0xFFFFFF70];
	[tilespmem:s0+$0x10] =	vst v6  }
0x6f: {  	v6 =	vmul.f32 v12, v24;
	[tilespmem:s0+$0x100] =	vst v2;
	v12 =	vld [tilespmem:s0+$0xFFFFFF20]  }
0x70: {  	v4 =	vmul.f32 v13, v24;
	v13 =	vld [tilespmem:s0+$0xFFFFFF10];
	[tilespmem:s0+$0x70] =	vst v7;
	v7 =	vmul.f32 v11, v24  }
0x71: {  	v9 =	vmul.f32 v14, v24;
	v14 =	vld [tilespmem:s0+$0xFFFFFF00];
	[tilespmem:s0+$0x90] =	vst v6;
	v6 =	vmul.f32 v5, v3  }
0x72: {  	v2 =	vmul.f32 v16, v26;
	v16 =	vld [tilespmem:s0+$0xFFFFFEF0];
	[tilespmem:s0+$0x80] =	vst v7;
	v7 =	vmul.f32 v20, v3  }
0x73: {  	v11 =	vld [tilespmem:s0+$0xFFFFFF30];
	[tilespmem:s0+$0x120] =	vst v6;
	v6 =	vmul.f32 v23, v26;
	v23 =	vmul.f32 v18, v3  }
0x74: {  	v30 =	vld [tilespmem:s0+$0xFFFFFF40];
	v8 =	vmul.f32 v8, v26;
	[tilespmem:s0+$0x130] =	vst v7  }
0x75: {  	v5 =	vmul.f32 v21, v26;
	v21 =	vld [tilespmem:s0+$0xFFFFFED0];
	v12 =	vmul.f32 v12, v27;
	[tilespmem:s0+$0xE0] =	vst v23  }
0x76: {  	v10 =	vld [tilespmem:s0+$0xFFFFFF80];
	v13 =	vmul.f32 v13, v27;
	v14 =	vmul.f32 v14, v27;
	[tilespmem:s0+$0xFFFFFF70] =	vst v8  }
0x77: {  	v20 =	vld [tilespmem:s0+$0xFFFFFEE0];
	v7 =	vmul.f32 v22, v1;
	v8 =	vmul.f32 v15, v3;
	[tilespmem:s0+$0xFFFFFF20] =	vst v12  }
0x78: {  	v22 =	vld [tilespmem:s0+$0xFFFFFEC0];
	v11 =	vmul.f32 v11, v27;
	v12 =	vmul.f32 v16, v27;
	[tilespmem:s0+$0xFFFFFF10] =	vst v13  }
0x79: {  	v13 =	vmul.f32 v29, v26;
	[tilespmem:s0+$0xFFFFFF00] =	vst v14;
	v14 =	vmul.f32 v17, v3  }
0x7a: {  	v18 =	vld [tilespmem:s0+$0x30];
	v15 =	vmul.f32 v30, v26;
	v21 =	vmul.f32 v21, v27;
	[tilespmem:s0+$0xC0] =	vst v8  }
0x7b: {  	v16 =	vld [tilespmem:s0+$0xFFFFFFE0];
	v8 =	vmul.f32 v10, v26;
	[tilespmem:s0+$0xFFFFFF30] =	vst v11;
	v10 =	vmul.f32 v25, v1  }
0x7c: {  	v17 =	vld [tilespmem:s0+$0x110];
	v11 =	vmul.f32 v28, v26;
	[tilespmem:s0+$0xFFFFFEF0] =	vst v12;
	v20 =	vmul.f32 v20, v27  }
0x7d: {  	s13 =	simm.s32 $0x1BC0;
	s11 =	simm.s32 $0x5;
	[tilespmem:s0+$0xD0] =	vst v14;
	v14 =	vmul.f32 v19, v3;
	v19 =	vld [tilespmem:s0+$0x20];
	v12 =	vmul.f32 v22, v27  }
.LBB2_6:
0x7e: {  	s14 =	sadd.s32 $0x1, s11  }
0x7f: {  	v22 =	vmov s11;
	v23 =	vld [tilespmem:s13+$0x100];
	p1 =	sne.s32 s11, $0x78;
	[tilespmem:s0+$0xFFFFFED0] =	vst v21;
	s15 =	smov.u32 s11;
	s11 =	sadd.s32 $0x5, s11  }
0x80: {  	v21 =	vmov s14;
	s14 =	sadd.s32 $0x2, s15;
	v24 =	vld [tilespmem:s13+$0x0];
	[tilespmem:s0+$0xFFFFFEE0] =	vst v20;
	v16 =	vmul.f32 v16, v1  }
0x81: {  	v20 =	vmov s14;
	s14 =	sadd.s32 $0x3, s15;
	v25 =	vld [tilespmem:s13+$0x120];
	[tilespmem:s0+$0xFFFFFF40] =	vst v15;
	v3 =	vmul.f32 v17, v3  }
0x82: {  	v15 =	vmov s14;
	s14 =	sadd.s32 $0x4, s15;
	v17 =	vld [tilespmem:s13+$0x10];
	v18 =	vmul.f32 v18, v1;
	[tilespmem:s0+$0xB0] =	vst v9  }
0x83: {  	v9 =	vmov s14;
	v26 =	vld [tilespmem:s0+$0xFFFFFFF0];
	v19 =	vmul.f32 v19, v1;
	[tilespmem:s0+$0x110] =	vst v3  }
0x84: {  	[tilespmem:s0+$0x30] =	vst v18  }
0x85: {  	v18 =	vld [tilespmem:s13+$0x40];
	[tilespmem:s0+$0x20] =	vst v19  }
0x86: {  	v19 =	vld [tilespmem:s13+$0x50];
	[tilespmem:s0+$0xFFFFFF50] =	vst v13  }
0x87: {  	v13 =	vld [tilespmem:s13+$0x60];
	[tilespmem:s0+$0xFFFFFF60] =	vst v11  }
0x88: {  	v11 =	vld [tilespmem:s13+$0x70];
	[tilespmem:s0+$0xFFFFFFC0] =	vst v10;
	v1 =	vmul.f32 v26, v1  }
0x89: {  	v10 =	vld [tilespmem:s13+$0x80];
	[tilespmem:s0+$0xA0] =	vst v4  }
0x8a: {  	v4 =	vld [tilespmem:s13+$0x90];
	[tilespmem:s0+$0xFFFFFFF0] =	vst v1  }
0x8b: {  	v26 =	vld [tilespmem:s13+$0xA0];
	[tilespmem:s0+$0xFFFFFFD0] =	vst v7  }
0x8c: {  	v7 =	vld [tilespmem:s13+$0xB0];
	[tilespmem:s0+$0xFFFFFF80] =	vst v8  }
0x8d: {  	v27 =	vld [tilespmem:s13+$0xC0];
	[tilespmem:s0+$0xFFFFFFE0] =	vst v16  }
0x8e: {  	v28 =	vld [tilespmem:s13+$0xD0];
	[tilespmem:s0+$0xFFFFFFA0] =	vst v5  }
0x8f: {  	v29 =	vld [tilespmem:s13+$0xE0];
	[tilespmem:s0+$0xF0] =	vst v14  }
0x90: {  	v14 =	vld [tilespmem:s13+$0xF0];
	[tilespmem:s0+$0xFFFFFF90] =	vst v6  }
0x91: {  	v16 =	vld [tilespmem:s13+$0x130];
	[tilespmem:s0+$0xFFFFFFB0] =	vst v2  }
0x92: {  	v8 =	vld [tilespmem:s13+$0xFFFFFFD0];
	[tilespmem:s0+$0xFFFFFEC0] =	vst v12;
	s0 =	smov.u32 s13  }
0x93: {  	v2 =	vld.idx.msk [tilespmem:v15+s10+$0x0], $0xffff  }
0x94: {  	v12 =	vld [tilespmem:s13+$0xFFFFFFC0]  }
0x95: {  	v15 =	vld.idx.msk [tilespmem:v21+s10+$0x0], $0xffff  }
0x96: {  	v22 =	vld.idx.msk [tilespmem:v22+s10+$0x0], $0xffff  }
0x97: {  	v1 =	vld.idx.msk [tilespmem:v20+s10+$0x0], $0xffff  }
0x98: {  	v3 =	vld.idx.msk [tilespmem:v9+s10+$0x0], $0xffff  }
0x99: {  	v6 =	vmul.f32 v18, v2;
	v9 =	vmul.f32 v19, v2;
	v5 =	vld [tilespmem:s13+$0xFFFFFFB0]  }
0x9a: {  	v13 =	vmul.f32 v13, v2;
	v11 =	vmul.f32 v11, v2;
	v18 =	vld [tilespmem:s13+$0xFFFFFFA0]  }
0x9b: {  	v20 =	vmul.f32 v10, v2;
	v21 =	vmul.f32 v4, v2;
	v19 =	vld [tilespmem:s13+$0xFFFFFF90];
	[tilespmem:s13+$0x40] =	vst v6  }
0x9c: {  	v4 =	vmul.f32 v26, v2;
	v10 =	vld [tilespmem:s13+$0xFFFFFF80];
	[tilespmem:s13+$0x50] =	vst v9;
	v9 =	vmul.f32 v7, v2  }
0x9d: {  	v6 =	vmul.f32 v24, v1;
	v26 =	vld [tilespmem:s13+$0xFFFFFF70];
	[tilespmem:s13+$0x60] =	vst v13  }
0x9e: {  	v17 =	vmul.f32 v17, v1;
	v13 =	vld [tilespmem:s13+$0xFFFFFF60];
	v2 =	vmul.f32 v5, v15;
	[tilespmem:s13+$0x70] =	vst v11  }
0x9f: {  	v11 =	vmul.f32 v23, v3;
	v24 =	vld [tilespmem:s13+$0xFFFFFF50];
	v5 =	vmul.f32 v18, v15;
	[tilespmem:s13+$0x0] =	vst v6  }
0xa0: {  	v7 =	vmul.f32 v8, v1;
	v18 =	vld [tilespmem:s13+$0xFFFFFF40];
	v6 =	vmul.f32 v19, v15;
	[tilespmem:s13+$0x10] =	vst v17  }
0xa1: {  	v17 =	vld [tilespmem:s13+$0xFFFFFF30];
	v8 =	vmul.f32 v10, v15;
	[tilespmem:s13+$0x100] =	vst v11  }
0xa2: {  	v10 =	vmul.f32 v12, v1;
	v19 =	vld [tilespmem:s13+$0xFFFFFF20];
	v23 =	vmul.f32 v26, v15;
	[tilespmem:s13+$0x80] =	vst v20  }
0xa3: {  	v20 =	vmul.f32 v25, v3;
	v12 =	vld [tilespmem:s13+$0xFFFFFF10];
	v11 =	vmul.f32 v13, v15;
	[tilespmem:s13+$0x90] =	vst v21  }
0xa4: {  	v16 =	vmul.f32 v16, v3;
	v21 =	vld [tilespmem:s13+$0xFFFFFF00];
	v13 =	vmul.f32 v24, v15;
	[tilespmem:s13+$0xFFFFFF70] =	vst v23  }
0xa5: {  	v23 =	vld [tilespmem:s13+$0xFFFFFEF0];
	v15 =	vmul.f32 v18, v15;
	v18 =	vmul.f32 v27, v3;
	[tilespmem:s13+$0x120] =	vst v20  }
0xa6: {  	v20 =	vld [tilespmem:s13+$0xFFFFFEE0];
	v17 =	vmul.f32 v17, v22;
	[tilespmem:s13+$0x130] =	vst v16  }
0xa7: {  	v24 =	vld [tilespmem:s13+$0xFFFFFED0];
	v16 =	vmul.f32 v19, v22;
	[tilespmem:s13+$0xC0] =	vst v18  }
0xa8: {  	v18 =	vld [tilespmem:s13+$0xFFFFFEC0];
	v12 =	vmul.f32 v12, v22;
	[tilespmem:s13+$0xFFFFFF30] =	vst v17  }
0xa9: {  	v17 =	vmul.f32 v21, v22;
	[tilespmem:s13+$0xFFFFFF20] =	vst v16  }
.Ltmp1:
0xaa: {  	v19 =	vmul.f32 v23, v22;
	[tilespmem:s13+$0xFFFFFF10] =	vst v12;
	(pc) =	sbr.rel @p1 .LBB2_6-.Ltmp1, $4  }
0xab: {  	v23 =	vmul.f32 v28, v3;
	v20 =	vmul.f32 v20, v22;
	[tilespmem:s13+$0xFFFFFF00] =	vst v17;
	v16 =	vld [tilespmem:s13+$0xFFFFFFE0]  }
0xac: {  	v21 =	vmul.f32 v24, v22;
	[tilespmem:s13+$0xFFFFFEF0] =	vst v19;
	v24 =	vmul.f32 v29, v3;
	v17 =	vld [tilespmem:s13+$0x110]  }
0xad: {  	v14 =	vmul.f32 v14, v3;
	v12 =	vmul.f32 v18, v22;
	v18 =	vld [tilespmem:s13+$0x30];
	[tilespmem:s13+$0xD0] =	vst v23  }
0xae: {  	s13 =	sadd.s32 $0x280, s13;
	v19 =	vld [tilespmem:s0+$0x20];
	[tilespmem:s0+$0xE0] =	vst v24  }
0xaf: {  	[tilespmem:s0+$0xFFFFFED0] =	vst v21  }
0xb0: {  	[tilespmem:s0+$0xFFFFFEE0] =	vst v20  }
0xb1: {  	[tilespmem:s0+$0xFFFFFF40] =	vst v15  }
0xb2: {  	[tilespmem:s0+$0xB0] =	vst v9  }
0xb3: {  	[tilespmem:s0+$0xFFFFFF50] =	vst v13  }
0xb4: {  	[tilespmem:s0+$0xFFFFFF60] =	vst v11  }
0xb5: {  	[tilespmem:s0+$0xFFFFFFC0] =	vst v10  }
0xb6: {  	[tilespmem:s0+$0xA0] =	vst v4  }
0xb7: {  	[tilespmem:s0+$0xFFFFFFD0] =	vst v7  }
0xb8: {  	[tilespmem:s0+$0xFFFFFF80] =	vst v8  }
0xb9: {  	[tilespmem:s0+$0xFFFFFFA0] =	vst v5  }
0xba: {  	v9 =	vld [tilespmem:s0+$0xFFFFFFF0];
	[tilespmem:s0+$0xF0] =	vst v14  }
0xbb: {  	[tilespmem:s0+$0xFFFFFF90] =	vst v6  }
0xbc: {  	[tilespmem:s0+$0xFFFFFFB0] =	vst v2;
	v3 =	vmul.f32 v17, v3  }
0xbd: {  	[tilespmem:s0+$0xFFFFFEC0] =	vst v12;
	v15 =	vmul.f32 v18, v1  }
0xbe: {  	v17 =	vmul.f32 v19, v1;
	[tilespmem:s0+$0x110] =	vst v3  }
0xbf: {  	[tilespmem:s0+$0x30] =	vst v15;
	v3 =	vmul.f32 v9, v1  }
0xc0: {  	v1 =	vmul.f32 v16, v1;
	[tilespmem:s0+$0x20] =	vst v17  }
0xc1: {  	[tilespmem:s0+$0xFFFFFFF0] =	vst v3  }
0xc2: {  	s9 =	sadd.s32 $0x800, s9;
	[tilespmem:s0+$0xFFFFFFE0] =	vst v1  }
0xc3: {  	[spmem:s2] =	stream.indirect.scatter.add.f32 [tilespmem:s17], [sflag:$0x3], $0x80, s9, s21, $0xb8;
	[tilespmem:$0x1D080] =	vst v63  }
0xc4: {  	_ =	swait.ge [sflag:s18], $0x3E80  }
0xc5: {  	[sflag:s18] =	ssyncset.done $0x0  }
0xc6: {  	[sflag:s18] =	ssyncadd.s32 $0xFFFFC180  }
0xc7: {  	p1 =	seq.s32 s30, $0x7;
	_ =	swait.ge [sflag:s26], $0x3E80  }
0xc8: {  	s0 =	sshrl.u32 @!p1 s4, $0x2;
	s4 =	simm.s32 @!p1 $0x7D;
	[sflag:s26] =	ssyncset.done $0x0  }
0xc9: {  	s0 =	sadd.s32 @!p1 $0x100, s0;
	s9 =	simm.s32 @!p1 $0x1800;
	[sflag:s26] =	ssyncadd.s32 $0xFFFFC180  }
0xca: {  	[tilespmem:s9], [sflag:$0x1] =	stream.indirect.gather @!p1 [hbm4b:s1+s4], $0x80, s0, s4, $0xb8;
	[tilespmem:$0x1D080] =	vst v63  }
0xcb: {  	s0 =	simm.s32 $0x5940  }
0xcc: {  	v2 =	vld [tilespmem:s0+$0x100]  }
0xcd: {  	v4 =	vld [tilespmem:s0+$0x0]  }
0xce: {  	v5 =	vld [tilespmem:s0+$0x120]  }
0xcf: {  	v6 =	vld [tilespmem:s0+$0x10]  }
0xd0: {  	v7 =	vld [tilespmem:s0+$0x40]  }
0xd1: {  	v8 =	vld [tilespmem:s0+$0x50]  }
0xd2: {  	v9 =	vld [tilespmem:s0+$0x60]  }
0xd3: {  	v10 =	vld [tilespmem:s0+$0x70]  }
0xd4: {  	v11 =	vld [tilespmem:s0+$0x80]  }
0xd5: {  	v12 =	vld [tilespmem:s0+$0x90]  }
0xd6: {  	v13 =	vld [tilespmem:s0+$0xA0]  }
0xd7: {  	v14 =	vld [tilespmem:s0+$0xB0]  }
0xd8: {  	s10 =	simm.s32 $0x3;
	v15 =	vld [tilespmem:s0+$0xC0]  }
0xd9: {  	v1 =	vmov s10;
	v17 =	vld [tilespmem:s0+$0xD0]  }
0xda: {  	s11 =	simm.s32 $0x1;
	v18 =	vld [tilespmem:s0+$0xE0]  }
0xdb: {  	s14 =	simm.s32 $0x2;
	v3 =	vmov s11;
	v19 =	vld [tilespmem:s0+$0xF0]  }
0xdc: {  	s13 =	simm.s32 $0x0;
	v21 =	vmov s14;
	v20 =	vld [tilespmem:s0+$0x130]  }
0xdd: {  	s15 =	simm.s32 $0x4;
	v16 =	vmov s13;
	s4 =	sadd.s32 $0x1000, s31;
	v22 =	vld [tilespmem:s0+$0xFFFFFFD0]  }
0xde: {  	v23 =	vmov s15;
	v24 =	vld.idx.msk [tilespmem:v1+s4+$0x0], $0xffff  }
0xdf: {  	v25 =	vld [tilespmem:s0+$0xFFFFFFC0]  }
0xe0: {  	v26 =	vld.idx.msk [tilespmem:v3+s4+$0x0], $0xffff  }
0xe1: {  	v1 =	vld.idx.msk [tilespmem:v21+s4+$0x0], $0xffff  }
0xe2: {  	v27 =	vld.idx.msk [tilespmem:v16+s4+$0x0], $0xffff  }
0xe3: {  	v3 =	vld.idx.msk [tilespmem:v23+s4+$0x0], $0xffff;
	v7 =	vmul.f32 v7, v24  }
0xe4: {  	v16 =	vld [tilespmem:s0+$0xFFFFFFB0];
	v8 =	vmul.f32 v8, v24  }
0xe5: {  	v21 =	vld [tilespmem:s0+$0xFFFFFFA0];
	v9 =	vmul.f32 v9, v24;
	[tilespmem:s0+$0x40] =	vst v7  }
0xe6: {  	v23 =	vld [tilespmem:s0+$0xFFFFFF90];
	v4 =	vmul.f32 v4, v1;
	[tilespmem:s0+$0x50] =	vst v8  }
0xe7: {  	v28 =	vld [tilespmem:s0+$0xFFFFFF60];
	v6 =	vmul.f32 v6, v1;
	[tilespmem:s0+$0x60] =	vst v9  }
0xe8: {  	v29 =	vld [tilespmem:s0+$0xFFFFFF50];
	v2 =	vmul.f32 v2, v3;
	[tilespmem:s0+$0x0] =	vst v4  }
0xe9: {  	v7 =	vmul.f32 v10, v24;
	v8 =	vld [tilespmem:s0+$0xFFFFFF70];
	[tilespmem:s0+$0x10] =	vst v6  }
0xea: {  	v6 =	vmul.f32 v12, v24;
	[tilespmem:s0+$0x100] =	vst v2;
	v12 =	vld [tilespmem:s0+$0xFFFFFF20]  }
0xeb: {  	v4 =	vmul.f32 v13, v24;
	v13 =	vld [tilespmem:s0+$0xFFFFFF10];
	[tilespmem:s0+$0x70] =	vst v7;
	v7 =	vmul.f32 v11, v24  }
0xec: {  	v9 =	vmul.f32 v14, v24;
	v14 =	vld [tilespmem:s0+$0xFFFFFF00];
	[tilespmem:s0+$0x90] =	vst v6;
	v6 =	vmul.f32 v5, v3  }
0xed: {  	v2 =	vmul.f32 v16, v26;
	v16 =	vld [tilespmem:s0+$0xFFFFFEF0];
	[tilespmem:s0+$0x80] =	vst v7;
	v7 =	vmul.f32 v20, v3  }
0xee: {  	v11 =	vld [tilespmem:s0+$0xFFFFFF30];
	[tilespmem:s0+$0x120] =	vst v6;
	v6 =	vmul.f32 v23, v26;
	v23 =	vmul.f32 v18, v3  }
0xef: {  	v30 =	vld [tilespmem:s0+$0xFFFFFF40];
	v8 =	vmul.f32 v8, v26;
	[tilespmem:s0+$0x130] =	vst v7  }
0xf0: {  	v5 =	vmul.f32 v21, v26;
	v21 =	vld [tilespmem:s0+$0xFFFFFED0];
	v12 =	vmul.f32 v12, v27;
	[tilespmem:s0+$0xE0] =	vst v23  }
0xf1: {  	v10 =	vld [tilespmem:s0+$0xFFFFFF80];
	v13 =	vmul.f32 v13, v27;
	v14 =	vmul.f32 v14, v27;
	[tilespmem:s0+$0xFFFFFF70] =	vst v8  }
0xf2: {  	v20 =	vld [tilespmem:s0+$0xFFFFFEE0];
	v7 =	vmul.f32 v22, v1;
	v8 =	vmul.f32 v15, v3;
	[tilespmem:s0+$0xFFFFFF20] =	vst v12  }
0xf3: {  	v22 =	vld [tilespmem:s0+$0xFFFFFEC0];
	v11 =	vmul.f32 v11, v27;
	v12 =	vmul.f32 v16, v27;
	[tilespmem:s0+$0xFFFFFF10] =	vst v13  }
0xf4: {  	v13 =	vmul.f32 v29, v26;
	[tilespmem:s0+$0xFFFFFF00] =	vst v14;
	v14 =	vmul.f32 v17, v3  }
0xf5: {  	v18 =	vld [tilespmem:s0+$0x30];
	v15 =	vmul.f32 v30, v26;
	v21 =	vmul.f32 v21, v27;
	[tilespmem:s0+$0xC0] =	vst v8  }
0xf6: {  	v16 =	vld [tilespmem:s0+$0xFFFFFFE0];
	v8 =	vmul.f32 v10, v26;
	[tilespmem:s0+$0xFFFFFF30] =	vst v11;
	v10 =	vmul.f32 v25, v1  }
0xf7: {  	v17 =	vld [tilespmem:s0+$0x110];
	v11 =	vmul.f32 v28, v26;
	[tilespmem:s0+$0xFFFFFEF0] =	vst v12;
	v20 =	vmul.f32 v20, v27  }
0xf8: {  	s10 =	simm.s32 $0x5BC0;
	s9 =	simm.s32 $0x5;
	[tilespmem:s0+$0xD0] =	vst v14;
	v14 =	vmul.f32 v19, v3;
	v19 =	vld [tilespmem:s0+$0x20];
	v12 =	vmul.f32 v22, v27  }
.LBB2_8:
0xf9: {  	s11 =	sadd.s32 $0x1, s9  }
0xfa: {  	v22 =	vmov s9;
	v23 =	vld [tilespmem:s10+$0x100];
	p1 =	sne.s32 s9, $0x78;
	[tilespmem:s0+$0xFFFFFED0] =	vst v21;
	s13 =	smov.u32 s9;
	s9 =	sadd.s32 $0x5, s9  }
0xfb: {  	v21 =	vmov s11;
	s11 =	sadd.s32 $0x2, s13;
	v24 =	vld [tilespmem:s10+$0x0];
	[tilespmem:s0+$0xFFFFFEE0] =	vst v20;
	v16 =	vmul.f32 v16, v1  }
0xfc: {  	v20 =	vmov s11;
	s11 =	sadd.s32 $0x3, s13;
	v25 =	vld [tilespmem:s10+$0x120];
	[tilespmem:s0+$0xFFFFFF40] =	vst v15;
	v3 =	vmul.f32 v17, v3  }
0xfd: {  	v15 =	vmov s11;
	s11 =	sadd.s32 $0x4, s13;
	v17 =	vld [tilespmem:s10+$0x10];
	v18 =	vmul.f32 v18, v1;
	[tilespmem:s0+$0xB0] =	vst v9  }
0xfe: {  	v9 =	vmov s11;
	v26 =	vld [tilespmem:s0+$0xFFFFFFF0];
	v19 =	vmul.f32 v19, v1;
	[tilespmem:s0+$0x110] =	vst v3  }
0xff: {  	[tilespmem:s0+$0x30] =	vst v18  }
0x100: {  	v18 =	vld [tilespmem:s10+$0x40];
	[tilespmem:s0+$0x20] =	vst v19  }
0x101: {  	v19 =	vld [tilespmem:s10+$0x50];
	[tilespmem:s0+$0xFFFFFF50] =	vst v13  }
0x102: {  	v13 =	vld [tilespmem:s10+$0x60];
	[tilespmem:s0+$0xFFFFFF60] =	vst v11  }
0x103: {  	v11 =	vld [tilespmem:s10+$0x70];
	[tilespmem:s0+$0xFFFFFFC0] =	vst v10;
	v1 =	vmul.f32 v26, v1  }
0x104: {  	v10 =	vld [tilespmem:s10+$0x80];
	[tilespmem:s0+$0xA0] =	vst v4  }
0x105: {  	v4 =	vld [tilespmem:s10+$0x90];
	[tilespmem:s0+$0xFFFFFFF0] =	vst v1  }
0x106: {  	v26 =	vld [tilespmem:s10+$0xA0];
	[tilespmem:s0+$0xFFFFFFD0] =	vst v7  }
0x107: {  	v7 =	vld [tilespmem:s10+$0xB0];
	[tilespmem:s0+$0xFFFFFF80] =	vst v8  }
0x108: {  	v27 =	vld [tilespmem:s10+$0xC0];
	[tilespmem:s0+$0xFFFFFFE0] =	vst v16  }
0x109: {  	v28 =	vld [tilespmem:s10+$0xD0];
	[tilespmem:s0+$0xFFFFFFA0] =	vst v5  }
0x10a: {  	v29 =	vld [tilespmem:s10+$0xE0];
	[tilespmem:s0+$0xF0] =	vst v14  }
0x10b: {  	v14 =	vld [tilespmem:s10+$0xF0];
	[tilespmem:s0+$0xFFFFFF90] =	vst v6  }
0x10c: {  	v16 =	vld [tilespmem:s10+$0x130];
	[tilespmem:s0+$0xFFFFFFB0] =	vst v2  }
0x10d: {  	v8 =	vld [tilespmem:s10+$0xFFFFFFD0];
	[tilespmem:s0+$0xFFFFFEC0] =	vst v12;
	s0 =	smov.u32 s10  }
0x10e: {  	v2 =	vld.idx.msk [tilespmem:v15+s4+$0x0], $0xffff  }
0x10f: {  	v12 =	vld [tilespmem:s10+$0xFFFFFFC0]  }
0x110: {  	v15 =	vld.idx.msk [tilespmem:v21+s4+$0x0], $0xffff  }
0x111: {  	v22 =	vld.idx.msk [tilespmem:v22+s4+$0x0], $0xffff  }
0x112: {  	v1 =	vld.idx.msk [tilespmem:v20+s4+$0x0], $0xffff  }
0x113: {  	v3 =	vld.idx.msk [tilespmem:v9+s4+$0x0], $0xffff  }
0x114: {  	v6 =	vmul.f32 v18, v2;
	v9 =	vmul.f32 v19, v2;
	v5 =	vld [tilespmem:s10+$0xFFFFFFB0]  }
0x115: {  	v13 =	vmul.f32 v13, v2;
	v11 =	vmul.f32 v11, v2;
	v18 =	vld [tilespmem:s10+$0xFFFFFFA0]  }
0x116: {  	v20 =	vmul.f32 v10, v2;
	v21 =	vmul.f32 v4, v2;
	v19 =	vld [tilespmem:s10+$0xFFFFFF90];
	[tilespmem:s10+$0x40] =	vst v6  }
0x117: {  	v4 =	vmul.f32 v26, v2;
	v10 =	vld [tilespmem:s10+$0xFFFFFF80];
	[tilespmem:s10+$0x50] =	vst v9;
	v9 =	vmul.f32 v7, v2  }
0x118: {  	v6 =	vmul.f32 v24, v1;
	v26 =	vld [tilespmem:s10+$0xFFFFFF70];
	[tilespmem:s10+$0x60] =	vst v13  }
0x119: {  	v17 =	vmul.f32 v17, v1;
	v13 =	vld [tilespmem:s10+$0xFFFFFF60];
	v2 =	vmul.f32 v5, v15;
	[tilespmem:s10+$0x70] =	vst v11  }
0x11a: {  	v11 =	vmul.f32 v23, v3;
	v24 =	vld [tilespmem:s10+$0xFFFFFF50];
	v5 =	vmul.f32 v18, v15;
	[tilespmem:s10+$0x0] =	vst v6  }
0x11b: {  	v7 =	vmul.f32 v8, v1;
	v18 =	vld [tilespmem:s10+$0xFFFFFF40];
	v6 =	vmul.f32 v19, v15;
	[tilespmem:s10+$0x10] =	vst v17  }
0x11c: {  	v17 =	vld [tilespmem:s10+$0xFFFFFF30];
	v8 =	vmul.f32 v10, v15;
	[tilespmem:s10+$0x100] =	vst v11  }
0x11d: {  	v10 =	vmul.f32 v12, v1;
	v19 =	vld [tilespmem:s10+$0xFFFFFF20];
	v23 =	vmul.f32 v26, v15;
	[tilespmem:s10+$0x80] =	vst v20  }
0x11e: {  	v20 =	vmul.f32 v25, v3;
	v12 =	vld [tilespmem:s10+$0xFFFFFF10];
	v11 =	vmul.f32 v13, v15;
	[tilespmem:s10+$0x90] =	vst v21  }
0x11f: {  	v16 =	vmul.f32 v16, v3;
	v21 =	vld [tilespmem:s10+$0xFFFFFF00];
	v13 =	vmul.f32 v24, v15;
	[tilespmem:s10+$0xFFFFFF70] =	vst v23  }
0x120: {  	v23 =	vld [tilespmem:s10+$0xFFFFFEF0];
	v15 =	vmul.f32 v18, v15;
	v18 =	vmul.f32 v27, v3;
	[tilespmem:s10+$0x120] =	vst v20  }
0x121: {  	v20 =	vld [tilespmem:s10+$0xFFFFFEE0];
	v17 =	vmul.f32 v17, v22;
	[tilespmem:s10+$0x130] =	vst v16  }
0x122: {  	v24 =	vld [tilespmem:s10+$0xFFFFFED0];
	v16 =	vmul.f32 v19, v22;
	[tilespmem:s10+$0xC0] =	vst v18  }
0x123: {  	v18 =	vld [tilespmem:s10+$0xFFFFFEC0];
	v12 =	vmul.f32 v12, v22;
	[tilespmem:s10+$0xFFFFFF30] =	vst v17  }
0x124: {  	v17 =	vmul.f32 v21, v22;
	[tilespmem:s10+$0xFFFFFF20] =	vst v16  }
.Ltmp2:
0x125: {  	v19 =	vmul.f32 v23, v22;
	[tilespmem:s10+$0xFFFFFF10] =	vst v12;
	(pc) =	sbr.rel @p1 .LBB2_8-.Ltmp2, $4  }
0x126: {  	v23 =	vmul.f32 v28, v3;
	v20 =	vmul.f32 v20, v22;
	[tilespmem:s10+$0xFFFFFF00] =	vst v17;
	v16 =	vld [tilespmem:s10+$0xFFFFFFE0]  }
0x127: {  	v21 =	vmul.f32 v24, v22;
	[tilespmem:s10+$0xFFFFFEF0] =	vst v19;
	v24 =	vmul.f32 v29, v3;
	v17 =	vld [tilespmem:s10+$0x110]  }
0x128: {  	v14 =	vmul.f32 v14, v3;
	v12 =	vmul.f32 v18, v22;
	v18 =	vld [tilespmem:s10+$0x30];
	[tilespmem:s10+$0xD0] =	vst v23  }
0x129: {  	s10 =	sadd.s32 $0x280, s10;
	v19 =	vld [tilespmem:s0+$0x20];
	[tilespmem:s0+$0xE0] =	vst v24  }
0x12a: {  	[tilespmem:s0+$0xFFFFFED0] =	vst v21  }
0x12b: {  	[tilespmem:s0+$0xFFFFFEE0] =	vst v20  }
0x12c: {  	[tilespmem:s0+$0xFFFFFF40] =	vst v15  }
0x12d: {  	[tilespmem:s0+$0xB0] =	vst v9  }
0x12e: {  	[tilespmem:s0+$0xFFFFFF50] =	vst v13  }
0x12f: {  	[tilespmem:s0+$0xFFFFFF60] =	vst v11  }
0x130: {  	[tilespmem:s0+$0xFFFFFFC0] =	vst v10  }
0x131: {  	[tilespmem:s0+$0xA0] =	vst v4  }
0x132: {  	[tilespmem:s0+$0xFFFFFFD0] =	vst v7  }
0x133: {  	[tilespmem:s0+$0xFFFFFF80] =	vst v8  }
0x134: {  	[tilespmem:s0+$0xFFFFFFA0] =	vst v5  }
0x135: {  	v62 =	vld [tilespmem:s0+$0xFFFFFFF0];
	[tilespmem:s0+$0xF0] =	vst v14  }
0x136: {  	[tilespmem:s0+$0xFFFFFF90] =	vst v6  }
0x137: {  	[tilespmem:s0+$0xFFFFFFB0] =	vst v2;
	v3 =	vmul.f32 v17, v3  }
0x138: {  	[tilespmem:s0+$0xFFFFFEC0] =	vst v12;
	v61 =	vmul.f32 v18, v1  }
0x139: {  	v63 =	vmul.f32 v19, v1;
	[tilespmem:s0+$0x110] =	vst v3  }
0x13a: {  	[tilespmem:s0+$0x30] =	vst v61;
	v3 =	vmul.f32 v62, v1  }
0x13b: {  	s30 =	sadd.s32 $0x1, s30;
	v1 =	vmul.f32 v16, v1;
	[tilespmem:s0+$0x20] =	vst v63  }
0x13c: {  	p1 =	sne.s32 s30, $0x8;
	[tilespmem:s0+$0xFFFFFFF0] =	vst v3  }
.Ltmp3:
0x13d: {  	s31 =	sadd.s32 $0x800, s31;
	[tilespmem:s0+$0xFFFFFFE0] =	vst v1;
	(pc) =	sbr.rel @p1 .LBB2_5-.Ltmp3, $4  }
0x13e: {  	[spmem:s2] =	stream.indirect.scatter.add.f32 [tilespmem:s23], [sflag:$0x3], $0x80, s31, s21, $0xb8;
	[tilespmem:$0x1D080] =	vst v63  }
0x13f: {  	_ =	swait.ge [sflag:s18], $0x3E80  }
0x140: {  	[sflag:s18] =	ssyncset.done $0x0  }
0x141: {  	[sflag:s18] =	ssyncadd.s32 $0xFFFFC180  }
0x142: {  	s29 =	sadd.s32 $0x1, s29  }
0x143: {  	p1 =	sne.s32 s29, $0x5  }
.Ltmp4:
0x144: {  	_ = 	snop;
	(pc) =	sbr.rel @p1 .LBB2_4-.Ltmp4, $1  }
0x145: {  	_ =	sdelay $0x3  }
0x146: {  	s0 =	stileid.u32  }
0x147: {  	[bflag:$0x0] =	sbarrier.arrive $0xFFFF;
	s0 =	sshll.u32 s0, $0x6  }
0x148: {  	s4 =	rddreg [dreg:$0x4];
	s0 =	sor.u32 $0x1C03, s0  }
0x149: {  	[hbm:s4], [sflag:s0] =	dma.local [spmem:s24], $0x2700  }
0x14a: {  	_ =	swait.ge [sflag:s18], $0x2700  }
0x14b: {  	[sflag:s18] =	ssyncset.done $0x0  }
0x14c: {  	s4 =	rddreg [dreg:$0x5];
	[sflag:s18] =	ssyncadd.s32 $0xFFFFD900  }
0x14d: {  	[hbm:s4], [sflag:s0] =	dma.local @!p0 [spmem:s25], $0x100  }
0x14e: {  	s0 =	simm.s32 @!p0 $0x3  }
0x14f: {  	_ =	swait.ge @!p0 [sflag:s0], $0x100  }
0x150: {  	s3 =	sadd.s32 $0x1, s3;
	s31 =	rddreg [dreg:$0x6]  }
0x151: {  	p1 =	sne.s32 s3, s31  }
.Ltmp5:
0x152: {  	_ = 	snop;
	(pc) =	sbr.rel @p1 .LBB2_1-.Ltmp5, $3  }
0x153: {  	_ =	sdelay $0x1  }
0x154: {  	[sflag:s0] =	ssyncset.done @!p0 $0x0  }
0x155: {  	[sflag:s0] =	ssyncadd.s32 @!p0 $0xFFFFFF00  }
0x156: {  	_ =	sfence.sel $0x180000  }
0x157: {  	[bflag:$0x0] =	sbarrier.arrive $0xFFFF  }
0x158: {  	_ =	strace $0x9000004A  }
0x159: {  	s0 =	stileid.u32;
	[bflag:$0x2] =	sbarrier.arrive $0xFFFF  }
0x15a: {  	p0 =	sne.s32 s0, $0x0;
	s0 =	rddreg [dreg:$0x3]  }
0x15b: {  	s0 =	sadd.s32 @!p0 $0x100000, s0  }
0x15c: {  	[sflag:s0] =	ssyncadd.tile.s32 @!p0 $0x1;
	_ =	shalt  }
.Lfunc_end2:
_tile_overlayer_lowered:
.L_overlay_start_2:
0x15d: {  	(tag) =	ssettag $0x2  }
0x15e: {  	s0 =	rddreg [dreg:$0x0];
	s2 =	stileid.u32  }
0x15f: {  	s1 =	rddreg [dreg:$0x1];
	p0 =	sne.s32 s2, $0x0  }
0x160: {  	s3 =	rddreg [dreg:$0x2];
	[bflag:$0x3] =	sbarrier.arrive $0xFFFF;
	s2 =	simm.s32 @!p0 $0x1C03  }
0x161: {  	[timem:s3], [sflag:s2] =	dma.local @!p0 [hbm:s0], s1  }
0x162: {  	s0 =	simm.s32 @!p0 $0x3  }
0x163: {  	_ =	swait.ge @!p0 [sflag:s0], s1  }
0x164: {  	s1 =	ssub.s32 @!p0 $0x0, s1;
	[sflag:s0] =	ssyncset.done @!p0 $0x0  }
0x165: {  	[sflag:s0] =	ssyncadd.s32 @!p0 s1  }
0x166: {  	[bflag:$0x3] =	sbarrier.arrive $0xFFFF  }
0x167: {  	_ =	shalt  }

// kernel: kernel.15.cloned.1.call-start
scs
__scs_entry_jumppad:
0x0: {  	(pc) =	sbr.rel $0x88, $3  }
0x1: {  	(tag) =	ssettag $0x0;
	lr =	simm.s32 $0x1  }
0x2: {  	[smem:$0x3F98] =	sst lr;
	_ =	strace $0xD0000000  }
0x3: {  	_ = 	snop  }
0x4: {  	_ = 	snop  }
0x5: {  	_ = 	snop  }
0x6: {  	_ = 	snop  }
0x7: {  	_ = 	snop  }
__scs_overlays_trampoline_lowered:
0x8: {  	[smem:$0x3FA7] =	sst s0  }
0x9: {  	[smem:$0x3FA8] =	sst s1  }
0xa: {  	[smem:$0x3FA9] =	sst s2  }
0xb: {  	[smem:$0x3FAA] =	sst s3  }
0xc: {  	[smem:$0x3FAB] =	sst s4  }
0xd: {  	[smem:$0x3FAC] =	sst s5  }
0xe: {  	[smem:$0x3FAD] =	sst s6  }
0xf: {  	[smem:$0x3FAE] =	sst s7  }
0x10: {  	[smem:$0x3FAF] =	sst s8  }
0x11: {  	[smem:$0x3FB0] =	sst s9;
	s0 =	simm.s32 @!p0 $0x0  }
0x12: {  	s1 =	sld [smem:$0x3F96];
	s0 =	simm.s32 @p0 $0x1  }
0x13: {  	[smem:$0x3FB1] =	sst s0;
	s0 =	simm.s32 @!p1 $0x0  }
0x14: {  	s2 =	sld [smem:$0x3F95];
	s0 =	simm.s32 @p1 $0x1  }
0x15: {  	[smem:$0x3FB2] =	sst s0;
	s0 =	simm.s32 @!p2 $0x0  }
0x16: {  	s3 =	sld [smem:$0x3FDB];
	s0 =	simm.s32 @p2 $0x1  }
0x17: {  	s4 =	simm.s32 $0x1BF5;
	[smem:$0x3FB4] =	sst s0  }
0x18: {  	s0 =	sld [smem:$0x3F97];
	_ =	swait.ge [sflag:s4], $0x0  }
0x19: {  	s7 =	sld [smem:$0x3F98]  }
0x1a: {  	s8 =	sadd.s32 $0xFFFFE003, lr  }
0x1b: {  	s9 =	sadd.s32 $0xFFFFFEF7, lr;
	s5 =	simm.s32 $0xFFFFFFFF;
	p2 =	slt.u32 s8, $0xFFFFF086  }
0x1c: {  	p1 =	slt.u32 s9, $0xF7A;
	s5 =	simm.s32 @!p2 $0x0  }
0x1d: {  	s5 =	simm.s32 @p1 $0x1;
	p0 =	seq.s32 s7, s2  }
0x1e: {  	s7 =	smul.u32 @!p0 $0xF7A, s2;
	p2 =	seq.s32 @!p0 s5, $0x0  }
0x1f: {  	s9 =	smul.u32 $0xF7A, s1;
	s8 =	simm.s32 @!p0 $0x1BF5;
	p2 =	por !p2, p0  }
0x20: {  	[sflag:s8] =	ssyncset.s32 @!p0 $0xFFFFF086;
	s6 =	sadd.s32 @!p0 s3, s7;
	s7 =	simm.s32 @!p0 $0x108  }
0x21: {  	s3 =	sadd.s32 s3, s9;
	s6 =	sadd.s32 @!p0 $0x88, s6;
	s7 =	simm.s32 @p2 $0x1082  }
0x22: {  	[simem:s7], [sflag:s8] =	dma.local @!p0 [hbm:s6], $0xF7A  }
0x23: {  	s9 =	sor.u32 $0xD0000000, s2;
	s6 =	simm.s32 $0x108;
	_ =	swait.ge @!p0 [sflag:s8], $0x0  }
0x24: {  	s3 =	sadd.s32 $0x88, s3;
	s6 =	simm.s32 @!p1 $0x1082;
	[sflag:s4] =	ssyncset.s32 $0xFFFFF086  }
0x25: {  	[simem:s6], [sflag:s4] =	dma.local [hbm:s3], $0xF7A  }
0x26: {  	[smem:$0x3F98] =	sst s1;
	(tag) =	ssettag s2;
	_ =	strace s9  }
0x27: {  	s1 =	sld [smem:$0x3FA8]  }
0x28: {  	s2 =	sld [smem:$0x3FA9]  }
0x29: {  	s4 =	sld [smem:$0x3FAB]  }
0x2a: {  	p0 =	seq.s32 s5, $0x0;
	s5 =	sld [smem:$0x3FAC]  }
0x2b: {  	s6 =	sld [smem:$0x3FAD]  }
0x2c: {  	s7 =	sld [smem:$0x3FAE]  }
0x2d: {  	s3 =	simm.s32 $0x108;
	s8 =	sld [smem:$0x3FAF]  }
0x2e: {  	s3 =	simm.s32 @!p0 $0x1082;
	s9 =	sld [smem:$0x3FB0]  }
0x2f: {  	lr =	sadd.s32 s0, s3;
	s0 =	sld [smem:$0x3FA7]  }
0x30: {  	s3 =	sld [smem:$0x3FAA]  }
0x31: {  	[smem:$0x3FB3] =	sst s10  }
0x32: {  	s10 =	sld [smem:$0x3FB1];
	_ =	sdelay $0x3  }
0x33: {  	p0 =	seq.s32 s10, $0x1;
	s10 =	sld [smem:$0x3FB3];
	_ =	sdelay $0x3  }
0x34: {  	[smem:$0x3FB3] =	sst s10  }
0x35: {  	s10 =	sld [smem:$0x3FB2];
	_ =	sdelay $0x3  }
0x36: {  	p1 =	seq.s32 s10, $0x1;
	s10 =	sld [smem:$0x3FB3];
	_ =	sdelay $0x3  }
0x37: {  	[smem:$0x3FB3] =	sst s10  }
0x38: {  	s10 =	sld [smem:$0x3FB4]  }
0x39: {  	_ = 	snop;
	(pc) =	sbr.ind lr, $3  }
0x3a: {  	_ = 	snop  }
0x3b: {  	_ = 	snop  }
0x3c: {  	p2 =	seq.s32 s10, $0x1;
	s10 =	sld [smem:$0x3FB3]  }
0x3d: {  	_ =	shalt  }
0x3e: {  	_ =	shalt  }
0x3f: {  	_ =	shalt  }
0x40: {  	_ =	shalt  }
0x41: {  	_ =	shalt  }
0x42: {  	_ =	shalt  }
0x43: {  	_ =	shalt  }
0x44: {  	_ =	shalt  }
0x45: {  	_ =	shalt  }
0x46: {  	_ =	shalt  }
0x47: {  	_ =	shalt  }
0x48: {  	_ =	shalt  }
0x49: {  	_ =	shalt  }
0x4a: {  	_ =	shalt  }
0x4b: {  	_ =	shalt  }
0x4c: {  	_ =	shalt  }
0x4d: {  	_ =	shalt  }
0x4e: {  	_ =	shalt  }
0x4f: {  	_ =	shalt  }
0x50: {  	_ =	shalt  }
0x51: {  	_ =	shalt  }
0x52: {  	_ =	shalt  }
0x53: {  	_ =	shalt  }
0x54: {  	_ =	shalt  }
0x55: {  	_ =	shalt  }
0x56: {  	_ =	shalt  }
0x57: {  	_ =	shalt  }
0x58: {  	_ =	shalt  }
0x59: {  	_ =	shalt  }
0x5a: {  	_ =	shalt  }
0x5b: {  	_ =	shalt  }
0x5c: {  	_ =	shalt  }
0x5d: {  	_ =	shalt  }
0x5e: {  	_ =	shalt  }
0x5f: {  	_ =	shalt  }
0x60: {  	_ =	shalt  }
0x61: {  	_ =	shalt  }
0x62: {  	_ =	shalt  }
0x63: {  	_ =	shalt  }
0x64: {  	_ =	shalt  }
0x65: {  	_ =	shalt  }
0x66: {  	_ =	shalt  }
0x67: {  	_ =	shalt  }
0x68: {  	_ =	shalt  }
0x69: {  	_ =	shalt  }
0x6a: {  	_ =	shalt  }
0x6b: {  	_ =	shalt  }
0x6c: {  	_ =	shalt  }
0x6d: {  	_ =	shalt  }
0x6e: {  	_ =	shalt  }
0x6f: {  	_ =	shalt  }
0x70: {  	_ =	shalt  }
0x71: {  	_ =	shalt  }
0x72: {  	_ =	shalt  }
0x73: {  	_ =	shalt  }
0x74: {  	_ =	shalt  }
0x75: {  	_ =	shalt  }
0x76: {  	_ =	shalt  }
0x77: {  	_ =	shalt  }
0x78: {  	_ =	shalt  }
0x79: {  	_ =	shalt  }
0x7a: {  	_ =	shalt  }
0x7b: {  	_ =	shalt  }
0x7c: {  	_ =	shalt  }
0x7d: {  	_ =	shalt  }
0x7e: {  	_ =	shalt  }
0x7f: {  	_ =	shalt  }
0x80: {  	_ =	shalt  }
0x81: {  	_ =	shalt  }
0x82: {  	_ =	shalt  }
0x83: {  	_ =	shalt  }
0x84: {  	_ =	shalt  }
0x85: {  	_ =	shalt  }
0x86: {  	_ =	shalt  }
0x87: {  	_ =	shalt  }
.Lfunc_end0:
.L_simem_size_0:
called_computation.2_lowered:
.L_overlay_start_0:
0x88: {  	s2 =	sld [smem:$0x3FD9]  }
0x89: {  	s3 =	sld [smem:$0x3FFE];
	_ =	sdelay $0x1  }
0x8a: {  	s1 =	srdreg.scid  }
0x8b: {  	s0 =	sand.u32 $0x1, s1  }
0x8c: {  	s17 =	sshll.u32 s0, $0xA;
	s2 =	sadd.s32 s3, s2  }
0x8d: {  	s2 =	sadd.s32 s2, s17  }
0x8e: {  	[smem:$0x3FBF] =	sst s2  }
0x8f: {  	_ = 	snop  }
0x90: {  	s2 =	sld [smem:$0x3FD0];
	(tm) =	ssettm $0x1  }
0x91: {  	s18 =	sld [smem:$0x3FFB];
	_ =	sdelay $0x3  }
0x92: {  	_ =	strace s18  }
0x93: {  	s3 =	sld [smem:$0x3FFC];
	_ =	sdelay $0x3  }
0x94: {  	_ =	strace s3  }
0x95: {  	s3 =	sld [smem:$0x3FFD];
	_ =	sdelay $0x3  }
0x96: {  	_ =	strace s3  }
0x97: {  	_ =	strace $0x8FFFFFFF  }
0x98: {  	s19 =	sld [smem:$0x3FDB];
	_ =	sdelay $0x1  }
0x99: {  	s4 =	simm.s32 $_scs_section_size  }
0x9a: {  	s5 =	simm.s32 $_size__tile_overlayer_lowered;
	s6 =	simm.s32 $_tile_overlayer_lowered  }
0x9b: {  	s22 =	simm.s32 $0x1BFF;
	s21 =	sshll.u32 s6, $0x1;
	s3 =	sadd.s32 s4, s19  }
0x9c: {  	s7 =	simm.s32 $0x0;
	s20 =	sshll.u32 s5, $0x1;
	s5 =	sadd.s32 s21, s3  }
0x9d: {  	[timem:s7], [sflag:s22] =	dma.local [hbm:s5], s20  }
0x9e: {  	_ =	swait.ge [sflag:s22], s20  }
0x9f: {  	s4 =	ssub.s32 $0x0, s20;
	[sflag:s22] =	ssyncset.done $0x0  }
0xa0: {  	[sflag:s22] =	ssyncadd.s32 s4;
	_ =	sdelay $0x1  }
0xa1: {  	s23 =	simm.s32 $0x1B8B  }
0xa2: {  	_ =	swait.ge [sflag:s23], $0x1  }
0xa3: {  	[sflag:s23] =	ssyncset.done $0x0  }
0xa4: {  	s25 =	simm.s32 $0x1B8E;
	s24 =	sld [smem:$0x3FFE];
	[sflag:s23] =	ssyncadd.s32 $0xFFFFFFFF  }
0xa5: {  	s26 =	simm.s32 $execute0_lowered;
	[smem:$0x3FD2] =	sst s25  }
0xa6: {  	s5 =	sshll.u32 s26, $0x1;
	_ =	strace $0x8000004C;
	[dreg:$0x1] =	wrdreg $0xFFFFFFFF  }
0xa7: {  	s28 =	simm.s32 $_size_execute0_lowered;
	s3 =	sadd.s32 s3, s5;
	[dreg:$0x0] =	wrdreg $0x0  }
0xa8: {  	s5 =	sshll.u32 s28, $0x1;
	[dreg:$0x2] =	wrdreg s3  }
0xa9: {  	[dreg:$0x3] =	wrdreg s5  }
0xaa: {  	[dreg:$0x4] =	wrdreg $0xC0  }
0xab: {  	_ =	task [dreg:s7], $0x5FFFF  }
0xac: {  	[dreg:$0x1] =	wrdreg $0xFFFFFFFF  }
0xad: {  	[dreg:$0x0] =	wrdreg $0x60  }
0xae: {  	[dreg:$0x2] =	wrdreg s2  }
0xaf: {  	[dreg:$0x3] =	wrdreg s24  }
0xb0: {  	[dreg:$0x4] =	wrdreg $0x98000  }
0xb1: {  	[dreg:$0x5] =	wrdreg $0x9  }
0xb2: {  	_ =	task.clear_ibuf [dreg:s7], $0x6FFFF;
	_ =	strace $0x9000004C  }
0xb3: {  	s29 =	simm.s32 $0x9;
	_ =	strace $0x8000004E  }
0xb4: {  	_ =	swait.ge [sflag:s29], $0x1  }
0xb5: {  	[sflag:s29] =	ssyncadd.s32 $0xFFFFFFFF  }
0xb6: {  	_ =	strace $0x9000004E  }
0xb7: {  	_ =	sfence  }
0xb8: {  	s30 =	sld [smem:$0x0];
	_ =	sdelay $0x2  }
0xb9: {  	s31 =	sshll.u32 s1, $0xD;
	s1 =	sshrl.u32 s1, $0x2  }
0xba: {  	s3 =	sand.u32 $0x4000, s31;
	s1 =	sadd.s32 s1, s30  }
0xbb: {  	s0 =	sor.u32 s3, s0;
	s1 =	sshll.u32 s1, $0x11  }
0xbc: {  	s0 =	sor.u32 s1, s0  }
0xbd: {  	s0 =	sadd.s32 $0x8F2B, s0  }
0xbe: {  	[sflag:s0] =	ssyncadd.remote.s32 $0x1  }
0xbf: {  	_ =	sfence.sel $0xFFFF  }
0xc0: {  	[dreg:$0x0] =	wrdreg $0xFFFFFFFF;
	(pc) =	sbr.abs _section_cstart, $3  }
0xc1: {  	[dreg:$0x1] =	wrdreg $0xFFFFFFFF  }
0xc2: {  	_ =	task.clear_ibuf [dreg:s7], $0x2FFFF;
	_ =	strace $0x9FFFFFFF  }
0xc3: {  	(tm) =	ssettm $0x7FFFFFFF  }
tec
execute0_lowered:
.L_overlay_start_1:
0x0: {  	(tag) =	ssettag $0x1  }
0x1: {  	s1 =	rddreg [dreg:$0x0]  }
0x2: {  	s0 =	rddreg [dreg:$0x1]  }
0x3: {  	s2 =	rddreg [dreg:$0x2]  }
0x4: {  	s3 =	simm.s32 $0x0;
	s4 =	srdreg.scid;
	s13 =	stileid.u32  }
0x5: {  	s17 =	simm.s32 $0x1800;
	s18 =	simm.s32 $0x3;
	s19 =	simm.s32 $0x800  }
0x6: {  	s20 =	simm.s32 $0x1000;
	s28 =	simm.s32 $0x0;
	[smem:$0x7FF] =	sst s3  }
0x7: {  	s5 =	sadd.s32 $0x16600, s0;
	s6 =	sadd.s32 $0xC600, s0;
	s11 =	smul.u32 $0x13800, s13  }
0x8: {  	s4 =	sand.u32 $0x1, s4;
	s7 =	sadd.s32 $0x2600, s0;
	s23 =	smul.u32 $0x4E000, s13  }
0x9: {  	s8 =	sshll.u32 s13, $0x1;
	s0 =	sadd.s32 $0x20600, s0;
	s24 =	smul.u32 $0x4E200, s13  }
0xa: {  	p0 =	sne.s32 s13, $0xF;
	_ =	strace $0x8000004D;
	s10 =	ssub.s32 $0x2, s4  }
0xb: {  	s9 =	smul.u32 $0x138800, s4;
	s4 =	sor.u32 s4, s8;
	s12 =	sshrl.u32 s10, $0x1  }
0xc: {  	s8 =	smul.u32 $0x2800, s4;
	s25 =	sshrl.u32 s23, $0x2;
	s29 =	sshrl.u32 s24, $0x2  }
0xd: {  	s23 =	simm.s32 $0x5800;
	s21 =	ssub.s32 s10, s12;
	s22 =	sadd.s32 s11, s9  }
0xe: {  	s9 =	sshrl.u32 s9, $0x3;
	s26 =	sadd.s32 s25, s2;
	s12 =	sadd.s32 s29, s2  }
0xf: {  	s10 =	sshrl.u32 s22, $0x3;
	s4 =	smax.u32 s21, $0x1;
	s30 =	sadd.s32 $0x7D00, s12  }
0x10: {  	s31 =	sadd.s32 $0xBB80, s12;
	s16 =	sadd.s32 $0xFA00, s12;
	[dreg:$0x6] =	wrdreg s4  }
0x11: {  	s21 =	simm.s32 $0x7D;
	s22 =	simm.s32 $0x1;
	[dreg:$0x8] =	wrdreg s30  }
0x12: {  	s10 =	sadd.s32 s0, s10;
	s0 =	sadd.s32 s0, s9;
	[dreg:$0x9] =	wrdreg s31  }
0x13: {  	s24 =	sshrl.u32 s26, $0x3;
	[dreg:$0x4] =	wrdreg s10;
	s0 =	sadd.s32 $0x27000, s0  }
0x14: {  	s10 =	sadd.s32 $0x138000, s2;
	[dreg:$0x5] =	wrdreg s0;
	s0 =	sadd.s32 $0x3E80, s12  }
0x15: {  	v0 =	vimm.f32 $0.0e+00;
	s26 =	simm.s32 $0x2;
	s25 =	sshrl.u32 @!p0 s10, $0x3;
	[dreg:$0x7] =	wrdreg s0  }
.LBB2_1:
0x16: {  	s0 =	simm.s32 $0x0;
	s4 =	simm.s32 $0x200  }
.LBB2_2:
0x17: {  	p1 =	sne.s32 s4, $0xF800;
	[tilespmem:s0+$0x1870] =	vst v0  }
0x18: {  	[tilespmem:s0+$0x1800] =	vst v0  }
0x19: {  	[tilespmem:s0+$0x1810] =	vst v0  }
.Ltmp0:
0x1a: {  	[tilespmem:s0+$0x1820] =	vst v0;
	(pc) =	sbr.rel @p1 .LBB2_2-.Ltmp0, $4  }
0x1b: {  	[tilespmem:s0+$0x1830] =	vst v0  }
0x1c: {  	[tilespmem:s0+$0x1840] =	vst v0  }
0x1d: {  	[tilespmem:s0+$0x1850] =	vst v0  }
0x1e: {  	[tilespmem:s0+$0x1860] =	vst v0;
	s0 =	sshra.s32 s4, $0x2;
	s4 =	sadd.s32 $0x200, s4  }
0x1f: {  	[tilespmem:s0+$0x1870] =	vst v0  }
0x20: {  	[tilespmem:s0+$0x1800] =	vst v0  }
0x21: {  	[tilespmem:s0+$0x1810] =	vst v0  }
0x22: {  	[tilespmem:s0+$0x1820] =	vst v0  }
0x23: {  	[tilespmem:s0+$0x1830] =	vst v0  }
0x24: {  	[tilespmem:s0+$0x1840] =	vst v0  }
0x25: {  	[tilespmem:s0+$0x1850] =	vst v0  }
0x26: {  	[tilespmem:s0+$0x1860] =	vst v0  }
0x27: {  	[spmem:s12] =	stream.linear.scatter [tilespmem:s17], [sflag:$0x3], $0x3E80, $0x38;
	[tilespmem:$0x1D080] =	vst v63  }
0x28: {  	_ =	swait.ge [sflag:s18], $0x3E80  }
0x29: {  	[sflag:s18] =	ssyncset.done $0x0  }
0x2a: {  	s15 =	rddreg [dreg:$0x7];
	[sflag:s18] =	ssyncadd.s32 $0xFFFFC180  }
0x2b: {  	[spmem:s15] =	stream.linear.scatter [tilespmem:s17], [sflag:$0x3], $0x3E80, $0x38;
	[tilespmem:$0x1D080] =	vst v63  }
0x2c: {  	_ =	swait.ge [sflag:s18], $0x3E80  }
0x2d: {  	[sflag:s18] =	ssyncset.done $0x0  }
0x2e: {  	s30 =	rddreg [dreg:$0x8];
	[sflag:s18] =	ssyncadd.s32 $0xFFFFC180  }
0x2f: {  	[spmem:s30] =	stream.linear.scatter [tilespmem:s17], [sflag:$0x3], $0x3E80, $0x38;
	[tilespmem:$0x1D080] =	vst v63  }
0x30: {  	_ =	swait.ge [sflag:s18], $0x3E80  }
0x31: {  	[sflag:s18] =	ssyncset.done $0x0  }
0x32: {  	s31 =	rddreg [dreg:$0x9];
	[sflag:s18] =	ssyncadd.s32 $0xFFFFC180  }
0x33: {  	[spmem:s31] =	stream.linear.scatter [tilespmem:s17], [sflag:$0x3], $0x3E80, $0x38;
	[tilespmem:$0x1D080] =	vst v63  }
0x34: {  	_ =	swait.ge [sflag:s18], $0x3E80  }
0x35: {  	[sflag:s18] =	ssyncset.done $0x0  }
0x36: {  	[sflag:s18] =	ssyncadd.s32 $0xFFFFC180  }
0x37: {  	[spmem:s16] =	stream.linear.scatter [tilespmem:s17], [sflag:$0x3], $0x3E80, $0x38;
	[tilespmem:$0x1D080] =	vst v63  }
0x38: {  	_ =	swait.ge [sflag:s18], $0x3E80  }
0x39: {  	[sflag:s18] =	ssyncset.done $0x0  }
0x3a: {  	[sflag:s18] =	ssyncadd.s32 $0xFFFFC180  }
0x3b: {  	s29 =	simm.s32 $0x0;
	[bflag:$0x0] =	sbarrier.arrive $0xFFFF  }
.LBB2_4:
0x3c: {  	s0 =	sshll.u32 s29, $0xB  }
0x3d: {  	s0 =	sadd.s32 s8, s0  }
0x3e: {  	s0 =	sshrl.u32 s0, $0x3  }
0x3f: {  	s4 =	sadd.s32 s5, s0  }
0x40: {  	[tilespmem:s28], [sflag:$0x3] =	stream.linear.gather [hbm4b:s4+s28], $0x800, $0x38;
	[tilespmem:$0x1D080] =	vst v63  }
0x41: {  	_ =	swait.ge [sflag:s18], $0x800  }
0x42: {  	[sflag:s18] =	ssyncset.done $0x0  }
0x43: {  	s31 =	sadd.s32 s6, s0;
	[sflag:s18] =	ssyncadd.s32 $0xFFFFF800  }
0x44: {  	[tilespmem:s19], [sflag:$0x3] =	stream.linear.gather [hbm4b:s31+s28], $0x800, $0x38;
	[tilespmem:$0x1D080] =	vst v63  }
0x45: {  	_ =	swait.ge [sflag:s18], $0x800  }
0x46: {  	[sflag:s18] =	ssyncset.done $0x0  }
0x47: {  	s0 =	sadd.s32 s7, s0;
	[sflag:s18] =	ssyncadd.s32 $0xFFFFF800  }
0x48: {  	[tilespmem:s20], [sflag:$0x3] =	stream.linear.gather [hbm4b:s0+s28], $0x800, $0x38;
	[tilespmem:$0x1D080] =	vst v63  }
0x49: {  	_ =	swait.ge [sflag:s18], $0x800  }
0x4a: {  	[sflag:s18] =	ssyncset.done $0x0  }
0x4b: {  	s30 =	simm.s32 $0x0;
	[sflag:s18] =	ssyncadd.s32 $0xFFFFF800  }
0x4c: {  	[tilespmem:s17], [sflag:$0x1] =	stream.indirect.gather [hbm4b:s1+s21], $0x80, s28, s21, $0xb8;
	[tilespmem:$0x1D080] =	vst v63  }
.LBB2_5:
0x4d: {  	_ =	swait.ge [sflag:s22], $0x3E80  }
0x4e: {  	s0 =	sshll.u32 s30, $0x8;
	[sflag:s22] =	ssyncset.done $0x0  }
0x4f: {  	s31 =	sor.u32 $0x80, s0;
	s0 =	simm.s32 $0x1940;
	[sflag:s22] =	ssyncadd.s32 $0xFFFFC180  }
0x50: {  	[tilespmem:s23], [sflag:$0x2] =	stream.indirect.gather [hbm4b:s1+s21], $0x80, s31, s21, $0xb8;
	[tilespmem:$0x1D080] =	vst v63  }
0x51: {  	v2 =	vld [tilespmem:s0+$0x100]  }
0x52: {  	v4 =	vld [tilespmem:s0+$0x0]  }
0x53: {  	v5 =	vld [tilespmem:s0+$0x120]  }
0x54: {  	v6 =	vld [tilespmem:s0+$0x10]  }
0x55: {  	v7 =	vld [tilespmem:s0+$0x40]  }
0x56: {  	v8 =	vld [tilespmem:s0+$0x50]  }
0x57: {  	v9 =	vld [tilespmem:s0+$0x60]  }
0x58: {  	v10 =	vld [tilespmem:s0+$0x70]  }
0x59: {  	v11 =	vld [tilespmem:s0+$0x80]  }
0x5a: {  	v12 =	vld [tilespmem:s0+$0x90]  }
0x5b: {  	v13 =	vld [tilespmem:s0+$0xA0]  }
0x5c: {  	v14 =	vld [tilespmem:s0+$0xB0]  }
0x5d: {  	s4 =	simm.s32 $0x3;
	v15 =	vld [tilespmem:s0+$0xC0]  }
0x5e: {  	v1 =	vmov s4;
	v17 =	vld [tilespmem:s0+$0xD0]  }
0x5f: {  	v18 =	vld [tilespmem:s0+$0xE0]  }
0x60: {  	s9 =	simm.s32 $0x1;
	s11 =	simm.s32 $0x2;
	s4 =	sshll.u32 s30, $0xA;
	v19 =	vld [tilespmem:s0+$0xF0]  }
0x61: {  	s10 =	simm.s32 $0x0;
	v3 =	vmov s9;
	v21 =	vmov s11;
	s9 =	sshrl.u32 s4, $0x2;
	v20 =	vld [tilespmem:s0+$0x130]  }
0x62: {  	s15 =	simm.s32 $0x4;
	v16 =	vmov s10;
	s10 =	sadd.s32 $0x1000, s9;
	v22 =	vld [tilespmem:s0+$0xFFFFFFD0]  }
0x63: {  	v23 =	vmov s15;
	v24 =	vld.idx.msk [tilespmem:v1+s10+$0x0], $0xffff  }
0x64: {  	v25 =	vld [tilespmem:s0+$0xFFFFFFC0]  }
0x65: {  	v28 =	vld [tilespmem:s0+$0xFFFFFF60]  }
0x66: {  	v1 =	vld.idx.msk [tilespmem:v21+s10+$0x0], $0xffff  }
0x67: {  	v26 =	vld.idx.msk [tilespmem:v3+s10+$0x0], $0xffff  }
0x68: {  	v3 =	vld.idx.msk [tilespmem:v23+s10+$0x0], $0xffff;
	v7 =	vmul.f32 v7, v24  }
0x69: {  	v29 =	vld [tilespmem:s0+$0xFFFFFF50];
	v8 =	vmul.f32 v8, v24  }
0x6a: {  	v27 =	vld.idx.msk [tilespmem:v16+s10+$0x0], $0xffff;
	v9 =	vmul.f32 v9, v24;
	[tilespmem:s0+$0x40] =	vst v7  }
0x6b: {  	v16 =	vld [tilespmem:s0+$0xFFFFFFB0];
	v4 =	vmul.f32 v4, v1;
	[tilespmem:s0+$0x50] =	vst v8  }
0x6c: {  	v21 =	vld [tilespmem:s0+$0xFFFFFFA0];
	v6 =	vmul.f32 v6, v1;
	[tilespmem:s0+$0x60] =	vst v9  }
0x6d: {  	v23 =	vld [tilespmem:s0+$0xFFFFFF90];
	v2 =	vmul.f32 v2, v3;
	[tilespmem:s0+$0x0] =	vst v4  }
0x6e: {  	v7 =	vmul.f32 v10, v24;
	v8 =	vld [tilespmem:s0+$0xFFFFFF70];
	[tilespmem:s0+$0x10] =	vst v6  }
0x6f: {  	v6 =	vmul.f32 v12, v24;
	[tilespmem:s0+$0x100] =	vst v2;
	v12 =	vld [tilespmem:s0+$0xFFFFFF20]  }
0x70: {  	v4 =	vmul.f32 v13, v24;
	v13 =	vld [tilespmem:s0+$0xFFFFFF10];
	[tilespmem:s0+$0x70] =	vst v7;
	v7 =	vmul.f32 v11, v24  }
0x71: {  	v9 =	vmul.f32 v14, v24;
	v14 =	vld [tilespmem:s0+$0xFFFFFF00];
	[tilespmem:s0+$0x90] =	vst v6;
	v6 =	vmul.f32 v5, v3  }
0x72: {  	v2 =	vmul.f32 v16, v26;
	v16 =	vld [tilespmem:s0+$0xFFFFFEF0];
	[tilespmem:s0+$0x80] =	vst v7;
	v7 =	vmul.f32 v20, v3  }
0x73: {  	v11 =	vld [tilespmem:s0+$0xFFFFFF30];
	[tilespmem:s0+$0x120] =	vst v6;
	v6 =	vmul.f32 v23, v26;
	v23 =	vmul.f32 v18, v3  }
0x74: {  	v30 =	vld [tilespmem:s0+$0xFFFFFF40];
	v8 =	vmul.f32 v8, v26;
	[tilespmem:s0+$0x130] =	vst v7  }
0x75: {  	v5 =	vmul.f32 v21, v26;
	v21 =	vld [tilespmem:s0+$0xFFFFFED0];
	v12 =	vmul.f32 v12, v27;
	[tilespmem:s0+$0xE0] =	vst v23  }
0x76: {  	v10 =	vld [tilespmem:s0+$0xFFFFFF80];
	v13 =	vmul.f32 v13, v27;
	v14 =	vmul.f32 v14, v27;
	[tilespmem:s0+$0xFFFFFF70] =	vst v8  }
0x77: {  	v20 =	vld [tilespmem:s0+$0xFFFFFEE0];
	v7 =	vmul.f32 v22, v1;
	v8 =	vmul.f32 v15, v3;
	[tilespmem:s0+$0xFFFFFF20] =	vst v12  }
0x78: {  	v22 =	vld [tilespmem:s0+$0xFFFFFEC0];
	v11 =	vmul.f32 v11, v27;
	v12 =	vmul.f32 v16, v27;
	[tilespmem:s0+$0xFFFFFF10] =	vst v13  }
0x79: {  	v13 =	vmul.f32 v29, v26;
	[tilespmem:s0+$0xFFFFFF00] =	vst v14;
	v14 =	vmul.f32 v17, v3  }
0x7a: {  	v18 =	vld [tilespmem:s0+$0x30];
	v15 =	vmul.f32 v30, v26;
	v21 =	vmul.f32 v21, v27;
	[tilespmem:s0+$0xC0] =	vst v8  }
0x7b: {  	v16 =	vld [tilespmem:s0+$0xFFFFFFE0];
	v8 =	vmul.f32 v10, v26;
	[tilespmem:s0+$0xFFFFFF30] =	vst v11;
	v10 =	vmul.f32 v25, v1  }
0x7c: {  	v17 =	vld [tilespmem:s0+$0x110];
	v11 =	vmul.f32 v28, v26;
	[tilespmem:s0+$0xFFFFFEF0] =	vst v12;
	v20 =	vmul.f32 v20, v27  }
0x7d: {  	s13 =	simm.s32 $0x1BC0;
	s11 =	simm.s32 $0x5;
	[tilespmem:s0+$0xD0] =	vst v14;
	v14 =	vmul.f32 v19, v3;
	v19 =	vld [tilespmem:s0+$0x20];
	v12 =	vmul.f32 v22, v27  }
.LBB2_6:
0x7e: {  	s14 =	sadd.s32 $0x1, s11  }
0x7f: {  	v22 =	vmov s11;
	v23 =	vld [tilespmem:s13+$0x100];
	p1 =	sne.s32 s11, $0x78;
	[tilespmem:s0+$0xFFFFFED0] =	vst v21;
	s15 =	smov.u32 s11;
	s11 =	sadd.s32 $0x5, s11  }
0x80: {  	v21 =	vmov s14;
	s14 =	sadd.s32 $0x2, s15;
	v24 =	vld [tilespmem:s13+$0x0];
	[tilespmem:s0+$0xFFFFFEE0] =	vst v20;
	v16 =	vmul.f32 v16, v1  }
0x81: {  	v20 =	vmov s14;
	s14 =	sadd.s32 $0x3, s15;
	v25 =	vld [tilespmem:s13+$0x120];
	[tilespmem:s0+$0xFFFFFF40] =	vst v15;
	v3 =	vmul.f32 v17, v3  }
0x82: {  	v15 =	vmov s14;
	s14 =	sadd.s32 $0x4, s15;
	v17 =	vld [tilespmem:s13+$0x10];
	v18 =	vmul.f32 v18, v1;
	[tilespmem:s0+$0xB0] =	vst v9  }
0x83: {  	v9 =	vmov s14;
	v26 =	vld [tilespmem:s0+$0xFFFFFFF0];
	v19 =	vmul.f32 v19, v1;
	[tilespmem:s0+$0x110] =	vst v3  }
0x84: {  	[tilespmem:s0+$0x30] =	vst v18  }
0x85: {  	v18 =	vld [tilespmem:s13+$0x40];
	[tilespmem:s0+$0x20] =	vst v19  }
0x86: {  	v19 =	vld [tilespmem:s13+$0x50];
	[tilespmem:s0+$0xFFFFFF50] =	vst v13  }
0x87: {  	v13 =	vld [tilespmem:s13+$0x60];
	[tilespmem:s0+$0xFFFFFF60] =	vst v11  }
0x88: {  	v11 =	vld [tilespmem:s13+$0x70];
	[tilespmem:s0+$0xFFFFFFC0] =	vst v10;
	v1 =	vmul.f32 v26, v1  }
0x89: {  	v10 =	vld [tilespmem:s13+$0x80];
	[tilespmem:s0+$0xA0] =	vst v4  }
0x8a: {  	v4 =	vld [tilespmem:s13+$0x90];
	[tilespmem:s0+$0xFFFFFFF0] =	vst v1  }
0x8b: {  	v26 =	vld [tilespmem:s13+$0xA0];
	[tilespmem:s0+$0xFFFFFFD0] =	vst v7  }
0x8c: {  	v7 =	vld [tilespmem:s13+$0xB0];
	[tilespmem:s0+$0xFFFFFF80] =	vst v8  }
0x8d: {  	v27 =	vld [tilespmem:s13+$0xC0];
	[tilespmem:s0+$0xFFFFFFE0] =	vst v16  }
0x8e: {  	v28 =	vld [tilespmem:s13+$0xD0];
	[tilespmem:s0+$0xFFFFFFA0] =	vst v5  }
0x8f: {  	v29 =	vld [tilespmem:s13+$0xE0];
	[tilespmem:s0+$0xF0] =	vst v14  }
0x90: {  	v14 =	vld [tilespmem:s13+$0xF0];
	[tilespmem:s0+$0xFFFFFF90] =	vst v6  }
0x91: {  	v16 =	vld [tilespmem:s13+$0x130];
	[tilespmem:s0+$0xFFFFFFB0] =	vst v2  }
0x92: {  	v8 =	vld [tilespmem:s13+$0xFFFFFFD0];
	[tilespmem:s0+$0xFFFFFEC0] =	vst v12;
	s0 =	smov.u32 s13  }
0x93: {  	v2 =	vld.idx.msk [tilespmem:v15+s10+$0x0], $0xffff  }
0x94: {  	v12 =	vld [tilespmem:s13+$0xFFFFFFC0]  }
0x95: {  	v15 =	vld.idx.msk [tilespmem:v21+s10+$0x0], $0xffff  }
0x96: {  	v22 =	vld.idx.msk [tilespmem:v22+s10+$0x0], $0xffff  }
0x97: {  	v1 =	vld.idx.msk [tilespmem:v20+s10+$0x0], $0xffff  }
0x98: {  	v3 =	vld.idx.msk [tilespmem:v9+s10+$0x0], $0xffff  }
0x99: {  	v6 =	vmul.f32 v18, v2;
	v9 =	vmul.f32 v19, v2;
	v5 =	vld [tilespmem:s13+$0xFFFFFFB0]  }
0x9a: {  	v13 =	vmul.f32 v13, v2;
	v11 =	vmul.f32 v11, v2;
	v18 =	vld [tilespmem:s13+$0xFFFFFFA0]  }
0x9b: {  	v20 =	vmul.f32 v10, v2;
	v21 =	vmul.f32 v4, v2;
	v19 =	vld [tilespmem:s13+$0xFFFFFF90];
	[tilespmem:s13+$0x40] =	vst v6  }
0x9c: {  	v4 =	vmul.f32 v26, v2;
	v10 =	vld [tilespmem:s13+$0xFFFFFF80];
	[tilespmem:s13+$0x50] =	vst v9;
	v9 =	vmul.f32 v7, v2  }
0x9d: {  	v6 =	vmul.f32 v24, v1;
	v26 =	vld [tilespmem:s13+$0xFFFFFF70];
	[tilespmem:s13+$0x60] =	vst v13  }
0x9e: {  	v17 =	vmul.f32 v17, v1;
	v13 =	vld [tilespmem:s13+$0xFFFFFF60];
	v2 =	vmul.f32 v5, v15;
	[tilespmem:s13+$0x70] =	vst v11  }
0x9f: {  	v11 =	vmul.f32 v23, v3;
	v24 =	vld [tilespmem:s13+$0xFFFFFF50];
	v5 =	vmul.f32 v18, v15;
	[tilespmem:s13+$0x0] =	vst v6  }
0xa0: {  	v7 =	vmul.f32 v8, v1;
	v18 =	vld [tilespmem:s13+$0xFFFFFF40];
	v6 =	vmul.f32 v19, v15;
	[tilespmem:s13+$0x10] =	vst v17  }
0xa1: {  	v17 =	vld [tilespmem:s13+$0xFFFFFF30];
	v8 =	vmul.f32 v10, v15;
	[tilespmem:s13+$0x100] =	vst v11  }
0xa2: {  	v10 =	vmul.f32 v12, v1;
	v19 =	vld [tilespmem:s13+$0xFFFFFF20];
	v23 =	vmul.f32 v26, v15;
	[tilespmem:s13+$0x80] =	vst v20  }
0xa3: {  	v20 =	vmul.f32 v25, v3;
	v12 =	vld [tilespmem:s13+$0xFFFFFF10];
	v11 =	vmul.f32 v13, v15;
	[tilespmem:s13+$0x90] =	vst v21  }
0xa4: {  	v16 =	vmul.f32 v16, v3;
	v21 =	vld [tilespmem:s13+$0xFFFFFF00];
	v13 =	vmul.f32 v24, v15;
	[tilespmem:s13+$0xFFFFFF70] =	vst v23  }
0xa5: {  	v23 =	vld [tilespmem:s13+$0xFFFFFEF0];
	v15 =	vmul.f32 v18, v15;
	v18 =	vmul.f32 v27, v3;
	[tilespmem:s13+$0x120] =	vst v20  }
0xa6: {  	v20 =	vld [tilespmem:s13+$0xFFFFFEE0];
	v17 =	vmul.f32 v17, v22;
	[tilespmem:s13+$0x130] =	vst v16  }
0xa7: {  	v24 =	vld [tilespmem:s13+$0xFFFFFED0];
	v16 =	vmul.f32 v19, v22;
	[tilespmem:s13+$0xC0] =	vst v18  }
0xa8: {  	v18 =	vld [tilespmem:s13+$0xFFFFFEC0];
	v12 =	vmul.f32 v12, v22;
	[tilespmem:s13+$0xFFFFFF30] =	vst v17  }
0xa9: {  	v17 =	vmul.f32 v21, v22;
	[tilespmem:s13+$0xFFFFFF20] =	vst v16  }
.Ltmp1:
0xaa: {  	v19 =	vmul.f32 v23, v22;
	[tilespmem:s13+$0xFFFFFF10] =	vst v12;
	(pc) =	sbr.rel @p1 .LBB2_6-.Ltmp1, $4  }
0xab: {  	v23 =	vmul.f32 v28, v3;
	v20 =	vmul.f32 v20, v22;
	[tilespmem:s13+$0xFFFFFF00] =	vst v17;
	v16 =	vld [tilespmem:s13+$0xFFFFFFE0]  }
0xac: {  	v21 =	vmul.f32 v24, v22;
	[tilespmem:s13+$0xFFFFFEF0] =	vst v19;
	v24 =	vmul.f32 v29, v3;
	v17 =	vld [tilespmem:s13+$0x110]  }
0xad: {  	v14 =	vmul.f32 v14, v3;
	v12 =	vmul.f32 v18, v22;
	v18 =	vld [tilespmem:s13+$0x30];
	[tilespmem:s13+$0xD0] =	vst v23  }
0xae: {  	s13 =	sadd.s32 $0x280, s13;
	v19 =	vld [tilespmem:s0+$0x20];
	[tilespmem:s0+$0xE0] =	vst v24  }
0xaf: {  	[tilespmem:s0+$0xFFFFFED0] =	vst v21  }
0xb0: {  	[tilespmem:s0+$0xFFFFFEE0] =	vst v20  }
0xb1: {  	[tilespmem:s0+$0xFFFFFF40] =	vst v15  }
0xb2: {  	[tilespmem:s0+$0xB0] =	vst v9  }
0xb3: {  	[tilespmem:s0+$0xFFFFFF50] =	vst v13  }
0xb4: {  	[tilespmem:s0+$0xFFFFFF60] =	vst v11  }
0xb5: {  	[tilespmem:s0+$0xFFFFFFC0] =	vst v10  }
0xb6: {  	[tilespmem:s0+$0xA0] =	vst v4  }
0xb7: {  	[tilespmem:s0+$0xFFFFFFD0] =	vst v7  }
0xb8: {  	[tilespmem:s0+$0xFFFFFF80] =	vst v8  }
0xb9: {  	[tilespmem:s0+$0xFFFFFFA0] =	vst v5  }
0xba: {  	v9 =	vld [tilespmem:s0+$0xFFFFFFF0];
	[tilespmem:s0+$0xF0] =	vst v14  }
0xbb: {  	[tilespmem:s0+$0xFFFFFF90] =	vst v6  }
0xbc: {  	[tilespmem:s0+$0xFFFFFFB0] =	vst v2;
	v3 =	vmul.f32 v17, v3  }
0xbd: {  	[tilespmem:s0+$0xFFFFFEC0] =	vst v12;
	v15 =	vmul.f32 v18, v1  }
0xbe: {  	v17 =	vmul.f32 v19, v1;
	[tilespmem:s0+$0x110] =	vst v3  }
0xbf: {  	[tilespmem:s0+$0x30] =	vst v15;
	v3 =	vmul.f32 v9, v1  }
0xc0: {  	v1 =	vmul.f32 v16, v1;
	[tilespmem:s0+$0x20] =	vst v17  }
0xc1: {  	[tilespmem:s0+$0xFFFFFFF0] =	vst v3  }
0xc2: {  	s9 =	sadd.s32 $0x800, s9;
	[tilespmem:s0+$0xFFFFFFE0] =	vst v1  }
0xc3: {  	[spmem:s2] =	stream.indirect.scatter.add.f32 [tilespmem:s17], [sflag:$0x3], $0x80, s9, s21, $0xb8;
	[tilespmem:$0x1D080] =	vst v63  }
0xc4: {  	_ =	swait.ge [sflag:s18], $0x3E80  }
0xc5: {  	[sflag:s18] =	ssyncset.done $0x0  }
0xc6: {  	[sflag:s18] =	ssyncadd.s32 $0xFFFFC180  }
0xc7: {  	p1 =	seq.s32 s30, $0x7;
	_ =	swait.ge [sflag:s26], $0x3E80  }
0xc8: {  	s0 =	sshrl.u32 @!p1 s4, $0x2;
	s4 =	simm.s32 @!p1 $0x7D;
	[sflag:s26] =	ssyncset.done $0x0  }
0xc9: {  	s0 =	sadd.s32 @!p1 $0x100, s0;
	s9 =	simm.s32 @!p1 $0x1800;
	[sflag:s26] =	ssyncadd.s32 $0xFFFFC180  }
0xca: {  	[tilespmem:s9], [sflag:$0x1] =	stream.indirect.gather @!p1 [hbm4b:s1+s4], $0x80, s0, s4, $0xb8;
	[tilespmem:$0x1D080] =	vst v63  }
0xcb: {  	s0 =	simm.s32 $0x5940  }
0xcc: {  	v2 =	vld [tilespmem:s0+$0x100]  }
0xcd: {  	v4 =	vld [tilespmem:s0+$0x0]  }
0xce: {  	v5 =	vld [tilespmem:s0+$0x120]  }
0xcf: {  	v6 =	vld [tilespmem:s0+$0x10]  }
0xd0: {  	v7 =	vld [tilespmem:s0+$0x40]  }
0xd1: {  	v8 =	vld [tilespmem:s0+$0x50]  }
0xd2: {  	v9 =	vld [tilespmem:s0+$0x60]  }
0xd3: {  	v10 =	vld [tilespmem:s0+$0x70]  }
0xd4: {  	v11 =	vld [tilespmem:s0+$0x80]  }
0xd5: {  	v12 =	vld [tilespmem:s0+$0x90]  }
0xd6: {  	v13 =	vld [tilespmem:s0+$0xA0]  }
0xd7: {  	v14 =	vld [tilespmem:s0+$0xB0]  }
0xd8: {  	s10 =	simm.s32 $0x3;
	v15 =	vld [tilespmem:s0+$0xC0]  }
0xd9: {  	v1 =	vmov s10;
	v17 =	vld [tilespmem:s0+$0xD0]  }
0xda: {  	s11 =	simm.s32 $0x1;
	v18 =	vld [tilespmem:s0+$0xE0]  }
0xdb: {  	s14 =	simm.s32 $0x2;
	v3 =	vmov s11;
	v19 =	vld [tilespmem:s0+$0xF0]  }
0xdc: {  	s13 =	simm.s32 $0x0;
	v21 =	vmov s14;
	v20 =	vld [tilespmem:s0+$0x130]  }
0xdd: {  	s15 =	simm.s32 $0x4;
	v16 =	vmov s13;
	s4 =	sadd.s32 $0x1000, s31;
	v22 =	vld [tilespmem:s0+$0xFFFFFFD0]  }
0xde: {  	v23 =	vmov s15;
	v24 =	vld.idx.msk [tilespmem:v1+s4+$0x0], $0xffff  }
0xdf: {  	v25 =	vld [tilespmem:s0+$0xFFFFFFC0]  }
0xe0: {  	v26 =	vld.idx.msk [tilespmem:v3+s4+$0x0], $0xffff  }
0xe1: {  	v1 =	vld.idx.msk [tilespmem:v21+s4+$0x0], $0xffff  }
0xe2: {  	v27 =	vld.idx.msk [tilespmem:v16+s4+$0x0], $0xffff  }
0xe3: {  	v3 =	vld.idx.msk [tilespmem:v23+s4+$0x0], $0xffff;
	v7 =	vmul.f32 v7, v24  }
0xe4: {  	v16 =	vld [tilespmem:s0+$0xFFFFFFB0];
	v8 =	vmul.f32 v8, v24  }
0xe5: {  	v21 =	vld [tilespmem:s0+$0xFFFFFFA0];
	v9 =	vmul.f32 v9, v24;
	[tilespmem:s0+$0x40] =	vst v7  }
0xe6: {  	v23 =	vld [tilespmem:s0+$0xFFFFFF90];
	v4 =	vmul.f32 v4, v1;
	[tilespmem:s0+$0x50] =	vst v8  }
0xe7: {  	v28 =	vld [tilespmem:s0+$0xFFFFFF60];
	v6 =	vmul.f32 v6, v1;
	[tilespmem:s0+$0x60] =	vst v9  }
0xe8: {  	v29 =	vld [tilespmem:s0+$0xFFFFFF50];
	v2 =	vmul.f32 v2, v3;
	[tilespmem:s0+$0x0] =	vst v4  }
0xe9: {  	v7 =	vmul.f32 v10, v24;
	v8 =	vld [tilespmem:s0+$0xFFFFFF70];
	[tilespmem:s0+$0x10] =	vst v6  }
0xea: {  	v6 =	vmul.f32 v12, v24;
	[tilespmem:s0+$0x100] =	vst v2;
	v12 =	vld [tilespmem:s0+$0xFFFFFF20]  }
0xeb: {  	v4 =	vmul.f32 v13, v24;
	v13 =	vld [tilespmem:s0+$0xFFFFFF10];
	[tilespmem:s0+$0x70] =	vst v7;
	v7 =	vmul.f32 v11, v24  }
0xec: {  	v9 =	vmul.f32 v14, v24;
	v14 =	vld [tilespmem:s0+$0xFFFFFF00];
	[tilespmem:s0+$0x90] =	vst v6;
	v6 =	vmul.f32 v5, v3  }
0xed: {  	v2 =	vmul.f32 v16, v26;
	v16 =	vld [tilespmem:s0+$0xFFFFFEF0];
	[tilespmem:s0+$0x80] =	vst v7;
	v7 =	vmul.f32 v20, v3  }
0xee: {  	v11 =	vld [tilespmem:s0+$0xFFFFFF30];
	[tilespmem:s0+$0x120] =	vst v6;
	v6 =	vmul.f32 v23, v26;
	v23 =	vmul.f32 v18, v3  }
0xef: {  	v30 =	vld [tilespmem:s0+$0xFFFFFF40];
	v8 =	vmul.f32 v8, v26;
	[tilespmem:s0+$0x130] =	vst v7  }
0xf0: {  	v5 =	vmul.f32 v21, v26;
	v21 =	vld [tilespmem:s0+$0xFFFFFED0];
	v12 =	vmul.f32 v12, v27;
	[tilespmem:s0+$0xE0] =	vst v23  }
0xf1: {  	v10 =	vld [tilespmem:s0+$0xFFFFFF80];
	v13 =	vmul.f32 v13, v27;
	v14 =	vmul.f32 v14, v27;
	[tilespmem:s0+$0xFFFFFF70] =	vst v8  }
0xf2: {  	v20 =	vld [tilespmem:s0+$0xFFFFFEE0];
	v7 =	vmul.f32 v22, v1;
	v8 =	vmul.f32 v15, v3;
	[tilespmem:s0+$0xFFFFFF20] =	vst v12  }
0xf3: {  	v22 =	vld [tilespmem:s0+$0xFFFFFEC0];
	v11 =	vmul.f32 v11, v27;
	v12 =	vmul.f32 v16, v27;
	[tilespmem:s0+$0xFFFFFF10] =	vst v13  }
0xf4: {  	v13 =	vmul.f32 v29, v26;
	[tilespmem:s0+$0xFFFFFF00] =	vst v14;
	v14 =	vmul.f32 v17, v3  }
0xf5: {  	v18 =	vld [tilespmem:s0+$0x30];
	v15 =	vmul.f32 v30, v26;
	v21 =	vmul.f32 v21, v27;
	[tilespmem:s0+$0xC0] =	vst v8  }
0xf6: {  	v16 =	vld [tilespmem:s0+$0xFFFFFFE0];
	v8 =	vmul.f32 v10, v26;
	[tilespmem:s0+$0xFFFFFF30] =	vst v11;
	v10 =	vmul.f32 v25, v1  }
0xf7: {  	v17 =	vld [tilespmem:s0+$0x110];
	v11 =	vmul.f32 v28, v26;
	[tilespmem:s0+$0xFFFFFEF0] =	vst v12;
	v20 =	vmul.f32 v20, v27  }
0xf8: {  	s10 =	simm.s32 $0x5BC0;
	s9 =	simm.s32 $0x5;
	[tilespmem:s0+$0xD0] =	vst v14;
	v14 =	vmul.f32 v19, v3;
	v19 =	vld [tilespmem:s0+$0x20];
	v12 =	vmul.f32 v22, v27  }
.LBB2_8:
0xf9: {  	s11 =	sadd.s32 $0x1, s9  }
0xfa: {  	v22 =	vmov s9;
	v23 =	vld [tilespmem:s10+$0x100];
	p1 =	sne.s32 s9, $0x78;
	[tilespmem:s0+$0xFFFFFED0] =	vst v21;
	s13 =	smov.u32 s9;
	s9 =	sadd.s32 $0x5, s9  }
0xfb: {  	v21 =	vmov s11;
	s11 =	sadd.s32 $0x2, s13;
	v24 =	vld [tilespmem:s10+$0x0];
	[tilespmem:s0+$0xFFFFFEE0] =	vst v20;
	v16 =	vmul.f32 v16, v1  }
0xfc: {  	v20 =	vmov s11;
	s11 =	sadd.s32 $0x3, s13;
	v25 =	vld [tilespmem:s10+$0x120];
	[tilespmem:s0+$0xFFFFFF40] =	vst v15;
	v3 =	vmul.f32 v17, v3  }
0xfd: {  	v15 =	vmov s11;
	s11 =	sadd.s32 $0x4, s13;
	v17 =	vld [tilespmem:s10+$0x10];
	v18 =	vmul.f32 v18, v1;
	[tilespmem:s0+$0xB0] =	vst v9  }
0xfe: {  	v9 =	vmov s11;
	v26 =	vld [tilespmem:s0+$0xFFFFFFF0];
	v19 =	vmul.f32 v19, v1;
	[tilespmem:s0+$0x110] =	vst v3  }
0xff: {  	[tilespmem:s0+$0x30] =	vst v18  }
0x100: {  	v18 =	vld [tilespmem:s10+$0x40];
	[tilespmem:s0+$0x20] =	vst v19  }
0x101: {  	v19 =	vld [tilespmem:s10+$0x50];
	[tilespmem:s0+$0xFFFFFF50] =	vst v13  }
0x102: {  	v13 =	vld [tilespmem:s10+$0x60];
	[tilespmem:s0+$0xFFFFFF60] =	vst v11  }
0x103: {  	v11 =	vld [tilespmem:s10+$0x70];
	[tilespmem:s0+$0xFFFFFFC0] =	vst v10;
	v1 =	vmul.f32 v26, v1  }
0x104: {  	v10 =	vld [tilespmem:s10+$0x80];
	[tilespmem:s0+$0xA0] =	vst v4  }
0x105: {  	v4 =	vld [tilespmem:s10+$0x90];
	[tilespmem:s0+$0xFFFFFFF0] =	vst v1  }
0x106: {  	v26 =	vld [tilespmem:s10+$0xA0];
	[tilespmem:s0+$0xFFFFFFD0] =	vst v7  }
0x107: {  	v7 =	vld [tilespmem:s10+$0xB0];
	[tilespmem:s0+$0xFFFFFF80] =	vst v8  }
0x108: {  	v27 =	vld [tilespmem:s10+$0xC0];
	[tilespmem:s0+$0xFFFFFFE0] =	vst v16  }
0x109: {  	v28 =	vld [tilespmem:s10+$0xD0];
	[tilespmem:s0+$0xFFFFFFA0] =	vst v5  }
0x10a: {  	v29 =	vld [tilespmem:s10+$0xE0];
	[tilespmem:s0+$0xF0] =	vst v14  }
0x10b: {  	v14 =	vld [tilespmem:s10+$0xF0];
	[tilespmem:s0+$0xFFFFFF90] =	vst v6  }
0x10c: {  	v16 =	vld [tilespmem:s10+$0x130];
	[tilespmem:s0+$0xFFFFFFB0] =	vst v2  }
0x10d: {  	v8 =	vld [tilespmem:s10+$0xFFFFFFD0];
	[tilespmem:s0+$0xFFFFFEC0] =	vst v12;
	s0 =	smov.u32 s10  }
0x10e: {  	v2 =	vld.idx.msk [tilespmem:v15+s4+$0x0], $0xffff  }
0x10f: {  	v12 =	vld [tilespmem:s10+$0xFFFFFFC0]  }
0x110: {  	v15 =	vld.idx.msk [tilespmem:v21+s4+$0x0], $0xffff  }
0x111: {  	v22 =	vld.idx.msk [tilespmem:v22+s4+$0x0], $0xffff  }
0x112: {  	v1 =	vld.idx.msk [tilespmem:v20+s4+$0x0], $0xffff  }
0x113: {  	v3 =	vld.idx.msk [tilespmem:v9+s4+$0x0], $0xffff  }
0x114: {  	v6 =	vmul.f32 v18, v2;
	v9 =	vmul.f32 v19, v2;
	v5 =	vld [tilespmem:s10+$0xFFFFFFB0]  }
0x115: {  	v13 =	vmul.f32 v13, v2;
	v11 =	vmul.f32 v11, v2;
	v18 =	vld [tilespmem:s10+$0xFFFFFFA0]  }
0x116: {  	v20 =	vmul.f32 v10, v2;
	v21 =	vmul.f32 v4, v2;
	v19 =	vld [tilespmem:s10+$0xFFFFFF90];
	[tilespmem:s10+$0x40] =	vst v6  }
0x117: {  	v4 =	vmul.f32 v26, v2;
	v10 =	vld [tilespmem:s10+$0xFFFFFF80];
	[tilespmem:s10+$0x50] =	vst v9;
	v9 =	vmul.f32 v7, v2  }
0x118: {  	v6 =	vmul.f32 v24, v1;
	v26 =	vld [tilespmem:s10+$0xFFFFFF70];
	[tilespmem:s10+$0x60] =	vst v13  }
0x119: {  	v17 =	vmul.f32 v17, v1;
	v13 =	vld [tilespmem:s10+$0xFFFFFF60];
	v2 =	vmul.f32 v5, v15;
	[tilespmem:s10+$0x70] =	vst v11  }
0x11a: {  	v11 =	vmul.f32 v23, v3;
	v24 =	vld [tilespmem:s10+$0xFFFFFF50];
	v5 =	vmul.f32 v18, v15;
	[tilespmem:s10+$0x0] =	vst v6  }
0x11b: {  	v7 =	vmul.f32 v8, v1;
	v18 =	vld [tilespmem:s10+$0xFFFFFF40];
	v6 =	vmul.f32 v19, v15;
	[tilespmem:s10+$0x10] =	vst v17  }
0x11c: {  	v17 =	vld [tilespmem:s10+$0xFFFFFF30];
	v8 =	vmul.f32 v10, v15;
	[tilespmem:s10+$0x100] =	vst v11  }
0x11d: {  	v10 =	vmul.f32 v12, v1;
	v19 =	vld [tilespmem:s10+$0xFFFFFF20];
	v23 =	vmul.f32 v26, v15;
	[tilespmem:s10+$0x80] =	vst v20  }
0x11e: {  	v20 =	vmul.f32 v25, v3;
	v12 =	vld [tilespmem:s10+$0xFFFFFF10];
	v11 =	vmul.f32 v13, v15;
	[tilespmem:s10+$0x90] =	vst v21  }
0x11f: {  	v16 =	vmul.f32 v16, v3;
	v21 =	vld [tilespmem:s10+$0xFFFFFF00];
	v13 =	vmul.f32 v24, v15;
	[tilespmem:s10+$0xFFFFFF70] =	vst v23  }
0x120: {  	v23 =	vld [tilespmem:s10+$0xFFFFFEF0];
	v15 =	vmul.f32 v18, v15;
	v18 =	vmul.f32 v27, v3;
	[tilespmem:s10+$0x120] =	vst v20  }
0x121: {  	v20 =	vld [tilespmem:s10+$0xFFFFFEE0];
	v17 =	vmul.f32 v17, v22;
	[tilespmem:s10+$0x130] =	vst v16  }
0x122: {  	v24 =	vld [tilespmem:s10+$0xFFFFFED0];
	v16 =	vmul.f32 v19, v22;
	[tilespmem:s10+$0xC0] =	vst v18  }
0x123: {  	v18 =	vld [tilespmem:s10+$0xFFFFFEC0];
	v12 =	vmul.f32 v12, v22;
	[tilespmem:s10+$0xFFFFFF30] =	vst v17  }
0x124: {  	v17 =	vmul.f32 v21, v22;
	[tilespmem:s10+$0xFFFFFF20] =	vst v16  }
.Ltmp2:
0x125: {  	v19 =	vmul.f32 v23, v22;
	[tilespmem:s10+$0xFFFFFF10] =	vst v12;
	(pc) =	sbr.rel @p1 .LBB2_8-.Ltmp2, $4  }
0x126: {  	v23 =	vmul.f32 v28, v3;
	v20 =	vmul.f32 v20, v22;
	[tilespmem:s10+$0xFFFFFF00] =	vst v17;
	v16 =	vld [tilespmem:s10+$0xFFFFFFE0]  }
0x127: {  	v21 =	vmul.f32 v24, v22;
	[tilespmem:s10+$0xFFFFFEF0] =	vst v19;
	v24 =	vmul.f32 v29, v3;
	v17 =	vld [tilespmem:s10+$0x110]  }
0x128: {  	v14 =	vmul.f32 v14, v3;
	v12 =	vmul.f32 v18, v22;
	v18 =	vld [tilespmem:s10+$0x30];
	[tilespmem:s10+$0xD0] =	vst v23  }
0x129: {  	s10 =	sadd.s32 $0x280, s10;
	v19 =	vld [tilespmem:s0+$0x20];
	[tilespmem:s0+$0xE0] =	vst v24  }
0x12a: {  	[tilespmem:s0+$0xFFFFFED0] =	vst v21  }
0x12b: {  	[tilespmem:s0+$0xFFFFFEE0] =	vst v20  }
0x12c: {  	[tilespmem:s0+$0xFFFFFF40] =	vst v15  }
0x12d: {  	[tilespmem:s0+$0xB0] =	vst v9  }
0x12e: {  	[tilespmem:s0+$0xFFFFFF50] =	vst v13  }
0x12f: {  	[tilespmem:s0+$0xFFFFFF60] =	vst v11  }
0x130: {  	[tilespmem:s0+$0xFFFFFFC0] =	vst v10  }
0x131: {  	[tilespmem:s0+$0xA0] =	vst v4  }
0x132: {  	[tilespmem:s0+$0xFFFFFFD0] =	vst v7  }
0x133: {  	[tilespmem:s0+$0xFFFFFF80] =	vst v8  }
0x134: {  	[tilespmem:s0+$0xFFFFFFA0] =	vst v5  }
0x135: {  	v62 =	vld [tilespmem:s0+$0xFFFFFFF0];
	[tilespmem:s0+$0xF0] =	vst v14  }
0x136: {  	[tilespmem:s0+$0xFFFFFF90] =	vst v6  }
0x137: {  	[tilespmem:s0+$0xFFFFFFB0] =	vst v2;
	v3 =	vmul.f32 v17, v3  }
0x138: {  	[tilespmem:s0+$0xFFFFFEC0] =	vst v12;
	v61 =	vmul.f32 v18, v1  }
0x139: {  	v63 =	vmul.f32 v19, v1;
	[tilespmem:s0+$0x110] =	vst v3  }
0x13a: {  	[tilespmem:s0+$0x30] =	vst v61;
	v3 =	vmul.f32 v62, v1  }
0x13b: {  	s30 =	sadd.s32 $0x1, s30;
	v1 =	vmul.f32 v16, v1;
	[tilespmem:s0+$0x20] =	vst v63  }
0x13c: {  	p1 =	sne.s32 s30, $0x8;
	[tilespmem:s0+$0xFFFFFFF0] =	vst v3  }
.Ltmp3:
0x13d: {  	s31 =	sadd.s32 $0x800, s31;
	[tilespmem:s0+$0xFFFFFFE0] =	vst v1;
	(pc) =	sbr.rel @p1 .LBB2_5-.Ltmp3, $4  }
0x13e: {  	[spmem:s2] =	stream.indirect.scatter.add.f32 [tilespmem:s23], [sflag:$0x3], $0x80, s31, s21, $0xb8;
	[tilespmem:$0x1D080] =	vst v63  }
0x13f: {  	_ =	swait.ge [sflag:s18], $0x3E80  }
0x140: {  	[sflag:s18] =	ssyncset.done $0x0  }
0x141: {  	[sflag:s18] =	ssyncadd.s32 $0xFFFFC180  }
0x142: {  	s29 =	sadd.s32 $0x1, s29  }
0x143: {  	p1 =	sne.s32 s29, $0x5  }
.Ltmp4:
0x144: {  	_ = 	snop;
	(pc) =	sbr.rel @p1 .LBB2_4-.Ltmp4, $1  }
0x145: {  	_ =	sdelay $0x3  }
0x146: {  	s0 =	stileid.u32  }
0x147: {  	[bflag:$0x0] =	sbarrier.arrive $0xFFFF;
	s0 =	sshll.u32 s0, $0x6  }
0x148: {  	s4 =	rddreg [dreg:$0x4];
	s0 =	sor.u32 $0x1C03, s0  }
0x149: {  	[hbm:s4], [sflag:s0] =	dma.local [spmem:s24], $0x2700  }
0x14a: {  	_ =	swait.ge [sflag:s18], $0x2700  }
0x14b: {  	[sflag:s18] =	ssyncset.done $0x0  }
0x14c: {  	s4 =	rddreg [dreg:$0x5];
	[sflag:s18] =	ssyncadd.s32 $0xFFFFD900  }
0x14d: {  	[hbm:s4], [sflag:s0] =	dma.local @!p0 [spmem:s25], $0x100  }
0x14e: {  	s0 =	simm.s32 @!p0 $0x3  }
0x14f: {  	_ =	swait.ge @!p0 [sflag:s0], $0x100  }
0x150: {  	s3 =	sadd.s32 $0x1, s3;
	s31 =	rddreg [dreg:$0x6]  }
0x151: {  	p1 =	sne.s32 s3, s31  }
.Ltmp5:
0x152: {  	_ = 	snop;
	(pc) =	sbr.rel @p1 .LBB2_1-.Ltmp5, $3  }
0x153: {  	_ =	sdelay $0x1  }
0x154: {  	[sflag:s0] =	ssyncset.done @!p0 $0x0  }
0x155: {  	[sflag:s0] =	ssyncadd.s32 @!p0 $0xFFFFFF00  }
0x156: {  	_ =	sfence.sel $0x180000  }
0x157: {  	[bflag:$0x0] =	sbarrier.arrive $0xFFFF  }
0x158: {  	_ =	strace $0x9000004D  }
0x159: {  	s0 =	stileid.u32;
	[bflag:$0x2] =	sbarrier.arrive $0xFFFF  }
0x15a: {  	p0 =	sne.s32 s0, $0x0;
	s0 =	rddreg [dreg:$0x3]  }
0x15b: {  	s0 =	sadd.s32 @!p0 $0x100000, s0  }
0x15c: {  	[sflag:s0] =	ssyncadd.tile.s32 @!p0 $0x1;
	_ =	shalt  }
.Lfunc_end2:
_tile_overlayer_lowered:
.L_overlay_start_2:
0x15d: {  	(tag) =	ssettag $0x2  }
0x15e: {  	s0 =	rddreg [dreg:$0x0];
	s2 =	stileid.u32  }
0x15f: {  	s1 =	rddreg [dreg:$0x1];
	p0 =	sne.s32 s2, $0x0  }
0x160: {  	s3 =	rddreg [dreg:$0x2];
	[bflag:$0x3] =	sbarrier.arrive $0xFFFF;
	s2 =	simm.s32 @!p0 $0x1C03  }
0x161: {  	[timem:s3], [sflag:s2] =	dma.local @!p0 [hbm:s0], s1  }
0x162: {  	s0 =	simm.s32 @!p0 $0x3  }
0x163: {  	_ =	swait.ge @!p0 [sflag:s0], s1  }
0x164: {  	s1 =	ssub.s32 @!p0 $0x0, s1;
	[sflag:s0] =	ssyncset.done @!p0 $0x0  }
0x165: {  	[sflag:s0] =	ssyncadd.s32 @!p0 s1  }
0x166: {  	[bflag:$0x3] =	sbarrier.arrive $0xFFFF  }
0x167: {  	_ =	shalt  }

// kernel: kernel.9.cloned.1.call-start
scs
__scs_entry_jumppad:
0x0: {  	(pc) =	sbr.rel $0x88, $3  }
0x1: {  	(tag) =	ssettag $0x0;
	lr =	simm.s32 $0x1  }
0x2: {  	[smem:$0x3F98] =	sst lr;
	_ =	strace $0xD0000000  }
0x3: {  	_ = 	snop  }
0x4: {  	_ = 	snop  }
0x5: {  	_ = 	snop  }
0x6: {  	_ = 	snop  }
0x7: {  	_ = 	snop  }
__scs_overlays_trampoline_lowered:
0x8: {  	[smem:$0x3FA7] =	sst s0  }
0x9: {  	[smem:$0x3FA8] =	sst s1  }
0xa: {  	[smem:$0x3FA9] =	sst s2  }
0xb: {  	[smem:$0x3FAA] =	sst s3  }
0xc: {  	[smem:$0x3FAB] =	sst s4  }
0xd: {  	[smem:$0x3FAC] =	sst s5  }
0xe: {  	[smem:$0x3FAD] =	sst s6  }
0xf: {  	[smem:$0x3FAE] =	sst s7  }
0x10: {  	[smem:$0x3FAF] =	sst s8  }
0x11: {  	[smem:$0x3FB0] =	sst s9;
	s0 =	simm.s32 @!p0 $0x0  }
0x12: {  	s1 =	sld [smem:$0x3F96];
	s0 =	simm.s32 @p0 $0x1  }
0x13: {  	[smem:$0x3FB1] =	sst s0;
	s0 =	simm.s32 @!p1 $0x0  }
0x14: {  	s2 =	sld [smem:$0x3F95];
	s0 =	simm.s32 @p1 $0x1  }
0x15: {  	[smem:$0x3FB2] =	sst s0;
	s0 =	simm.s32 @!p2 $0x0  }
0x16: {  	s3 =	sld [smem:$0x3FDB];
	s0 =	simm.s32 @p2 $0x1  }
0x17: {  	s4 =	simm.s32 $0x1BF5;
	[smem:$0x3FB4] =	sst s0  }
0x18: {  	s0 =	sld [smem:$0x3F97];
	_ =	swait.ge [sflag:s4], $0x0  }
0x19: {  	s7 =	sld [smem:$0x3F98]  }
0x1a: {  	s8 =	sadd.s32 $0xFFFFE003, lr  }
0x1b: {  	s9 =	sadd.s32 $0xFFFFFEF7, lr;
	s5 =	simm.s32 $0xFFFFFFFF;
	p2 =	slt.u32 s8, $0xFFFFF086  }
0x1c: {  	p1 =	slt.u32 s9, $0xF7A;
	s5 =	simm.s32 @!p2 $0x0  }
0x1d: {  	s5 =	simm.s32 @p1 $0x1;
	p0 =	seq.s32 s7, s2  }
0x1e: {  	s7 =	smul.u32 @!p0 $0xF7A, s2;
	p2 =	seq.s32 @!p0 s5, $0x0  }
0x1f: {  	s9 =	smul.u32 $0xF7A, s1;
	s8 =	simm.s32 @!p0 $0x1BF5;
	p2 =	por !p2, p0  }
0x20: {  	[sflag:s8] =	ssyncset.s32 @!p0 $0xFFFFF086;
	s6 =	sadd.s32 @!p0 s3, s7;
	s7 =	simm.s32 @!p0 $0x108  }
0x21: {  	s3 =	sadd.s32 s3, s9;
	s6 =	sadd.s32 @!p0 $0x88, s6;
	s7 =	simm.s32 @p2 $0x1082  }
0x22: {  	[simem:s7], [sflag:s8] =	dma.local @!p0 [hbm:s6], $0xF7A  }
0x23: {  	s9 =	sor.u32 $0xD0000000, s2;
	s6 =	simm.s32 $0x108;
	_ =	swait.ge @!p0 [sflag:s8], $0x0  }
0x24: {  	s3 =	sadd.s32 $0x88, s3;
	s6 =	simm.s32 @!p1 $0x1082;
	[sflag:s4] =	ssyncset.s32 $0xFFFFF086  }
0x25: {  	[simem:s6], [sflag:s4] =	dma.local [hbm:s3], $0xF7A  }
0x26: {  	[smem:$0x3F98] =	sst s1;
	(tag) =	ssettag s2;
	_ =	strace s9  }
0x27: {  	s1 =	sld [smem:$0x3FA8]  }
0x28: {  	s2 =	sld [smem:$0x3FA9]  }
0x29: {  	s4 =	sld [smem:$0x3FAB]  }
0x2a: {  	p0 =	seq.s32 s5, $0x0;
	s5 =	sld [smem:$0x3FAC]  }
0x2b: {  	s6 =	sld [smem:$0x3FAD]  }
0x2c: {  	s7 =	sld [smem:$0x3FAE]  }
0x2d: {  	s3 =	simm.s32 $0x108;
	s8 =	sld [smem:$0x3FAF]  }
0x2e: {  	s3 =	simm.s32 @!p0 $0x1082;
	s9 =	sld [smem:$0x3FB0]  }
0x2f: {  	lr =	sadd.s32 s0, s3;
	s0 =	sld [smem:$0x3FA7]  }
0x30: {  	s3 =	sld [smem:$0x3FAA]  }
0x31: {  	[smem:$0x3FB3] =	sst s10  }
0x32: {  	s10 =	sld [smem:$0x3FB1];
	_ =	sdelay $0x3  }
0x33: {  	p0 =	seq.s32 s10, $0x1;
	s10 =	sld [smem:$0x3FB3];
	_ =	sdelay $0x3  }
0x34: {  	[smem:$0x3FB3] =	sst s10  }
0x35: {  	s10 =	sld [smem:$0x3FB2];
	_ =	sdelay $0x3  }
0x36: {  	p1 =	seq.s32 s10, $0x1;
	s10 =	sld [smem:$0x3FB3];
	_ =	sdelay $0x3  }
0x37: {  	[smem:$0x3FB3] =	sst s10  }
0x38: {  	s10 =	sld [smem:$0x3FB4]  }
0x39: {  	_ = 	snop;
	(pc) =	sbr.ind lr, $3  }
0x3a: {  	_ = 	snop  }
0x3b: {  	_ = 	snop  }
0x3c: {  	p2 =	seq.s32 s10, $0x1;
	s10 =	sld [smem:$0x3FB3]  }
0x3d: {  	_ =	shalt  }
0x3e: {  	_ =	shalt  }
0x3f: {  	_ =	shalt  }
0x40: {  	_ =	shalt  }
0x41: {  	_ =	shalt  }
0x42: {  	_ =	shalt  }
0x43: {  	_ =	shalt  }
0x44: {  	_ =	shalt  }
0x45: {  	_ =	shalt  }
0x46: {  	_ =	shalt  }
0x47: {  	_ =	shalt  }
0x48: {  	_ =	shalt  }
0x49: {  	_ =	shalt  }
0x4a: {  	_ =	shalt  }
0x4b: {  	_ =	shalt  }
0x4c: {  	_ =	shalt  }
0x4d: {  	_ =	shalt  }
0x4e: {  	_ =	shalt  }
0x4f: {  	_ =	shalt  }
0x50: {  	_ =	shalt  }
0x51: {  	_ =	shalt  }
0x52: {  	_ =	shalt  }
0x53: {  	_ =	shalt  }
0x54: {  	_ =	shalt  }
0x55: {  	_ =	shalt  }
0x56: {  	_ =	shalt  }
0x57: {  	_ =	shalt  }
0x58: {  	_ =	shalt  }
0x59: {  	_ =	shalt  }
0x5a: {  	_ =	shalt  }
0x5b: {  	_ =	shalt  }
0x5c: {  	_ =	shalt  }
0x5d: {  	_ =	shalt  }
0x5e: {  	_ =	shalt  }
0x5f: {  	_ =	shalt  }
0x60: {  	_ =	shalt  }
0x61: {  	_ =	shalt  }
0x62: {  	_ =	shalt  }
0x63: {  	_ =	shalt  }
0x64: {  	_ =	shalt  }
0x65: {  	_ =	shalt  }
0x66: {  	_ =	shalt  }
0x67: {  	_ =	shalt  }
0x68: {  	_ =	shalt  }
0x69: {  	_ =	shalt  }
0x6a: {  	_ =	shalt  }
0x6b: {  	_ =	shalt  }
0x6c: {  	_ =	shalt  }
0x6d: {  	_ =	shalt  }
0x6e: {  	_ =	shalt  }
0x6f: {  	_ =	shalt  }
0x70: {  	_ =	shalt  }
0x71: {  	_ =	shalt  }
0x72: {  	_ =	shalt  }
0x73: {  	_ =	shalt  }
0x74: {  	_ =	shalt  }
0x75: {  	_ =	shalt  }
0x76: {  	_ =	shalt  }
0x77: {  	_ =	shalt  }
0x78: {  	_ =	shalt  }
0x79: {  	_ =	shalt  }
0x7a: {  	_ =	shalt  }
0x7b: {  	_ =	shalt  }
0x7c: {  	_ =	shalt  }
0x7d: {  	_ =	shalt  }
0x7e: {  	_ =	shalt  }
0x7f: {  	_ =	shalt  }
0x80: {  	_ =	shalt  }
0x81: {  	_ =	shalt  }
0x82: {  	_ =	shalt  }
0x83: {  	_ =	shalt  }
0x84: {  	_ =	shalt  }
0x85: {  	_ =	shalt  }
0x86: {  	_ =	shalt  }
0x87: {  	_ =	shalt  }
.Lfunc_end0:
.L_simem_size_0:
called_computation_lowered:
.L_overlay_start_0:
0x88: {  	s2 =	sld [smem:$0x3FD9]  }
0x89: {  	s3 =	sld [smem:$0x3FFE];
	_ =	sdelay $0x1  }
0x8a: {  	s1 =	srdreg.scid  }
0x8b: {  	s0 =	sand.u32 $0x1, s1  }
0x8c: {  	s17 =	sshll.u32 s0, $0xA;
	s2 =	sadd.s32 s3, s2  }
0x8d: {  	s2 =	sadd.s32 s2, s17  }
0x8e: {  	[smem:$0x3FBF] =	sst s2  }
0x8f: {  	_ = 	snop  }
0x90: {  	s2 =	sld [smem:$0x3FD0];
	(tm) =	ssettm $0x1  }
0x91: {  	s18 =	sld [smem:$0x3FFB];
	_ =	sdelay $0x3  }
0x92: {  	_ =	strace s18  }
0x93: {  	s3 =	sld [smem:$0x3FFC];
	_ =	sdelay $0x3  }
0x94: {  	_ =	strace s3  }
0x95: {  	s3 =	sld [smem:$0x3FFD];
	_ =	sdelay $0x3  }
0x96: {  	_ =	strace s3  }
0x97: {  	_ =	strace $0x8FFFFFFF  }
0x98: {  	s19 =	sld [smem:$0x3FDB];
	_ =	sdelay $0x1  }
0x99: {  	s4 =	simm.s32 $_scs_section_size  }
0x9a: {  	s5 =	simm.s32 $_size__tile_overlayer_lowered;
	s6 =	simm.s32 $_tile_overlayer_lowered  }
0x9b: {  	s22 =	simm.s32 $0x1BFF;
	s21 =	sshll.u32 s6, $0x1;
	s3 =	sadd.s32 s4, s19  }
0x9c: {  	s7 =	simm.s32 $0x0;
	s20 =	sshll.u32 s5, $0x1;
	s5 =	sadd.s32 s21, s3  }
0x9d: {  	[timem:s7], [sflag:s22] =	dma.local [hbm:s5], s20  }
0x9e: {  	_ =	swait.ge [sflag:s22], s20  }
0x9f: {  	s4 =	ssub.s32 $0x0, s20;
	[sflag:s22] =	ssyncset.done $0x0  }
0xa0: {  	[sflag:s22] =	ssyncadd.s32 s4;
	_ =	sdelay $0x1  }
0xa1: {  	s23 =	simm.s32 $0x1B8B  }
0xa2: {  	_ =	swait.ge [sflag:s23], $0x1  }
0xa3: {  	[sflag:s23] =	ssyncset.done $0x0  }
0xa4: {  	s25 =	simm.s32 $0x1B8E;
	s24 =	sld [smem:$0x3FFE];
	[sflag:s23] =	ssyncadd.s32 $0xFFFFFFFF  }
0xa5: {  	s26 =	simm.s32 $execute0_lowered;
	[smem:$0x3FD2] =	sst s25  }
0xa6: {  	s5 =	sshll.u32 s26, $0x1;
	_ =	strace $0x80000046;
	[dreg:$0x1] =	wrdreg $0xFFFFFFFF  }
0xa7: {  	s28 =	simm.s32 $_size_execute0_lowered;
	s3 =	sadd.s32 s3, s5;
	[dreg:$0x0] =	wrdreg $0x0  }
0xa8: {  	s5 =	sshll.u32 s28, $0x1;
	[dreg:$0x2] =	wrdreg s3  }
0xa9: {  	[dreg:$0x3] =	wrdreg s5  }
0xaa: {  	[dreg:$0x4] =	wrdreg $0xC0  }
0xab: {  	_ =	task [dreg:s7], $0x5FFFF  }
0xac: {  	[dreg:$0x1] =	wrdreg $0xFFFFFFFF  }
0xad: {  	[dreg:$0x0] =	wrdreg $0x60  }
0xae: {  	[dreg:$0x2] =	wrdreg s2  }
0xaf: {  	[dreg:$0x3] =	wrdreg s24  }
0xb0: {  	[dreg:$0x4] =	wrdreg $0x98000  }
0xb1: {  	[dreg:$0x5] =	wrdreg $0x9  }
0xb2: {  	_ =	task.clear_ibuf [dreg:s7], $0x6FFFF;
	_ =	strace $0x90000046  }
0xb3: {  	s29 =	simm.s32 $0x9;
	_ =	strace $0x80000048  }
0xb4: {  	_ =	swait.ge [sflag:s29], $0x1  }
0xb5: {  	[sflag:s29] =	ssyncadd.s32 $0xFFFFFFFF  }
0xb6: {  	_ =	strace $0x90000048  }
0xb7: {  	_ =	sfence  }
0xb8: {  	s30 =	sld [smem:$0x0];
	_ =	sdelay $0x2  }
0xb9: {  	s31 =	sshll.u32 s1, $0xD;
	s1 =	sshrl.u32 s1, $0x2  }
0xba: {  	s3 =	sand.u32 $0x4000, s31;
	s1 =	sadd.s32 s1, s30  }
0xbb: {  	s0 =	sor.u32 s3, s0;
	s1 =	sshll.u32 s1, $0x11  }
0xbc: {  	s0 =	sor.u32 s1, s0  }
0xbd: {  	s0 =	sadd.s32 $0x8F2B, s0  }
0xbe: {  	[sflag:s0] =	ssyncadd.remote.s32 $0x1  }
0xbf: {  	_ =	sfence.sel $0xFFFF  }
0xc0: {  	[dreg:$0x0] =	wrdreg $0xFFFFFFFF;
	(pc) =	sbr.abs _section_cstart, $3  }
0xc1: {  	[dreg:$0x1] =	wrdreg $0xFFFFFFFF  }
0xc2: {  	_ =	task.clear_ibuf [dreg:s7], $0x2FFFF;
	_ =	strace $0x9FFFFFFF  }
0xc3: {  	(tm) =	ssettm $0x7FFFFFFF  }
tec
execute0_lowered:
.L_overlay_start_1:
0x0: {  	(tag) =	ssettag $0x1  }
0x1: {  	s1 =	rddreg [dreg:$0x0]  }
0x2: {  	s0 =	rddreg [dreg:$0x1]  }
0x3: {  	s2 =	rddreg [dreg:$0x2]  }
0x4: {  	s3 =	simm.s32 $0x0;
	s4 =	srdreg.scid;
	s13 =	stileid.u32  }
0x5: {  	s17 =	simm.s32 $0x1800;
	s18 =	simm.s32 $0x3;
	s19 =	simm.s32 $0x800  }
0x6: {  	s20 =	simm.s32 $0x1000;
	s28 =	simm.s32 $0x0;
	[smem:$0x7FF] =	sst s3  }
0x7: {  	s5 =	sadd.s32 $0x16600, s0;
	s6 =	sadd.s32 $0xC600, s0;
	s11 =	smul.u32 $0x13800, s13  }
0x8: {  	s4 =	sand.u32 $0x1, s4;
	s7 =	sadd.s32 $0x2600, s0;
	s23 =	smul.u32 $0x4E000, s13  }
0x9: {  	s8 =	sshll.u32 s13, $0x1;
	s0 =	sadd.s32 $0x20600, s0;
	s24 =	smul.u32 $0x4E200, s13  }
0xa: {  	p0 =	sne.s32 s13, $0xF;
	_ =	strace $0x80000047;
	s10 =	ssub.s32 $0x2, s4  }
0xb: {  	s9 =	smul.u32 $0x138800, s4;
	s4 =	sor.u32 s4, s8;
	s12 =	sshrl.u32 s10, $0x1  }
0xc: {  	s8 =	smul.u32 $0x2800, s4;
	s25 =	sshrl.u32 s23, $0x2;
	s29 =	sshrl.u32 s24, $0x2  }
0xd: {  	s23 =	simm.s32 $0x5800;
	s21 =	ssub.s32 s10, s12;
	s22 =	sadd.s32 s11, s9  }
0xe: {  	s9 =	sshrl.u32 s9, $0x3;
	s26 =	sadd.s32 s25, s2;
	s12 =	sadd.s32 s29, s2  }
0xf: {  	s10 =	sshrl.u32 s22, $0x3;
	s4 =	smax.u32 s21, $0x1;
	s30 =	sadd.s32 $0x7D00, s12  }
0x10: {  	s31 =	sadd.s32 $0xBB80, s12;
	s16 =	sadd.s32 $0xFA00, s12;
	[dreg:$0x6] =	wrdreg s4  }
0x11: {  	s21 =	simm.s32 $0x7D;
	s22 =	simm.s32 $0x1;
	[dreg:$0x8] =	wrdreg s30  }
0x12: {  	s10 =	sadd.s32 s0, s10;
	s0 =	sadd.s32 s0, s9;
	[dreg:$0x9] =	wrdreg s31  }
0x13: {  	s24 =	sshrl.u32 s26, $0x3;
	[dreg:$0x4] =	wrdreg s10;
	s0 =	sadd.s32 $0x27000, s0  }
0x14: {  	s10 =	sadd.s32 $0x138000, s2;
	[dreg:$0x5] =	wrdreg s0;
	s0 =	sadd.s32 $0x3E80, s12  }
0x15: {  	v0 =	vimm.f32 $0.0e+00;
	s26 =	simm.s32 $0x2;
	s25 =	sshrl.u32 @!p0 s10, $0x3;
	[dreg:$0x7] =	wrdreg s0  }
.LBB2_1:
0x16: {  	s0 =	simm.s32 $0x0;
	s4 =	simm.s32 $0x200  }
.LBB2_2:
0x17: {  	p1 =	sne.s32 s4, $0xF800;
	[tilespmem:s0+$0x1870] =	vst v0  }
0x18: {  	[tilespmem:s0+$0x1800] =	vst v0  }
0x19: {  	[tilespmem:s0+$0x1810] =	vst v0  }
.Ltmp0:
0x1a: {  	[tilespmem:s0+$0x1820] =	vst v0;
	(pc) =	sbr.rel @p1 .LBB2_2-.Ltmp0, $4  }
0x1b: {  	[tilespmem:s0+$0x1830] =	vst v0  }
0x1c: {  	[tilespmem:s0+$0x1840] =	vst v0  }
0x1d: {  	[tilespmem:s0+$0x1850] =	vst v0  }
0x1e: {  	[tilespmem:s0+$0x1860] =	vst v0;
	s0 =	sshra.s32 s4, $0x2;
	s4 =	sadd.s32 $0x200, s4  }
0x1f: {  	[tilespmem:s0+$0x1870] =	vst v0  }
0x20: {  	[tilespmem:s0+$0x1800] =	vst v0  }
0x21: {  	[tilespmem:s0+$0x1810] =	vst v0  }
0x22: {  	[tilespmem:s0+$0x1820] =	vst v0  }
0x23: {  	[tilespmem:s0+$0x1830] =	vst v0  }
0x24: {  	[tilespmem:s0+$0x1840] =	vst v0  }
0x25: {  	[tilespmem:s0+$0x1850] =	vst v0  }
0x26: {  	[tilespmem:s0+$0x1860] =	vst v0  }
0x27: {  	[spmem:s12] =	stream.linear.scatter [tilespmem:s17], [sflag:$0x3], $0x3E80, $0x38;
	[tilespmem:$0x1D080] =	vst v63  }
0x28: {  	_ =	swait.ge [sflag:s18], $0x3E80  }
0x29: {  	[sflag:s18] =	ssyncset.done $0x0  }
0x2a: {  	s15 =	rddreg [dreg:$0x7];
	[sflag:s18] =	ssyncadd.s32 $0xFFFFC180  }
0x2b: {  	[spmem:s15] =	stream.linear.scatter [tilespmem:s17], [sflag:$0x3], $0x3E80, $0x38;
	[tilespmem:$0x1D080] =	vst v63  }
0x2c: {  	_ =	swait.ge [sflag:s18], $0x3E80  }
0x2d: {  	[sflag:s18] =	ssyncset.done $0x0  }
0x2e: {  	s30 =	rddreg [dreg:$0x8];
	[sflag:s18] =	ssyncadd.s32 $0xFFFFC180  }
0x2f: {  	[spmem:s30] =	stream.linear.scatter [tilespmem:s17], [sflag:$0x3], $0x3E80, $0x38;
	[tilespmem:$0x1D080] =	vst v63  }
0x30: {  	_ =	swait.ge [sflag:s18], $0x3E80  }
0x31: {  	[sflag:s18] =	ssyncset.done $0x0  }
0x32: {  	s31 =	rddreg [dreg:$0x9];
	[sflag:s18] =	ssyncadd.s32 $0xFFFFC180  }
0x33: {  	[spmem:s31] =	stream.linear.scatter [tilespmem:s17], [sflag:$0x3], $0x3E80, $0x38;
	[tilespmem:$0x1D080] =	vst v63  }
0x34: {  	_ =	swait.ge [sflag:s18], $0x3E80  }
0x35: {  	[sflag:s18] =	ssyncset.done $0x0  }
0x36: {  	[sflag:s18] =	ssyncadd.s32 $0xFFFFC180  }
0x37: {  	[spmem:s16] =	stream.linear.scatter [tilespmem:s17], [sflag:$0x3], $0x3E80, $0x38;
	[tilespmem:$0x1D080] =	vst v63  }
0x38: {  	_ =	swait.ge [sflag:s18], $0x3E80  }
0x39: {  	[sflag:s18] =	ssyncset.done $0x0  }
0x3a: {  	[sflag:s18] =	ssyncadd.s32 $0xFFFFC180  }
0x3b: {  	s29 =	simm.s32 $0x0;
	[bflag:$0x0] =	sbarrier.arrive $0xFFFF  }
.LBB2_4:
0x3c: {  	s0 =	sshll.u32 s29, $0xB  }
0x3d: {  	s0 =	sadd.s32 s8, s0  }
0x3e: {  	s0 =	sshrl.u32 s0, $0x3  }
0x3f: {  	s4 =	sadd.s32 s5, s0  }
0x40: {  	[tilespmem:s28], [sflag:$0x3] =	stream.linear.gather [hbm4b:s4+s28], $0x800, $0x38;
	[tilespmem:$0x1D080] =	vst v63  }
0x41: {  	_ =	swait.ge [sflag:s18], $0x800  }
0x42: {  	[sflag:s18] =	ssyncset.done $0x0  }
0x43: {  	s31 =	sadd.s32 s6, s0;
	[sflag:s18] =	ssyncadd.s32 $0xFFFFF800  }
0x44: {  	[tilespmem:s19], [sflag:$0x3] =	stream.linear.gather [hbm4b:s31+s28], $0x800, $0x38;
	[tilespmem:$0x1D080] =	vst v63  }
0x45: {  	_ =	swait.ge [sflag:s18], $0x800  }
0x46: {  	[sflag:s18] =	ssyncset.done $0x0  }
0x47: {  	s0 =	sadd.s32 s7, s0;
	[sflag:s18] =	ssyncadd.s32 $0xFFFFF800  }
0x48: {  	[tilespmem:s20], [sflag:$0x3] =	stream.linear.gather [hbm4b:s0+s28], $0x800, $0x38;
	[tilespmem:$0x1D080] =	vst v63  }
0x49: {  	_ =	swait.ge [sflag:s18], $0x800  }
0x4a: {  	[sflag:s18] =	ssyncset.done $0x0  }
0x4b: {  	s30 =	simm.s32 $0x0;
	[sflag:s18] =	ssyncadd.s32 $0xFFFFF800  }
0x4c: {  	[tilespmem:s17], [sflag:$0x1] =	stream.indirect.gather [hbm4b:s1+s21], $0x80, s28, s21, $0xb8;
	[tilespmem:$0x1D080] =	vst v63  }
.LBB2_5:
0x4d: {  	_ =	swait.ge [sflag:s22], $0x3E80  }
0x4e: {  	s0 =	sshll.u32 s30, $0x8;
	[sflag:s22] =	ssyncset.done $0x0  }
0x4f: {  	s31 =	sor.u32 $0x80, s0;
	s0 =	simm.s32 $0x1940;
	[sflag:s22] =	ssyncadd.s32 $0xFFFFC180  }
0x50: {  	[tilespmem:s23], [sflag:$0x2] =	stream.indirect.gather [hbm4b:s1+s21], $0x80, s31, s21, $0xb8;
	[tilespmem:$0x1D080] =	vst v63  }
0x51: {  	v2 =	vld [tilespmem:s0+$0x100]  }
0x52: {  	v4 =	vld [tilespmem:s0+$0x0]  }
0x53: {  	v5 =	vld [tilespmem:s0+$0x120]  }
0x54: {  	v6 =	vld [tilespmem:s0+$0x10]  }
0x55: {  	v7 =	vld [tilespmem:s0+$0x40]  }
0x56: {  	v8 =	vld [tilespmem:s0+$0x50]  }
0x57: {  	v9 =	vld [tilespmem:s0+$0x60]  }
0x58: {  	v10 =	vld [tilespmem:s0+$0x70]  }
0x59: {  	v11 =	vld [tilespmem:s0+$0x80]  }
0x5a: {  	v12 =	vld [tilespmem:s0+$0x90]  }
0x5b: {  	v13 =	vld [tilespmem:s0+$0xA0]  }
0x5c: {  	v14 =	vld [tilespmem:s0+$0xB0]  }
0x5d: {  	s4 =	simm.s32 $0x3;
	v15 =	vld [tilespmem:s0+$0xC0]  }
0x5e: {  	v1 =	vmov s4;
	v17 =	vld [tilespmem:s0+$0xD0]  }
0x5f: {  	v18 =	vld [tilespmem:s0+$0xE0]  }
0x60: {  	s9 =	simm.s32 $0x1;
	s11 =	simm.s32 $0x2;
	s4 =	sshll.u32 s30, $0xA;
	v19 =	vld [tilespmem:s0+$0xF0]  }
0x61: {  	s10 =	simm.s32 $0x0;
	v3 =	vmov s9;
	v21 =	vmov s11;
	s9 =	sshrl.u32 s4, $0x2;
	v20 =	vld [tilespmem:s0+$0x130]  }
0x62: {  	s15 =	simm.s32 $0x4;
	v16 =	vmov s10;
	s10 =	sadd.s32 $0x1000, s9;
	v22 =	vld [tilespmem:s0+$0xFFFFFFD0]  }
0x63: {  	v23 =	vmov s15;
	v24 =	vld.idx.msk [tilespmem:v1+s10+$0x0], $0xffff  }
0x64: {  	v25 =	vld [tilespmem:s0+$0xFFFFFFC0]  }
0x65: {  	v28 =	vld [tilespmem:s0+$0xFFFFFF60]  }
0x66: {  	v1 =	vld.idx.msk [tilespmem:v21+s10+$0x0], $0xffff  }
0x67: {  	v26 =	vld.idx.msk [tilespmem:v3+s10+$0x0], $0xffff  }
0x68: {  	v3 =	vld.idx.msk [tilespmem:v23+s10+$0x0], $0xffff;
	v7 =	vmul.f32 v7, v24  }
0x69: {  	v29 =	vld [tilespmem:s0+$0xFFFFFF50];
	v8 =	vmul.f32 v8, v24  }
0x6a: {  	v27 =	vld.idx.msk [tilespmem:v16+s10+$0x0], $0xffff;
	v9 =	vmul.f32 v9, v24;
	[tilespmem:s0+$0x40] =	vst v7  }
0x6b: {  	v16 =	vld [tilespmem:s0+$0xFFFFFFB0];
	v4 =	vmul.f32 v4, v1;
	[tilespmem:s0+$0x50] =	vst v8  }
0x6c: {  	v21 =	vld [tilespmem:s0+$0xFFFFFFA0];
	v6 =	vmul.f32 v6, v1;
	[tilespmem:s0+$0x60] =	vst v9  }
0x6d: {  	v23 =	vld [tilespmem:s0+$0xFFFFFF90];
	v2 =	vmul.f32 v2, v3;
	[tilespmem:s0+$0x0] =	vst v4  }
0x6e: {  	v7 =	vmul.f32 v10, v24;
	v8 =	vld [tilespmem:s0+$0xFFFFFF70];
	[tilespmem:s0+$0x10] =	vst v6  }
0x6f: {  	v6 =	vmul.f32 v12, v24;
	[tilespmem:s0+$0x100] =	vst v2;
	v12 =	vld [tilespmem:s0+$0xFFFFFF20]  }
0x70: {  	v4 =	vmul.f32 v13, v24;
	v13 =	vld [tilespmem:s0+$0xFFFFFF10];
	[tilespmem:s0+$0x70] =	vst v7;
	v7 =	vmul.f32 v11, v24  }
0x71: {  	v9 =	vmul.f32 v14, v24;
	v14 =	vld [tilespmem:s0+$0xFFFFFF00];
	[tilespmem:s0+$0x90] =	vst v6;
	v6 =	vmul.f32 v5, v3  }
0x72: {  	v2 =	vmul.f32 v16, v26;
	v16 =	vld [tilespmem:s0+$0xFFFFFEF0];
	[tilespmem:s0+$0x80] =	vst v7;
	v7 =	vmul.f32 v20, v3  }
0x73: {  	v11 =	vld [tilespmem:s0+$0xFFFFFF30];
	[tilespmem:s0+$0x120] =	vst v6;
	v6 =	vmul.f32 v23, v26;
	v23 =	vmul.f32 v18, v3  }
0x74: {  	v30 =	vld [tilespmem:s0+$0xFFFFFF40];
	v8 =	vmul.f32 v8, v26;
	[tilespmem:s0+$0x130] =	vst v7  }
0x75: {  	v5 =	vmul.f32 v21, v26;
	v21 =	vld [tilespmem:s0+$0xFFFFFED0];
	v12 =	vmul.f32 v12, v27;
	[tilespmem:s0+$0xE0] =	vst v23  }
0x76: {  	v10 =	vld [tilespmem:s0+$0xFFFFFF80];
	v13 =	vmul.f32 v13, v27;
	v14 =	vmul.f32 v14, v27;
	[tilespmem:s0+$0xFFFFFF70] =	vst v8  }
0x77: {  	v20 =	vld [tilespmem:s0+$0xFFFFFEE0];
	v7 =	vmul.f32 v22, v1;
	v8 =	vmul.f32 v15, v3;
	[tilespmem:s0+$0xFFFFFF20] =	vst v12  }
0x78: {  	v22 =	vld [tilespmem:s0+$0xFFFFFEC0];
	v11 =	vmul.f32 v11, v27;
	v12 =	vmul.f32 v16, v27;
	[tilespmem:s0+$0xFFFFFF10] =	vst v13  }
0x79: {  	v13 =	vmul.f32 v29, v26;
	[tilespmem:s0+$0xFFFFFF00] =	vst v14;
	v14 =	vmul.f32 v17, v3  }
0x7a: {  	v18 =	vld [tilespmem:s0+$0x30];
	v15 =	vmul.f32 v30, v26;
	v21 =	vmul.f32 v21, v27;
	[tilespmem:s0+$0xC0] =	vst v8  }
0x7b: {  	v16 =	vld [tilespmem:s0+$0xFFFFFFE0];
	v8 =	vmul.f32 v10, v26;
	[tilespmem:s0+$0xFFFFFF30] =	vst v11;
	v10 =	vmul.f32 v25, v1  }
0x7c: {  	v17 =	vld [tilespmem:s0+$0x110];
	v11 =	vmul.f32 v28, v26;
	[tilespmem:s0+$0xFFFFFEF0] =	vst v12;
	v20 =	vmul.f32 v20, v27  }
0x7d: {  	s13 =	simm.s32 $0x1BC0;
	s11 =	simm.s32 $0x5;
	[tilespmem:s0+$0xD0] =	vst v14;
	v14 =	vmul.f32 v19, v3;
	v19 =	vld [tilespmem:s0+$0x20];
	v12 =	vmul.f32 v22, v27  }
.LBB2_6:
0x7e: {  	s14 =	sadd.s32 $0x1, s11  }
0x7f: {  	v22 =	vmov s11;
	v23 =	vld [tilespmem:s13+$0x100];
	p1 =	sne.s32 s11, $0x78;
	[tilespmem:s0+$0xFFFFFED0] =	vst v21;
	s15 =	smov.u32 s11;
	s11 =	sadd.s32 $0x5, s11  }
0x80: {  	v21 =	vmov s14;
	s14 =	sadd.s32 $0x2, s15;
	v24 =	vld [tilespmem:s13+$0x0];
	[tilespmem:s0+$0xFFFFFEE0] =	vst v20;
	v16 =	vmul.f32 v16, v1  }
0x81: {  	v20 =	vmov s14;
	s14 =	sadd.s32 $0x3, s15;
	v25 =	vld [tilespmem:s13+$0x120];
	[tilespmem:s0+$0xFFFFFF40] =	vst v15;
	v3 =	vmul.f32 v17, v3  }
0x82: {  	v15 =	vmov s14;
	s14 =	sadd.s32 $0x4, s15;
	v17 =	vld [tilespmem:s13+$0x10];
	v18 =	vmul.f32 v18, v1;
	[tilespmem:s0+$0xB0] =	vst v9  }
0x83: {  	v9 =	vmov s14;
	v26 =	vld [tilespmem:s0+$0xFFFFFFF0];
	v19 =	vmul.f32 v19, v1;
	[tilespmem:s0+$0x110] =	vst v3  }
0x84: {  	[tilespmem:s0+$0x30] =	vst v18  }
0x85: {  	v18 =	vld [tilespmem:s13+$0x40];
	[tilespmem:s0+$0x20] =	vst v19  }
0x86: {  	v19 =	vld [tilespmem:s13+$0x50];
	[tilespmem:s0+$0xFFFFFF50] =	vst v13  }
0x87: {  	v13 =	vld [tilespmem:s13+$0x60];
	[tilespmem:s0+$0xFFFFFF60] =	vst v11  }
0x88: {  	v11 =	vld [tilespmem:s13+$0x70];
	[tilespmem:s0+$0xFFFFFFC0] =	vst v10;
	v1 =	vmul.f32 v26, v1  }
0x89: {  	v10 =	vld [tilespmem:s13+$0x80];
	[tilespmem:s0+$0xA0] =	vst v4  }
0x8a: {  	v4 =	vld [tilespmem:s13+$0x90];
	[tilespmem:s0+$0xFFFFFFF0] =	vst v1  }
0x8b: {  	v26 =	vld [tilespmem:s13+$0xA0];
	[tilespmem:s0+$0xFFFFFFD0] =	vst v7  }
0x8c: {  	v7 =	vld [tilespmem:s13+$0xB0];
	[tilespmem:s0+$0xFFFFFF80] =	vst v8  }
0x8d: {  	v27 =	vld [tilespmem:s13+$0xC0];
	[tilespmem:s0+$0xFFFFFFE0] =	vst v16  }
0x8e: {  	v28 =	vld [tilespmem:s13+$0xD0];
	[tilespmem:s0+$0xFFFFFFA0] =	vst v5  }
0x8f: {  	v29 =	vld [tilespmem:s13+$0xE0];
	[tilespmem:s0+$0xF0] =	vst v14  }
0x90: {  	v14 =	vld [tilespmem:s13+$0xF0];
	[tilespmem:s0+$0xFFFFFF90] =	vst v6  }
0x91: {  	v16 =	vld [tilespmem:s13+$0x130];
	[tilespmem:s0+$0xFFFFFFB0] =	vst v2  }
0x92: {  	v8 =	vld [tilespmem:s13+$0xFFFFFFD0];
	[tilespmem:s0+$0xFFFFFEC0] =	vst v12;
	s0 =	smov.u32 s13  }
0x93: {  	v2 =	vld.idx.msk [tilespmem:v15+s10+$0x0], $0xffff  }
0x94: {  	v12 =	vld [tilespmem:s13+$0xFFFFFFC0]  }
0x95: {  	v15 =	vld.idx.msk [tilespmem:v21+s10+$0x0], $0xffff  }
0x96: {  	v22 =	vld.idx.msk [tilespmem:v22+s10+$0x0], $0xffff  }
0x97: {  	v1 =	vld.idx.msk [tilespmem:v20+s10+$0x0], $0xffff  }
0x98: {  	v3 =	vld.idx.msk [tilespmem:v9+s10+$0x0], $0xffff  }
0x99: {  	v6 =	vmul.f32 v18, v2;
	v9 =	vmul.f32 v19, v2;
	v5 =	vld [tilespmem:s13+$0xFFFFFFB0]  }
0x9a: {  	v13 =	vmul.f32 v13, v2;
	v11 =	vmul.f32 v11, v2;
	v18 =	vld [tilespmem:s13+$0xFFFFFFA0]  }
0x9b: {  	v20 =	vmul.f32 v10, v2;
	v21 =	vmul.f32 v4, v2;
	v19 =	vld [tilespmem:s13+$0xFFFFFF90];
	[tilespmem:s13+$0x40] =	vst v6  }
0x9c: {  	v4 =	vmul.f32 v26, v2;
	v10 =	vld [tilespmem:s13+$0xFFFFFF80];
	[tilespmem:s13+$0x50] =	vst v9;
	v9 =	vmul.f32 v7, v2  }
0x9d: {  	v6 =	vmul.f32 v24, v1;
	v26 =	vld [tilespmem:s13+$0xFFFFFF70];
	[tilespmem:s13+$0x60] =	vst v13  }
0x9e: {  	v17 =	vmul.f32 v17, v1;
	v13 =	vld [tilespmem:s13+$0xFFFFFF60];
	v2 =	vmul.f32 v5, v15;
	[tilespmem:s13+$0x70] =	vst v11  }
0x9f: {  	v11 =	vmul.f32 v23, v3;
	v24 =	vld [tilespmem:s13+$0xFFFFFF50];
	v5 =	vmul.f32 v18, v15;
	[tilespmem:s13+$0x0] =	vst v6  }
0xa0: {  	v7 =	vmul.f32 v8, v1;
	v18 =	vld [tilespmem:s13+$0xFFFFFF40];
	v6 =	vmul.f32 v19, v15;
	[tilespmem:s13+$0x10] =	vst v17  }
0xa1: {  	v17 =	vld [tilespmem:s13+$0xFFFFFF30];
	v8 =	vmul.f32 v10, v15;
	[tilespmem:s13+$0x100] =	vst v11  }
0xa2: {  	v10 =	vmul.f32 v12, v1;
	v19 =	vld [tilespmem:s13+$0xFFFFFF20];
	v23 =	vmul.f32 v26, v15;
	[tilespmem:s13+$0x80] =	vst v20  }
0xa3: {  	v20 =	vmul.f32 v25, v3;
	v12 =	vld [tilespmem:s13+$0xFFFFFF10];
	v11 =	vmul.f32 v13, v15;
	[tilespmem:s13+$0x90] =	vst v21  }
0xa4: {  	v16 =	vmul.f32 v16, v3;
	v21 =	vld [tilespmem:s13+$0xFFFFFF00];
	v13 =	vmul.f32 v24, v15;
	[tilespmem:s13+$0xFFFFFF70] =	vst v23  }
0xa5: {  	v23 =	vld [tilespmem:s13+$0xFFFFFEF0];
	v15 =	vmul.f32 v18, v15;
	v18 =	vmul.f32 v27, v3;
	[tilespmem:s13+$0x120] =	vst v20  }
0xa6: {  	v20 =	vld [tilespmem:s13+$0xFFFFFEE0];
	v17 =	vmul.f32 v17, v22;
	[tilespmem:s13+$0x130] =	vst v16  }
0xa7: {  	v24 =	vld [tilespmem:s13+$0xFFFFFED0];
	v16 =	vmul.f32 v19, v22;
	[tilespmem:s13+$0xC0] =	vst v18  }
0xa8: {  	v18 =	vld [tilespmem:s13+$0xFFFFFEC0];
	v12 =	vmul.f32 v12, v22;
	[tilespmem:s13+$0xFFFFFF30] =	vst v17  }
0xa9: {  	v17 =	vmul.f32 v21, v22;
	[tilespmem:s13+$0xFFFFFF20] =	vst v16  }
.Ltmp1:
0xaa: {  	v19 =	vmul.f32 v23, v22;
	[tilespmem:s13+$0xFFFFFF10] =	vst v12;
	(pc) =	sbr.rel @p1 .LBB2_6-.Ltmp1, $4  }
0xab: {  	v23 =	vmul.f32 v28, v3;
	v20 =	vmul.f32 v20, v22;
	[tilespmem:s13+$0xFFFFFF00] =	vst v17;
	v16 =	vld [tilespmem:s13+$0xFFFFFFE0]  }
0xac: {  	v21 =	vmul.f32 v24, v22;
	[tilespmem:s13+$0xFFFFFEF0] =	vst v19;
	v24 =	vmul.f32 v29, v3;
	v17 =	vld [tilespmem:s13+$0x110]  }
0xad: {  	v14 =	vmul.f32 v14, v3;
	v12 =	vmul.f32 v18, v22;
	v18 =	vld [tilespmem:s13+$0x30];
	[tilespmem:s13+$0xD0] =	vst v23  }
0xae: {  	s13 =	sadd.s32 $0x280, s13;
	v19 =	vld [tilespmem:s0+$0x20];
	[tilespmem:s0+$0xE0] =	vst v24  }
0xaf: {  	[tilespmem:s0+$0xFFFFFED0] =	vst v21  }
0xb0: {  	[tilespmem:s0+$0xFFFFFEE0] =	vst v20  }
0xb1: {  	[tilespmem:s0+$0xFFFFFF40] =	vst v15  }
0xb2: {  	[tilespmem:s0+$0xB0] =	vst v9  }
0xb3: {  	[tilespmem:s0+$0xFFFFFF50] =	vst v13  }
0xb4: {  	[tilespmem:s0+$0xFFFFFF60] =	vst v11  }
0xb5: {  	[tilespmem:s0+$0xFFFFFFC0] =	vst v10  }
0xb6: {  	[tilespmem:s0+$0xA0] =	vst v4  }
0xb7: {  	[tilespmem:s0+$0xFFFFFFD0] =	vst v7  }
0xb8: {  	[tilespmem:s0+$0xFFFFFF80] =	vst v8  }
0xb9: {  	[tilespmem:s0+$0xFFFFFFA0] =	vst v5  }
0xba: {  	v9 =	vld [tilespmem:s0+$0xFFFFFFF0];
	[tilespmem:s0+$0xF0] =	vst v14  }
0xbb: {  	[tilespmem:s0+$0xFFFFFF90] =	vst v6  }
0xbc: {  	[tilespmem:s0+$0xFFFFFFB0] =	vst v2;
	v3 =	vmul.f32 v17, v3  }
0xbd: {  	[tilespmem:s0+$0xFFFFFEC0] =	vst v12;
	v15 =	vmul.f32 v18, v1  }
0xbe: {  	v17 =	vmul.f32 v19, v1;
	[tilespmem:s0+$0x110] =	vst v3  }
0xbf: {  	[tilespmem:s0+$0x30] =	vst v15;
	v3 =	vmul.f32 v9, v1  }
0xc0: {  	v1 =	vmul.f32 v16, v1;
	[tilespmem:s0+$0x20] =	vst v17  }
0xc1: {  	[tilespmem:s0+$0xFFFFFFF0] =	vst v3  }
0xc2: {  	s9 =	sadd.s32 $0x800, s9;
	[tilespmem:s0+$0xFFFFFFE0] =	vst v1  }
0xc3: {  	[spmem:s2] =	stream.indirect.scatter.add.f32 [tilespmem:s17], [sflag:$0x3], $0x80, s9, s21, $0xb8;
	[tilespmem:$0x1D080] =	vst v63  }
0xc4: {  	_ =	swait.ge [sflag:s18], $0x3E80  }
0xc5: {  	[sflag:s18] =	ssyncset.done $0x0  }
0xc6: {  	[sflag:s18] =	ssyncadd.s32 $0xFFFFC180  }
0xc7: {  	p1 =	seq.s32 s30, $0x7;
	_ =	swait.ge [sflag:s26], $0x3E80  }
0xc8: {  	s0 =	sshrl.u32 @!p1 s4, $0x2;
	s4 =	simm.s32 @!p1 $0x7D;
	[sflag:s26] =	ssyncset.done $0x0  }
0xc9: {  	s0 =	sadd.s32 @!p1 $0x100, s0;
	s9 =	simm.s32 @!p1 $0x1800;
	[sflag:s26] =	ssyncadd.s32 $0xFFFFC180  }
0xca: {  	[tilespmem:s9], [sflag:$0x1] =	stream.indirect.gather @!p1 [hbm4b:s1+s4], $0x80, s0, s4, $0xb8;
	[tilespmem:$0x1D080] =	vst v63  }
0xcb: {  	s0 =	simm.s32 $0x5940  }
0xcc: {  	v2 =	vld [tilespmem:s0+$0x100]  }
0xcd: {  	v4 =	vld [tilespmem:s0+$0x0]  }
0xce: {  	v5 =	vld [tilespmem:s0+$0x120]  }
0xcf: {  	v6 =	vld [tilespmem:s0+$0x10]  }
0xd0: {  	v7 =	vld [tilespmem:s0+$0x40]  }
0xd1: {  	v8 =	vld [tilespmem:s0+$0x50]  }
0xd2: {  	v9 =	vld [tilespmem:s0+$0x60]  }
0xd3: {  	v10 =	vld [tilespmem:s0+$0x70]  }
0xd4: {  	v11 =	vld [tilespmem:s0+$0x80]  }
0xd5: {  	v12 =	vld [tilespmem:s0+$0x90]  }
0xd6: {  	v13 =	vld [tilespmem:s0+$0xA0]  }
0xd7: {  	v14 =	vld [tilespmem:s0+$0xB0]  }
0xd8: {  	s10 =	simm.s32 $0x3;
	v15 =	vld [tilespmem:s0+$0xC0]  }
0xd9: {  	v1 =	vmov s10;
	v17 =	vld [tilespmem:s0+$0xD0]  }
0xda: {  	s11 =	simm.s32 $0x1;
	v18 =	vld [tilespmem:s0+$0xE0]  }
0xdb: {  	s14 =	simm.s32 $0x2;
	v3 =	vmov s11;
	v19 =	vld [tilespmem:s0+$0xF0]  }
0xdc: {  	s13 =	simm.s32 $0x0;
	v21 =	vmov s14;
	v20 =	vld [tilespmem:s0+$0x130]  }
0xdd: {  	s15 =	simm.s32 $0x4;
	v16 =	vmov s13;
	s4 =	sadd.s32 $0x1000, s31;
	v22 =	vld [tilespmem:s0+$0xFFFFFFD0]  }
0xde: {  	v23 =	vmov s15;
	v24 =	vld.idx.msk [tilespmem:v1+s4+$0x0], $0xffff  }
0xdf: {  	v25 =	vld [tilespmem:s0+$0xFFFFFFC0]  }
0xe0: {  	v26 =	vld.idx.msk [tilespmem:v3+s4+$0x0], $0xffff  }
0xe1: {  	v1 =	vld.idx.msk [tilespmem:v21+s4+$0x0], $0xffff  }
0xe2: {  	v27 =	vld.idx.msk [tilespmem:v16+s4+$0x0], $0xffff  }
0xe3: {  	v3 =	vld.idx.msk [tilespmem:v23+s4+$0x0], $0xffff;
	v7 =	vmul.f32 v7, v24  }
0xe4: {  	v16 =	vld [tilespmem:s0+$0xFFFFFFB0];
	v8 =	vmul.f32 v8, v24  }
0xe5: {  	v21 =	vld [tilespmem:s0+$0xFFFFFFA0];
	v9 =	vmul.f32 v9, v24;
	[tilespmem:s0+$0x40] =	vst v7  }
0xe6: {  	v23 =	vld [tilespmem:s0+$0xFFFFFF90];
	v4 =	vmul.f32 v4, v1;
	[tilespmem:s0+$0x50] =	vst v8  }
0xe7: {  	v28 =	vld [tilespmem:s0+$0xFFFFFF60];
	v6 =	vmul.f32 v6, v1;
	[tilespmem:s0+$0x60] =	vst v9  }
0xe8: {  	v29 =	vld [tilespmem:s0+$0xFFFFFF50];
	v2 =	vmul.f32 v2, v3;
	[tilespmem:s0+$0x0] =	vst v4  }
0xe9: {  	v7 =	vmul.f32 v10, v24;
	v8 =	vld [tilespmem:s0+$0xFFFFFF70];
	[tilespmem:s0+$0x10] =	vst v6  }
0xea: {  	v6 =	vmul.f32 v12, v24;
	[tilespmem:s0+$0x100] =	vst v2;
	v12 =	vld [tilespmem:s0+$0xFFFFFF20]  }
0xeb: {  	v4 =	vmul.f32 v13, v24;
	v13 =	vld [tilespmem:s0+$0xFFFFFF10];
	[tilespmem:s0+$0x70] =	vst v7;
	v7 =	vmul.f32 v11, v24  }
0xec: {  	v9 =	vmul.f32 v14, v24;
	v14 =	vld [tilespmem:s0+$0xFFFFFF00];
	[tilespmem:s0+$0x90] =	vst v6;
	v6 =	vmul.f32 v5, v3  }
0xed: {  	v2 =	vmul.f32 v16, v26;
	v16 =	vld [tilespmem:s0+$0xFFFFFEF0];
	[tilespmem:s0+$0x80] =	vst v7;
	v7 =	vmul.f32 v20, v3  }
0xee: {  	v11 =	vld [tilespmem:s0+$0xFFFFFF30];
	[tilespmem:s0+$0x120] =	vst v6;
	v6 =	vmul.f32 v23, v26;
	v23 =	vmul.f32 v18, v3  }
0xef: {  	v30 =	vld [tilespmem:s0+$0xFFFFFF40];
	v8 =	vmul.f32 v8, v26;
	[tilespmem:s0+$0x130] =	vst v7  }
0xf0: {  	v5 =	vmul.f32 v21, v26;
	v21 =	vld [tilespmem:s0+$0xFFFFFED0];
	v12 =	vmul.f32 v12, v27;
	[tilespmem:s0+$0xE0] =	vst v23  }
0xf1: {  	v10 =	vld [tilespmem:s0+$0xFFFFFF80];
	v13 =	vmul.f32 v13, v27;
	v14 =	vmul.f32 v14, v27;
	[tilespmem:s0+$0xFFFFFF70] =	vst v8  }
0xf2: {  	v20 =	vld [tilespmem:s0+$0xFFFFFEE0];
	v7 =	vmul.f32 v22, v1;
	v8 =	vmul.f32 v15, v3;
	[tilespmem:s0+$0xFFFFFF20] =	vst v12  }
0xf3: {  	v22 =	vld [tilespmem:s0+$0xFFFFFEC0];
	v11 =	vmul.f32 v11, v27;
	v12 =	vmul.f32 v16, v27;
	[tilespmem:s0+$0xFFFFFF10] =	vst v13  }
0xf4: {  	v13 =	vmul.f32 v29, v26;
	[tilespmem:s0+$0xFFFFFF00] =	vst v14;
	v14 =	vmul.f32 v17, v3  }
0xf5: {  	v18 =	vld [tilespmem:s0+$0x30];
	v15 =	vmul.f32 v30, v26;
	v21 =	vmul.f32 v21, v27;
	[tilespmem:s0+$0xC0] =	vst v8  }
0xf6: {  	v16 =	vld [tilespmem:s0+$0xFFFFFFE0];
	v8 =	vmul.f32 v10, v26;
	[tilespmem:s0+$0xFFFFFF30] =	vst v11;
	v10 =	vmul.f32 v25, v1  }
0xf7: {  	v17 =	vld [tilespmem:s0+$0x110];
	v11 =	vmul.f32 v28, v26;
	[tilespmem:s0+$0xFFFFFEF0] =	vst v12;
	v20 =	vmul.f32 v20, v27  }
0xf8: {  	s10 =	simm.s32 $0x5BC0;
	s9 =	simm.s32 $0x5;
	[tilespmem:s0+$0xD0] =	vst v14;
	v14 =	vmul.f32 v19, v3;
	v19 =	vld [tilespmem:s0+$0x20];
	v12 =	vmul.f32 v22, v27  }
.LBB2_8:
0xf9: {  	s11 =	sadd.s32 $0x1, s9  }
0xfa: {  	v22 =	vmov s9;
	v23 =	vld [tilespmem:s10+$0x100];
	p1 =	sne.s32 s9, $0x78;
	[tilespmem:s0+$0xFFFFFED0] =	vst v21;
	s13 =	smov.u32 s9;
	s9 =	sadd.s32 $0x5, s9  }
0xfb: {  	v21 =	vmov s11;
	s11 =	sadd.s32 $0x2, s13;
	v24 =	vld [tilespmem:s10+$0x0];
	[tilespmem:s0+$0xFFFFFEE0] =	vst v20;
	v16 =	vmul.f32 v16, v1  }
0xfc: {  	v20 =	vmov s11;
	s11 =	sadd.s32 $0x3, s13;
	v25 =	vld [tilespmem:s10+$0x120];
	[tilespmem:s0+$0xFFFFFF40] =	vst v15;
	v3 =	vmul.f32 v17, v3  }
0xfd: {  	v15 =	vmov s11;
	s11 =	sadd.s32 $0x4, s13;
	v17 =	vld [tilespmem:s10+$0x10];
	v18 =	vmul.f32 v18, v1;
	[tilespmem:s0+$0xB0] =	vst v9  }
0xfe: {  	v9 =	vmov s11;
	v26 =	vld [tilespmem:s0+$0xFFFFFFF0];
	v19 =	vmul.f32 v19, v1;
	[tilespmem:s0+$0x110] =	vst v3  }
0xff: {  	[tilespmem:s0+$0x30] =	vst v18  }
0x100: {  	v18 =	vld [tilespmem:s10+$0x40];
	[tilespmem:s0+$0x20] =	vst v19  }
0x101: {  	v19 =	vld [tilespmem:s10+$0x50];
	[tilespmem:s0+$0xFFFFFF50] =	vst v13  }
0x102: {  	v13 =	vld [tilespmem:s10+$0x60];
	[tilespmem:s0+$0xFFFFFF60] =	vst v11  }
0x103: {  	v11 =	vld [tilespmem:s10+$0x70];
	[tilespmem:s0+$0xFFFFFFC0] =	vst v10;
	v1 =	vmul.f32 v26, v1  }
0x104: {  	v10 =	vld [tilespmem:s10+$0x80];
	[tilespmem:s0+$0xA0] =	vst v4  }
0x105: {  	v4 =	vld [tilespmem:s10+$0x90];
	[tilespmem:s0+$0xFFFFFFF0] =	vst v1  }
0x106: {  	v26 =	vld [tilespmem:s10+$0xA0];
	[tilespmem:s0+$0xFFFFFFD0] =	vst v7  }
0x107: {  	v7 =	vld [tilespmem:s10+$0xB0];
	[tilespmem:s0+$0xFFFFFF80] =	vst v8  }
0x108: {  	v27 =	vld [tilespmem:s10+$0xC0];
	[tilespmem:s0+$0xFFFFFFE0] =	vst v16  }
0x109: {  	v28 =	vld [tilespmem:s10+$0xD0];
	[tilespmem:s0+$0xFFFFFFA0] =	vst v5  }
0x10a: {  	v29 =	vld [tilespmem:s10+$0xE0];
	[tilespmem:s0+$0xF0] =	vst v14  }
0x10b: {  	v14 =	vld [tilespmem:s10+$0xF0];
	[tilespmem:s0+$0xFFFFFF90] =	vst v6  }
0x10c: {  	v16 =	vld [tilespmem:s10+$0x130];
	[tilespmem:s0+$0xFFFFFFB0] =	vst v2  }
0x10d: {  	v8 =	vld [tilespmem:s10+$0xFFFFFFD0];
	[tilespmem:s0+$0xFFFFFEC0] =	vst v12;
	s0 =	smov.u32 s10  }
0x10e: {  	v2 =	vld.idx.msk [tilespmem:v15+s4+$0x0], $0xffff  }
0x10f: {  	v12 =	vld [tilespmem:s10+$0xFFFFFFC0]  }
0x110: {  	v15 =	vld.idx.msk [tilespmem:v21+s4+$0x0], $0xffff  }
0x111: {  	v22 =	vld.idx.msk [tilespmem:v22+s4+$0x0], $0xffff  }
0x112: {  	v1 =	vld.idx.msk [tilespmem:v20+s4+$0x0], $0xffff  }
0x113: {  	v3 =	vld.idx.msk [tilespmem:v9+s4+$0x0], $0xffff  }
0x114: {  	v6 =	vmul.f32 v18, v2;
	v9 =	vmul.f32 v19, v2;
	v5 =	vld [tilespmem:s10+$0xFFFFFFB0]  }
0x115: {  	v13 =	vmul.f32 v13, v2;
	v11 =	vmul.f32 v11, v2;
	v18 =	vld [tilespmem:s10+$0xFFFFFFA0]  }
0x116: {  	v20 =	vmul.f32 v10, v2;
	v21 =	vmul.f32 v4, v2;
	v19 =	vld [tilespmem:s10+$0xFFFFFF90];
	[tilespmem:s10+$0x40] =	vst v6  }
0x117: {  	v4 =	vmul.f32 v26, v2;
	v10 =	vld [tilespmem:s10+$0xFFFFFF80];
	[tilespmem:s10+$0x50] =	vst v9;
	v9 =	vmul.f32 v7, v2  }
0x118: {  	v6 =	vmul.f32 v24, v1;
	v26 =	vld [tilespmem:s10+$0xFFFFFF70];
	[tilespmem:s10+$0x60] =	vst v13  }
0x119: {  	v17 =	vmul.f32 v17, v1;
	v13 =	vld [tilespmem:s10+$0xFFFFFF60];
	v2 =	vmul.f32 v5, v15;
	[tilespmem:s10+$0x70] =	vst v11  }
0x11a: {  	v11 =	vmul.f32 v23, v3;
	v24 =	vld [tilespmem:s10+$0xFFFFFF50];
	v5 =	vmul.f32 v18, v15;
	[tilespmem:s10+$0x0] =	vst v6  }
0x11b: {  	v7 =	vmul.f32 v8, v1;
	v18 =	vld [tilespmem:s10+$0xFFFFFF40];
	v6 =	vmul.f32 v19, v15;
	[tilespmem:s10+$0x10] =	vst v17  }
0x11c: {  	v17 =	vld [tilespmem:s10+$0xFFFFFF30];
	v8 =	vmul.f32 v10, v15;
	[tilespmem:s10+$0x100] =	vst v11  }
0x11d: {  	v10 =	vmul.f32 v12, v1;
	v19 =	vld [tilespmem:s10+$0xFFFFFF20];
	v23 =	vmul.f32 v26, v15;
	[tilespmem:s10+$0x80] =	vst v20  }
0x11e: {  	v20 =	vmul.f32 v25, v3;
	v12 =	vld [tilespmem:s10+$0xFFFFFF10];
	v11 =	vmul.f32 v13, v15;
	[tilespmem:s10+$0x90] =	vst v21  }
0x11f: {  	v16 =	vmul.f32 v16, v3;
	v21 =	vld [tilespmem:s10+$0xFFFFFF00];
	v13 =	vmul.f32 v24, v15;
	[tilespmem:s10+$0xFFFFFF70] =	vst v23  }
0x120: {  	v23 =	vld [tilespmem:s10+$0xFFFFFEF0];
	v15 =	vmul.f32 v18, v15;
	v18 =	vmul.f32 v27, v3;
	[tilespmem:s10+$0x120] =	vst v20  }
0x121: {  	v20 =	vld [tilespmem:s10+$0xFFFFFEE0];
	v17 =	vmul.f32 v17, v22;
	[tilespmem:s10+$0x130] =	vst v16  }
0x122: {  	v24 =	vld [tilespmem:s10+$0xFFFFFED0];
	v16 =	vmul.f32 v19, v22;
	[tilespmem:s10+$0xC0] =	vst v18  }
0x123: {  	v18 =	vld [tilespmem:s10+$0xFFFFFEC0];
	v12 =	vmul.f32 v12, v22;
	[tilespmem:s10+$0xFFFFFF30] =	vst v17  }
0x124: {  	v17 =	vmul.f32 v21, v22;
	[tilespmem:s10+$0xFFFFFF20] =	vst v16  }
.Ltmp2:
0x125: {  	v19 =	vmul.f32 v23, v22;
	[tilespmem:s10+$0xFFFFFF10] =	vst v12;
	(pc) =	sbr.rel @p1 .LBB2_8-.Ltmp2, $4  }
0x126: {  	v23 =	vmul.f32 v28, v3;
	v20 =	vmul.f32 v20, v22;
	[tilespmem:s10+$0xFFFFFF00] =	vst v17;
	v16 =	vld [tilespmem:s10+$0xFFFFFFE0]  }
0x127: {  	v21 =	vmul.f32 v24, v22;
	[tilespmem:s10+$0xFFFFFEF0] =	vst v19;
	v24 =	vmul.f32 v29, v3;
	v17 =	vld [tilespmem:s10+$0x110]  }
0x128: {  	v14 =	vmul.f32 v14, v3;
	v12 =	vmul.f32 v18, v22;
	v18 =	vld [tilespmem:s10+$0x30];
	[tilespmem:s10+$0xD0] =	vst v23  }
0x129: {  	s10 =	sadd.s32 $0x280, s10;
	v19 =	vld [tilespmem:s0+$0x20];
	[tilespmem:s0+$0xE0] =	vst v24  }
0x12a: {  	[tilespmem:s0+$0xFFFFFED0] =	vst v21  }
0x12b: {  	[tilespmem:s0+$0xFFFFFEE0] =	vst v20  }
0x12c: {  	[tilespmem:s0+$0xFFFFFF40] =	vst v15  }
0x12d: {  	[tilespmem:s0+$0xB0] =	vst v9  }
0x12e: {  	[tilespmem:s0+$0xFFFFFF50] =	vst v13  }
0x12f: {  	[tilespmem:s0+$0xFFFFFF60] =	vst v11  }
0x130: {  	[tilespmem:s0+$0xFFFFFFC0] =	vst v10  }
0x131: {  	[tilespmem:s0+$0xA0] =	vst v4  }
0x132: {  	[tilespmem:s0+$0xFFFFFFD0] =	vst v7  }
0x133: {  	[tilespmem:s0+$0xFFFFFF80] =	vst v8  }
0x134: {  	[tilespmem:s0+$0xFFFFFFA0] =	vst v5  }
0x135: {  	v62 =	vld [tilespmem:s0+$0xFFFFFFF0];
	[tilespmem:s0+$0xF0] =	vst v14  }
0x136: {  	[tilespmem:s0+$0xFFFFFF90] =	vst v6  }
0x137: {  	[tilespmem:s0+$0xFFFFFFB0] =	vst v2;
	v3 =	vmul.f32 v17, v3  }
0x138: {  	[tilespmem:s0+$0xFFFFFEC0] =	vst v12;
	v61 =	vmul.f32 v18, v1  }
0x139: {  	v63 =	vmul.f32 v19, v1;
	[tilespmem:s0+$0x110] =	vst v3  }
0x13a: {  	[tilespmem:s0+$0x30] =	vst v61;
	v3 =	vmul.f32 v62, v1  }
0x13b: {  	s30 =	sadd.s32 $0x1, s30;
	v1 =	vmul.f32 v16, v1;
	[tilespmem:s0+$0x20] =	vst v63  }
0x13c: {  	p1 =	sne.s32 s30, $0x8;
	[tilespmem:s0+$0xFFFFFFF0] =	vst v3  }
.Ltmp3:
0x13d: {  	s31 =	sadd.s32 $0x800, s31;
	[tilespmem:s0+$0xFFFFFFE0] =	vst v1;
	(pc) =	sbr.rel @p1 .LBB2_5-.Ltmp3, $4  }
0x13e: {  	[spmem:s2] =	stream.indirect.scatter.add.f32 [tilespmem:s23], [sflag:$0x3], $0x80, s31, s21, $0xb8;
	[tilespmem:$0x1D080] =	vst v63  }
0x13f: {  	_ =	swait.ge [sflag:s18], $0x3E80  }
0x140: {  	[sflag:s18] =	ssyncset.done $0x0  }
0x141: {  	[sflag:s18] =	ssyncadd.s32 $0xFFFFC180  }
0x142: {  	s29 =	sadd.s32 $0x1, s29  }
0x143: {  	p1 =	sne.s32 s29, $0x5  }
.Ltmp4:
0x144: {  	_ = 	snop;
	(pc) =	sbr.rel @p1 .LBB2_4-.Ltmp4, $1  }
0x145: {  	_ =	sdelay $0x3  }
0x146: {  	s0 =	stileid.u32  }
0x147: {  	[bflag:$0x0] =	sbarrier.arrive $0xFFFF;
	s0 =	sshll.u32 s0, $0x6  }
0x148: {  	s4 =	rddreg [dreg:$0x4];
	s0 =	sor.u32 $0x1C03, s0  }
0x149: {  	[hbm:s4], [sflag:s0] =	dma.local [spmem:s24], $0x2700  }
0x14a: {  	_ =	swait.ge [sflag:s18], $0x2700  }
0x14b: {  	[sflag:s18] =	ssyncset.done $0x0  }
0x14c: {  	s4 =	rddreg [dreg:$0x5];
	[sflag:s18] =	ssyncadd.s32 $0xFFFFD900  }
0x14d: {  	[hbm:s4], [sflag:s0] =	dma.local @!p0 [spmem:s25], $0x100  }
0x14e: {  	s0 =	simm.s32 @!p0 $0x3  }
0x14f: {  	_ =	swait.ge @!p0 [sflag:s0], $0x100  }
0x150: {  	s3 =	sadd.s32 $0x1, s3;
	s31 =	rddreg [dreg:$0x6]  }
0x151: {  	p1 =	sne.s32 s3, s31  }
.Ltmp5:
0x152: {  	_ = 	snop;
	(pc) =	sbr.rel @p1 .LBB2_1-.Ltmp5, $3  }
0x153: {  	_ =	sdelay $0x1  }
0x154: {  	[sflag:s0] =	ssyncset.done @!p0 $0x0  }
0x155: {  	[sflag:s0] =	ssyncadd.s32 @!p0 $0xFFFFFF00  }
0x156: {  	_ =	sfence.sel $0x180000  }
0x157: {  	[bflag:$0x0] =	sbarrier.arrive $0xFFFF  }
0x158: {  	_ =	strace $0x90000047  }
0x159: {  	s0 =	stileid.u32;
	[bflag:$0x2] =	sbarrier.arrive $0xFFFF  }
0x15a: {  	p0 =	sne.s32 s0, $0x0;
	s0 =	rddreg [dreg:$0x3]  }
0x15b: {  	s0 =	sadd.s32 @!p0 $0x100000, s0  }
0x15c: {  	[sflag:s0] =	ssyncadd.tile.s32 @!p0 $0x1;
	_ =	shalt  }
.Lfunc_end2:
_tile_overlayer_lowered:
.L_overlay_start_2:
0x15d: {  	(tag) =	ssettag $0x2  }
0x15e: {  	s0 =	rddreg [dreg:$0x0];
	s2 =	stileid.u32  }
0x15f: {  	s1 =	rddreg [dreg:$0x1];
	p0 =	sne.s32 s2, $0x0  }
0x160: {  	s3 =	rddreg [dreg:$0x2];
	[bflag:$0x3] =	sbarrier.arrive $0xFFFF;
	s2 =	simm.s32 @!p0 $0x1C03  }
0x161: {  	[timem:s3], [sflag:s2] =	dma.local @!p0 [hbm:s0], s1  }
0x162: {  	s0 =	simm.s32 @!p0 $0x3  }
0x163: {  	_ =	swait.ge @!p0 [sflag:s0], s1  }
0x164: {  	s1 =	ssub.s32 @!p0 $0x0, s1;
	[sflag:s0] =	ssyncset.done @!p0 $0x0  }
0x165: {  	[sflag:s0] =	ssyncadd.s32 @!p0 s1  }
0x166: {  	[bflag:$0x3] =	sbarrier.arrive $0xFFFF  }
0x167: {  	_ =	shalt  }

</sc_bundles>
